<compile_context>
chip_gen: v7x
topology: tpu7x:2x2x1
jax: 0.10.2.dev20260603
libtpu: 0.0.44.dev20260713+nightly
codegen_flags: <defaults>
</compile_context>

<pallas_src>
import functools

import jax
import jax.numpy as jnp
from jax import lax
from jax.experimental import pallas as pl
from jax.experimental.pallas import tpu as pltpu
from jax.experimental.pallas import tpu_sc as plsc

_TOPK = 2
_EPS = 1e-05
_NC = 2
_NS = 16
_NW = _NC * _NS


def _router_kernel(x_ref, tc_ref, Wt_ref, bt_ref, Wg_ref, pk_ref, cnt_ref, carry_ref):
    t = pl.program_id(0)
    e_cnt = Wg_ref.shape[0]
    tb = x_ref.shape[0]

    @pl.when(t == 0)
    def _():
        carry_ref[...] = jnp.zeros_like(carry_ref)

    x = x_ref[...]
    tc = tc_ref[...]
    xr = x + jnp.dot(tc, Wt_ref[...].T, preferred_element_type=jnp.float32) + bt_ref[...]
    logits = jnp.dot(xr, Wg_ref[...].T, preferred_element_type=jnp.float32)
    p = jax.nn.softmax(logits, axis=-1)
    idx = jax.lax.broadcasted_iota(jnp.int32, p.shape, 1)
    w1 = jnp.max(p, axis=-1, keepdims=True)
    i1 = jnp.argmax(p, axis=-1).reshape(tb, 1)
    mask1 = idx == i1
    p2 = jnp.where(mask1, -jnp.inf, p)
    w2 = jnp.max(p2, axis=-1, keepdims=True)
    i2 = jnp.argmax(p2, axis=-1).reshape(tb, 1)
    mask2 = idx == i2
    denom = w1 + w2 + _EPS

    oh = (mask1 | mask2).astype(jnp.float32)
    r_iota = jax.lax.broadcasted_iota(jnp.int32, (tb, tb), 0)
    c_iota = jax.lax.broadcasted_iota(jnp.int32, (tb, tb), 1)
    ls = (r_iota > c_iota).astype(jnp.float32)
    pre = jnp.dot(ls, oh, preferred_element_type=jnp.float32)
    carry_b = jnp.broadcast_to(carry_ref[...], (tb, e_cnt))
    pre = pre + carry_b
    r1 = jnp.sum(jnp.where(mask1, pre, 0.0), axis=1, keepdims=True)
    r2 = jnp.sum(jnp.where(mask2, pre, 0.0), axis=1, keepdims=True)
    carry_ref[...] += jnp.sum(oh, axis=0, keepdims=True)

    pk_ref[...] = jnp.concatenate(
        [w1 / denom, w2 / denom,
         i1.astype(jnp.float32), i2.astype(jnp.float32),
         r1, r2, jnp.zeros((tb, 2), jnp.float32)], axis=1)
    cnt_ref[...] = carry_ref[...]


def _grouped_kernel(be_ref, xs_ref, Wg_ref, Wu_ref, Wd_ref, o_ref):
    nvalid = be_ref[be_ref.shape[0] - 1]

    @pl.when(pl.program_id(0) < nvalid)
    def _():
        x = xs_ref[...]
        hh = jnp.dot(x, Wg_ref[0].T, preferred_element_type=jnp.float32)
        u = jnp.dot(x, Wu_ref[0].T, preferred_element_type=jnp.float32)
        o_ref[...] = jnp.dot(jax.nn.silu(hh) * u, Wd_ref[0].T,
                             preferred_element_type=jnp.float32)


def _shared_kernel(x_ref, Wg_ref, Wu_ref, Wd_ref, o_ref):
    x = x_ref[...]
    hh = jnp.dot(x, Wg_ref[...].T, preferred_element_type=jnp.float32)
    u = jnp.dot(x, Wu_ref[...].T, preferred_element_type=jnp.float32)
    o_ref[...] = jnp.dot(jax.nn.silu(hh) * u, Wd_ref[...].T,
                         preferred_element_type=jnp.float32)


def _make_dispatch(n, h, cap, nb_pad, g_blk, e_cnt):
    tpw = n // _NW
    ch = min(64, tpw)
    nch = tpw // ch
    lg = g_blk.bit_length() - 1
    mesh = plsc.VectorSubcoreMesh(core_axis_name="c", subcore_axis_name="s")

    @functools.partial(
        pl.kernel,
        out_type=[
            jax.ShapeDtypeStruct((cap, h), jnp.float32),
            jax.ShapeDtypeStruct((n,), jnp.int32),
            jax.ShapeDtypeStruct((n,), jnp.int32),
            jax.ShapeDtypeStruct((nb_pad,), jnp.int32),
        ],
        mesh=mesh,
        scratch_types=[
            pltpu.VMEM((ch, h), jnp.float32),
            pltpu.VMEM((16,), jnp.int32),
            pltpu.VMEM((16,), jnp.int32),
            pltpu.VMEM((16,), jnp.int32),
            pltpu.VMEM((ch,), jnp.int32),
            pltpu.VMEM((ch,), jnp.int32),
            pltpu.VMEM((ch,), jnp.int32),
            pltpu.VMEM((ch,), jnp.int32),
            pltpu.VMEM((nb_pad,), jnp.int32),
        ],
        compiler_params=pltpu.CompilerParams(needs_layout_passes=False),
    )
    def dispatch(x_hbm, e0_hbm, e1_hbm, r0_hbm, r1_hbm, cnt_hbm,
                 xs_hbm, d0_hbm, d1_hbm, be_hbm,
                 xbuf, pd_v, st_v, en_v, d0b, d1b, ev, rv, beb):
        wid = lax.axis_index("s") * _NC + lax.axis_index("c")
        base = wid * tpw

        pltpu.sync_copy(cnt_hbm, pd_v)
        cnt = pd_v[...]
        padded = ((cnt + (g_blk - 1)) >> lg) << lg
        pd_v[...] = padded
        li = lax.iota(jnp.int32, 16)
        ends = jnp.zeros((16,), jnp.int32)
        for e in range(e_cnt):
            eidx = 8 if e == 0 else e
            pe = plsc.load_gather(pd_v, [jnp.full((16,), eidx, jnp.int32)])
            ends = ends + jnp.where(li >= e, pe, 0)
        starts = ends - padded
        st_v[...] = starts
        en_v[...] = ends

        @pl.when(wid == 0)
        def _():
            for grp in range(nb_pad // 16):
                bi = lax.iota(jnp.int32, 16) + grp * 16
                acc = jnp.zeros((16,), jnp.int32)
                for e in range(e_cnt):
                    if e == 0:
                        eb = plsc.load_gather(
                            pd_v, [jnp.full((16,), 8, jnp.int32)]) >> lg
                    else:
                        eb = plsc.load_gather(
                            en_v, [jnp.full((16,), e, jnp.int32)]) >> lg
                    acc += (bi >= eb).astype(jnp.int32)
                beb[pl.ds(grp * 16, 16)] = jnp.minimum(acc, e_cnt - 1)
            pltpu.sync_copy(beb, be_hbm)

        for ci in range(nch):
            cbase = base + ci * ch
            pltpu.sync_copy(x_hbm.at[pl.ds(cbase, ch)], xbuf)
            pltpu.sync_copy(e0_hbm.at[pl.ds(cbase, ch)], ev)
            pltpu.sync_copy(r0_hbm.at[pl.ds(cbase, ch)], rv)
            for i in range(ch // 16):
                sl = pl.ds(i * 16, 16)
                d0b[sl] = plsc.load_gather(st_v, [ev[sl]]) + rv[sl]
            pltpu.sync_copy(d0b, d0_hbm.at[pl.ds(cbase, ch)])
            pltpu.sync_copy(xbuf, xs_hbm.at[d0b])
            pltpu.sync_copy(e1_hbm.at[pl.ds(cbase, ch)], ev)
            pltpu.sync_copy(r1_hbm.at[pl.ds(cbase, ch)], rv)
            for i in range(ch // 16):
                sl = pl.ds(i * 16, 16)
                d1b[sl] = plsc.load_gather(st_v, [ev[sl]]) + rv[sl]
            pltpu.sync_copy(d1b, d1_hbm.at[pl.ds(cbase, ch)])
            pltpu.sync_copy(xbuf, xs_hbm.at[d1b])

    return dispatch


def _make_combine(n, h, cap):
    tpw = n // _NW
    ch = min(32, tpw)
    nch = tpw // ch
    mesh = plsc.VectorSubcoreMesh(core_axis_name="c", subcore_axis_name="s")

    @functools.partial(
        pl.kernel,
        out_type=jax.ShapeDtypeStruct((n, h), jnp.float32),
        mesh=mesh,
        scratch_types=[
            pltpu.VMEM((ch, h), jnp.float32),
            pltpu.VMEM((ch, h), jnp.float32),
            pltpu.VMEM((ch, h), jnp.float32),
            pltpu.VMEM((tpw,), jnp.int32),
            pltpu.VMEM((tpw,), jnp.int32),
            pltpu.VMEM((tpw,), jnp.float32),
            pltpu.VMEM((tpw,), jnp.float32),
            pltpu.SemaphoreType.DMA,
            pltpu.SemaphoreType.DMA,
        ],
        compiler_params=pltpu.CompilerParams(needs_layout_passes=False),
    )
    def combine(ys_hbm, sh_hbm, w0_hbm, w1_hbm, d0_hbm, d1_hbm, out_hbm,
                y0b, y1b, sb, d0a, d1a, w0a, w1a, sem0, sem1):
        wid = lax.axis_index("s") * _NC + lax.axis_index("c")
        base = wid * tpw

        pltpu.sync_copy(d0_hbm.at[pl.ds(base, tpw)], d0a)
        pltpu.sync_copy(d1_hbm.at[pl.ds(base, tpw)], d1a)
        pltpu.sync_copy(w0_hbm.at[pl.ds(base, tpw)], w0a)
        pltpu.sync_copy(w1_hbm.at[pl.ds(base, tpw)], w1a)

        def chunk(ci, carry):
            cps = []
            for i in range(ch // 16):
                isl = pl.ds(ci * ch + i * 16, 16)
                ysl = pl.ds(i * 16, 16)
                cps.append(pltpu.async_copy(
                    ys_hbm.at[d0a[isl]], y0b.at[ysl], sem0))
                cps.append(pltpu.async_copy(
                    ys_hbm.at[d1a[isl]], y1b.at[ysl], sem1))
            pltpu.sync_copy(sh_hbm.at[pl.ds(base + ci * ch, ch)], sb)
            for cp in cps:
                cp.wait()

            def row(r, _):
                ri = jnp.zeros((16,), jnp.int32) + (ci * ch + r)
                wb0 = plsc.load_gather(w0a, [ri])
                wb1 = plsc.load_gather(w1a, [ri])
                for c in range(h // 16):
                    sl = pl.ds(c * 16, 16)
                    y0b[r, sl] = (wb0 * y0b[r, sl]
                                  + wb1 * y1b[r, sl] + sb[r, sl])
                return _

            lax.fori_loop(0, ch, row, 0)
            pltpu.sync_copy(y0b, out_hbm.at[pl.ds(base + ci * ch, ch)])
            return carry

        lax.fori_loop(0, nch, chunk, 0)

    return combine


def kernel(x, temporal_context, Wt, bt, Wg, We_gate, We_up, We_down, Ws_gate, Ws_up, Ws_down):
    b, s, h = x.shape
    n = b * s
    e_cnt, i_dim, _ = We_gate.shape
    x_flat = x.reshape(n, h)
    tc_flat = temporal_context.reshape(n, h)

    t_blk = min(512, n)
    nt = n // t_blk

    packed, counts = pl.pallas_call(
        _router_kernel,
        grid=(nt,),
        in_specs=[
            pl.BlockSpec((t_blk, h), lambda t: (t, 0)),
            pl.BlockSpec((t_blk, h), lambda t: (t, 0)),
            pl.BlockSpec((h, h), lambda t: (0, 0)),
            pl.BlockSpec((1, h), lambda t: (0, 0)),
            pl.BlockSpec((e_cnt, h), lambda t: (0, 0)),
        ],
        out_specs=[
            pl.BlockSpec((t_blk, 8), lambda t: (t, 0)),
            pl.BlockSpec((1, e_cnt), lambda t: (0, 0)),
        ],
        out_shape=[
            jax.ShapeDtypeStruct((n, 8), jnp.float32),
            jax.ShapeDtypeStruct((1, e_cnt), jnp.float32),
        ],
        scratch_shapes=[pltpu.VMEM((1, e_cnt), jnp.float32)],
        compiler_params=pltpu.CompilerParams(
            dimension_semantics=("arbitrary",)),
    )(x_flat, tc_flat, Wt, bt.reshape(1, h), Wg)

    w0 = packed[:, 0]
    w1 = packed[:, 1]
    e0 = packed[:, 2].astype(jnp.int32)
    e1 = packed[:, 3].astype(jnp.int32)
    r0 = packed[:, 4].astype(jnp.int32)
    r1 = packed[:, 5].astype(jnp.int32)
    cnt_i = counts[0].astype(jnp.int32)
    cnt16 = jnp.zeros((16,), jnp.int32).at[:e_cnt].set(cnt_i).at[8].set(cnt_i[0])

    g_blk = 512
    m = n * _TOPK
    cap = m + e_cnt * g_blk
    nb = cap // g_blk
    nb_pad = ((nb + 15) // 16) * 16

    xs, d0, d1, bexp = _make_dispatch(n, h, cap, nb_pad, g_blk, e_cnt)(
        x_flat, e0, e1, r0, r1, cnt16)

    padded_cnt = ((cnt_i + g_blk - 1) // g_blk) * g_blk
    nvalid = (jnp.sum(padded_cnt) // g_blk).astype(jnp.int32)
    be_arr = jnp.concatenate([bexp[:nb], nvalid[None]])

    ys = pl.pallas_call(
        _grouped_kernel,
        grid_spec=pltpu.PrefetchScalarGridSpec(
            num_scalar_prefetch=1,
            grid=(nb,),
            in_specs=[
                pl.BlockSpec((g_blk, h), lambda bb, be: (bb, 0)),
                pl.BlockSpec((1, i_dim, h), lambda bb, be: (be[bb], 0, 0)),
                pl.BlockSpec((1, i_dim, h), lambda bb, be: (be[bb], 0, 0)),
                pl.BlockSpec((1, h, i_dim), lambda bb, be: (be[bb], 0, 0)),
            ],
            out_specs=pl.BlockSpec((g_blk, h), lambda bb, be: (bb, 0)),
        ),
        out_shape=jax.ShapeDtypeStruct((cap, h), jnp.float32),
        compiler_params=pltpu.CompilerParams(
            dimension_semantics=("arbitrary",),
            vmem_limit_bytes=110 * 1024 * 1024,
        ),
    )(be_arr, xs, We_gate, We_up, We_down)

    shared = pl.pallas_call(
        _shared_kernel,
        grid=(nt,),
        in_specs=[
            pl.BlockSpec((t_blk, h), lambda t: (t, 0)),
            pl.BlockSpec((i_dim, h), lambda t: (0, 0)),
            pl.BlockSpec((i_dim, h), lambda t: (0, 0)),
            pl.BlockSpec((h, i_dim), lambda t: (0, 0)),
        ],
        out_specs=pl.BlockSpec((t_blk, h), lambda t: (t, 0)),
        out_shape=jax.ShapeDtypeStruct((n, h), jnp.float32),
        compiler_params=pltpu.CompilerParams(
            dimension_semantics=("arbitrary",),
            vmem_limit_bytes=110 * 1024 * 1024,
        ),
    )(x_flat, Ws_gate, Ws_up, Ws_down)

    out = _make_combine(n, h, cap)(ys, shared, w0, w1, d0, d1)
    return out.reshape(b, s, h)

# --- scband reference (transcript-rebuilt; emitter-appended) ---
"""Pipeline reference for scband-video-encoder-5377299055160 (READ-ONLY COPY).

The authoritative reference and input builder live on the scoring server;
editing this copy changes nothing except your own understanding.
"""

import jax, jax.numpy as jnp
import numpy as np

B, S, H = 2, 4096, 1024
I = 2048
E = 8
TOPK = 2
EPS = 1e-05


def setup_inputs(seed: int = 0) -> dict:
    key = jax.random.key(seed)
    ks = jax.random.split(key, 12)
    x = jax.random.normal(ks[0], (B, S, H), dtype=jnp.float32)
    temporal_context = jax.random.normal(ks[1], (B, S, H), dtype=jnp.float32)
    Wt = jax.random.normal(ks[2], (H, H), dtype=jnp.float32) * 0.02
    bt = jnp.zeros((H,), dtype=jnp.float32)
    Wg = jax.random.normal(ks[3], (E, H), dtype=jnp.float32) * 0.01
    We_gate = jax.random.normal(ks[4], (E, I, H), dtype=jnp.float32) * 0.02
    We_up = jax.random.normal(ks[5], (E, I, H), dtype=jnp.float32) * 0.02
    We_down = jax.random.normal(ks[6], (E, H, I), dtype=jnp.float32) * 0.02
    Ws_gate = jax.random.normal(ks[7], (I, H), dtype=jnp.float32) * 0.02
    Ws_up = jax.random.normal(ks[8], (I, H), dtype=jnp.float32) * 0.02
    Ws_down = jax.random.normal(ks[9], (H, I), dtype=jnp.float32) * 0.02
    return {"x": x, "temporal_context": temporal_context, "Wt": Wt, "bt": bt, "Wg": Wg,
            "We_gate": We_gate, "We_up": We_up, "We_down": We_down,
            "Ws_gate": Ws_gate, "Ws_up": Ws_up, "Ws_down": Ws_down}


def _swiglu(x, Wg_, Wu_, Wd_):
    return (jax.nn.silu(x @ Wg_.T) * (x @ Wu_.T)) @ Wd_.T


def reference(x, temporal_context, Wt, bt, Wg, We_gate, We_up, We_down, Ws_gate, Ws_up, Ws_down):
    b, s, h = x.shape
    x_flat = x.reshape(-1, h)
    tc_flat = temporal_context.reshape(-1, h)
    # TemporalExpertRouterEncoder: router input is x + temporal_proj(temporal_context)
    x_router = x_flat + tc_flat @ Wt.T + bt
    router_logits = x_router @ Wg.T
    router_probs = jax.nn.softmax(router_logits, axis=-1)
    top_k_probs, top_k_indices = jax.lax.top_k(router_probs, TOPK)
    top_k_probs = top_k_probs / (jnp.sum(top_k_probs, axis=-1, keepdims=True) + EPS)
    # TemporalMoELayerEncoder: dispatch to experts (dense-equivalent combine)
    output = jnp.zeros_like(x_flat)
    for e in range(E):
        gate_w = jnp.sum(jnp.where(top_k_indices == e, top_k_probs, 0.0), axis=-1)  # [N]
        expert_out = _swiglu(x_flat, We_gate[e], We_up[e], We_down[e])
        output = output + expert_out * gate_w[:, None]
    # shared expert applied to all tokens
    output = output + _swiglu(x_flat, Ws_gate, Ws_up, Ws_down)
    return output.reshape(b, s, h)

if __name__ == "__main__":
    import jax
    _d = setup_inputs()
    print(jax.jit(kernel)(*tuple(_d.values())))

</pallas_src>

<mosaic_0001>
#map = affine_map<(d0, d1) -> (0, 0)>
#map1 = affine_map<(d0, d1) -> (0)>
module attributes {stable_mosaic.version = 14 : i64} {
  func.func @combine(%arg0: i32, %arg1: i32, %arg2: memref<20480x1024xf32, #tpu.memory_space<hbm>>, %arg3: memref<8192x1024xf32, #tpu.memory_space<hbm>>, %arg4: memref<8192xf32, #tpu.memory_space<hbm>>, %arg5: memref<8192xf32, #tpu.memory_space<hbm>>, %arg6: memref<8192xi32, #tpu.memory_space<hbm>>, %arg7: memref<8192xi32, #tpu.memory_space<hbm>>, %arg8: memref<8192x1024xf32, #tpu.memory_space<hbm>>, %arg9: memref<32x1024xf32, #tpu.memory_space<vmem>>, %arg10: memref<32x1024xf32, #tpu.memory_space<vmem>>, %arg11: memref<32x1024xf32, #tpu.memory_space<vmem>>, %arg12: memref<256xi32, #tpu.memory_space<vmem>>, %arg13: memref<256xi32, #tpu.memory_space<vmem>>, %arg14: memref<256xf32, #tpu.memory_space<vmem>>, %arg15: memref<256xf32, #tpu.memory_space<vmem>>, %arg16: memref<!tpu.dma_semaphore, #tpu.memory_space<semaphore_mem>>, %arg17: memref<!tpu.dma_semaphore, #tpu.memory_space<semaphore_mem>>) attributes {dimension_semantics = [#tpu.dimension_semantics<core_parallel>, #tpu.dimension_semantics<subcore_parallel>], iteration_bounds = array<i64: 2, 16>, scalar_prefetch = 0 : i64, scratch_operands = 9 : i64, tpu.core_type = #tpu.core_type<sc_vector_subcore>, window_params = [{transform_indices = #map}, {transform_indices = #map}, {transform_indices = #map1}, {transform_indices = #map1}, {transform_indices = #map1}, {transform_indices = #map1}, {transform_indices = #map}]} {
    %mul3A = arith.constant 2 : i32
    %mul3A_0 = arith.muli %arg1, %mul3A : i32
    %add3A = arith.addi %mul3A_0, %arg0 : i32
    %mul3A_1 = arith.constant 256 : i32
    %mul3A_2 = arith.muli %add3A, %mul3A_1 : i32
    "tpu.region"() ({
      %run_scoped3A = tpu.sem_alloc : memref<!tpu.dma_semaphore, #tpu.memory_space<semaphore_mem>>
      %dma_start3A = tpu.memref_slice %arg6[%mul3A_2] : memref<8192xi32, #tpu.memory_space<hbm>> -> memref<256xi32, #tpu.memory_space<hbm>>
      %dma_start3A_8 = tpu.memref_slice %arg6[%mul3A_2] : memref<8192xi32, #tpu.memory_space<hbm>> -> memref<256xi32, #tpu.memory_space<hbm>>
      tpu.enqueue_dma source(%dma_start3A_8 : memref<256xi32, #tpu.memory_space<hbm>>) target(%arg12 : memref<256xi32, #tpu.memory_space<vmem>>) target_semaphore(%run_scoped3A : memref<!tpu.dma_semaphore, #tpu.memory_space<semaphore_mem>>)
      %dma_wait3A = tpu.memref_slice %arg6[%mul3A_2] : memref<8192xi32, #tpu.memory_space<hbm>> -> memref<256xi32, #tpu.memory_space<hbm>>
      %dma_wait3A_9 = tpu.memref_slice %arg6[%mul3A_2] : memref<8192xi32, #tpu.memory_space<hbm>> -> memref<256xi32, #tpu.memory_space<hbm>>
      tpu.wait_dma2 semaphore(%run_scoped3A : memref<!tpu.dma_semaphore, #tpu.memory_space<semaphore_mem>>) src(%dma_wait3A_9 : memref<256xi32, #tpu.memory_space<hbm>>) dst(%arg12 : memref<256xi32, #tpu.memory_space<vmem>>)
      tpu.yield
    }) : () -> ()
    "tpu.region"() ({
      %run_scoped3A = tpu.sem_alloc : memref<!tpu.dma_semaphore, #tpu.memory_space<semaphore_mem>>
      %dma_start3A = tpu.memref_slice %arg7[%mul3A_2] : memref<8192xi32, #tpu.memory_space<hbm>> -> memref<256xi32, #tpu.memory_space<hbm>>
      %dma_start3A_8 = tpu.memref_slice %arg7[%mul3A_2] : memref<8192xi32, #tpu.memory_space<hbm>> -> memref<256xi32, #tpu.memory_space<hbm>>
      tpu.enqueue_dma source(%dma_start3A_8 : memref<256xi32, #tpu.memory_space<hbm>>) target(%arg13 : memref<256xi32, #tpu.memory_space<vmem>>) target_semaphore(%run_scoped3A : memref<!tpu.dma_semaphore, #tpu.memory_space<semaphore_mem>>)
      %dma_wait3A = tpu.memref_slice %arg7[%mul3A_2] : memref<8192xi32, #tpu.memory_space<hbm>> -> memref<256xi32, #tpu.memory_space<hbm>>
      %dma_wait3A_9 = tpu.memref_slice %arg7[%mul3A_2] : memref<8192xi32, #tpu.memory_space<hbm>> -> memref<256xi32, #tpu.memory_space<hbm>>
      tpu.wait_dma2 semaphore(%run_scoped3A : memref<!tpu.dma_semaphore, #tpu.memory_space<semaphore_mem>>) src(%dma_wait3A_9 : memref<256xi32, #tpu.memory_space<hbm>>) dst(%arg13 : memref<256xi32, #tpu.memory_space<vmem>>)
      tpu.yield
    }) : () -> ()
    "tpu.region"() ({
      %run_scoped3A = tpu.sem_alloc : memref<!tpu.dma_semaphore, #tpu.memory_space<semaphore_mem>>
      %dma_start3A = tpu.memref_slice %arg4[%mul3A_2] : memref<8192xf32, #tpu.memory_space<hbm>> -> memref<256xf32, #tpu.memory_space<hbm>>
      %dma_start3A_8 = tpu.memref_slice %arg4[%mul3A_2] : memref<8192xf32, #tpu.memory_space<hbm>> -> memref<256xf32, #tpu.memory_space<hbm>>
      tpu.enqueue_dma source(%dma_start3A_8 : memref<256xf32, #tpu.memory_space<hbm>>) target(%arg14 : memref<256xf32, #tpu.memory_space<vmem>>) target_semaphore(%run_scoped3A : memref<!tpu.dma_semaphore, #tpu.memory_space<semaphore_mem>>)
      %dma_wait3A = tpu.memref_slice %arg4[%mul3A_2] : memref<8192xf32, #tpu.memory_space<hbm>> -> memref<256xf32, #tpu.memory_space<hbm>>
      %dma_wait3A_9 = tpu.memref_slice %arg4[%mul3A_2] : memref<8192xf32, #tpu.memory_space<hbm>> -> memref<256xf32, #tpu.memory_space<hbm>>
      tpu.wait_dma2 semaphore(%run_scoped3A : memref<!tpu.dma_semaphore, #tpu.memory_space<semaphore_mem>>) src(%dma_wait3A_9 : memref<256xf32, #tpu.memory_space<hbm>>) dst(%arg14 : memref<256xf32, #tpu.memory_space<vmem>>)
      tpu.yield
    }) : () -> ()
    "tpu.region"() ({
      %run_scoped3A = tpu.sem_alloc : memref<!tpu.dma_semaphore, #tpu.memory_space<semaphore_mem>>
      %dma_start3A = tpu.memref_slice %arg5[%mul3A_2] : memref<8192xf32, #tpu.memory_space<hbm>> -> memref<256xf32, #tpu.memory_space<hbm>>
      %dma_start3A_8 = tpu.memref_slice %arg5[%mul3A_2] : memref<8192xf32, #tpu.memory_space<hbm>> -> memref<256xf32, #tpu.memory_space<hbm>>
      tpu.enqueue_dma source(%dma_start3A_8 : memref<256xf32, #tpu.memory_space<hbm>>) target(%arg15 : memref<256xf32, #tpu.memory_space<vmem>>) target_semaphore(%run_scoped3A : memref<!tpu.dma_semaphore, #tpu.memory_space<semaphore_mem>>)
      %dma_wait3A = tpu.memref_slice %arg5[%mul3A_2] : memref<8192xf32, #tpu.memory_space<hbm>> -> memref<256xf32, #tpu.memory_space<hbm>>
      %dma_wait3A_9 = tpu.memref_slice %arg5[%mul3A_2] : memref<8192xf32, #tpu.memory_space<hbm>> -> memref<256xf32, #tpu.memory_space<hbm>>
      tpu.wait_dma2 semaphore(%run_scoped3A : memref<!tpu.dma_semaphore, #tpu.memory_space<semaphore_mem>>) src(%dma_wait3A_9 : memref<256xf32, #tpu.memory_space<hbm>>) dst(%arg15 : memref<256xf32, #tpu.memory_space<vmem>>)
      tpu.yield
    }) : () -> ()
    %scan3A = arith.constant 0 : i32
    %scan3A_3 = arith.constant 0 : i32
    %scan3A_4 = arith.constant 8 : i32
    %scan3A_5 = arith.addi %scan3A_3, %scan3A_4 : i32
    %scan3A_6 = arith.constant 1 : i32
    scf.for %scan3A_8 = %scan3A_3 to %scan3A_5 step %scan3A_6  : i32 {
      %mul3A_9 = arith.constant 32 : i32
      %mul3A_10 = arith.muli %scan3A_8, %mul3A_9 : i32
      %add3A_11 = arith.constant 0 : i32
      %add3A_12 = arith.addi %mul3A_10, %add3A_11 : i32
      %get3A = arith.index_cast %add3A_12 : i32 to index
      %get3A_13 = tpu.vector_load %arg12[%get3A] {strides = array<i32>} : memref<256xi32, #tpu.memory_space<vmem>>, vector<16xi32>,
      %dma_start3A = arith.constant 0 : i32
      %dma_start3A_14 = arith.constant 0 : i32
      %dma_start3A_15 = tpu.memref_slice %arg9[%dma_start3A, %dma_start3A_14] : memref<32x1024xf32, #tpu.memory_space<vmem>> -> memref<16x1024xf32, #tpu.memory_space<vmem>>
      %dma_start3A_16 = arith.constant 0 : i32
      %dma_start3A_17 = arith.constant 0 : i32
      %dma_start3A_18 = tpu.memref_slice %arg2[%dma_start3A_16, %dma_start3A_17] : memref<20480x1024xf32, #tpu.memory_space<hbm>> -> memref<20480x1024xf32, #tpu.memory_space<hbm>>
      tpu.enqueue_indirect_dma source(%dma_start3A_18 : memref<20480x1024xf32, #tpu.memory_space<hbm>>) target(%dma_start3A_15 : memref<16x1024xf32, #tpu.memory_space<vmem>>) offsets(%get3A_13 : vector<16xi32>) semaphore(%arg16 : memref<!tpu.dma_semaphore, #tpu.memory_space<semaphore_mem>>)
      %get3A_19 = arith.index_cast %add3A_12 : i32 to index
      %get3A_20 = tpu.vector_load %arg13[%get3A_19] {strides = array<i32>} : memref<256xi32, #tpu.memory_space<vmem>>, vector<16xi32>,
      %dma_start3A_21 = arith.constant 0 : i32
      %dma_start3A_22 = arith.constant 0 : i32
      %dma_start3A_23 = tpu.memref_slice %arg10[%dma_start3A_21, %dma_start3A_22] : memref<32x1024xf32, #tpu.memory_space<vmem>> -> memref<16x1024xf32, #tpu.memory_space<vmem>>
      %dma_start3A_24 = arith.constant 0 : i32
      %dma_start3A_25 = arith.constant 0 : i32
      %dma_start3A_26 = tpu.memref_slice %arg2[%dma_start3A_24, %dma_start3A_25] : memref<20480x1024xf32, #tpu.memory_space<hbm>> -> memref<20480x1024xf32, #tpu.memory_space<hbm>>
      tpu.enqueue_indirect_dma source(%dma_start3A_26 : memref<20480x1024xf32, #tpu.memory_space<hbm>>) target(%dma_start3A_23 : memref<16x1024xf32, #tpu.memory_space<vmem>>) offsets(%get3A_20 : vector<16xi32>) semaphore(%arg17 : memref<!tpu.dma_semaphore, #tpu.memory_space<semaphore_mem>>)
      %mul3A_27 = arith.constant 32 : i32
      %mul3A_28 = arith.muli %scan3A_8, %mul3A_27 : i32
      %add3A_29 = arith.constant 16 : i32
      %add3A_30 = arith.addi %mul3A_28, %add3A_29 : i32
      %get3A_31 = arith.index_cast %add3A_30 : i32 to index
      %get3A_32 = tpu.vector_load %arg12[%get3A_31] {strides = array<i32>} : memref<256xi32, #tpu.memory_space<vmem>>, vector<16xi32>,
      %dma_start3A_33 = arith.constant 16 : i32
      %dma_start3A_34 = arith.constant 0 : i32
      %dma_start3A_35 = tpu.memref_slice %arg9[%dma_start3A_33, %dma_start3A_34] : memref<32x1024xf32, #tpu.memory_space<vmem>> -> memref<16x1024xf32, #tpu.memory_space<vmem>>
      %dma_start3A_36 = arith.constant 0 : i32
      %dma_start3A_37 = arith.constant 0 : i32
      %dma_start3A_38 = tpu.memref_slice %arg2[%dma_start3A_36, %dma_start3A_37] : memref<20480x1024xf32, #tpu.memory_space<hbm>> -> memref<20480x1024xf32, #tpu.memory_space<hbm>>
      tpu.enqueue_indirect_dma source(%dma_start3A_38 : memref<20480x1024xf32, #tpu.memory_space<hbm>>) target(%dma_start3A_35 : memref<16x1024xf32, #tpu.memory_space<vmem>>) offsets(%get3A_32 : vector<16xi32>) semaphore(%arg16 : memref<!tpu.dma_semaphore, #tpu.memory_space<semaphore_mem>>)
      %get3A_39 = arith.index_cast %add3A_30 : i32 to index
      %get3A_40 = tpu.vector_load %arg13[%get3A_39] {strides = array<i32>} : memref<256xi32, #tpu.memory_space<vmem>>, vector<16xi32>,
      %dma_start3A_41 = arith.constant 16 : i32
      %dma_start3A_42 = arith.constant 0 : i32
      %dma_start3A_43 = tpu.memref_slice %arg10[%dma_start3A_41, %dma_start3A_42] : memref<32x1024xf32, #tpu.memory_space<vmem>> -> memref<16x1024xf32, #tpu.memory_space<vmem>>
      %dma_start3A_44 = arith.constant 0 : i32
      %dma_start3A_45 = arith.constant 0 : i32
      %dma_start3A_46 = tpu.memref_slice %arg2[%dma_start3A_44, %dma_start3A_45] : memref<20480x1024xf32, #tpu.memory_space<hbm>> -> memref<20480x1024xf32, #tpu.memory_space<hbm>>
      tpu.enqueue_indirect_dma source(%dma_start3A_46 : memref<20480x1024xf32, #tpu.memory_space<hbm>>) target(%dma_start3A_43 : memref<16x1024xf32, #tpu.memory_space<vmem>>) offsets(%get3A_40 : vector<16xi32>) semaphore(%arg17 : memref<!tpu.dma_semaphore, #tpu.memory_space<semaphore_mem>>)
      %mul3A_47 = arith.constant 32 : i32
      %mul3A_48 = arith.muli %scan3A_8, %mul3A_47 : i32
      %add3A_49 = arith.addi %mul3A_2, %mul3A_48 : i32
      "tpu.region"() ({
        %run_scoped3A = tpu.sem_alloc : memref<!tpu.dma_semaphore, #tpu.memory_space<semaphore_mem>>
        %dma_start3A_82 = arith.constant 0 : i32
        %dma_start3A_83 = tpu.memref_slice %arg3[%add3A_49, %dma_start3A_82] : memref<8192x1024xf32, #tpu.memory_space<hbm>> -> memref<32x1024xf32, #tpu.memory_space<hbm>>
        %dma_start3A_84 = arith.constant 0 : i32
        %dma_start3A_85 = tpu.memref_slice %arg3[%add3A_49, %dma_start3A_84] : memref<8192x1024xf32, #tpu.memory_space<hbm>> -> memref<32x1024xf32, #tpu.memory_space<hbm>>
        tpu.enqueue_dma source(%dma_start3A_85 : memref<32x1024xf32, #tpu.memory_space<hbm>>) target(%arg11 : memref<32x1024xf32, #tpu.memory_space<vmem>>) target_semaphore(%run_scoped3A : memref<!tpu.dma_semaphore, #tpu.memory_space<semaphore_mem>>)
        %dma_wait3A_86 = arith.constant 0 : i32
        %dma_wait3A_87 = tpu.memref_slice %arg3[%add3A_49, %dma_wait3A_86] : memref<8192x1024xf32, #tpu.memory_space<hbm>> -> memref<32x1024xf32, #tpu.memory_space<hbm>>
        %dma_wait3A_88 = arith.constant 0 : i32
        %dma_wait3A_89 = tpu.memref_slice %arg3[%add3A_49, %dma_wait3A_88] : memref<8192x1024xf32, #tpu.memory_space<hbm>> -> memref<32x1024xf32, #tpu.memory_space<hbm>>
        tpu.wait_dma2 semaphore(%run_scoped3A : memref<!tpu.dma_semaphore, #tpu.memory_space<semaphore_mem>>) src(%dma_wait3A_89 : memref<32x1024xf32, #tpu.memory_space<hbm>>) dst(%arg11 : memref<32x1024xf32, #tpu.memory_space<vmem>>)
        tpu.yield
      }) : () -> ()
      %dma_wait3A = arith.constant 0 : i32
      %dma_wait3A_50 = arith.constant 0 : i32
      %dma_wait3A_51 = tpu.memref_slice %arg9[%dma_wait3A, %dma_wait3A_50] : memref<32x1024xf32, #tpu.memory_space<vmem>> -> memref<16x1024xf32, #tpu.memory_space<vmem>>
      %dma_wait3A_52 = arith.constant 0 : i32
      %dma_wait3A_53 = arith.constant 0 : i32
      %dma_wait3A_54 = tpu.memref_slice %arg2[%dma_wait3A_52, %dma_wait3A_53] : memref<20480x1024xf32, #tpu.memory_space<hbm>> -> memref<20480x1024xf32, #tpu.memory_space<hbm>>
      tpu.wait_indirect_dma semaphore(%arg16 : memref<!tpu.dma_semaphore, #tpu.memory_space<semaphore_mem>>) src(%dma_wait3A_54 : memref<20480x1024xf32, #tpu.memory_space<hbm>>) dst(%dma_wait3A_51 : memref<16x1024xf32, #tpu.memory_space<vmem>>)
      %dma_wait3A_55 = arith.constant 0 : i32
      %dma_wait3A_56 = arith.constant 0 : i32
      %dma_wait3A_57 = tpu.memref_slice %arg10[%dma_wait3A_55, %dma_wait3A_56] : memref<32x1024xf32, #tpu.memory_space<vmem>> -> memref<16x1024xf32, #tpu.memory_space<vmem>>
      %dma_wait3A_58 = arith.constant 0 : i32
      %dma_wait3A_59 = arith.constant 0 : i32
      %dma_wait3A_60 = tpu.memref_slice %arg2[%dma_wait3A_58, %dma_wait3A_59] : memref<20480x1024xf32, #tpu.memory_space<hbm>> -> memref<20480x1024xf32, #tpu.memory_space<hbm>>
      tpu.wait_indirect_dma semaphore(%arg17 : memref<!tpu.dma_semaphore, #tpu.memory_space<semaphore_mem>>) src(%dma_wait3A_60 : memref<20480x1024xf32, #tpu.memory_space<hbm>>) dst(%dma_wait3A_57 : memref<16x1024xf32, #tpu.memory_space<vmem>>)
      %dma_wait3A_61 = arith.constant 16 : i32
      %dma_wait3A_62 = arith.constant 0 : i32
      %dma_wait3A_63 = tpu.memref_slice %arg9[%dma_wait3A_61, %dma_wait3A_62] : memref<32x1024xf32, #tpu.memory_space<vmem>> -> memref<16x1024xf32, #tpu.memory_space<vmem>>
      %dma_wait3A_64 = arith.constant 0 : i32
      %dma_wait3A_65 = arith.constant 0 : i32
      %dma_wait3A_66 = tpu.memref_slice %arg2[%dma_wait3A_64, %dma_wait3A_65] : memref<20480x1024xf32, #tpu.memory_space<hbm>> -> memref<20480x1024xf32, #tpu.memory_space<hbm>>
      tpu.wait_indirect_dma semaphore(%arg16 : memref<!tpu.dma_semaphore, #tpu.memory_space<semaphore_mem>>) src(%dma_wait3A_66 : memref<20480x1024xf32, #tpu.memory_space<hbm>>) dst(%dma_wait3A_63 : memref<16x1024xf32, #tpu.memory_space<vmem>>)
      %dma_wait3A_67 = arith.constant 16 : i32
      %dma_wait3A_68 = arith.constant 0 : i32
      %dma_wait3A_69 = tpu.memref_slice %arg10[%dma_wait3A_67, %dma_wait3A_68] : memref<32x1024xf32, #tpu.memory_space<vmem>> -> memref<16x1024xf32, #tpu.memory_space<vmem>>
      %dma_wait3A_70 = arith.constant 0 : i32
      %dma_wait3A_71 = arith.constant 0 : i32
      %dma_wait3A_72 = tpu.memref_slice %arg2[%dma_wait3A_70, %dma_wait3A_71] : memref<20480x1024xf32, #tpu.memory_space<hbm>> -> memref<20480x1024xf32, #tpu.memory_space<hbm>>
      tpu.wait_indirect_dma semaphore(%arg17 : memref<!tpu.dma_semaphore, #tpu.memory_space<semaphore_mem>>) src(%dma_wait3A_72 : memref<20480x1024xf32, #tpu.memory_space<hbm>>) dst(%dma_wait3A_69 : memref<16x1024xf32, #tpu.memory_space<vmem>>)
      %scan3A_73 = arith.constant 0 : i32
      %scan3A_74 = arith.constant 0 : i32
      %scan3A_75 = arith.constant 32 : i32
      %scan3A_76 = arith.addi %scan3A_74, %scan3A_75 : i32
      %scan3A_77 = arith.constant 1 : i32
      scf.for %scan3A_82 = %scan3A_74 to %scan3A_76 step %scan3A_77  : i32 {
        %broadcast_in_dim3A = arith.constant 0 : i32
        %broadcast_in_dim3A_83 = vector.broadcast %broadcast_in_dim3A : i32 to vector<16xi32>
        %mul3A_84 = arith.constant 32 : i32
        %mul3A_85 = arith.muli %scan3A_8, %mul3A_84 : i32
        %add3A_86 = arith.addi %mul3A_85, %scan3A_82 : i32
        %add3A_87 = vector.broadcast %add3A_86 : i32 to vector<16xi32>
        %add3A_88 = arith.addi %broadcast_in_dim3A_83, %add3A_87 : vector<16xi32>
        %gather3A = tpu.vector_load_idx %arg14[%add3A_88] : memref<256xf32, #tpu.memory_space<vmem>>[vector<16xi32>], vector<16xf32>,
        %gather3A_89 = tpu.vector_load_idx %arg15[%add3A_88] : memref<256xf32, #tpu.memory_space<vmem>>[vector<16xi32>], vector<16xf32>,
        %get3A_90 = arith.index_cast %scan3A_82 : i32 to index
        %get3A_91 = arith.constant 0 : index
        %get3A_92 = tpu.vector_load %arg9[%get3A_90, %get3A_91] {strides = array<i32>} : memref<32x1024xf32, #tpu.memory_space<vmem>>, vector<16xf32>,
        %mul3A_93 = arith.mulf %gather3A, %get3A_92 : vector<16xf32>
        %get3A_94 = arith.index_cast %scan3A_82 : i32 to index
        %get3A_95 = arith.constant 0 : index
        %get3A_96 = tpu.vector_load %arg10[%get3A_94, %get3A_95] {strides = array<i32>} : memref<32x1024xf32, #tpu.memory_space<vmem>>, vector<16xf32>,
        %mul3A_97 = arith.mulf %gather3A_89, %get3A_96 : vector<16xf32>
        %add3A_98 = arith.addf %mul3A_93, %mul3A_97 : vector<16xf32>
        %get3A_99 = arith.index_cast %scan3A_82 : i32 to index
        %get3A_100 = arith.constant 0 : index
        %get3A_101 = tpu.vector_load %arg11[%get3A_99, %get3A_100] {strides = array<i32>} : memref<32x1024xf32, #tpu.memory_space<vmem>>, vector<16xf32>,
        %add3A_102 = arith.addf %add3A_98, %get3A_101 : vector<16xf32>
        %swap3A = arith.index_cast %scan3A_82 : i32 to index
        %swap3A_103 = arith.constant 0 : index
        %swap3A_104 = tpu.vector_load %arg9[%swap3A, %swap3A_103] {strides = array<i32>} : memref<32x1024xf32, #tpu.memory_space<vmem>>, vector<16xf32>,
        tpu.vector_store %arg9[%swap3A, %swap3A_103], %add3A_102 {strides = array<i32>} : memref<32x1024xf32, #tpu.memory_space<vmem>>, vector<16xf32>,
        %get3A_105 = arith.index_cast %scan3A_82 : i32 to index
        %get3A_106 = arith.constant 16 : index
        %get3A_107 = tpu.vector_load %arg9[%get3A_105, %get3A_106] {strides = array<i32>} : memref<32x1024xf32, #tpu.memory_space<vmem>>, vector<16xf32>,
        %mul3A_108 = arith.mulf %gather3A, %get3A_107 : vector<16xf32>
        %get3A_109 = arith.index_cast %scan3A_82 : i32 to index
        %get3A_110 = arith.constant 16 : index
        %get3A_111 = tpu.vector_load %arg10[%get3A_109, %get3A_110] {strides = array<i32>} : memref<32x1024xf32, #tpu.memory_space<vmem>>, vector<16xf32>,
        %mul3A_112 = arith.mulf %gather3A_89, %get3A_111 : vector<16xf32>
        %add3A_113 = arith.addf %mul3A_108, %mul3A_112 : vector<16xf32>
        %get3A_114 = arith.index_cast %scan3A_82 : i32 to index
        %get3A_115 = arith.constant 16 : index
        %get3A_116 = tpu.vector_load %arg11[%get3A_114, %get3A_115] {strides = array<i32>} : memref<32x1024xf32, #tpu.memory_space<vmem>>, vector<16xf32>,
        %add3A_117 = arith.addf %add3A_113, %get3A_116 : vector<16xf32>
        %swap3A_118 = arith.index_cast %scan3A_82 : i32 to index
        %swap3A_119 = arith.constant 16 : index
        %swap3A_120 = tpu.vector_load %arg9[%swap3A_118, %swap3A_119] {strides = array<i32>} : memref<32x1024xf32, #tpu.memory_space<vmem>>, vector<16xf32>,
        tpu.vector_store %arg9[%swap3A_118, %swap3A_119], %add3A_117 {strides = array<i32>} : memref<32x1024xf32, #tpu.memory_space<vmem>>, vector<16xf32>,
        %get3A_121 = arith.index_cast %scan3A_82 : i32 to index
        %get3A_122 = arith.constant 32 : index
        %get3A_123 = tpu.vector_load %arg9[%get3A_121, %get3A_122] {strides = array<i32>} : memref<32x1024xf32, #tpu.memory_space<vmem>>, vector<16xf32>,
        %mul3A_124 = arith.mulf %gather3A, %get3A_123 : vector<16xf32>
        %get3A_125 = arith.index_cast %scan3A_82 : i32 to index
        %get3A_126 = arith.constant 32 : index
        %get3A_127 = tpu.vector_load %arg10[%get3A_125, %get3A_126] {strides = array<i32>} : memref<32x1024xf32, #tpu.memory_space<vmem>>, vector<16xf32>,
        %mul3A_128 = arith.mulf %gather3A_89, %get3A_127 : vector<16xf32>
        %add3A_129 = arith.addf %mul3A_124, %mul3A_128 : vector<16xf32>
        %get3A_130 = arith.index_cast %scan3A_82 : i32 to index
        %get3A_131 = arith.constant 32 : index
        %get3A_132 = tpu.vector_load %arg11[%get3A_130, %get3A_131] {strides = array<i32>} : memref<32x1024xf32, #tpu.memory_space<vmem>>, vector<16xf32>,
        %add3A_133 = arith.addf %add3A_129, %get3A_132 : vector<16xf32>
        %swap3A_134 = arith.index_cast %scan3A_82 : i32 to index
        %swap3A_135 = arith.constant 32 : index
        %swap3A_136 = tpu.vector_load %arg9[%swap3A_134, %swap3A_135] {strides = array<i32>} : memref<32x1024xf32, #tpu.memory_space<vmem>>, vector<16xf32>,
        tpu.vector_store %arg9[%swap3A_134, %swap3A_135], %add3A_133 {strides = array<i32>} : memref<32x1024xf32, #tpu.memory_space<vmem>>, vector<16xf32>,
        %get3A_137 = arith.index_cast %scan3A_82 : i32 to index
        %get3A_138 = arith.constant 48 : index
        %get3A_139 = tpu.vector_load %arg9[%get3A_137, %get3A_138] {strides = array<i32>} : memref<32x1024xf32, #tpu.memory_space<vmem>>, vector<16xf32>,
        %mul3A_140 = arith.mulf %gather3A, %get3A_139 : vector<16xf32>
        %get3A_141 = arith.index_cast %scan3A_82 : i32 to index
        %get3A_142 = arith.constant 48 : index
        %get3A_143 = tpu.vector_load %arg10[%get3A_141, %get3A_142] {strides = array<i32>} : memref<32x1024xf32, #tpu.memory_space<vmem>>, vector<16xf32>,
        %mul3A_144 = arith.mulf %gather3A_89, %get3A_143 : vector<16xf32>
        %add3A_145 = arith.addf %mul3A_140, %mul3A_144 : vector<16xf32>
        %get3A_146 = arith.index_cast %scan3A_82 : i32 to index
        %get3A_147 = arith.constant 48 : index
        %get3A_148 = tpu.vector_load %arg11[%get3A_146, %get3A_147] {strides = array<i32>} : memref<32x1024xf32, #tpu.memory_space<vmem>>, vector<16xf32>,
        %add3A_149 = arith.addf %add3A_145, %get3A_148 : vector<16xf32>
        %swap3A_150 = arith.index_cast %scan3A_82 : i32 to index
        %swap3A_151 = arith.constant 48 : index
        %swap3A_152 = tpu.vector_load %arg9[%swap3A_150, %swap3A_151] {strides = array<i32>} : memref<32x1024xf32, #tpu.memory_space<vmem>>, vector<16xf32>,
        tpu.vector_store %arg9[%swap3A_150, %swap3A_151], %add3A_149 {strides = array<i32>} : memref<32x1024xf32, #tpu.memory_space<vmem>>, vector<16xf32>,
        %get3A_153 = arith.index_cast %scan3A_82 : i32 to index
        %get3A_154 = arith.constant 64 : index
        %get3A_155 = tpu.vector_load %arg9[%get3A_153, %get3A_154] {strides = array<i32>} : memref<32x1024xf32, #tpu.memory_space<vmem>>, vector<16xf32>,
        %mul3A_156 = arith.mulf %gather3A, %get3A_155 : vector<16xf32>
        %get3A_157 = arith.index_cast %scan3A_82 : i32 to index
        %get3A_158 = arith.constant 64 : index
        %get3A_159 = tpu.vector_load %arg10[%get3A_157, %get3A_158] {strides = array<i32>} : memref<32x1024xf32, #tpu.memory_space<vmem>>, vector<16xf32>,
        %mul3A_160 = arith.mulf %gather3A_89, %get3A_159 : vector<16xf32>
        %add3A_161 = arith.addf %mul3A_156, %mul3A_160 : vector<16xf32>
        %get3A_162 = arith.index_cast %scan3A_82 : i32 to index
        %get3A_163 = arith.constant 64 : index
        %get3A_164 = tpu.vector_load %arg11[%get3A_162, %get3A_163] {strides = array<i32>} : memref<32x1024xf32, #tpu.memory_space<vmem>>, vector<16xf32>,
        %add3A_165 = arith.addf %add3A_161, %get3A_164 : vector<16xf32>
        %swap3A_166 = arith.index_cast %scan3A_82 : i32 to index
        %swap3A_167 = arith.constant 64 : index
        %swap3A_168 = tpu.vector_load %arg9[%swap3A_166, %swap3A_167] {strides = array<i32>} : memref<32x1024xf32, #tpu.memory_space<vmem>>, vector<16xf32>,
        tpu.vector_store %arg9[%swap3A_166, %swap3A_167], %add3A_165 {strides = array<i32>} : memref<32x1024xf32, #tpu.memory_space<vmem>>, vector<16xf32>,
        %get3A_169 = arith.index_cast %scan3A_82 : i32 to index
        %get3A_170 = arith.constant 80 : index
        %get3A_171 = tpu.vector_load %arg9[%get3A_169, %get3A_170] {strides = array<i32>} : memref<32x1024xf32, #tpu.memory_space<vmem>>, vector<16xf32>,
        %mul3A_172 = arith.mulf %gather3A, %get3A_171 : vector<16xf32>
        %get3A_173 = arith.index_cast %scan3A_82 : i32 to index
        %get3A_174 = arith.constant 80 : index
        %get3A_175 = tpu.vector_load %arg10[%get3A_173, %get3A_174] {strides = array<i32>} : memref<32x1024xf32, #tpu.memory_space<vmem>>, vector<16xf32>,
        %mul3A_176 = arith.mulf %gather3A_89, %get3A_175 : vector<16xf32>
        %add3A_177 = arith.addf %mul3A_172, %mul3A_176 : vector<16xf32>
        %get3A_178 = arith.index_cast %scan3A_82 : i32 to index
        %get3A_179 = arith.constant 80 : index
        %get3A_180 = tpu.vector_load %arg11[%get3A_178, %get3A_179] {strides = array<i32>} : memref<32x1024xf32, #tpu.memory_space<vmem>>, vector<16xf32>,
        %add3A_181 = arith.addf %add3A_177, %get3A_180 : vector<16xf32>
        %swap3A_182 = arith.index_cast %scan3A_82 : i32 to index
        %swap3A_183 = arith.constant 80 : index
        %swap3A_184 = tpu.vector_load %arg9[%swap3A_182, %swap3A_183] {strides = array<i32>} : memref<32x1024xf32, #tpu.memory_space<vmem>>, vector<16xf32>,
        tpu.vector_store %arg9[%swap3A_182, %swap3A_183], %add3A_181 {strides = array<i32>} : memref<32x1024xf32, #tpu.memory_space<vmem>>, vector<16xf32>,
        %get3A_185 = arith.index_cast %scan3A_82 : i32 to index
        %get3A_186 = arith.constant 96 : index
        %get3A_187 = tpu.vector_load %arg9[%get3A_185, %get3A_186] {strides = array<i32>} : memref<32x1024xf32, #tpu.memory_space<vmem>>, vector<16xf32>,
        %mul3A_188 = arith.mulf %gather3A, %get3A_187 : vector<16xf32>
        %get3A_189 = arith.index_cast %scan3A_82 : i32 to index
        %get3A_190 = arith.constant 96 : index
        %get3A_191 = tpu.vector_load %arg10[%get3A_189, %get3A_190] {strides = array<i32>} : memref<32x1024xf32, #tpu.memory_space<vmem>>, vector<16xf32>,
        %mul3A_192 = arith.mulf %gather3A_89, %get3A_191 : vector<16xf32>
        %add3A_193 = arith.addf %mul3A_188, %mul3A_192 : vector<16xf32>
        %get3A_194 = arith.index_cast %scan3A_82 : i32 to index
        %get3A_195 = arith.constant 96 : index
        %get3A_196 = tpu.vector_load %arg11[%get3A_194, %get3A_195] {strides = array<i32>} : memref<32x1024xf32, #tpu.memory_space<vmem>>, vector<16xf32>,
        %add3A_197 = arith.addf %add3A_193, %get3A_196 : vector<16xf32>
        %swap3A_198 = arith.index_cast %scan3A_82 : i32 to index
        %swap3A_199 = arith.constant 96 : index
        %swap3A_200 = tpu.vector_load %arg9[%swap3A_198, %swap3A_199] {strides = array<i32>} : memref<32x1024xf32, #tpu.memory_space<vmem>>, vector<16xf32>,
        tpu.vector_store %arg9[%swap3A_198, %swap3A_199], %add3A_197 {strides = array<i32>} : memref<32x1024xf32, #tpu.memory_space<vmem>>, vector<16xf32>,
        %get3A_201 = arith.index_cast %scan3A_82 : i32 to index
        %get3A_202 = arith.constant 112 : index
        %get3A_203 = tpu.vector_load %arg9[%get3A_201, %get3A_202] {strides = array<i32>} : memref<32x1024xf32, #tpu.memory_space<vmem>>, vector<16xf32>,
        %mul3A_204 = arith.mulf %gather3A, %get3A_203 : vector<16xf32>
        %get3A_205 = arith.index_cast %scan3A_82 : i32 to index
        %get3A_206 = arith.constant 112 : index
        %get3A_207 = tpu.vector_load %arg10[%get3A_205, %get3A_206] {strides = array<i32>} : memref<32x1024xf32, #tpu.memory_space<vmem>>, vector<16xf32>,
        %mul3A_208 = arith.mulf %gather3A_89, %get3A_207 : vector<16xf32>
        %add3A_209 = arith.addf %mul3A_204, %mul3A_208 : vector<16xf32>
        %get3A_210 = arith.index_cast %scan3A_82 : i32 to index
        %get3A_211 = arith.constant 112 : index
        %get3A_212 = tpu.vector_load %arg11[%get3A_210, %get3A_211] {strides = array<i32>} : memref<32x1024xf32, #tpu.memory_space<vmem>>, vector<16xf32>,
        %add3A_213 = arith.addf %add3A_209, %get3A_212 : vector<16xf32>
        %swap3A_214 = arith.index_cast %scan3A_82 : i32 to index
        %swap3A_215 = arith.constant 112 : index
        %swap3A_216 = tpu.vector_load %arg9[%swap3A_214, %swap3A_215] {strides = array<i32>} : memref<32x1024xf32, #tpu.memory_space<vmem>>, vector<16xf32>,
        tpu.vector_store %arg9[%swap3A_214, %swap3A_215], %add3A_213 {strides = array<i32>} : memref<32x1024xf32, #tpu.memory_space<vmem>>, vector<16xf32>,
        %get3A_217 = arith.index_cast %scan3A_82 : i32 to index
        %get3A_218 = arith.constant 128 : index
        %get3A_219 = tpu.vector_load %arg9[%get3A_217, %get3A_218] {strides = array<i32>} : memref<32x1024xf32, #tpu.memory_space<vmem>>, vector<16xf32>,
        %mul3A_220 = arith.mulf %gather3A, %get3A_219 : vector<16xf32>
        %get3A_221 = arith.index_cast %scan3A_82 : i32 to index
        %get3A_222 = arith.constant 128 : index
        %get3A_223 = tpu.vector_load %arg10[%get3A_221, %get3A_222] {strides = array<i32>} : memref<32x1024xf32, #tpu.memory_space<vmem>>, vector<16xf32>,
        %mul3A_224 = arith.mulf %gather3A_89, %get3A_223 : vector<16xf32>
        %add3A_225 = arith.addf %mul3A_220, %mul3A_224 : vector<16xf32>
        %get3A_226 = arith.index_cast %scan3A_82 : i32 to index
        %get3A_227 = arith.constant 128 : index
        %get3A_228 = tpu.vector_load %arg11[%get3A_226, %get3A_227] {strides = array<i32>} : memref<32x1024xf32, #tpu.memory_space<vmem>>, vector<16xf32>,
        %add3A_229 = arith.addf %add3A_225, %get3A_228 : vector<16xf32>
        %swap3A_230 = arith.index_cast %scan3A_82 : i32 to index
        %swap3A_231 = arith.constant 128 : index
        %swap3A_232 = tpu.vector_load %arg9[%swap3A_230, %swap3A_231] {strides = array<i32>} : memref<32x1024xf32, #tpu.memory_space<vmem>>, vector<16xf32>,
        tpu.vector_store %arg9[%swap3A_230, %swap3A_231], %add3A_229 {strides = array<i32>} : memref<32x1024xf32, #tpu.memory_space<vmem>>, vector<16xf32>,
        %get3A_233 = arith.index_cast %scan3A_82 : i32 to index
        %get3A_234 = arith.constant 144 : index
        %get3A_235 = tpu.vector_load %arg9[%get3A_233, %get3A_234] {strides = array<i32>} : memref<32x1024xf32, #tpu.memory_space<vmem>>, vector<16xf32>,
        %mul3A_236 = arith.mulf %gather3A, %get3A_235 : vector<16xf32>
        %get3A_237 = arith.index_cast %scan3A_82 : i32 to index
        %get3A_238 = arith.constant 144 : index
        %get3A_239 = tpu.vector_load %arg10[%get3A_237, %get3A_238] {strides = array<i32>} : memref<32x1024xf32, #tpu.memory_space<vmem>>, vector<16xf32>,
        %mul3A_240 = arith.mulf %gather3A_89, %get3A_239 : vector<16xf32>
        %add3A_241 = arith.addf %mul3A_236, %mul3A_240 : vector<16xf32>
        %get3A_242 = arith.index_cast %scan3A_82 : i32 to index
        %get3A_243 = arith.constant 144 : index
        %get3A_244 = tpu.vector_load %arg11[%get3A_242, %get3A_243] {strides = array<i32>} : memref<32x1024xf32, #tpu.memory_space<vmem>>, vector<16xf32>,
        %add3A_245 = arith.addf %add3A_241, %get3A_244 : vector<16xf32>
        %swap3A_246 = arith.index_cast %scan3A_82 : i32 to index
        %swap3A_247 = arith.constant 144 : index
        %swap3A_248 = tpu.vector_load %arg9[%swap3A_246, %swap3A_247] {strides = array<i32>} : memref<32x1024xf32, #tpu.memory_space<vmem>>, vector<16xf32>,
        tpu.vector_store %arg9[%swap3A_246, %swap3A_247], %add3A_245 {strides = array<i32>} : memref<32x1024xf32, #tpu.memory_space<vmem>>, vector<16xf32>,
        %get3A_249 = arith.index_cast %scan3A_82 : i32 to index
        %get3A_250 = arith.constant 160 : index
        %get3A_251 = tpu.vector_load %arg9[%get3A_249, %get3A_250] {strides = array<i32>} : memref<32x1024xf32, #tpu.memory_space<vmem>>, vector<16xf32>,
        %mul3A_252 = arith.mulf %gather3A, %get3A_251 : vector<16xf32>
        %get3A_253 = arith.index_cast %scan3A_82 : i32 to index
        %get3A_254 = arith.constant 160 : index
        %get3A_255 = tpu.vector_load %arg10[%get3A_253, %get3A_254] {strides = array<i32>} : memref<32x1024xf32, #tpu.memory_space<vmem>>, vector<16xf32>,
        %mul3A_256 = arith.mulf %gather3A_89, %get3A_255 : vector<16xf32>
        %add3A_257 = arith.addf %mul3A_252, %mul3A_256 : vector<16xf32>
        %get3A_258 = arith.index_cast %scan3A_82 : i32 to index
        %get3A_259 = arith.constant 160 : index
        %get3A_260 = tpu.vector_load %arg11[%get3A_258, %get3A_259] {strides = array<i32>} : memref<32x1024xf32, #tpu.memory_space<vmem>>, vector<16xf32>,
        %add3A_261 = arith.addf %add3A_257, %get3A_260 : vector<16xf32>
        %swap3A_262 = arith.index_cast %scan3A_82 : i32 to index
        %swap3A_263 = arith.constant 160 : index
        %swap3A_264 = tpu.vector_load %arg9[%swap3A_262, %swap3A_263] {strides = array<i32>} : memref<32x1024xf32, #tpu.memory_space<vmem>>, vector<16xf32>,
        tpu.vector_store %arg9[%swap3A_262, %swap3A_263], %add3A_261 {strides = array<i32>} : memref<32x1024xf32, #tpu.memory_space<vmem>>, vector<16xf32>,
        %get3A_265 = arith.index_cast %scan3A_82 : i32 to index
        %get3A_266 = arith.constant 176 : index
        %get3A_267 = tpu.vector_load %arg9[%get3A_265, %get3A_266] {strides = array<i32>} : memref<32x1024xf32, #tpu.memory_space<vmem>>, vector<16xf32>,
        %mul3A_268 = arith.mulf %gather3A, %get3A_267 : vector<16xf32>
        %get3A_269 = arith.index_cast %scan3A_82 : i32 to index
        %get3A_270 = arith.constant 176 : index
        %get3A_271 = tpu.vector_load %arg10[%get3A_269, %get3A_270] {strides = array<i32>} : memref<32x1024xf32, #tpu.memory_space<vmem>>, vector<16xf32>,
        %mul3A_272 = arith.mulf %gather3A_89, %get3A_271 : vector<16xf32>
        %add3A_273 = arith.addf %mul3A_268, %mul3A_272 : vector<16xf32>
        %get3A_274 = arith.index_cast %scan3A_82 : i32 to index
        %get3A_275 = arith.constant 176 : index
        %get3A_276 = tpu.vector_load %arg11[%get3A_274, %get3A_275] {strides = array<i32>} : memref<32x1024xf32, #tpu.memory_space<vmem>>, vector<16xf32>,
        %add3A_277 = arith.addf %add3A_273, %get3A_276 : vector<16xf32>
        %swap3A_278 = arith.index_cast %scan3A_82 : i32 to index
        %swap3A_279 = arith.constant 176 : index
        %swap3A_280 = tpu.vector_load %arg9[%swap3A_278, %swap3A_279] {strides = array<i32>} : memref<32x1024xf32, #tpu.memory_space<vmem>>, vector<16xf32>,
        tpu.vector_store %arg9[%swap3A_278, %swap3A_279], %add3A_277 {strides = array<i32>} : memref<32x1024xf32, #tpu.memory_space<vmem>>, vector<16xf32>,
        %get3A_281 = arith.index_cast %scan3A_82 : i32 to index
        %get3A_282 = arith.constant 192 : index
        %get3A_283 = tpu.vector_load %arg9[%get3A_281, %get3A_282] {strides = array<i32>} : memref<32x1024xf32, #tpu.memory_space<vmem>>, vector<16xf32>,
        %mul3A_284 = arith.mulf %gather3A, %get3A_283 : vector<16xf32>
        %get3A_285 = arith.index_cast %scan3A_82 : i32 to index
        %get3A_286 = arith.constant 192 : index
        %get3A_287 = tpu.vector_load %arg10[%get3A_285, %get3A_286] {strides = array<i32>} : memref<32x1024xf32, #tpu.memory_space<vmem>>, vector<16xf32>,
        %mul3A_288 = arith.mulf %gather3A_89, %get3A_287 : vector<16xf32>
        %add3A_289 = arith.addf %mul3A_284, %mul3A_288 : vector<16xf32>
        %get3A_290 = arith.index_cast %scan3A_82 : i32 to index
        %get3A_291 = arith.constant 192 : index
        %get3A_292 = tpu.vector_load %arg11[%get3A_290, %get3A_291] {strides = array<i32>} : memref<32x1024xf32, #tpu.memory_space<vmem>>, vector<16xf32>,
        %add3A_293 = arith.addf %add3A_289, %get3A_292 : vector<16xf32>
        %swap3A_294 = arith.index_cast %scan3A_82 : i32 to index
        %swap3A_295 = arith.constant 192 : index
        %swap3A_296 = tpu.vector_load %arg9[%swap3A_294, %swap3A_295] {strides = array<i32>} : memref<32x1024xf32, #tpu.memory_space<vmem>>, vector<16xf32>,
        tpu.vector_store %arg9[%swap3A_294, %swap3A_295], %add3A_293 {strides = array<i32>} : memref<32x1024xf32, #tpu.memory_space<vmem>>, vector<16xf32>,
        %get3A_297 = arith.index_cast %scan3A_82 : i32 to index
        %get3A_298 = arith.constant 208 : index
        %get3A_299 = tpu.vector_load %arg9[%get3A_297, %get3A_298] {strides = array<i32>} : memref<32x1024xf32, #tpu.memory_space<vmem>>, vector<16xf32>,
        %mul3A_300 = arith.mulf %gather3A, %get3A_299 : vector<16xf32>
        %get3A_301 = arith.index_cast %scan3A_82 : i32 to index
        %get3A_302 = arith.constant 208 : index
        %get3A_303 = tpu.vector_load %arg10[%get3A_301, %get3A_302] {strides = array<i32>} : memref<32x1024xf32, #tpu.memory_space<vmem>>, vector<16xf32>,
        %mul3A_304 = arith.mulf %gather3A_89, %get3A_303 : vector<16xf32>
        %add3A_305 = arith.addf %mul3A_300, %mul3A_304 : vector<16xf32>
        %get3A_306 = arith.index_cast %scan3A_82 : i32 to index
        %get3A_307 = arith.constant 208 : index
        %get3A_308 = tpu.vector_load %arg11[%get3A_306, %get3A_307] {strides = array<i32>} : memref<32x1024xf32, #tpu.memory_space<vmem>>, vector<16xf32>,
        %add3A_309 = arith.addf %add3A_305, %get3A_308 : vector<16xf32>
        %swap3A_310 = arith.index_cast %scan3A_82 : i32 to index
        %swap3A_311 = arith.constant 208 : index
        %swap3A_312 = tpu.vector_load %arg9[%swap3A_310, %swap3A_311] {strides = array<i32>} : memref<32x1024xf32, #tpu.memory_space<vmem>>, vector<16xf32>,
        tpu.vector_store %arg9[%swap3A_310, %swap3A_311], %add3A_309 {strides = array<i32>} : memref<32x1024xf32, #tpu.memory_space<vmem>>, vector<16xf32>,
        %get3A_313 = arith.index_cast %scan3A_82 : i32 to index
        %get3A_314 = arith.constant 224 : index
        %get3A_315 = tpu.vector_load %arg9[%get3A_313, %get3A_314] {strides = array<i32>} : memref<32x1024xf32, #tpu.memory_space<vmem>>, vector<16xf32>,
        %mul3A_316 = arith.mulf %gather3A, %get3A_315 : vector<16xf32>
        %get3A_317 = arith.index_cast %scan3A_82 : i32 to index
        %get3A_318 = arith.constant 224 : index
        %get3A_319 = tpu.vector_load %arg10[%get3A_317, %get3A_318] {strides = array<i32>} : memref<32x1024xf32, #tpu.memory_space<vmem>>, vector<16xf32>,
        %mul3A_320 = arith.mulf %gather3A_89, %get3A_319 : vector<16xf32>
        %add3A_321 = arith.addf %mul3A_316, %mul3A_320 : vector<16xf32>
        %get3A_322 = arith.index_cast %scan3A_82 : i32 to index
        %get3A_323 = arith.constant 224 : index
        %get3A_324 = tpu.vector_load %arg11[%get3A_322, %get3A_323] {strides = array<i32>} : memref<32x1024xf32, #tpu.memory_space<vmem>>, vector<16xf32>,
        %add3A_325 = arith.addf %add3A_321, %get3A_324 : vector<16xf32>
        %swap3A_326 = arith.index_cast %scan3A_82 : i32 to index
        %swap3A_327 = arith.constant 224 : index
        %swap3A_328 = tpu.vector_load %arg9[%swap3A_326, %swap3A_327] {strides = array<i32>} : memref<32x1024xf32, #tpu.memory_space<vmem>>, vector<16xf32>,
        tpu.vector_store %arg9[%swap3A_326, %swap3A_327], %add3A_325 {strides = array<i32>} : memref<32x1024xf32, #tpu.memory_space<vmem>>, vector<16xf32>,
        %get3A_329 = arith.index_cast %scan3A_82 : i32 to index
        %get3A_330 = arith.constant 240 : index
        %get3A_331 = tpu.vector_load %arg9[%get3A_329, %get3A_330] {strides = array<i32>} : memref<32x1024xf32, #tpu.memory_space<vmem>>, vector<16xf32>,
        %mul3A_332 = arith.mulf %gather3A, %get3A_331 : vector<16xf32>
        %get3A_333 = arith.index_cast %scan3A_82 : i32 to index
        %get3A_334 = arith.constant 240 : index
        %get3A_335 = tpu.vector_load %arg10[%get3A_333, %get3A_334] {strides = array<i32>} : memref<32x1024xf32, #tpu.memory_space<vmem>>, vector<16xf32>,
        %mul3A_336 = arith.mulf %gather3A_89, %get3A_335 : vector<16xf32>
        %add3A_337 = arith.addf %mul3A_332, %mul3A_336 : vector<16xf32>
        %get3A_338 = arith.index_cast %scan3A_82 : i32 to index
        %get3A_339 = arith.constant 240 : index
        %get3A_340 = tpu.vector_load %arg11[%get3A_338, %get3A_339] {strides = array<i32>} : memref<32x1024xf32, #tpu.memory_space<vmem>>, vector<16xf32>,
        %add3A_341 = arith.addf %add3A_337, %get3A_340 : vector<16xf32>
        %swap3A_342 = arith.index_cast %scan3A_82 : i32 to index
        %swap3A_343 = arith.constant 240 : index
        %swap3A_344 = tpu.vector_load %arg9[%swap3A_342, %swap3A_343] {strides = array<i32>} : memref<32x1024xf32, #tpu.memory_space<vmem>>, vector<16xf32>,
        tpu.vector_store %arg9[%swap3A_342, %swap3A_343], %add3A_341 {strides = array<i32>} : memref<32x1024xf32, #tpu.memory_space<vmem>>, vector<16xf32>,
        %get3A_345 = arith.index_cast %scan3A_82 : i32 to index
        %get3A_346 = arith.constant 256 : index
        %get3A_347 = tpu.vector_load %arg9[%get3A_345, %get3A_346] {strides = array<i32>} : memref<32x1024xf32, #tpu.memory_space<vmem>>, vector<16xf32>,
        %mul3A_348 = arith.mulf %gather3A, %get3A_347 : vector<16xf32>
        %get3A_349 = arith.index_cast %scan3A_82 : i32 to index
        %get3A_350 = arith.constant 256 : index
        %get3A_351 = tpu.vector_load %arg10[%get3A_349, %get3A_350] {strides = array<i32>} : memref<32x1024xf32, #tpu.memory_space<vmem>>, vector<16xf32>,
        %mul3A_352 = arith.mulf %gather3A_89, %get3A_351 : vector<16xf32>
        %add3A_353 = arith.addf %mul3A_348, %mul3A_352 : vector<16xf32>
        %get3A_354 = arith.index_cast %scan3A_82 : i32 to index
        %get3A_355 = arith.constant 256 : index
        %get3A_356 = tpu.vector_load %arg11[%get3A_354, %get3A_355] {strides = array<i32>} : memref<32x1024xf32, #tpu.memory_space<vmem>>, vector<16xf32>,
        %add3A_357 = arith.addf %add3A_353, %get3A_356 : vector<16xf32>
        %swap3A_358 = arith.index_cast %scan3A_82 : i32 to index
        %swap3A_359 = arith.constant 256 : index
        %swap3A_360 = tpu.vector_load %arg9[%swap3A_358, %swap3A_359] {strides = array<i32>} : memref<32x1024xf32, #tpu.memory_space<vmem>>, vector<16xf32>,
        tpu.vector_store %arg9[%swap3A_358, %swap3A_359], %add3A_357 {strides = array<i32>} : memref<32x1024xf32, #tpu.memory_space<vmem>>, vector<16xf32>,
        %get3A_361 = arith.index_cast %scan3A_82 : i32 to index
        %get3A_362 = arith.constant 272 : index
        %get3A_363 = tpu.vector_load %arg9[%get3A_361, %get3A_362] {strides = array<i32>} : memref<32x1024xf32, #tpu.memory_space<vmem>>, vector<16xf32>,
        %mul3A_364 = arith.mulf %gather3A, %get3A_363 : vector<16xf32>
        %get3A_365 = arith.index_cast %scan3A_82 : i32 to index
        %get3A_366 = arith.constant 272 : index
        %get3A_367 = tpu.vector_load %arg10[%get3A_365, %get3A_366] {strides = array<i32>} : memref<32x1024xf32, #tpu.memory_space<vmem>>, vector<16xf32>,
        %mul3A_368 = arith.mulf %gather3A_89, %get3A_367 : vector<16xf32>
        %add3A_369 = arith.addf %mul3A_364, %mul3A_368 : vector<16xf32>
        %get3A_370 = arith.index_cast %scan3A_82 : i32 to index
        %get3A_371 = arith.constant 272 : index
        %get3A_372 = tpu.vector_load %arg11[%get3A_370, %get3A_371] {strides = array<i32>} : memref<32x1024xf32, #tpu.memory_space<vmem>>, vector<16xf32>,
        %add3A_373 = arith.addf %add3A_369, %get3A_372 : vector<16xf32>
        %swap3A_374 = arith.index_cast %scan3A_82 : i32 to index
        %swap3A_375 = arith.constant 272 : index
        %swap3A_376 = tpu.vector_load %arg9[%swap3A_374, %swap3A_375] {strides = array<i32>} : memref<32x1024xf32, #tpu.memory_space<vmem>>, vector<16xf32>,
        tpu.vector_store %arg9[%swap3A_374, %swap3A_375], %add3A_373 {strides = array<i32>} : memref<32x1024xf32, #tpu.memory_space<vmem>>, vector<16xf32>,
        %get3A_377 = arith.index_cast %scan3A_82 : i32 to index
        %get3A_378 = arith.constant 288 : index
        %get3A_379 = tpu.vector_load %arg9[%get3A_377, %get3A_378] {strides = array<i32>} : memref<32x1024xf32, #tpu.memory_space<vmem>>, vector<16xf32>,
        %mul3A_380 = arith.mulf %gather3A, %get3A_379 : vector<16xf32>
        %get3A_381 = arith.index_cast %scan3A_82 : i32 to index
        %get3A_382 = arith.constant 288 : index
        %get3A_383 = tpu.vector_load %arg10[%get3A_381, %get3A_382] {strides = array<i32>} : memref<32x1024xf32, #tpu.memory_space<vmem>>, vector<16xf32>,
        %mul3A_384 = arith.mulf %gather3A_89, %get3A_383 : vector<16xf32>
        %add3A_385 = arith.addf %mul3A_380, %mul3A_384 : vector<16xf32>
        %get3A_386 = arith.index_cast %scan3A_82 : i32 to index
        %get3A_387 = arith.constant 288 : index
        %get3A_388 = tpu.vector_load %arg11[%get3A_386, %get3A_387] {strides = array<i32>} : memref<32x1024xf32, #tpu.memory_space<vmem>>, vector<16xf32>,
        %add3A_389 = arith.addf %add3A_385, %get3A_388 : vector<16xf32>
        %swap3A_390 = arith.index_cast %scan3A_82 : i32 to index
        %swap3A_391 = arith.constant 288 : index
        %swap3A_392 = tpu.vector_load %arg9[%swap3A_390, %swap3A_391] {strides = array<i32>} : memref<32x1024xf32, #tpu.memory_space<vmem>>, vector<16xf32>,
        tpu.vector_store %arg9[%swap3A_390, %swap3A_391], %add3A_389 {strides = array<i32>} : memref<32x1024xf32, #tpu.memory_space<vmem>>, vector<16xf32>,
        %get3A_393 = arith.index_cast %scan3A_82 : i32 to index
        %get3A_394 = arith.constant 304 : index
        %get3A_395 = tpu.vector_load %arg9[%get3A_393, %get3A_394] {strides = array<i32>} : memref<32x1024xf32, #tpu.memory_space<vmem>>, vector<16xf32>,
        %mul3A_396 = arith.mulf %gather3A, %get3A_395 : vector<16xf32>
        %get3A_397 = arith.index_cast %scan3A_82 : i32 to index
        %get3A_398 = arith.constant 304 : index
        %get3A_399 = tpu.vector_load %arg10[%get3A_397, %get3A_398] {strides = array<i32>} : memref<32x1024xf32, #tpu.memory_space<vmem>>, vector<16xf32>,
        %mul3A_400 = arith.mulf %gather3A_89, %get3A_399 : vector<16xf32>
        %add3A_401 = arith.addf %mul3A_396, %mul3A_400 : vector<16xf32>
        %get3A_402 = arith.index_cast %scan3A_82 : i32 to index
        %get3A_403 = arith.constant 304 : index
        %get3A_404 = tpu.vector_load %arg11[%get3A_402, %get3A_403] {strides = array<i32>} : memref<32x1024xf32, #tpu.memory_space<vmem>>, vector<16xf32>,
        %add3A_405 = arith.addf %add3A_401, %get3A_404 : vector<16xf32>
        %swap3A_406 = arith.index_cast %scan3A_82 : i32 to index
        %swap3A_407 = arith.constant 304 : index
        %swap3A_408 = tpu.vector_load %arg9[%swap3A_406, %swap3A_407] {strides = array<i32>} : memref<32x1024xf32, #tpu.memory_space<vmem>>, vector<16xf32>,
        tpu.vector_store %arg9[%swap3A_406, %swap3A_407], %add3A_405 {strides = array<i32>} : memref<32x1024xf32, #tpu.memory_space<vmem>>, vector<16xf32>,
        %get3A_409 = arith.index_cast %scan3A_82 : i32 to index
        %get3A_410 = arith.constant 320 : index
        %get3A_411 = tpu.vector_load %arg9[%get3A_409, %get3A_410] {strides = array<i32>} : memref<32x1024xf32, #tpu.memory_space<vmem>>, vector<16xf32>,
        %mul3A_412 = arith.mulf %gather3A, %get3A_411 : vector<16xf32>
        %get3A_413 = arith.index_cast %scan3A_82 : i32 to index
        %get3A_414 = arith.constant 320 : index
        %get3A_415 = tpu.vector_load %arg10[%get3A_413, %get3A_414] {strides = array<i32>} : memref<32x1024xf32, #tpu.memory_space<vmem>>, vector<16xf32>,
        %mul3A_416 = arith.mulf %gather3A_89, %get3A_415 : vector<16xf32>
        %add3A_417 = arith.addf %mul3A_412, %mul3A_416 : vector<16xf32>
        %get3A_418 = arith.index_cast %scan3A_82 : i32 to index
        %get3A_419 = arith.constant 320 : index
        %get3A_420 = tpu.vector_load %arg11[%get3A_418, %get3A_419] {strides = array<i32>} : memref<32x1024xf32, #tpu.memory_space<vmem>>, vector<16xf32>,
        %add3A_421 = arith.addf %add3A_417, %get3A_420 : vector<16xf32>
        %swap3A_422 = arith.index_cast %scan3A_82 : i32 to index
        %swap3A_423 = arith.constant 320 : index
        %swap3A_424 = tpu.vector_load %arg9[%swap3A_422, %swap3A_423] {strides = array<i32>} : memref<32x1024xf32, #tpu.memory_space<vmem>>, vector<16xf32>,
        tpu.vector_store %arg9[%swap3A_422, %swap3A_423], %add3A_421 {strides = array<i32>} : memref<32x1024xf32, #tpu.memory_space<vmem>>, vector<16xf32>,
        %get3A_425 = arith.index_cast %scan3A_82 : i32 to index
        %get3A_426 = arith.constant 336 : index
        %get3A_427 = tpu.vector_load %arg9[%get3A_425, %get3A_426] {strides = array<i32>} : memref<32x1024xf32, #tpu.memory_space<vmem>>, vector<16xf32>,
        %mul3A_428 = arith.mulf %gather3A, %get3A_427 : vector<16xf32>
        %get3A_429 = arith.index_cast %scan3A_82 : i32 to index
        %get3A_430 = arith.constant 336 : index
        %get3A_431 = tpu.vector_load %arg10[%get3A_429, %get3A_430] {strides = array<i32>} : memref<32x1024xf32, #tpu.memory_space<vmem>>, vector<16xf32>,
        %mul3A_432 = arith.mulf %gather3A_89, %get3A_431 : vector<16xf32>
        %add3A_433 = arith.addf %mul3A_428, %mul3A_432 : vector<16xf32>
        %get3A_434 = arith.index_cast %scan3A_82 : i32 to index
        %get3A_435 = arith.constant 336 : index
        %get3A_436 = tpu.vector_load %arg11[%get3A_434, %get3A_435] {strides = array<i32>} : memref<32x1024xf32, #tpu.memory_space<vmem>>, vector<16xf32>,
        %add3A_437 = arith.addf %add3A_433, %get3A_436 : vector<16xf32>
        %swap3A_438 = arith.index_cast %scan3A_82 : i32 to index
        %swap3A_439 = arith.constant 336 : index
        %swap3A_440 = tpu.vector_load %arg9[%swap3A_438, %swap3A_439] {strides = array<i32>} : memref<32x1024xf32, #tpu.memory_space<vmem>>, vector<16xf32>,
        tpu.vector_store %arg9[%swap3A_438, %swap3A_439], %add3A_437 {strides = array<i32>} : memref<32x1024xf32, #tpu.memory_space<vmem>>, vector<16xf32>,
        %get3A_441 = arith.index_cast %scan3A_82 : i32 to index
        %get3A_442 = arith.constant 352 : index
        %get3A_443 = tpu.vector_load %arg9[%get3A_441, %get3A_442] {strides = array<i32>} : memref<32x1024xf32, #tpu.memory_space<vmem>>, vector<16xf32>,
        %mul3A_444 = arith.mulf %gather3A, %get3A_443 : vector<16xf32>
        %get3A_445 = arith.index_cast %scan3A_82 : i32 to index
        %get3A_446 = arith.constant 352 : index
        %get3A_447 = tpu.vector_load %arg10[%get3A_445, %get3A_446] {strides = array<i32>} : memref<32x1024xf32, #tpu.memory_space<vmem>>, vector<16xf32>,
        %mul3A_448 = arith.mulf %gather3A_89, %get3A_447 : vector<16xf32>
        %add3A_449 = arith.addf %mul3A_444, %mul3A_448 : vector<16xf32>
        %get3A_450 = arith.index_cast %scan3A_82 : i32 to index
        %get3A_451 = arith.constant 352 : index
        %get3A_452 = tpu.vector_load %arg11[%get3A_450, %get3A_451] {strides = array<i32>} : memref<32x1024xf32, #tpu.memory_space<vmem>>, vector<16xf32>,
        %add3A_453 = arith.addf %add3A_449, %get3A_452 : vector<16xf32>
        %swap3A_454 = arith.index_cast %scan3A_82 : i32 to index
        %swap3A_455 = arith.constant 352 : index
        %swap3A_456 = tpu.vector_load %arg9[%swap3A_454, %swap3A_455] {strides = array<i32>} : memref<32x1024xf32, #tpu.memory_space<vmem>>, vector<16xf32>,
        tpu.vector_store %arg9[%swap3A_454, %swap3A_455], %add3A_453 {strides = array<i32>} : memref<32x1024xf32, #tpu.memory_space<vmem>>, vector<16xf32>,
        %get3A_457 = arith.index_cast %scan3A_82 : i32 to index
        %get3A_458 = arith.constant 368 : index
        %get3A_459 = tpu.vector_load %arg9[%get3A_457, %get3A_458] {strides = array<i32>} : memref<32x1024xf32, #tpu.memory_space<vmem>>, vector<16xf32>,
        %mul3A_460 = arith.mulf %gather3A, %get3A_459 : vector<16xf32>
        %get3A_461 = arith.index_cast %scan3A_82 : i32 to index
        %get3A_462 = arith.constant 368 : index
        %get3A_463 = tpu.vector_load %arg10[%get3A_461, %get3A_462] {strides = array<i32>} : memref<32x1024xf32, #tpu.memory_space<vmem>>, vector<16xf32>,
        %mul3A_464 = arith.mulf %gather3A_89, %get3A_463 : vector<16xf32>
        %add3A_465 = arith.addf %mul3A_460, %mul3A_464 : vector<16xf32>
        %get3A_466 = arith.index_cast %scan3A_82 : i32 to index
        %get3A_467 = arith.constant 368 : index
        %get3A_468 = tpu.vector_load %arg11[%get3A_466, %get3A_467] {strides = array<i32>} : memref<32x1024xf32, #tpu.memory_space<vmem>>, vector<16xf32>,
        %add3A_469 = arith.addf %add3A_465, %get3A_468 : vector<16xf32>
        %swap3A_470 = arith.index_cast %scan3A_82 : i32 to index
        %swap3A_471 = arith.constant 368 : index
        %swap3A_472 = tpu.vector_load %arg9[%swap3A_470, %swap3A_471] {strides = array<i32>} : memref<32x1024xf32, #tpu.memory_space<vmem>>, vector<16xf32>,
        tpu.vector_store %arg9[%swap3A_470, %swap3A_471], %add3A_469 {strides = array<i32>} : memref<32x1024xf32, #tpu.memory_space<vmem>>, vector<16xf32>,
        %get3A_473 = arith.index_cast %scan3A_82 : i32 to index
        %get3A_474 = arith.constant 384 : index
        %get3A_475 = tpu.vector_load %arg9[%get3A_473, %get3A_474] {strides = array<i32>} : memref<32x1024xf32, #tpu.memory_space<vmem>>, vector<16xf32>,
        %mul3A_476 = arith.mulf %gather3A, %get3A_475 : vector<16xf32>
        %get3A_477 = arith.index_cast %scan3A_82 : i32 to index
        %get3A_478 = arith.constant 384 : index
        %get3A_479 = tpu.vector_load %arg10[%get3A_477, %get3A_478] {strides = array<i32>} : memref<32x1024xf32, #tpu.memory_space<vmem>>, vector<16xf32>,
        %mul3A_480 = arith.mulf %gather3A_89, %get3A_479 : vector<16xf32>
        %add3A_481 = arith.addf %mul3A_476, %mul3A_480 : vector<16xf32>
        %get3A_482 = arith.index_cast %scan3A_82 : i32 to index
        %get3A_483 = arith.constant 384 : index
        %get3A_484 = tpu.vector_load %arg11[%get3A_482, %get3A_483] {strides = array<i32>} : memref<32x1024xf32, #tpu.memory_space<vmem>>, vector<16xf32>,
        %add3A_485 = arith.addf %add3A_481, %get3A_484 : vector<16xf32>
        %swap3A_486 = arith.index_cast %scan3A_82 : i32 to index
        %swap3A_487 = arith.constant 384 : index
        %swap3A_488 = tpu.vector_load %arg9[%swap3A_486, %swap3A_487] {strides = array<i32>} : memref<32x1024xf32, #tpu.memory_space<vmem>>, vector<16xf32>,
        tpu.vector_store %arg9[%swap3A_486, %swap3A_487], %add3A_485 {strides = array<i32>} : memref<32x1024xf32, #tpu.memory_space<vmem>>, vector<16xf32>,
        %get3A_489 = arith.index_cast %scan3A_82 : i32 to index
        %get3A_490 = arith.constant 400 : index
        %get3A_491 = tpu.vector_load %arg9[%get3A_489, %get3A_490] {strides = array<i32>} : memref<32x1024xf32, #tpu.memory_space<vmem>>, vector<16xf32>,
        %mul3A_492 = arith.mulf %gather3A, %get3A_491 : vector<16xf32>
        %get3A_493 = arith.index_cast %scan3A_82 : i32 to index
        %get3A_494 = arith.constant 400 : index
        %get3A_495 = tpu.vector_load %arg10[%get3A_493, %get3A_494] {strides = array<i32>} : memref<32x1024xf32, #tpu.memory_space<vmem>>, vector<16xf32>,
        %mul3A_496 = arith.mulf %gather3A_89, %get3A_495 : vector<16xf32>
        %add3A_497 = arith.addf %mul3A_492, %mul3A_496 : vector<16xf32>
        %get3A_498 = arith.index_cast %scan3A_82 : i32 to index
        %get3A_499 = arith.constant 400 : index
        %get3A_500 = tpu.vector_load %arg11[%get3A_498, %get3A_499] {strides = array<i32>} : memref<32x1024xf32, #tpu.memory_space<vmem>>, vector<16xf32>,
        %add3A_501 = arith.addf %add3A_497, %get3A_500 : vector<16xf32>
        %swap3A_502 = arith.index_cast %scan3A_82 : i32 to index
        %swap3A_503 = arith.constant 400 : index
        %swap3A_504 = tpu.vector_load %arg9[%swap3A_502, %swap3A_503] {strides = array<i32>} : memref<32x1024xf32, #tpu.memory_space<vmem>>, vector<16xf32>,
        tpu.vector_store %arg9[%swap3A_502, %swap3A_503], %add3A_501 {strides = array<i32>} : memref<32x1024xf32, #tpu.memory_space<vmem>>, vector<16xf32>,
        %get3A_505 = arith.index_cast %scan3A_82 : i32 to index
        %get3A_506 = arith.constant 416 : index
        %get3A_507 = tpu.vector_load %arg9[%get3A_505, %get3A_506] {strides = array<i32>} : memref<32x1024xf32, #tpu.memory_space<vmem>>, vector<16xf32>,
        %mul3A_508 = arith.mulf %gather3A, %get3A_507 : vector<16xf32>
        %get3A_509 = arith.index_cast %scan3A_82 : i32 to index
        %get3A_510 = arith.constant 416 : index
        %get3A_511 = tpu.vector_load %arg10[%get3A_509, %get3A_510] {strides = array<i32>} : memref<32x1024xf32, #tpu.memory_space<vmem>>, vector<16xf32>,
        %mul3A_512 = arith.mulf %gather3A_89, %get3A_511 : vector<16xf32>
        %add3A_513 = arith.addf %mul3A_508, %mul3A_512 : vector<16xf32>
        %get3A_514 = arith.index_cast %scan3A_82 : i32 to index
        %get3A_515 = arith.constant 416 : index
        %get3A_516 = tpu.vector_load %arg11[%get3A_514, %get3A_515] {strides = array<i32>} : memref<32x1024xf32, #tpu.memory_space<vmem>>, vector<16xf32>,
        %add3A_517 = arith.addf %add3A_513, %get3A_516 : vector<16xf32>
        %swap3A_518 = arith.index_cast %scan3A_82 : i32 to index
        %swap3A_519 = arith.constant 416 : index
        %swap3A_520 = tpu.vector_load %arg9[%swap3A_518, %swap3A_519] {strides = array<i32>} : memref<32x1024xf32, #tpu.memory_space<vmem>>, vector<16xf32>,
        tpu.vector_store %arg9[%swap3A_518, %swap3A_519], %add3A_517 {strides = array<i32>} : memref<32x1024xf32, #tpu.memory_space<vmem>>, vector<16xf32>,
        %get3A_521 = arith.index_cast %scan3A_82 : i32 to index
        %get3A_522 = arith.constant 432 : index
        %get3A_523 = tpu.vector_load %arg9[%get3A_521, %get3A_522] {strides = array<i32>} : memref<32x1024xf32, #tpu.memory_space<vmem>>, vector<16xf32>,
        %mul3A_524 = arith.mulf %gather3A, %get3A_523 : vector<16xf32>
        %get3A_525 = arith.index_cast %scan3A_82 : i32 to index
        %get3A_526 = arith.constant 432 : index
        %get3A_527 = tpu.vector_load %arg10[%get3A_525, %get3A_526] {strides = array<i32>} : memref<32x1024xf32, #tpu.memory_space<vmem>>, vector<16xf32>,
        %mul3A_528 = arith.mulf %gather3A_89, %get3A_527 : vector<16xf32>
        %add3A_529 = arith.addf %mul3A_524, %mul3A_528 : vector<16xf32>
        %get3A_530 = arith.index_cast %scan3A_82 : i32 to index
        %get3A_531 = arith.constant 432 : index
        %get3A_532 = tpu.vector_load %arg11[%get3A_530, %get3A_531] {strides = array<i32>} : memref<32x1024xf32, #tpu.memory_space<vmem>>, vector<16xf32>,
        %add3A_533 = arith.addf %add3A_529, %get3A_532 : vector<16xf32>
        %swap3A_534 = arith.index_cast %scan3A_82 : i32 to index
        %swap3A_535 = arith.constant 432 : index
        %swap3A_536 = tpu.vector_load %arg9[%swap3A_534, %swap3A_535] {strides = array<i32>} : memref<32x1024xf32, #tpu.memory_space<vmem>>, vector<16xf32>,
        tpu.vector_store %arg9[%swap3A_534, %swap3A_535], %add3A_533 {strides = array<i32>} : memref<32x1024xf32, #tpu.memory_space<vmem>>, vector<16xf32>,
        %get3A_537 = arith.index_cast %scan3A_82 : i32 to index
        %get3A_538 = arith.constant 448 : index
        %get3A_539 = tpu.vector_load %arg9[%get3A_537, %get3A_538] {strides = array<i32>} : memref<32x1024xf32, #tpu.memory_space<vmem>>, vector<16xf32>,
        %mul3A_540 = arith.mulf %gather3A, %get3A_539 : vector<16xf32>
        %get3A_541 = arith.index_cast %scan3A_82 : i32 to index
        %get3A_542 = arith.constant 448 : index
        %get3A_543 = tpu.vector_load %arg10[%get3A_541, %get3A_542] {strides = array<i32>} : memref<32x1024xf32, #tpu.memory_space<vmem>>, vector<16xf32>,
        %mul3A_544 = arith.mulf %gather3A_89, %get3A_543 : vector<16xf32>
        %add3A_545 = arith.addf %mul3A_540, %mul3A_544 : vector<16xf32>
        %get3A_546 = arith.index_cast %scan3A_82 : i32 to index
        %get3A_547 = arith.constant 448 : index
        %get3A_548 = tpu.vector_load %arg11[%get3A_546, %get3A_547] {strides = array<i32>} : memref<32x1024xf32, #tpu.memory_space<vmem>>, vector<16xf32>,
        %add3A_549 = arith.addf %add3A_545, %get3A_548 : vector<16xf32>
        %swap3A_550 = arith.index_cast %scan3A_82 : i32 to index
        %swap3A_551 = arith.constant 448 : index
        %swap3A_552 = tpu.vector_load %arg9[%swap3A_550, %swap3A_551] {strides = array<i32>} : memref<32x1024xf32, #tpu.memory_space<vmem>>, vector<16xf32>,
        tpu.vector_store %arg9[%swap3A_550, %swap3A_551], %add3A_549 {strides = array<i32>} : memref<32x1024xf32, #tpu.memory_space<vmem>>, vector<16xf32>,
        %get3A_553 = arith.index_cast %scan3A_82 : i32 to index
        %get3A_554 = arith.constant 464 : index
        %get3A_555 = tpu.vector_load %arg9[%get3A_553, %get3A_554] {strides = array<i32>} : memref<32x1024xf32, #tpu.memory_space<vmem>>, vector<16xf32>,
        %mul3A_556 = arith.mulf %gather3A, %get3A_555 : vector<16xf32>
        %get3A_557 = arith.index_cast %scan3A_82 : i32 to index
        %get3A_558 = arith.constant 464 : index
        %get3A_559 = tpu.vector_load %arg10[%get3A_557, %get3A_558] {strides = array<i32>} : memref<32x1024xf32, #tpu.memory_space<vmem>>, vector<16xf32>,
        %mul3A_560 = arith.mulf %gather3A_89, %get3A_559 : vector<16xf32>
        %add3A_561 = arith.addf %mul3A_556, %mul3A_560 : vector<16xf32>
        %get3A_562 = arith.index_cast %scan3A_82 : i32 to index
        %get3A_563 = arith.constant 464 : index
        %get3A_564 = tpu.vector_load %arg11[%get3A_562, %get3A_563] {strides = array<i32>} : memref<32x1024xf32, #tpu.memory_space<vmem>>, vector<16xf32>,
        %add3A_565 = arith.addf %add3A_561, %get3A_564 : vector<16xf32>
        %swap3A_566 = arith.index_cast %scan3A_82 : i32 to index
        %swap3A_567 = arith.constant 464 : index
        %swap3A_568 = tpu.vector_load %arg9[%swap3A_566, %swap3A_567] {strides = array<i32>} : memref<32x1024xf32, #tpu.memory_space<vmem>>, vector<16xf32>,
        tpu.vector_store %arg9[%swap3A_566, %swap3A_567], %add3A_565 {strides = array<i32>} : memref<32x1024xf32, #tpu.memory_space<vmem>>, vector<16xf32>,
        %get3A_569 = arith.index_cast %scan3A_82 : i32 to index
        %get3A_570 = arith.constant 480 : index
        %get3A_571 = tpu.vector_load %arg9[%get3A_569, %get3A_570] {strides = array<i32>} : memref<32x1024xf32, #tpu.memory_space<vmem>>, vector<16xf32>,
        %mul3A_572 = arith.mulf %gather3A, %get3A_571 : vector<16xf32>
        %get3A_573 = arith.index_cast %scan3A_82 : i32 to index
        %get3A_574 = arith.constant 480 : index
        %get3A_575 = tpu.vector_load %arg10[%get3A_573, %get3A_574] {strides = array<i32>} : memref<32x1024xf32, #tpu.memory_space<vmem>>, vector<16xf32>,
        %mul3A_576 = arith.mulf %gather3A_89, %get3A_575 : vector<16xf32>
        %add3A_577 = arith.addf %mul3A_572, %mul3A_576 : vector<16xf32>
        %get3A_578 = arith.index_cast %scan3A_82 : i32 to index
        %get3A_579 = arith.constant 480 : index
        %get3A_580 = tpu.vector_load %arg11[%get3A_578, %get3A_579] {strides = array<i32>} : memref<32x1024xf32, #tpu.memory_space<vmem>>, vector<16xf32>,
        %add3A_581 = arith.addf %add3A_577, %get3A_580 : vector<16xf32>
        %swap3A_582 = arith.index_cast %scan3A_82 : i32 to index
        %swap3A_583 = arith.constant 480 : index
        %swap3A_584 = tpu.vector_load %arg9[%swap3A_582, %swap3A_583] {strides = array<i32>} : memref<32x1024xf32, #tpu.memory_space<vmem>>, vector<16xf32>,
        tpu.vector_store %arg9[%swap3A_582, %swap3A_583], %add3A_581 {strides = array<i32>} : memref<32x1024xf32, #tpu.memory_space<vmem>>, vector<16xf32>,
        %get3A_585 = arith.index_cast %scan3A_82 : i32 to index
        %get3A_586 = arith.constant 496 : index
        %get3A_587 = tpu.vector_load %arg9[%get3A_585, %get3A_586] {strides = array<i32>} : memref<32x1024xf32, #tpu.memory_space<vmem>>, vector<16xf32>,
        %mul3A_588 = arith.mulf %gather3A, %get3A_587 : vector<16xf32>
        %get3A_589 = arith.index_cast %scan3A_82 : i32 to index
        %get3A_590 = arith.constant 496 : index
        %get3A_591 = tpu.vector_load %arg10[%get3A_589, %get3A_590] {strides = array<i32>} : memref<32x1024xf32, #tpu.memory_space<vmem>>, vector<16xf32>,
        %mul3A_592 = arith.mulf %gather3A_89, %get3A_591 : vector<16xf32>
        %add3A_593 = arith.addf %mul3A_588, %mul3A_592 : vector<16xf32>
        %get3A_594 = arith.index_cast %scan3A_82 : i32 to index
        %get3A_595 = arith.constant 496 : index
        %get3A_596 = tpu.vector_load %arg11[%get3A_594, %get3A_595] {strides = array<i32>} : memref<32x1024xf32, #tpu.memory_space<vmem>>, vector<16xf32>,
        %add3A_597 = arith.addf %add3A_593, %get3A_596 : vector<16xf32>
        %swap3A_598 = arith.index_cast %scan3A_82 : i32 to index
        %swap3A_599 = arith.constant 496 : index
        %swap3A_600 = tpu.vector_load %arg9[%swap3A_598, %swap3A_599] {strides = array<i32>} : memref<32x1024xf32, #tpu.memory_space<vmem>>, vector<16xf32>,
        tpu.vector_store %arg9[%swap3A_598, %swap3A_599], %add3A_597 {strides = array<i32>} : memref<32x1024xf32, #tpu.memory_space<vmem>>, vector<16xf32>,
        %get3A_601 = arith.index_cast %scan3A_82 : i32 to index
        %get3A_602 = arith.constant 512 : index
        %get3A_603 = tpu.vector_load %arg9[%get3A_601, %get3A_602] {strides = array<i32>} : memref<32x1024xf32, #tpu.memory_space<vmem>>, vector<16xf32>,
        %mul3A_604 = arith.mulf %gather3A, %get3A_603 : vector<16xf32>
        %get3A_605 = arith.index_cast %scan3A_82 : i32 to index
        %get3A_606 = arith.constant 512 : index
        %get3A_607 = tpu.vector_load %arg10[%get3A_605, %get3A_606] {strides = array<i32>} : memref<32x1024xf32, #tpu.memory_space<vmem>>, vector<16xf32>,
        %mul3A_608 = arith.mulf %gather3A_89, %get3A_607 : vector<16xf32>
        %add3A_609 = arith.addf %mul3A_604, %mul3A_608 : vector<16xf32>
        %get3A_610 = arith.index_cast %scan3A_82 : i32 to index
        %get3A_611 = arith.constant 512 : index
        %get3A_612 = tpu.vector_load %arg11[%get3A_610, %get3A_611] {strides = array<i32>} : memref<32x1024xf32, #tpu.memory_space<vmem>>, vector<16xf32>,
        %add3A_613 = arith.addf %add3A_609, %get3A_612 : vector<16xf32>
        %swap3A_614 = arith.index_cast %scan3A_82 : i32 to index
        %swap3A_615 = arith.constant 512 : index
        %swap3A_616 = tpu.vector_load %arg9[%swap3A_614, %swap3A_615] {strides = array<i32>} : memref<32x1024xf32, #tpu.memory_space<vmem>>, vector<16xf32>,
        tpu.vector_store %arg9[%swap3A_614, %swap3A_615], %add3A_613 {strides = array<i32>} : memref<32x1024xf32, #tpu.memory_space<vmem>>, vector<16xf32>,
        %get3A_617 = arith.index_cast %scan3A_82 : i32 to index
        %get3A_618 = arith.constant 528 : index
        %get3A_619 = tpu.vector_load %arg9[%get3A_617, %get3A_618] {strides = array<i32>} : memref<32x1024xf32, #tpu.memory_space<vmem>>, vector<16xf32>,
        %mul3A_620 = arith.mulf %gather3A, %get3A_619 : vector<16xf32>
        %get3A_621 = arith.index_cast %scan3A_82 : i32 to index
        %get3A_622 = arith.constant 528 : index
        %get3A_623 = tpu.vector_load %arg10[%get3A_621, %get3A_622] {strides = array<i32>} : memref<32x1024xf32, #tpu.memory_space<vmem>>, vector<16xf32>,
        %mul3A_624 = arith.mulf %gather3A_89, %get3A_623 : vector<16xf32>
        %add3A_625 = arith.addf %mul3A_620, %mul3A_624 : vector<16xf32>
        %get3A_626 = arith.index_cast %scan3A_82 : i32 to index
        %get3A_627 = arith.constant 528 : index
        %get3A_628 = tpu.vector_load %arg11[%get3A_626, %get3A_627] {strides = array<i32>} : memref<32x1024xf32, #tpu.memory_space<vmem>>, vector<16xf32>,
        %add3A_629 = arith.addf %add3A_625, %get3A_628 : vector<16xf32>
        %swap3A_630 = arith.index_cast %scan3A_82 : i32 to index
        %swap3A_631 = arith.constant 528 : index
        %swap3A_632 = tpu.vector_load %arg9[%swap3A_630, %swap3A_631] {strides = array<i32>} : memref<32x1024xf32, #tpu.memory_space<vmem>>, vector<16xf32>,
        tpu.vector_store %arg9[%swap3A_630, %swap3A_631], %add3A_629 {strides = array<i32>} : memref<32x1024xf32, #tpu.memory_space<vmem>>, vector<16xf32>,
        %get3A_633 = arith.index_cast %scan3A_82 : i32 to index
        %get3A_634 = arith.constant 544 : index
        %get3A_635 = tpu.vector_load %arg9[%get3A_633, %get3A_634] {strides = array<i32>} : memref<32x1024xf32, #tpu.memory_space<vmem>>, vector<16xf32>,
        %mul3A_636 = arith.mulf %gather3A, %get3A_635 : vector<16xf32>
        %get3A_637 = arith.index_cast %scan3A_82 : i32 to index
        %get3A_638 = arith.constant 544 : index
        %get3A_639 = tpu.vector_load %arg10[%get3A_637, %get3A_638] {strides = array<i32>} : memref<32x1024xf32, #tpu.memory_space<vmem>>, vector<16xf32>,
        %mul3A_640 = arith.mulf %gather3A_89, %get3A_639 : vector<16xf32>
        %add3A_641 = arith.addf %mul3A_636, %mul3A_640 : vector<16xf32>
        %get3A_642 = arith.index_cast %scan3A_82 : i32 to index
        %get3A_643 = arith.constant 544 : index
        %get3A_644 = tpu.vector_load %arg11[%get3A_642, %get3A_643] {strides = array<i32>} : memref<32x1024xf32, #tpu.memory_space<vmem>>, vector<16xf32>,
        %add3A_645 = arith.addf %add3A_641, %get3A_644 : vector<16xf32>
        %swap3A_646 = arith.index_cast %scan3A_82 : i32 to index
        %swap3A_647 = arith.constant 544 : index
        %swap3A_648 = tpu.vector_load %arg9[%swap3A_646, %swap3A_647] {strides = array<i32>} : memref<32x1024xf32, #tpu.memory_space<vmem>>, vector<16xf32>,
        tpu.vector_store %arg9[%swap3A_646, %swap3A_647], %add3A_645 {strides = array<i32>} : memref<32x1024xf32, #tpu.memory_space<vmem>>, vector<16xf32>,
        %get3A_649 = arith.index_cast %scan3A_82 : i32 to index
        %get3A_650 = arith.constant 560 : index
        %get3A_651 = tpu.vector_load %arg9[%get3A_649, %get3A_650] {strides = array<i32>} : memref<32x1024xf32, #tpu.memory_space<vmem>>, vector<16xf32>,
        %mul3A_652 = arith.mulf %gather3A, %get3A_651 : vector<16xf32>
        %get3A_653 = arith.index_cast %scan3A_82 : i32 to index
        %get3A_654 = arith.constant 560 : index
        %get3A_655 = tpu.vector_load %arg10[%get3A_653, %get3A_654] {strides = array<i32>} : memref<32x1024xf32, #tpu.memory_space<vmem>>, vector<16xf32>,
        %mul3A_656 = arith.mulf %gather3A_89, %get3A_655 : vector<16xf32>
        %add3A_657 = arith.addf %mul3A_652, %mul3A_656 : vector<16xf32>
        %get3A_658 = arith.index_cast %scan3A_82 : i32 to index
        %get3A_659 = arith.constant 560 : index
        %get3A_660 = tpu.vector_load %arg11[%get3A_658, %get3A_659] {strides = array<i32>} : memref<32x1024xf32, #tpu.memory_space<vmem>>, vector<16xf32>,
        %add3A_661 = arith.addf %add3A_657, %get3A_660 : vector<16xf32>
        %swap3A_662 = arith.index_cast %scan3A_82 : i32 to index
        %swap3A_663 = arith.constant 560 : index
        %swap3A_664 = tpu.vector_load %arg9[%swap3A_662, %swap3A_663] {strides = array<i32>} : memref<32x1024xf32, #tpu.memory_space<vmem>>, vector<16xf32>,
        tpu.vector_store %arg9[%swap3A_662, %swap3A_663], %add3A_661 {strides = array<i32>} : memref<32x1024xf32, #tpu.memory_space<vmem>>, vector<16xf32>,
        %get3A_665 = arith.index_cast %scan3A_82 : i32 to index
        %get3A_666 = arith.constant 576 : index
        %get3A_667 = tpu.vector_load %arg9[%get3A_665, %get3A_666] {strides = array<i32>} : memref<32x1024xf32, #tpu.memory_space<vmem>>, vector<16xf32>,
        %mul3A_668 = arith.mulf %gather3A, %get3A_667 : vector<16xf32>
        %get3A_669 = arith.index_cast %scan3A_82 : i32 to index
        %get3A_670 = arith.constant 576 : index
        %get3A_671 = tpu.vector_load %arg10[%get3A_669, %get3A_670] {strides = array<i32>} : memref<32x1024xf32, #tpu.memory_space<vmem>>, vector<16xf32>,
        %mul3A_672 = arith.mulf %gather3A_89, %get3A_671 : vector<16xf32>
        %add3A_673 = arith.addf %mul3A_668, %mul3A_672 : vector<16xf32>
        %get3A_674 = arith.index_cast %scan3A_82 : i32 to index
        %get3A_675 = arith.constant 576 : index
        %get3A_676 = tpu.vector_load %arg11[%get3A_674, %get3A_675] {strides = array<i32>} : memref<32x1024xf32, #tpu.memory_space<vmem>>, vector<16xf32>,
        %add3A_677 = arith.addf %add3A_673, %get3A_676 : vector<16xf32>
        %swap3A_678 = arith.index_cast %scan3A_82 : i32 to index
        %swap3A_679 = arith.constant 576 : index
        %swap3A_680 = tpu.vector_load %arg9[%swap3A_678, %swap3A_679] {strides = array<i32>} : memref<32x1024xf32, #tpu.memory_space<vmem>>, vector<16xf32>,
        tpu.vector_store %arg9[%swap3A_678, %swap3A_679], %add3A_677 {strides = array<i32>} : memref<32x1024xf32, #tpu.memory_space<vmem>>, vector<16xf32>,
        %get3A_681 = arith.index_cast %scan3A_82 : i32 to index
        %get3A_682 = arith.constant 592 : index
        %get3A_683 = tpu.vector_load %arg9[%get3A_681, %get3A_682] {strides = array<i32>} : memref<32x1024xf32, #tpu.memory_space<vmem>>, vector<16xf32>,
        %mul3A_684 = arith.mulf %gather3A, %get3A_683 : vector<16xf32>
        %get3A_685 = arith.index_cast %scan3A_82 : i32 to index
        %get3A_686 = arith.constant 592 : index
        %get3A_687 = tpu.vector_load %arg10[%get3A_685, %get3A_686] {strides = array<i32>} : memref<32x1024xf32, #tpu.memory_space<vmem>>, vector<16xf32>,
        %mul3A_688 = arith.mulf %gather3A_89, %get3A_687 : vector<16xf32>
        %add3A_689 = arith.addf %mul3A_684, %mul3A_688 : vector<16xf32>
        %get3A_690 = arith.index_cast %scan3A_82 : i32 to index
        %get3A_691 = arith.constant 592 : index
        %get3A_692 = tpu.vector_load %arg11[%get3A_690, %get3A_691] {strides = array<i32>} : memref<32x1024xf32, #tpu.memory_space<vmem>>, vector<16xf32>,
        %add3A_693 = arith.addf %add3A_689, %get3A_692 : vector<16xf32>
        %swap3A_694 = arith.index_cast %scan3A_82 : i32 to index
        %swap3A_695 = arith.constant 592 : index
        %swap3A_696 = tpu.vector_load %arg9[%swap3A_694, %swap3A_695] {strides = array<i32>} : memref<32x1024xf32, #tpu.memory_space<vmem>>, vector<16xf32>,
        tpu.vector_store %arg9[%swap3A_694, %swap3A_695], %add3A_693 {strides = array<i32>} : memref<32x1024xf32, #tpu.memory_space<vmem>>, vector<16xf32>,
        %get3A_697 = arith.index_cast %scan3A_82 : i32 to index
        %get3A_698 = arith.constant 608 : index
        %get3A_699 = tpu.vector_load %arg9[%get3A_697, %get3A_698] {strides = array<i32>} : memref<32x1024xf32, #tpu.memory_space<vmem>>, vector<16xf32>,
        %mul3A_700 = arith.mulf %gather3A, %get3A_699 : vector<16xf32>
        %get3A_701 = arith.index_cast %scan3A_82 : i32 to index
        %get3A_702 = arith.constant 608 : index
        %get3A_703 = tpu.vector_load %arg10[%get3A_701, %get3A_702] {strides = array<i32>} : memref<32x1024xf32, #tpu.memory_space<vmem>>, vector<16xf32>,
        %mul3A_704 = arith.mulf %gather3A_89, %get3A_703 : vector<16xf32>
        %add3A_705 = arith.addf %mul3A_700, %mul3A_704 : vector<16xf32>
        %get3A_706 = arith.index_cast %scan3A_82 : i32 to index
        %get3A_707 = arith.constant 608 : index
        %get3A_708 = tpu.vector_load %arg11[%get3A_706, %get3A_707] {strides = array<i32>} : memref<32x1024xf32, #tpu.memory_space<vmem>>, vector<16xf32>,
        %add3A_709 = arith.addf %add3A_705, %get3A_708 : vector<16xf32>
        %swap3A_710 = arith.index_cast %scan3A_82 : i32 to index
        %swap3A_711 = arith.constant 608 : index
        %swap3A_712 = tpu.vector_load %arg9[%swap3A_710, %swap3A_711] {strides = array<i32>} : memref<32x1024xf32, #tpu.memory_space<vmem>>, vector<16xf32>,
        tpu.vector_store %arg9[%swap3A_710, %swap3A_711], %add3A_709 {strides = array<i32>} : memref<32x1024xf32, #tpu.memory_space<vmem>>, vector<16xf32>,
        %get3A_713 = arith.index_cast %scan3A_82 : i32 to index
        %get3A_714 = arith.constant 624 : index
        %get3A_715 = tpu.vector_load %arg9[%get3A_713, %get3A_714] {strides = array<i32>} : memref<32x1024xf32, #tpu.memory_space<vmem>>, vector<16xf32>,
        %mul3A_716 = arith.mulf %gather3A, %get3A_715 : vector<16xf32>
        %get3A_717 = arith.index_cast %scan3A_82 : i32 to index
        %get3A_718 = arith.constant 624 : index
        %get3A_719 = tpu.vector_load %arg10[%get3A_717, %get3A_718] {strides = array<i32>} : memref<32x1024xf32, #tpu.memory_space<vmem>>, vector<16xf32>,
        %mul3A_720 = arith.mulf %gather3A_89, %get3A_719 : vector<16xf32>
        %add3A_721 = arith.addf %mul3A_716, %mul3A_720 : vector<16xf32>
        %get3A_722 = arith.index_cast %scan3A_82 : i32 to index
        %get3A_723 = arith.constant 624 : index
        %get3A_724 = tpu.vector_load %arg11[%get3A_722, %get3A_723] {strides = array<i32>} : memref<32x1024xf32, #tpu.memory_space<vmem>>, vector<16xf32>,
        %add3A_725 = arith.addf %add3A_721, %get3A_724 : vector<16xf32>
        %swap3A_726 = arith.index_cast %scan3A_82 : i32 to index
        %swap3A_727 = arith.constant 624 : index
        %swap3A_728 = tpu.vector_load %arg9[%swap3A_726, %swap3A_727] {strides = array<i32>} : memref<32x1024xf32, #tpu.memory_space<vmem>>, vector<16xf32>,
        tpu.vector_store %arg9[%swap3A_726, %swap3A_727], %add3A_725 {strides = array<i32>} : memref<32x1024xf32, #tpu.memory_space<vmem>>, vector<16xf32>,
        %get3A_729 = arith.index_cast %scan3A_82 : i32 to index
        %get3A_730 = arith.constant 640 : index
        %get3A_731 = tpu.vector_load %arg9[%get3A_729, %get3A_730] {strides = array<i32>} : memref<32x1024xf32, #tpu.memory_space<vmem>>, vector<16xf32>,
        %mul3A_732 = arith.mulf %gather3A, %get3A_731 : vector<16xf32>
        %get3A_733 = arith.index_cast %scan3A_82 : i32 to index
        %get3A_734 = arith.constant 640 : index
        %get3A_735 = tpu.vector_load %arg10[%get3A_733, %get3A_734] {strides = array<i32>} : memref<32x1024xf32, #tpu.memory_space<vmem>>, vector<16xf32>,
        %mul3A_736 = arith.mulf %gather3A_89, %get3A_735 : vector<16xf32>
        %add3A_737 = arith.addf %mul3A_732, %mul3A_736 : vector<16xf32>
        %get3A_738 = arith.index_cast %scan3A_82 : i32 to index
        %get3A_739 = arith.constant 640 : index
        %get3A_740 = tpu.vector_load %arg11[%get3A_738, %get3A_739] {strides = array<i32>} : memref<32x1024xf32, #tpu.memory_space<vmem>>, vector<16xf32>,
        %add3A_741 = arith.addf %add3A_737, %get3A_740 : vector<16xf32>
        %swap3A_742 = arith.index_cast %scan3A_82 : i32 to index
        %swap3A_743 = arith.constant 640 : index
        %swap3A_744 = tpu.vector_load %arg9[%swap3A_742, %swap3A_743] {strides = array<i32>} : memref<32x1024xf32, #tpu.memory_space<vmem>>, vector<16xf32>,
        tpu.vector_store %arg9[%swap3A_742, %swap3A_743], %add3A_741 {strides = array<i32>} : memref<32x1024xf32, #tpu.memory_space<vmem>>, vector<16xf32>,
        %get3A_745 = arith.index_cast %scan3A_82 : i32 to index
        %get3A_746 = arith.constant 656 : index
        %get3A_747 = tpu.vector_load %arg9[%get3A_745, %get3A_746] {strides = array<i32>} : memref<32x1024xf32, #tpu.memory_space<vmem>>, vector<16xf32>,
        %mul3A_748 = arith.mulf %gather3A, %get3A_747 : vector<16xf32>
        %get3A_749 = arith.index_cast %scan3A_82 : i32 to index
        %get3A_750 = arith.constant 656 : index
        %get3A_751 = tpu.vector_load %arg10[%get3A_749, %get3A_750] {strides = array<i32>} : memref<32x1024xf32, #tpu.memory_space<vmem>>, vector<16xf32>,
        %mul3A_752 = arith.mulf %gather3A_89, %get3A_751 : vector<16xf32>
        %add3A_753 = arith.addf %mul3A_748, %mul3A_752 : vector<16xf32>
        %get3A_754 = arith.index_cast %scan3A_82 : i32 to index
        %get3A_755 = arith.constant 656 : index
        %get3A_756 = tpu.vector_load %arg11[%get3A_754, %get3A_755] {strides = array<i32>} : memref<32x1024xf32, #tpu.memory_space<vmem>>, vector<16xf32>,
        %add3A_757 = arith.addf %add3A_753, %get3A_756 : vector<16xf32>
        %swap3A_758 = arith.index_cast %scan3A_82 : i32 to index
        %swap3A_759 = arith.constant 656 : index
        %swap3A_760 = tpu.vector_load %arg9[%swap3A_758, %swap3A_759] {strides = array<i32>} : memref<32x1024xf32, #tpu.memory_space<vmem>>, vector<16xf32>,
        tpu.vector_store %arg9[%swap3A_758, %swap3A_759], %add3A_757 {strides = array<i32>} : memref<32x1024xf32, #tpu.memory_space<vmem>>, vector<16xf32>,
        %get3A_761 = arith.index_cast %scan3A_82 : i32 to index
        %get3A_762 = arith.constant 672 : index
        %get3A_763 = tpu.vector_load %arg9[%get3A_761, %get3A_762] {strides = array<i32>} : memref<32x1024xf32, #tpu.memory_space<vmem>>, vector<16xf32>,
        %mul3A_764 = arith.mulf %gather3A, %get3A_763 : vector<16xf32>
        %get3A_765 = arith.index_cast %scan3A_82 : i32 to index
        %get3A_766 = arith.constant 672 : index
        %get3A_767 = tpu.vector_load %arg10[%get3A_765, %get3A_766] {strides = array<i32>} : memref<32x1024xf32, #tpu.memory_space<vmem>>, vector<16xf32>,
        %mul3A_768 = arith.mulf %gather3A_89, %get3A_767 : vector<16xf32>
        %add3A_769 = arith.addf %mul3A_764, %mul3A_768 : vector<16xf32>
        %get3A_770 = arith.index_cast %scan3A_82 : i32 to index
        %get3A_771 = arith.constant 672 : index
        %get3A_772 = tpu.vector_load %arg11[%get3A_770, %get3A_771] {strides = array<i32>} : memref<32x1024xf32, #tpu.memory_space<vmem>>, vector<16xf32>,
        %add3A_773 = arith.addf %add3A_769, %get3A_772 : vector<16xf32>
        %swap3A_774 = arith.index_cast %scan3A_82 : i32 to index
        %swap3A_775 = arith.constant 672 : index
        %swap3A_776 = tpu.vector_load %arg9[%swap3A_774, %swap3A_775] {strides = array<i32>} : memref<32x1024xf32, #tpu.memory_space<vmem>>, vector<16xf32>,
        tpu.vector_store %arg9[%swap3A_774, %swap3A_775], %add3A_773 {strides = array<i32>} : memref<32x1024xf32, #tpu.memory_space<vmem>>, vector<16xf32>,
        %get3A_777 = arith.index_cast %scan3A_82 : i32 to index
        %get3A_778 = arith.constant 688 : index
        %get3A_779 = tpu.vector_load %arg9[%get3A_777, %get3A_778] {strides = array<i32>} : memref<32x1024xf32, #tpu.memory_space<vmem>>, vector<16xf32>,
        %mul3A_780 = arith.mulf %gather3A, %get3A_779 : vector<16xf32>
        %get3A_781 = arith.index_cast %scan3A_82 : i32 to index
        %get3A_782 = arith.constant 688 : index
        %get3A_783 = tpu.vector_load %arg10[%get3A_781, %get3A_782] {strides = array<i32>} : memref<32x1024xf32, #tpu.memory_space<vmem>>, vector<16xf32>,
        %mul3A_784 = arith.mulf %gather3A_89, %get3A_783 : vector<16xf32>
        %add3A_785 = arith.addf %mul3A_780, %mul3A_784 : vector<16xf32>
        %get3A_786 = arith.index_cast %scan3A_82 : i32 to index
        %get3A_787 = arith.constant 688 : index
        %get3A_788 = tpu.vector_load %arg11[%get3A_786, %get3A_787] {strides = array<i32>} : memref<32x1024xf32, #tpu.memory_space<vmem>>, vector<16xf32>,
        %add3A_789 = arith.addf %add3A_785, %get3A_788 : vector<16xf32>
        %swap3A_790 = arith.index_cast %scan3A_82 : i32 to index
        %swap3A_791 = arith.constant 688 : index
        %swap3A_792 = tpu.vector_load %arg9[%swap3A_790, %swap3A_791] {strides = array<i32>} : memref<32x1024xf32, #tpu.memory_space<vmem>>, vector<16xf32>,
        tpu.vector_store %arg9[%swap3A_790, %swap3A_791], %add3A_789 {strides = array<i32>} : memref<32x1024xf32, #tpu.memory_space<vmem>>, vector<16xf32>,
        %get3A_793 = arith.index_cast %scan3A_82 : i32 to index
        %get3A_794 = arith.constant 704 : index
        %get3A_795 = tpu.vector_load %arg9[%get3A_793, %get3A_794] {strides = array<i32>} : memref<32x1024xf32, #tpu.memory_space<vmem>>, vector<16xf32>,
        %mul3A_796 = arith.mulf %gather3A, %get3A_795 : vector<16xf32>
        %get3A_797 = arith.index_cast %scan3A_82 : i32 to index
        %get3A_798 = arith.constant 704 : index
        %get3A_799 = tpu.vector_load %arg10[%get3A_797, %get3A_798] {strides = array<i32>} : memref<32x1024xf32, #tpu.memory_space<vmem>>, vector<16xf32>,
        %mul3A_800 = arith.mulf %gather3A_89, %get3A_799 : vector<16xf32>
        %add3A_801 = arith.addf %mul3A_796, %mul3A_800 : vector<16xf32>
        %get3A_802 = arith.index_cast %scan3A_82 : i32 to index
        %get3A_803 = arith.constant 704 : index
        %get3A_804 = tpu.vector_load %arg11[%get3A_802, %get3A_803] {strides = array<i32>} : memref<32x1024xf32, #tpu.memory_space<vmem>>, vector<16xf32>,
        %add3A_805 = arith.addf %add3A_801, %get3A_804 : vector<16xf32>
        %swap3A_806 = arith.index_cast %scan3A_82 : i32 to index
        %swap3A_807 = arith.constant 704 : index
        %swap3A_808 = tpu.vector_load %arg9[%swap3A_806, %swap3A_807] {strides = array<i32>} : memref<32x1024xf32, #tpu.memory_space<vmem>>, vector<16xf32>,
        tpu.vector_store %arg9[%swap3A_806, %swap3A_807], %add3A_805 {strides = array<i32>} : memref<32x1024xf32, #tpu.memory_space<vmem>>, vector<16xf32>,
        %get3A_809 = arith.index_cast %scan3A_82 : i32 to index
        %get3A_810 = arith.constant 720 : index
        %get3A_811 = tpu.vector_load %arg9[%get3A_809, %get3A_810] {strides = array<i32>} : memref<32x1024xf32, #tpu.memory_space<vmem>>, vector<16xf32>,
        %mul3A_812 = arith.mulf %gather3A, %get3A_811 : vector<16xf32>
        %get3A_813 = arith.index_cast %scan3A_82 : i32 to index
        %get3A_814 = arith.constant 720 : index
        %get3A_815 = tpu.vector_load %arg10[%get3A_813, %get3A_814] {strides = array<i32>} : memref<32x1024xf32, #tpu.memory_space<vmem>>, vector<16xf32>,
        %mul3A_816 = arith.mulf %gather3A_89, %get3A_815 : vector<16xf32>
        %add3A_817 = arith.addf %mul3A_812, %mul3A_816 : vector<16xf32>
        %get3A_818 = arith.index_cast %scan3A_82 : i32 to index
        %get3A_819 = arith.constant 720 : index
        %get3A_820 = tpu.vector_load %arg11[%get3A_818, %get3A_819] {strides = array<i32>} : memref<32x1024xf32, #tpu.memory_space<vmem>>, vector<16xf32>,
        %add3A_821 = arith.addf %add3A_817, %get3A_820 : vector<16xf32>
        %swap3A_822 = arith.index_cast %scan3A_82 : i32 to index
        %swap3A_823 = arith.constant 720 : index
        %swap3A_824 = tpu.vector_load %arg9[%swap3A_822, %swap3A_823] {strides = array<i32>} : memref<32x1024xf32, #tpu.memory_space<vmem>>, vector<16xf32>,
        tpu.vector_store %arg9[%swap3A_822, %swap3A_823], %add3A_821 {strides = array<i32>} : memref<32x1024xf32, #tpu.memory_space<vmem>>, vector<16xf32>,
        %get3A_825 = arith.index_cast %scan3A_82 : i32 to index
        %get3A_826 = arith.constant 736 : index
        %get3A_827 = tpu.vector_load %arg9[%get3A_825, %get3A_826] {strides = array<i32>} : memref<32x1024xf32, #tpu.memory_space<vmem>>, vector<16xf32>,
        %mul3A_828 = arith.mulf %gather3A, %get3A_827 : vector<16xf32>
        %get3A_829 = arith.index_cast %scan3A_82 : i32 to index
        %get3A_830 = arith.constant 736 : index
        %get3A_831 = tpu.vector_load %arg10[%get3A_829, %get3A_830] {strides = array<i32>} : memref<32x1024xf32, #tpu.memory_space<vmem>>, vector<16xf32>,
        %mul3A_832 = arith.mulf %gather3A_89, %get3A_831 : vector<16xf32>
        %add3A_833 = arith.addf %mul3A_828, %mul3A_832 : vector<16xf32>
        %get3A_834 = arith.index_cast %scan3A_82 : i32 to index
        %get3A_835 = arith.constant 736 : index
        %get3A_836 = tpu.vector_load %arg11[%get3A_834, %get3A_835] {strides = array<i32>} : memref<32x1024xf32, #tpu.memory_space<vmem>>, vector<16xf32>,
        %add3A_837 = arith.addf %add3A_833, %get3A_836 : vector<16xf32>
        %swap3A_838 = arith.index_cast %scan3A_82 : i32 to index
        %swap3A_839 = arith.constant 736 : index
        %swap3A_840 = tpu.vector_load %arg9[%swap3A_838, %swap3A_839] {strides = array<i32>} : memref<32x1024xf32, #tpu.memory_space<vmem>>, vector<16xf32>,
        tpu.vector_store %arg9[%swap3A_838, %swap3A_839], %add3A_837 {strides = array<i32>} : memref<32x1024xf32, #tpu.memory_space<vmem>>, vector<16xf32>,
        %get3A_841 = arith.index_cast %scan3A_82 : i32 to index
        %get3A_842 = arith.constant 752 : index
        %get3A_843 = tpu.vector_load %arg9[%get3A_841, %get3A_842] {strides = array<i32>} : memref<32x1024xf32, #tpu.memory_space<vmem>>, vector<16xf32>,
        %mul3A_844 = arith.mulf %gather3A, %get3A_843 : vector<16xf32>
        %get3A_845 = arith.index_cast %scan3A_82 : i32 to index
        %get3A_846 = arith.constant 752 : index
        %get3A_847 = tpu.vector_load %arg10[%get3A_845, %get3A_846] {strides = array<i32>} : memref<32x1024xf32, #tpu.memory_space<vmem>>, vector<16xf32>,
        %mul3A_848 = arith.mulf %gather3A_89, %get3A_847 : vector<16xf32>
        %add3A_849 = arith.addf %mul3A_844, %mul3A_848 : vector<16xf32>
        %get3A_850 = arith.index_cast %scan3A_82 : i32 to index
        %get3A_851 = arith.constant 752 : index
        %get3A_852 = tpu.vector_load %arg11[%get3A_850, %get3A_851] {strides = array<i32>} : memref<32x1024xf32, #tpu.memory_space<vmem>>, vector<16xf32>,
        %add3A_853 = arith.addf %add3A_849, %get3A_852 : vector<16xf32>
        %swap3A_854 = arith.index_cast %scan3A_82 : i32 to index
        %swap3A_855 = arith.constant 752 : index
        %swap3A_856 = tpu.vector_load %arg9[%swap3A_854, %swap3A_855] {strides = array<i32>} : memref<32x1024xf32, #tpu.memory_space<vmem>>, vector<16xf32>,
        tpu.vector_store %arg9[%swap3A_854, %swap3A_855], %add3A_853 {strides = array<i32>} : memref<32x1024xf32, #tpu.memory_space<vmem>>, vector<16xf32>,
        %get3A_857 = arith.index_cast %scan3A_82 : i32 to index
        %get3A_858 = arith.constant 768 : index
        %get3A_859 = tpu.vector_load %arg9[%get3A_857, %get3A_858] {strides = array<i32>} : memref<32x1024xf32, #tpu.memory_space<vmem>>, vector<16xf32>,
        %mul3A_860 = arith.mulf %gather3A, %get3A_859 : vector<16xf32>
        %get3A_861 = arith.index_cast %scan3A_82 : i32 to index
        %get3A_862 = arith.constant 768 : index
        %get3A_863 = tpu.vector_load %arg10[%get3A_861, %get3A_862] {strides = array<i32>} : memref<32x1024xf32, #tpu.memory_space<vmem>>, vector<16xf32>,
        %mul3A_864 = arith.mulf %gather3A_89, %get3A_863 : vector<16xf32>
        %add3A_865 = arith.addf %mul3A_860, %mul3A_864 : vector<16xf32>
        %get3A_866 = arith.index_cast %scan3A_82 : i32 to index
        %get3A_867 = arith.constant 768 : index
        %get3A_868 = tpu.vector_load %arg11[%get3A_866, %get3A_867] {strides = array<i32>} : memref<32x1024xf32, #tpu.memory_space<vmem>>, vector<16xf32>,
        %add3A_869 = arith.addf %add3A_865, %get3A_868 : vector<16xf32>
        %swap3A_870 = arith.index_cast %scan3A_82 : i32 to index
        %swap3A_871 = arith.constant 768 : index
        %swap3A_872 = tpu.vector_load %arg9[%swap3A_870, %swap3A_871] {strides = array<i32>} : memref<32x1024xf32, #tpu.memory_space<vmem>>, vector<16xf32>,
        tpu.vector_store %arg9[%swap3A_870, %swap3A_871], %add3A_869 {strides = array<i32>} : memref<32x1024xf32, #tpu.memory_space<vmem>>, vector<16xf32>,
        %get3A_873 = arith.index_cast %scan3A_82 : i32 to index
        %get3A_874 = arith.constant 784 : index
        %get3A_875 = tpu.vector_load %arg9[%get3A_873, %get3A_874] {strides = array<i32>} : memref<32x1024xf32, #tpu.memory_space<vmem>>, vector<16xf32>,
        %mul3A_876 = arith.mulf %gather3A, %get3A_875 : vector<16xf32>
        %get3A_877 = arith.index_cast %scan3A_82 : i32 to index
        %get3A_878 = arith.constant 784 : index
        %get3A_879 = tpu.vector_load %arg10[%get3A_877, %get3A_878] {strides = array<i32>} : memref<32x1024xf32, #tpu.memory_space<vmem>>, vector<16xf32>,
        %mul3A_880 = arith.mulf %gather3A_89, %get3A_879 : vector<16xf32>
        %add3A_881 = arith.addf %mul3A_876, %mul3A_880 : vector<16xf32>
        %get3A_882 = arith.index_cast %scan3A_82 : i32 to index
        %get3A_883 = arith.constant 784 : index
        %get3A_884 = tpu.vector_load %arg11[%get3A_882, %get3A_883] {strides = array<i32>} : memref<32x1024xf32, #tpu.memory_space<vmem>>, vector<16xf32>,
        %add3A_885 = arith.addf %add3A_881, %get3A_884 : vector<16xf32>
        %swap3A_886 = arith.index_cast %scan3A_82 : i32 to index
        %swap3A_887 = arith.constant 784 : index
        %swap3A_888 = tpu.vector_load %arg9[%swap3A_886, %swap3A_887] {strides = array<i32>} : memref<32x1024xf32, #tpu.memory_space<vmem>>, vector<16xf32>,
        tpu.vector_store %arg9[%swap3A_886, %swap3A_887], %add3A_885 {strides = array<i32>} : memref<32x1024xf32, #tpu.memory_space<vmem>>, vector<16xf32>,
        %get3A_889 = arith.index_cast %scan3A_82 : i32 to index
        %get3A_890 = arith.constant 800 : index
        %get3A_891 = tpu.vector_load %arg9[%get3A_889, %get3A_890] {strides = array<i32>} : memref<32x1024xf32, #tpu.memory_space<vmem>>, vector<16xf32>,
        %mul3A_892 = arith.mulf %gather3A, %get3A_891 : vector<16xf32>
        %get3A_893 = arith.index_cast %scan3A_82 : i32 to index
        %get3A_894 = arith.constant 800 : index
        %get3A_895 = tpu.vector_load %arg10[%get3A_893, %get3A_894] {strides = array<i32>} : memref<32x1024xf32, #tpu.memory_space<vmem>>, vector<16xf32>,
        %mul3A_896 = arith.mulf %gather3A_89, %get3A_895 : vector<16xf32>
        %add3A_897 = arith.addf %mul3A_892, %mul3A_896 : vector<16xf32>
        %get3A_898 = arith.index_cast %scan3A_82 : i32 to index
        %get3A_899 = arith.constant 800 : index
        %get3A_900 = tpu.vector_load %arg11[%get3A_898, %get3A_899] {strides = array<i32>} : memref<32x1024xf32, #tpu.memory_space<vmem>>, vector<16xf32>,
        %add3A_901 = arith.addf %add3A_897, %get3A_900 : vector<16xf32>
        %swap3A_902 = arith.index_cast %scan3A_82 : i32 to index
        %swap3A_903 = arith.constant 800 : index
        %swap3A_904 = tpu.vector_load %arg9[%swap3A_902, %swap3A_903] {strides = array<i32>} : memref<32x1024xf32, #tpu.memory_space<vmem>>, vector<16xf32>,
        tpu.vector_store %arg9[%swap3A_902, %swap3A_903], %add3A_901 {strides = array<i32>} : memref<32x1024xf32, #tpu.memory_space<vmem>>, vector<16xf32>,
        %get3A_905 = arith.index_cast %scan3A_82 : i32 to index
        %get3A_906 = arith.constant 816 : index
        %get3A_907 = tpu.vector_load %arg9[%get3A_905, %get3A_906] {strides = array<i32>} : memref<32x1024xf32, #tpu.memory_space<vmem>>, vector<16xf32>,
        %mul3A_908 = arith.mulf %gather3A, %get3A_907 : vector<16xf32>
        %get3A_909 = arith.index_cast %scan3A_82 : i32 to index
        %get3A_910 = arith.constant 816 : index
        %get3A_911 = tpu.vector_load %arg10[%get3A_909, %get3A_910] {strides = array<i32>} : memref<32x1024xf32, #tpu.memory_space<vmem>>, vector<16xf32>,
        %mul3A_912 = arith.mulf %gather3A_89, %get3A_911 : vector<16xf32>
        %add3A_913 = arith.addf %mul3A_908, %mul3A_912 : vector<16xf32>
        %get3A_914 = arith.index_cast %scan3A_82 : i32 to index
        %get3A_915 = arith.constant 816 : index
        %get3A_916 = tpu.vector_load %arg11[%get3A_914, %get3A_915] {strides = array<i32>} : memref<32x1024xf32, #tpu.memory_space<vmem>>, vector<16xf32>,
        %add3A_917 = arith.addf %add3A_913, %get3A_916 : vector<16xf32>
        %swap3A_918 = arith.index_cast %scan3A_82 : i32 to index
        %swap3A_919 = arith.constant 816 : index
        %swap3A_920 = tpu.vector_load %arg9[%swap3A_918, %swap3A_919] {strides = array<i32>} : memref<32x1024xf32, #tpu.memory_space<vmem>>, vector<16xf32>,
        tpu.vector_store %arg9[%swap3A_918, %swap3A_919], %add3A_917 {strides = array<i32>} : memref<32x1024xf32, #tpu.memory_space<vmem>>, vector<16xf32>,
        %get3A_921 = arith.index_cast %scan3A_82 : i32 to index
        %get3A_922 = arith.constant 832 : index
        %get3A_923 = tpu.vector_load %arg9[%get3A_921, %get3A_922] {strides = array<i32>} : memref<32x1024xf32, #tpu.memory_space<vmem>>, vector<16xf32>,
        %mul3A_924 = arith.mulf %gather3A, %get3A_923 : vector<16xf32>
        %get3A_925 = arith.index_cast %scan3A_82 : i32 to index
        %get3A_926 = arith.constant 832 : index
        %get3A_927 = tpu.vector_load %arg10[%get3A_925, %get3A_926] {strides = array<i32>} : memref<32x1024xf32, #tpu.memory_space<vmem>>, vector<16xf32>,
        %mul3A_928 = arith.mulf %gather3A_89, %get3A_927 : vector<16xf32>
        %add3A_929 = arith.addf %mul3A_924, %mul3A_928 : vector<16xf32>
        %get3A_930 = arith.index_cast %scan3A_82 : i32 to index
        %get3A_931 = arith.constant 832 : index
        %get3A_932 = tpu.vector_load %arg11[%get3A_930, %get3A_931] {strides = array<i32>} : memref<32x1024xf32, #tpu.memory_space<vmem>>, vector<16xf32>,
        %add3A_933 = arith.addf %add3A_929, %get3A_932 : vector<16xf32>
        %swap3A_934 = arith.index_cast %scan3A_82 : i32 to index
        %swap3A_935 = arith.constant 832 : index
        %swap3A_936 = tpu.vector_load %arg9[%swap3A_934, %swap3A_935] {strides = array<i32>} : memref<32x1024xf32, #tpu.memory_space<vmem>>, vector<16xf32>,
        tpu.vector_store %arg9[%swap3A_934, %swap3A_935], %add3A_933 {strides = array<i32>} : memref<32x1024xf32, #tpu.memory_space<vmem>>, vector<16xf32>,
        %get3A_937 = arith.index_cast %scan3A_82 : i32 to index
        %get3A_938 = arith.constant 848 : index
        %get3A_939 = tpu.vector_load %arg9[%get3A_937, %get3A_938] {strides = array<i32>} : memref<32x1024xf32, #tpu.memory_space<vmem>>, vector<16xf32>,
        %mul3A_940 = arith.mulf %gather3A, %get3A_939 : vector<16xf32>
        %get3A_941 = arith.index_cast %scan3A_82 : i32 to index
        %get3A_942 = arith.constant 848 : index
        %get3A_943 = tpu.vector_load %arg10[%get3A_941, %get3A_942] {strides = array<i32>} : memref<32x1024xf32, #tpu.memory_space<vmem>>, vector<16xf32>,
        %mul3A_944 = arith.mulf %gather3A_89, %get3A_943 : vector<16xf32>
        %add3A_945 = arith.addf %mul3A_940, %mul3A_944 : vector<16xf32>
        %get3A_946 = arith.index_cast %scan3A_82 : i32 to index
        %get3A_947 = arith.constant 848 : index
        %get3A_948 = tpu.vector_load %arg11[%get3A_946, %get3A_947] {strides = array<i32>} : memref<32x1024xf32, #tpu.memory_space<vmem>>, vector<16xf32>,
        %add3A_949 = arith.addf %add3A_945, %get3A_948 : vector<16xf32>
        %swap3A_950 = arith.index_cast %scan3A_82 : i32 to index
        %swap3A_951 = arith.constant 848 : index
        %swap3A_952 = tpu.vector_load %arg9[%swap3A_950, %swap3A_951] {strides = array<i32>} : memref<32x1024xf32, #tpu.memory_space<vmem>>, vector<16xf32>,
        tpu.vector_store %arg9[%swap3A_950, %swap3A_951], %add3A_949 {strides = array<i32>} : memref<32x1024xf32, #tpu.memory_space<vmem>>, vector<16xf32>,
        %get3A_953 = arith.index_cast %scan3A_82 : i32 to index
        %get3A_954 = arith.constant 864 : index
        %get3A_955 = tpu.vector_load %arg9[%get3A_953, %get3A_954] {strides = array<i32>} : memref<32x1024xf32, #tpu.memory_space<vmem>>, vector<16xf32>,
        %mul3A_956 = arith.mulf %gather3A, %get3A_955 : vector<16xf32>
        %get3A_957 = arith.index_cast %scan3A_82 : i32 to index
        %get3A_958 = arith.constant 864 : index
        %get3A_959 = tpu.vector_load %arg10[%get3A_957, %get3A_958] {strides = array<i32>} : memref<32x1024xf32, #tpu.memory_space<vmem>>, vector<16xf32>,
        %mul3A_960 = arith.mulf %gather3A_89, %get3A_959 : vector<16xf32>
        %add3A_961 = arith.addf %mul3A_956, %mul3A_960 : vector<16xf32>
        %get3A_962 = arith.index_cast %scan3A_82 : i32 to index
        %get3A_963 = arith.constant 864 : index
        %get3A_964 = tpu.vector_load %arg11[%get3A_962, %get3A_963] {strides = array<i32>} : memref<32x1024xf32, #tpu.memory_space<vmem>>, vector<16xf32>,
        %add3A_965 = arith.addf %add3A_961, %get3A_964 : vector<16xf32>
        %swap3A_966 = arith.index_cast %scan3A_82 : i32 to index
        %swap3A_967 = arith.constant 864 : index
        %swap3A_968 = tpu.vector_load %arg9[%swap3A_966, %swap3A_967] {strides = array<i32>} : memref<32x1024xf32, #tpu.memory_space<vmem>>, vector<16xf32>,
        tpu.vector_store %arg9[%swap3A_966, %swap3A_967], %add3A_965 {strides = array<i32>} : memref<32x1024xf32, #tpu.memory_space<vmem>>, vector<16xf32>,
        %get3A_969 = arith.index_cast %scan3A_82 : i32 to index
        %get3A_970 = arith.constant 880 : index
        %get3A_971 = tpu.vector_load %arg9[%get3A_969, %get3A_970] {strides = array<i32>} : memref<32x1024xf32, #tpu.memory_space<vmem>>, vector<16xf32>,
        %mul3A_972 = arith.mulf %gather3A, %get3A_971 : vector<16xf32>
        %get3A_973 = arith.index_cast %scan3A_82 : i32 to index
        %get3A_974 = arith.constant 880 : index
        %get3A_975 = tpu.vector_load %arg10[%get3A_973, %get3A_974] {strides = array<i32>} : memref<32x1024xf32, #tpu.memory_space<vmem>>, vector<16xf32>,
        %mul3A_976 = arith.mulf %gather3A_89, %get3A_975 : vector<16xf32>
        %add3A_977 = arith.addf %mul3A_972, %mul3A_976 : vector<16xf32>
        %get3A_978 = arith.index_cast %scan3A_82 : i32 to index
        %get3A_979 = arith.constant 880 : index
        %get3A_980 = tpu.vector_load %arg11[%get3A_978, %get3A_979] {strides = array<i32>} : memref<32x1024xf32, #tpu.memory_space<vmem>>, vector<16xf32>,
        %add3A_981 = arith.addf %add3A_977, %get3A_980 : vector<16xf32>
        %swap3A_982 = arith.index_cast %scan3A_82 : i32 to index
        %swap3A_983 = arith.constant 880 : index
        %swap3A_984 = tpu.vector_load %arg9[%swap3A_982, %swap3A_983] {strides = array<i32>} : memref<32x1024xf32, #tpu.memory_space<vmem>>, vector<16xf32>,
        tpu.vector_store %arg9[%swap3A_982, %swap3A_983], %add3A_981 {strides = array<i32>} : memref<32x1024xf32, #tpu.memory_space<vmem>>, vector<16xf32>,
        %get3A_985 = arith.index_cast %scan3A_82 : i32 to index
        %get3A_986 = arith.constant 896 : index
        %get3A_987 = tpu.vector_load %arg9[%get3A_985, %get3A_986] {strides = array<i32>} : memref<32x1024xf32, #tpu.memory_space<vmem>>, vector<16xf32>,
        %mul3A_988 = arith.mulf %gather3A, %get3A_987 : vector<16xf32>
        %get3A_989 = arith.index_cast %scan3A_82 : i32 to index
        %get3A_990 = arith.constant 896 : index
        %get3A_991 = tpu.vector_load %arg10[%get3A_989, %get3A_990] {strides = array<i32>} : memref<32x1024xf32, #tpu.memory_space<vmem>>, vector<16xf32>,
        %mul3A_992 = arith.mulf %gather3A_89, %get3A_991 : vector<16xf32>
        %add3A_993 = arith.addf %mul3A_988, %mul3A_992 : vector<16xf32>
        %get3A_994 = arith.index_cast %scan3A_82 : i32 to index
        %get3A_995 = arith.constant 896 : index
        %get3A_996 = tpu.vector_load %arg11[%get3A_994, %get3A_995] {strides = array<i32>} : memref<32x1024xf32, #tpu.memory_space<vmem>>, vector<16xf32>,
        %add3A_997 = arith.addf %add3A_993, %get3A_996 : vector<16xf32>
        %swap3A_998 = arith.index_cast %scan3A_82 : i32 to index
        %swap3A_999 = arith.constant 896 : index
        %swap3A_1000 = tpu.vector_load %arg9[%swap3A_998, %swap3A_999] {strides = array<i32>} : memref<32x1024xf32, #tpu.memory_space<vmem>>, vector<16xf32>,
        tpu.vector_store %arg9[%swap3A_998, %swap3A_999], %add3A_997 {strides = array<i32>} : memref<32x1024xf32, #tpu.memory_space<vmem>>, vector<16xf32>,
        %get3A_1001 = arith.index_cast %scan3A_82 : i32 to index
        %get3A_1002 = arith.constant 912 : index
        %get3A_1003 = tpu.vector_load %arg9[%get3A_1001, %get3A_1002] {strides = array<i32>} : memref<32x1024xf32, #tpu.memory_space<vmem>>, vector<16xf32>,
        %mul3A_1004 = arith.mulf %gather3A, %get3A_1003 : vector<16xf32>
        %get3A_1005 = arith.index_cast %scan3A_82 : i32 to index
        %get3A_1006 = arith.constant 912 : index
        %get3A_1007 = tpu.vector_load %arg10[%get3A_1005, %get3A_1006] {strides = array<i32>} : memref<32x1024xf32, #tpu.memory_space<vmem>>, vector<16xf32>,
        %mul3A_1008 = arith.mulf %gather3A_89, %get3A_1007 : vector<16xf32>
        %add3A_1009 = arith.addf %mul3A_1004, %mul3A_1008 : vector<16xf32>
        %get3A_1010 = arith.index_cast %scan3A_82 : i32 to index
        %get3A_1011 = arith.constant 912 : index
        %get3A_1012 = tpu.vector_load %arg11[%get3A_1010, %get3A_1011] {strides = array<i32>} : memref<32x1024xf32, #tpu.memory_space<vmem>>, vector<16xf32>,
        %add3A_1013 = arith.addf %add3A_1009, %get3A_1012 : vector<16xf32>
        %swap3A_1014 = arith.index_cast %scan3A_82 : i32 to index
        %swap3A_1015 = arith.constant 912 : index
        %swap3A_1016 = tpu.vector_load %arg9[%swap3A_1014, %swap3A_1015] {strides = array<i32>} : memref<32x1024xf32, #tpu.memory_space<vmem>>, vector<16xf32>,
        tpu.vector_store %arg9[%swap3A_1014, %swap3A_1015], %add3A_1013 {strides = array<i32>} : memref<32x1024xf32, #tpu.memory_space<vmem>>, vector<16xf32>,
        %get3A_1017 = arith.index_cast %scan3A_82 : i32 to index
        %get3A_1018 = arith.constant 928 : index
        %get3A_1019 = tpu.vector_load %arg9[%get3A_1017, %get3A_1018] {strides = array<i32>} : memref<32x1024xf32, #tpu.memory_space<vmem>>, vector<16xf32>,
        %mul3A_1020 = arith.mulf %gather3A, %get3A_1019 : vector<16xf32>
        %get3A_1021 = arith.index_cast %scan3A_82 : i32 to index
        %get3A_1022 = arith.constant 928 : index
        %get3A_1023 = tpu.vector_load %arg10[%get3A_1021, %get3A_1022] {strides = array<i32>} : memref<32x1024xf32, #tpu.memory_space<vmem>>, vector<16xf32>,
        %mul3A_1024 = arith.mulf %gather3A_89, %get3A_1023 : vector<16xf32>
        %add3A_1025 = arith.addf %mul3A_1020, %mul3A_1024 : vector<16xf32>
        %get3A_1026 = arith.index_cast %scan3A_82 : i32 to index
        %get3A_1027 = arith.constant 928 : index
        %get3A_1028 = tpu.vector_load %arg11[%get3A_1026, %get3A_1027] {strides = array<i32>} : memref<32x1024xf32, #tpu.memory_space<vmem>>, vector<16xf32>,
        %add3A_1029 = arith.addf %add3A_1025, %get3A_1028 : vector<16xf32>
        %swap3A_1030 = arith.index_cast %scan3A_82 : i32 to index
        %swap3A_1031 = arith.constant 928 : index
        %swap3A_1032 = tpu.vector_load %arg9[%swap3A_1030, %swap3A_1031] {strides = array<i32>} : memref<32x1024xf32, #tpu.memory_space<vmem>>, vector<16xf32>,
        tpu.vector_store %arg9[%swap3A_1030, %swap3A_1031], %add3A_1029 {strides = array<i32>} : memref<32x1024xf32, #tpu.memory_space<vmem>>, vector<16xf32>,
        %get3A_1033 = arith.index_cast %scan3A_82 : i32 to index
        %get3A_1034 = arith.constant 944 : index
        %get3A_1035 = tpu.vector_load %arg9[%get3A_1033, %get3A_1034] {strides = array<i32>} : memref<32x1024xf32, #tpu.memory_space<vmem>>, vector<16xf32>,
        %mul3A_1036 = arith.mulf %gather3A, %get3A_1035 : vector<16xf32>
        %get3A_1037 = arith.index_cast %scan3A_82 : i32 to index
        %get3A_1038 = arith.constant 944 : index
        %get3A_1039 = tpu.vector_load %arg10[%get3A_1037, %get3A_1038] {strides = array<i32>} : memref<32x1024xf32, #tpu.memory_space<vmem>>, vector<16xf32>,
        %mul3A_1040 = arith.mulf %gather3A_89, %get3A_1039 : vector<16xf32>
        %add3A_1041 = arith.addf %mul3A_1036, %mul3A_1040 : vector<16xf32>
        %get3A_1042 = arith.index_cast %scan3A_82 : i32 to index
        %get3A_1043 = arith.constant 944 : index
        %get3A_1044 = tpu.vector_load %arg11[%get3A_1042, %get3A_1043] {strides = array<i32>} : memref<32x1024xf32, #tpu.memory_space<vmem>>, vector<16xf32>,
        %add3A_1045 = arith.addf %add3A_1041, %get3A_1044 : vector<16xf32>
        %swap3A_1046 = arith.index_cast %scan3A_82 : i32 to index
        %swap3A_1047 = arith.constant 944 : index
        %swap3A_1048 = tpu.vector_load %arg9[%swap3A_1046, %swap3A_1047] {strides = array<i32>} : memref<32x1024xf32, #tpu.memory_space<vmem>>, vector<16xf32>,
        tpu.vector_store %arg9[%swap3A_1046, %swap3A_1047], %add3A_1045 {strides = array<i32>} : memref<32x1024xf32, #tpu.memory_space<vmem>>, vector<16xf32>,
        %get3A_1049 = arith.index_cast %scan3A_82 : i32 to index
        %get3A_1050 = arith.constant 960 : index
        %get3A_1051 = tpu.vector_load %arg9[%get3A_1049, %get3A_1050] {strides = array<i32>} : memref<32x1024xf32, #tpu.memory_space<vmem>>, vector<16xf32>,
        %mul3A_1052 = arith.mulf %gather3A, %get3A_1051 : vector<16xf32>
        %get3A_1053 = arith.index_cast %scan3A_82 : i32 to index
        %get3A_1054 = arith.constant 960 : index
        %get3A_1055 = tpu.vector_load %arg10[%get3A_1053, %get3A_1054] {strides = array<i32>} : memref<32x1024xf32, #tpu.memory_space<vmem>>, vector<16xf32>,
        %mul3A_1056 = arith.mulf %gather3A_89, %get3A_1055 : vector<16xf32>
        %add3A_1057 = arith.addf %mul3A_1052, %mul3A_1056 : vector<16xf32>
        %get3A_1058 = arith.index_cast %scan3A_82 : i32 to index
        %get3A_1059 = arith.constant 960 : index
        %get3A_1060 = tpu.vector_load %arg11[%get3A_1058, %get3A_1059] {strides = array<i32>} : memref<32x1024xf32, #tpu.memory_space<vmem>>, vector<16xf32>,
        %add3A_1061 = arith.addf %add3A_1057, %get3A_1060 : vector<16xf32>
        %swap3A_1062 = arith.index_cast %scan3A_82 : i32 to index
        %swap3A_1063 = arith.constant 960 : index
        %swap3A_1064 = tpu.vector_load %arg9[%swap3A_1062, %swap3A_1063] {strides = array<i32>} : memref<32x1024xf32, #tpu.memory_space<vmem>>, vector<16xf32>,
        tpu.vector_store %arg9[%swap3A_1062, %swap3A_1063], %add3A_1061 {strides = array<i32>} : memref<32x1024xf32, #tpu.memory_space<vmem>>, vector<16xf32>,
        %get3A_1065 = arith.index_cast %scan3A_82 : i32 to index
        %get3A_1066 = arith.constant 976 : index
        %get3A_1067 = tpu.vector_load %arg9[%get3A_1065, %get3A_1066] {strides = array<i32>} : memref<32x1024xf32, #tpu.memory_space<vmem>>, vector<16xf32>,
        %mul3A_1068 = arith.mulf %gather3A, %get3A_1067 : vector<16xf32>
        %get3A_1069 = arith.index_cast %scan3A_82 : i32 to index
        %get3A_1070 = arith.constant 976 : index
        %get3A_1071 = tpu.vector_load %arg10[%get3A_1069, %get3A_1070] {strides = array<i32>} : memref<32x1024xf32, #tpu.memory_space<vmem>>, vector<16xf32>,
        %mul3A_1072 = arith.mulf %gather3A_89, %get3A_1071 : vector<16xf32>
        %add3A_1073 = arith.addf %mul3A_1068, %mul3A_1072 : vector<16xf32>
        %get3A_1074 = arith.index_cast %scan3A_82 : i32 to index
        %get3A_1075 = arith.constant 976 : index
        %get3A_1076 = tpu.vector_load %arg11[%get3A_1074, %get3A_1075] {strides = array<i32>} : memref<32x1024xf32, #tpu.memory_space<vmem>>, vector<16xf32>,
        %add3A_1077 = arith.addf %add3A_1073, %get3A_1076 : vector<16xf32>
        %swap3A_1078 = arith.index_cast %scan3A_82 : i32 to index
        %swap3A_1079 = arith.constant 976 : index
        %swap3A_1080 = tpu.vector_load %arg9[%swap3A_1078, %swap3A_1079] {strides = array<i32>} : memref<32x1024xf32, #tpu.memory_space<vmem>>, vector<16xf32>,
        tpu.vector_store %arg9[%swap3A_1078, %swap3A_1079], %add3A_1077 {strides = array<i32>} : memref<32x1024xf32, #tpu.memory_space<vmem>>, vector<16xf32>,
        %get3A_1081 = arith.index_cast %scan3A_82 : i32 to index
        %get3A_1082 = arith.constant 992 : index
        %get3A_1083 = tpu.vector_load %arg9[%get3A_1081, %get3A_1082] {strides = array<i32>} : memref<32x1024xf32, #tpu.memory_space<vmem>>, vector<16xf32>,
        %mul3A_1084 = arith.mulf %gather3A, %get3A_1083 : vector<16xf32>
        %get3A_1085 = arith.index_cast %scan3A_82 : i32 to index
        %get3A_1086 = arith.constant 992 : index
        %get3A_1087 = tpu.vector_load %arg10[%get3A_1085, %get3A_1086] {strides = array<i32>} : memref<32x1024xf32, #tpu.memory_space<vmem>>, vector<16xf32>,
        %mul3A_1088 = arith.mulf %gather3A_89, %get3A_1087 : vector<16xf32>
        %add3A_1089 = arith.addf %mul3A_1084, %mul3A_1088 : vector<16xf32>
        %get3A_1090 = arith.index_cast %scan3A_82 : i32 to index
        %get3A_1091 = arith.constant 992 : index
        %get3A_1092 = tpu.vector_load %arg11[%get3A_1090, %get3A_1091] {strides = array<i32>} : memref<32x1024xf32, #tpu.memory_space<vmem>>, vector<16xf32>,
        %add3A_1093 = arith.addf %add3A_1089, %get3A_1092 : vector<16xf32>
        %swap3A_1094 = arith.index_cast %scan3A_82 : i32 to index
        %swap3A_1095 = arith.constant 992 : index
        %swap3A_1096 = tpu.vector_load %arg9[%swap3A_1094, %swap3A_1095] {strides = array<i32>} : memref<32x1024xf32, #tpu.memory_space<vmem>>, vector<16xf32>,
        tpu.vector_store %arg9[%swap3A_1094, %swap3A_1095], %add3A_1093 {strides = array<i32>} : memref<32x1024xf32, #tpu.memory_space<vmem>>, vector<16xf32>,
        %get3A_1097 = arith.index_cast %scan3A_82 : i32 to index
        %get3A_1098 = arith.constant 1008 : index
        %get3A_1099 = tpu.vector_load %arg9[%get3A_1097, %get3A_1098] {strides = array<i32>} : memref<32x1024xf32, #tpu.memory_space<vmem>>, vector<16xf32>,
        %mul3A_1100 = arith.mulf %gather3A, %get3A_1099 : vector<16xf32>
        %get3A_1101 = arith.index_cast %scan3A_82 : i32 to index
        %get3A_1102 = arith.constant 1008 : index
        %get3A_1103 = tpu.vector_load %arg10[%get3A_1101, %get3A_1102] {strides = array<i32>} : memref<32x1024xf32, #tpu.memory_space<vmem>>, vector<16xf32>,
        %mul3A_1104 = arith.mulf %gather3A_89, %get3A_1103 : vector<16xf32>
        %add3A_1105 = arith.addf %mul3A_1100, %mul3A_1104 : vector<16xf32>
        %get3A_1106 = arith.index_cast %scan3A_82 : i32 to index
        %get3A_1107 = arith.constant 1008 : index
        %get3A_1108 = tpu.vector_load %arg11[%get3A_1106, %get3A_1107] {strides = array<i32>} : memref<32x1024xf32, #tpu.memory_space<vmem>>, vector<16xf32>,
        %add3A_1109 = arith.addf %add3A_1105, %get3A_1108 : vector<16xf32>
        %swap3A_1110 = arith.index_cast %scan3A_82 : i32 to index
        %swap3A_1111 = arith.constant 1008 : index
        %swap3A_1112 = tpu.vector_load %arg9[%swap3A_1110, %swap3A_1111] {strides = array<i32>} : memref<32x1024xf32, #tpu.memory_space<vmem>>, vector<16xf32>,
        tpu.vector_store %arg9[%swap3A_1110, %swap3A_1111], %add3A_1109 {strides = array<i32>} : memref<32x1024xf32, #tpu.memory_space<vmem>>, vector<16xf32>,
      }
      %scan3A_78 = arith.constant 32 : i32
      %mul3A_79 = arith.constant 32 : i32
      %mul3A_80 = arith.muli %scan3A_8, %mul3A_79 : i32
      %add3A_81 = arith.addi %mul3A_2, %mul3A_80 : i32
      "tpu.region"() ({
        %run_scoped3A = tpu.sem_alloc : memref<!tpu.dma_semaphore, #tpu.memory_space<semaphore_mem>>
        %dma_start3A_82 = arith.constant 0 : i32
        %dma_start3A_83 = tpu.memref_slice %arg8[%add3A_81, %dma_start3A_82] : memref<8192x1024xf32, #tpu.memory_space<hbm>> -> memref<32x1024xf32, #tpu.memory_space<hbm>>
        %dma_start3A_84 = arith.constant 0 : i32
        %dma_start3A_85 = tpu.memref_slice %arg8[%add3A_81, %dma_start3A_84] : memref<8192x1024xf32, #tpu.memory_space<hbm>> -> memref<32x1024xf32, #tpu.memory_space<hbm>>
        tpu.enqueue_dma source(%arg9 : memref<32x1024xf32, #tpu.memory_space<vmem>>) target(%dma_start3A_85 : memref<32x1024xf32, #tpu.memory_space<hbm>>) target_semaphore(%run_scoped3A : memref<!tpu.dma_semaphore, #tpu.memory_space<semaphore_mem>>)
        %dma_wait3A_86 = arith.constant 0 : i32
        %dma_wait3A_87 = tpu.memref_slice %arg8[%add3A_81, %dma_wait3A_86] : memref<8192x1024xf32, #tpu.memory_space<hbm>> -> memref<32x1024xf32, #tpu.memory_space<hbm>>
        %dma_wait3A_88 = arith.constant 0 : i32
        %dma_wait3A_89 = tpu.memref_slice %arg8[%add3A_81, %dma_wait3A_88] : memref<8192x1024xf32, #tpu.memory_space<hbm>> -> memref<32x1024xf32, #tpu.memory_space<hbm>>
        tpu.wait_dma2 semaphore(%run_scoped3A : memref<!tpu.dma_semaphore, #tpu.memory_space<semaphore_mem>>) src(%arg9 : memref<32x1024xf32, #tpu.memory_space<vmem>>) dst(%dma_wait3A_89 : memref<32x1024xf32, #tpu.memory_space<hbm>>)
        tpu.yield
      }) : () -> ()
    }
    %scan3A_7 = arith.constant 8 : i32
    return
  }
}

#map = affine_map<(d0, d1) -> (0, 0)>
#map1 = affine_map<(d0, d1) -> (0)>
module attributes {stable_mosaic.version = 14 : i64} {
  func.func @dispatch(%arg0: i32, %arg1: i32, %arg2: memref<8192x1024xf32, #tpu.memory_space<hbm>>, %arg3: memref<8192xi32, #tpu.memory_space<hbm>>, %arg4: memref<8192xi32, #tpu.memory_space<hbm>>, %arg5: memref<8192xi32, #tpu.memory_space<hbm>>, %arg6: memref<8192xi32, #tpu.memory_space<hbm>>, %arg7: memref<16xi32, #tpu.memory_space<hbm>>, %arg8: memref<20480x1024xf32, #tpu.memory_space<hbm>>, %arg9: memref<8192xi32, #tpu.memory_space<hbm>>, %arg10: memref<8192xi32, #tpu.memory_space<hbm>>, %arg11: memref<48xi32, #tpu.memory_space<hbm>>, %arg12: memref<64x1024xf32, #tpu.memory_space<vmem>>, %arg13: memref<16xi32, #tpu.memory_space<vmem>>, %arg14: memref<16xi32, #tpu.memory_space<vmem>>, %arg15: memref<16xi32, #tpu.memory_space<vmem>>, %arg16: memref<64xi32, #tpu.memory_space<vmem>>, %arg17: memref<64xi32, #tpu.memory_space<vmem>>, %arg18: memref<64xi32, #tpu.memory_space<vmem>>, %arg19: memref<64xi32, #tpu.memory_space<vmem>>, %arg20: memref<48xi32, #tpu.memory_space<vmem>>) attributes {dimension_semantics = [#tpu.dimension_semantics<core_parallel>, #tpu.dimension_semantics<subcore_parallel>], iteration_bounds = array<i64: 2, 16>, scalar_prefetch = 0 : i64, scratch_operands = 9 : i64, tpu.core_type = #tpu.core_type<sc_vector_subcore>, window_params = [{transform_indices = #map}, {transform_indices = #map1}, {transform_indices = #map1}, {transform_indices = #map1}, {transform_indices = #map1}, {transform_indices = #map1}, {transform_indices = #map}, {transform_indices = #map1}, {transform_indices = #map1}, {transform_indices = #map1}]} {
    %mul3A = arith.constant 2 : i32
    %mul3A_0 = arith.muli %arg1, %mul3A : i32
    %add3A = arith.addi %mul3A_0, %arg0 : i32
    %mul3A_1 = arith.constant 256 : i32
    %mul3A_2 = arith.muli %add3A, %mul3A_1 : i32
    "tpu.region"() ({
      %run_scoped3A = tpu.sem_alloc : memref<!tpu.dma_semaphore, #tpu.memory_space<semaphore_mem>>
      tpu.enqueue_dma source(%arg7 : memref<16xi32, #tpu.memory_space<hbm>>) target(%arg13 : memref<16xi32, #tpu.memory_space<vmem>>) target_semaphore(%run_scoped3A : memref<!tpu.dma_semaphore, #tpu.memory_space<semaphore_mem>>)
      tpu.wait_dma2 semaphore(%run_scoped3A : memref<!tpu.dma_semaphore, #tpu.memory_space<semaphore_mem>>) src(%arg7 : memref<16xi32, #tpu.memory_space<hbm>>) dst(%arg13 : memref<16xi32, #tpu.memory_space<vmem>>)
      tpu.yield
    }) : () -> ()
    %get3A = arith.constant 0 : index
    %get3A_3 = tpu.vector_load %arg13[%get3A] {strides = array<i32>} : memref<16xi32, #tpu.memory_space<vmem>>, vector<16xi32>,
    %add3A_4 = arith.constant 511 : i32
    %add3A_5 = vector.broadcast %add3A_4 : i32 to vector<16xi32>
    %add3A_6 = arith.addi %get3A_3, %add3A_5 : vector<16xi32>
    %shift_right_arithmetic3A = arith.constant 9 : i32
    %shift_right_arithmetic3A_7 = vector.broadcast %shift_right_arithmetic3A : i32 to vector<16xi32>
    %shift_right_arithmetic3A_8 = arith.shrsi %add3A_6, %shift_right_arithmetic3A_7 : vector<16xi32>
    %shift_left3A = arith.constant 9 : i32
    %shift_left3A_9 = vector.broadcast %shift_left3A : i32 to vector<16xi32>
    %shift_left3A_10 = arith.shli %shift_right_arithmetic3A_8, %shift_left3A_9 : vector<16xi32>
    %swap3A = arith.constant 0 : index
    %swap3A_11 = tpu.vector_load %arg13[%swap3A] {strides = array<i32>} : memref<16xi32, #tpu.memory_space<vmem>>, vector<16xi32>,
    tpu.vector_store %arg13[%swap3A], %shift_left3A_10 {strides = array<i32>} : memref<16xi32, #tpu.memory_space<vmem>>, vector<16xi32>,
    %iota3A = tpu.iota {dimensions = array<i32: 0>} : vector<16xi32>
    %broadcast_in_dim3A = arith.constant 0 : i32
    %broadcast_in_dim3A_12 = vector.broadcast %broadcast_in_dim3A : i32 to vector<16xi32>
    %broadcast_in_dim3A_13 = arith.constant 8 : i32
    %broadcast_in_dim3A_14 = vector.broadcast %broadcast_in_dim3A_13 : i32 to vector<16xi32>
    %gather3A = tpu.vector_load_idx %arg13[%broadcast_in_dim3A_14] : memref<16xi32, #tpu.memory_space<vmem>>[vector<16xi32>], vector<16xi32>,
    %ge3A = arith.constant 0 : i32
    %ge3A_15 = vector.broadcast %ge3A : i32 to vector<16xi32>
    %ge3A_16 = arith.cmpi sge, %iota3A, %ge3A_15 : vector<16xi32>
    %jit3A = arith.constant 0 : i32
    %broadcast_in_dim3A_17 = vector.broadcast %jit3A : i32 to vector<16xi32>
    %select_n3A = arith.select %ge3A_16, %gather3A, %broadcast_in_dim3A_17 : vector<16xi1>, vector<16xi32>
    %add3A_18 = arith.addi %broadcast_in_dim3A_12, %select_n3A : vector<16xi32>
    %broadcast_in_dim3A_19 = arith.constant 1 : i32
    %broadcast_in_dim3A_20 = vector.broadcast %broadcast_in_dim3A_19 : i32 to vector<16xi32>
    %gather3A_21 = tpu.vector_load_idx %arg13[%broadcast_in_dim3A_20] : memref<16xi32, #tpu.memory_space<vmem>>[vector<16xi32>], vector<16xi32>,
    %ge3A_22 = arith.constant 1 : i32
    %ge3A_23 = vector.broadcast %ge3A_22 : i32 to vector<16xi32>
    %ge3A_24 = arith.cmpi sge, %iota3A, %ge3A_23 : vector<16xi32>
    %jit3A_25 = arith.constant 0 : i32
    %broadcast_in_dim3A_26 = vector.broadcast %jit3A_25 : i32 to vector<16xi32>
    %select_n3A_27 = arith.select %ge3A_24, %gather3A_21, %broadcast_in_dim3A_26 : vector<16xi1>, vector<16xi32>
    %add3A_28 = arith.addi %add3A_18, %select_n3A_27 : vector<16xi32>
    %broadcast_in_dim3A_29 = arith.constant 2 : i32
    %broadcast_in_dim3A_30 = vector.broadcast %broadcast_in_dim3A_29 : i32 to vector<16xi32>
    %gather3A_31 = tpu.vector_load_idx %arg13[%broadcast_in_dim3A_30] : memref<16xi32, #tpu.memory_space<vmem>>[vector<16xi32>], vector<16xi32>,
    %ge3A_32 = arith.constant 2 : i32
    %ge3A_33 = vector.broadcast %ge3A_32 : i32 to vector<16xi32>
    %ge3A_34 = arith.cmpi sge, %iota3A, %ge3A_33 : vector<16xi32>
    %jit3A_35 = arith.constant 0 : i32
    %broadcast_in_dim3A_36 = vector.broadcast %jit3A_35 : i32 to vector<16xi32>
    %select_n3A_37 = arith.select %ge3A_34, %gather3A_31, %broadcast_in_dim3A_36 : vector<16xi1>, vector<16xi32>
    %add3A_38 = arith.addi %add3A_28, %select_n3A_37 : vector<16xi32>
    %broadcast_in_dim3A_39 = arith.constant 3 : i32
    %broadcast_in_dim3A_40 = vector.broadcast %broadcast_in_dim3A_39 : i32 to vector<16xi32>
    %gather3A_41 = tpu.vector_load_idx %arg13[%broadcast_in_dim3A_40] : memref<16xi32, #tpu.memory_space<vmem>>[vector<16xi32>], vector<16xi32>,
    %ge3A_42 = arith.constant 3 : i32
    %ge3A_43 = vector.broadcast %ge3A_42 : i32 to vector<16xi32>
    %ge3A_44 = arith.cmpi sge, %iota3A, %ge3A_43 : vector<16xi32>
    %jit3A_45 = arith.constant 0 : i32
    %broadcast_in_dim3A_46 = vector.broadcast %jit3A_45 : i32 to vector<16xi32>
    %select_n3A_47 = arith.select %ge3A_44, %gather3A_41, %broadcast_in_dim3A_46 : vector<16xi1>, vector<16xi32>
    %add3A_48 = arith.addi %add3A_38, %select_n3A_47 : vector<16xi32>
    %broadcast_in_dim3A_49 = arith.constant 4 : i32
    %broadcast_in_dim3A_50 = vector.broadcast %broadcast_in_dim3A_49 : i32 to vector<16xi32>
    %gather3A_51 = tpu.vector_load_idx %arg13[%broadcast_in_dim3A_50] : memref<16xi32, #tpu.memory_space<vmem>>[vector<16xi32>], vector<16xi32>,
    %ge3A_52 = arith.constant 4 : i32
    %ge3A_53 = vector.broadcast %ge3A_52 : i32 to vector<16xi32>
    %ge3A_54 = arith.cmpi sge, %iota3A, %ge3A_53 : vector<16xi32>
    %jit3A_55 = arith.constant 0 : i32
    %broadcast_in_dim3A_56 = vector.broadcast %jit3A_55 : i32 to vector<16xi32>
    %select_n3A_57 = arith.select %ge3A_54, %gather3A_51, %broadcast_in_dim3A_56 : vector<16xi1>, vector<16xi32>
    %add3A_58 = arith.addi %add3A_48, %select_n3A_57 : vector<16xi32>
    %broadcast_in_dim3A_59 = arith.constant 5 : i32
    %broadcast_in_dim3A_60 = vector.broadcast %broadcast_in_dim3A_59 : i32 to vector<16xi32>
    %gather3A_61 = tpu.vector_load_idx %arg13[%broadcast_in_dim3A_60] : memref<16xi32, #tpu.memory_space<vmem>>[vector<16xi32>], vector<16xi32>,
    %ge3A_62 = arith.constant 5 : i32
    %ge3A_63 = vector.broadcast %ge3A_62 : i32 to vector<16xi32>
    %ge3A_64 = arith.cmpi sge, %iota3A, %ge3A_63 : vector<16xi32>
    %jit3A_65 = arith.constant 0 : i32
    %broadcast_in_dim3A_66 = vector.broadcast %jit3A_65 : i32 to vector<16xi32>
    %select_n3A_67 = arith.select %ge3A_64, %gather3A_61, %broadcast_in_dim3A_66 : vector<16xi1>, vector<16xi32>
    %add3A_68 = arith.addi %add3A_58, %select_n3A_67 : vector<16xi32>
    %broadcast_in_dim3A_69 = arith.constant 6 : i32
    %broadcast_in_dim3A_70 = vector.broadcast %broadcast_in_dim3A_69 : i32 to vector<16xi32>
    %gather3A_71 = tpu.vector_load_idx %arg13[%broadcast_in_dim3A_70] : memref<16xi32, #tpu.memory_space<vmem>>[vector<16xi32>], vector<16xi32>,
    %ge3A_72 = arith.constant 6 : i32
    %ge3A_73 = vector.broadcast %ge3A_72 : i32 to vector<16xi32>
    %ge3A_74 = arith.cmpi sge, %iota3A, %ge3A_73 : vector<16xi32>
    %jit3A_75 = arith.constant 0 : i32
    %broadcast_in_dim3A_76 = vector.broadcast %jit3A_75 : i32 to vector<16xi32>
    %select_n3A_77 = arith.select %ge3A_74, %gather3A_71, %broadcast_in_dim3A_76 : vector<16xi1>, vector<16xi32>
    %add3A_78 = arith.addi %add3A_68, %select_n3A_77 : vector<16xi32>
    %broadcast_in_dim3A_79 = arith.constant 7 : i32
    %broadcast_in_dim3A_80 = vector.broadcast %broadcast_in_dim3A_79 : i32 to vector<16xi32>
    %gather3A_81 = tpu.vector_load_idx %arg13[%broadcast_in_dim3A_80] : memref<16xi32, #tpu.memory_space<vmem>>[vector<16xi32>], vector<16xi32>,
    %ge3A_82 = arith.constant 7 : i32
    %ge3A_83 = vector.broadcast %ge3A_82 : i32 to vector<16xi32>
    %ge3A_84 = arith.cmpi sge, %iota3A, %ge3A_83 : vector<16xi32>
    %jit3A_85 = arith.constant 0 : i32
    %broadcast_in_dim3A_86 = vector.broadcast %jit3A_85 : i32 to vector<16xi32>
    %select_n3A_87 = arith.select %ge3A_84, %gather3A_81, %broadcast_in_dim3A_86 : vector<16xi1>, vector<16xi32>
    %add3A_88 = arith.addi %add3A_78, %select_n3A_87 : vector<16xi32>
    %sub3A = arith.subi %add3A_88, %shift_left3A_10 : vector<16xi32>
    %swap3A_89 = arith.constant 0 : index
    %swap3A_90 = tpu.vector_load %arg14[%swap3A_89] {strides = array<i32>} : memref<16xi32, #tpu.memory_space<vmem>>, vector<16xi32>,
    tpu.vector_store %arg14[%swap3A_89], %sub3A {strides = array<i32>} : memref<16xi32, #tpu.memory_space<vmem>>, vector<16xi32>,
    %swap3A_91 = arith.constant 0 : index
    %swap3A_92 = tpu.vector_load %arg15[%swap3A_91] {strides = array<i32>} : memref<16xi32, #tpu.memory_space<vmem>>, vector<16xi32>,
    tpu.vector_store %arg15[%swap3A_91], %add3A_88 {strides = array<i32>} : memref<16xi32, #tpu.memory_space<vmem>>, vector<16xi32>,
    %eq3A = arith.constant 0 : i32
    %eq3A_93 = arith.cmpi eq, %add3A, %eq3A : i32
    %convert_element_type3A = arith.extui %eq3A_93 : i1 to i32
    %cond3A = arith.constant 0 : i32
    %cond3A_94 = arith.cmpi ne, %convert_element_type3A, %cond3A : i32
    scf.if %cond3A_94 {
      %iota3A_359 = tpu.iota {dimensions = array<i32: 0>} : vector<16xi32>
      %add3A_360 = arith.constant 0 : i32
      %add3A_361 = vector.broadcast %add3A_360 : i32 to vector<16xi32>
      %add3A_362 = arith.addi %iota3A_359, %add3A_361 : vector<16xi32>
      %broadcast_in_dim3A_363 = arith.constant 0 : i32
      %broadcast_in_dim3A_364 = vector.broadcast %broadcast_in_dim3A_363 : i32 to vector<16xi32>
      %broadcast_in_dim3A_365 = arith.constant 8 : i32
      %broadcast_in_dim3A_366 = vector.broadcast %broadcast_in_dim3A_365 : i32 to vector<16xi32>
      %gather3A_367 = tpu.vector_load_idx %arg13[%broadcast_in_dim3A_366] : memref<16xi32, #tpu.memory_space<vmem>>[vector<16xi32>], vector<16xi32>,
      %shift_right_arithmetic3A_368 = arith.constant 9 : i32
      %shift_right_arithmetic3A_369 = vector.broadcast %shift_right_arithmetic3A_368 : i32 to vector<16xi32>
      %shift_right_arithmetic3A_370 = arith.shrsi %gather3A_367, %shift_right_arithmetic3A_369 : vector<16xi32>
      %ge3A_371 = arith.cmpi sge, %add3A_362, %shift_right_arithmetic3A_370 : vector<16xi32>
      %convert_element_type3A_372 = arith.extui %ge3A_371 : vector<16xi1> to vector<16xi32>
      %add3A_373 = arith.addi %broadcast_in_dim3A_364, %convert_element_type3A_372 : vector<16xi32>
      %broadcast_in_dim3A_374 = arith.constant 1 : i32
      %broadcast_in_dim3A_375 = vector.broadcast %broadcast_in_dim3A_374 : i32 to vector<16xi32>
      %gather3A_376 = tpu.vector_load_idx %arg15[%broadcast_in_dim3A_375] : memref<16xi32, #tpu.memory_space<vmem>>[vector<16xi32>], vector<16xi32>,
      %shift_right_arithmetic3A_377 = arith.constant 9 : i32
      %shift_right_arithmetic3A_378 = vector.broadcast %shift_right_arithmetic3A_377 : i32 to vector<16xi32>
      %shift_right_arithmetic3A_379 = arith.shrsi %gather3A_376, %shift_right_arithmetic3A_378 : vector<16xi32>
      %ge3A_380 = arith.cmpi sge, %add3A_362, %shift_right_arithmetic3A_379 : vector<16xi32>
      %convert_element_type3A_381 = arith.extui %ge3A_380 : vector<16xi1> to vector<16xi32>
      %add3A_382 = arith.addi %add3A_373, %convert_element_type3A_381 : vector<16xi32>
      %broadcast_in_dim3A_383 = arith.constant 2 : i32
      %broadcast_in_dim3A_384 = vector.broadcast %broadcast_in_dim3A_383 : i32 to vector<16xi32>
      %gather3A_385 = tpu.vector_load_idx %arg15[%broadcast_in_dim3A_384] : memref<16xi32, #tpu.memory_space<vmem>>[vector<16xi32>], vector<16xi32>,
      %shift_right_arithmetic3A_386 = arith.constant 9 : i32
      %shift_right_arithmetic3A_387 = vector.broadcast %shift_right_arithmetic3A_386 : i32 to vector<16xi32>
      %shift_right_arithmetic3A_388 = arith.shrsi %gather3A_385, %shift_right_arithmetic3A_387 : vector<16xi32>
      %ge3A_389 = arith.cmpi sge, %add3A_362, %shift_right_arithmetic3A_388 : vector<16xi32>
      %convert_element_type3A_390 = arith.extui %ge3A_389 : vector<16xi1> to vector<16xi32>
      %add3A_391 = arith.addi %add3A_382, %convert_element_type3A_390 : vector<16xi32>
      %broadcast_in_dim3A_392 = arith.constant 3 : i32
      %broadcast_in_dim3A_393 = vector.broadcast %broadcast_in_dim3A_392 : i32 to vector<16xi32>
      %gather3A_394 = tpu.vector_load_idx %arg15[%broadcast_in_dim3A_393] : memref<16xi32, #tpu.memory_space<vmem>>[vector<16xi32>], vector<16xi32>,
      %shift_right_arithmetic3A_395 = arith.constant 9 : i32
      %shift_right_arithmetic3A_396 = vector.broadcast %shift_right_arithmetic3A_395 : i32 to vector<16xi32>
      %shift_right_arithmetic3A_397 = arith.shrsi %gather3A_394, %shift_right_arithmetic3A_396 : vector<16xi32>
      %ge3A_398 = arith.cmpi sge, %add3A_362, %shift_right_arithmetic3A_397 : vector<16xi32>
      %convert_element_type3A_399 = arith.extui %ge3A_398 : vector<16xi1> to vector<16xi32>
      %add3A_400 = arith.addi %add3A_391, %convert_element_type3A_399 : vector<16xi32>
      %broadcast_in_dim3A_401 = arith.constant 4 : i32
      %broadcast_in_dim3A_402 = vector.broadcast %broadcast_in_dim3A_401 : i32 to vector<16xi32>
      %gather3A_403 = tpu.vector_load_idx %arg15[%broadcast_in_dim3A_402] : memref<16xi32, #tpu.memory_space<vmem>>[vector<16xi32>], vector<16xi32>,
      %shift_right_arithmetic3A_404 = arith.constant 9 : i32
      %shift_right_arithmetic3A_405 = vector.broadcast %shift_right_arithmetic3A_404 : i32 to vector<16xi32>
      %shift_right_arithmetic3A_406 = arith.shrsi %gather3A_403, %shift_right_arithmetic3A_405 : vector<16xi32>
      %ge3A_407 = arith.cmpi sge, %add3A_362, %shift_right_arithmetic3A_406 : vector<16xi32>
      %convert_element_type3A_408 = arith.extui %ge3A_407 : vector<16xi1> to vector<16xi32>
      %add3A_409 = arith.addi %add3A_400, %convert_element_type3A_408 : vector<16xi32>
      %broadcast_in_dim3A_410 = arith.constant 5 : i32
      %broadcast_in_dim3A_411 = vector.broadcast %broadcast_in_dim3A_410 : i32 to vector<16xi32>
      %gather3A_412 = tpu.vector_load_idx %arg15[%broadcast_in_dim3A_411] : memref<16xi32, #tpu.memory_space<vmem>>[vector<16xi32>], vector<16xi32>,
      %shift_right_arithmetic3A_413 = arith.constant 9 : i32
      %shift_right_arithmetic3A_414 = vector.broadcast %shift_right_arithmetic3A_413 : i32 to vector<16xi32>
      %shift_right_arithmetic3A_415 = arith.shrsi %gather3A_412, %shift_right_arithmetic3A_414 : vector<16xi32>
      %ge3A_416 = arith.cmpi sge, %add3A_362, %shift_right_arithmetic3A_415 : vector<16xi32>
      %convert_element_type3A_417 = arith.extui %ge3A_416 : vector<16xi1> to vector<16xi32>
      %add3A_418 = arith.addi %add3A_409, %convert_element_type3A_417 : vector<16xi32>
      %broadcast_in_dim3A_419 = arith.constant 6 : i32
      %broadcast_in_dim3A_420 = vector.broadcast %broadcast_in_dim3A_419 : i32 to vector<16xi32>
      %gather3A_421 = tpu.vector_load_idx %arg15[%broadcast_in_dim3A_420] : memref<16xi32, #tpu.memory_space<vmem>>[vector<16xi32>], vector<16xi32>,
      %shift_right_arithmetic3A_422 = arith.constant 9 : i32
      %shift_right_arithmetic3A_423 = vector.broadcast %shift_right_arithmetic3A_422 : i32 to vector<16xi32>
      %shift_right_arithmetic3A_424 = arith.shrsi %gather3A_421, %shift_right_arithmetic3A_423 : vector<16xi32>
      %ge3A_425 = arith.cmpi sge, %add3A_362, %shift_right_arithmetic3A_424 : vector<16xi32>
      %convert_element_type3A_426 = arith.extui %ge3A_425 : vector<16xi1> to vector<16xi32>
      %add3A_427 = arith.addi %add3A_418, %convert_element_type3A_426 : vector<16xi32>
      %broadcast_in_dim3A_428 = arith.constant 7 : i32
      %broadcast_in_dim3A_429 = vector.broadcast %broadcast_in_dim3A_428 : i32 to vector<16xi32>
      %gather3A_430 = tpu.vector_load_idx %arg15[%broadcast_in_dim3A_429] : memref<16xi32, #tpu.memory_space<vmem>>[vector<16xi32>], vector<16xi32>,
      %shift_right_arithmetic3A_431 = arith.constant 9 : i32
      %shift_right_arithmetic3A_432 = vector.broadcast %shift_right_arithmetic3A_431 : i32 to vector<16xi32>
      %shift_right_arithmetic3A_433 = arith.shrsi %gather3A_430, %shift_right_arithmetic3A_432 : vector<16xi32>
      %ge3A_434 = arith.cmpi sge, %add3A_362, %shift_right_arithmetic3A_433 : vector<16xi32>
      %convert_element_type3A_435 = arith.extui %ge3A_434 : vector<16xi1> to vector<16xi32>
      %add3A_436 = arith.addi %add3A_427, %convert_element_type3A_435 : vector<16xi32>
      %min3A = arith.constant 7 : i32
      %min3A_437 = vector.broadcast %min3A : i32 to vector<16xi32>
      %min3A_438 = arith.minsi %add3A_436, %min3A_437 : vector<16xi32>
      %swap3A_439 = arith.constant 0 : index
      %swap3A_440 = tpu.vector_load %arg20[%swap3A_439] {strides = array<i32>} : memref<48xi32, #tpu.memory_space<vmem>>, vector<16xi32>,
      tpu.vector_store %arg20[%swap3A_439], %min3A_438 {strides = array<i32>} : memref<48xi32, #tpu.memory_space<vmem>>, vector<16xi32>,
      %iota3A_441 = tpu.iota {dimensions = array<i32: 0>} : vector<16xi32>
      %add3A_442 = arith.constant 16 : i32
      %add3A_443 = vector.broadcast %add3A_442 : i32 to vector<16xi32>
      %add3A_444 = arith.addi %iota3A_441, %add3A_443 : vector<16xi32>
      %broadcast_in_dim3A_445 = arith.constant 0 : i32
      %broadcast_in_dim3A_446 = vector.broadcast %broadcast_in_dim3A_445 : i32 to vector<16xi32>
      %broadcast_in_dim3A_447 = arith.constant 8 : i32
      %broadcast_in_dim3A_448 = vector.broadcast %broadcast_in_dim3A_447 : i32 to vector<16xi32>
      %gather3A_449 = tpu.vector_load_idx %arg13[%broadcast_in_dim3A_448] : memref<16xi32, #tpu.memory_space<vmem>>[vector<16xi32>], vector<16xi32>,
      %shift_right_arithmetic3A_450 = arith.constant 9 : i32
      %shift_right_arithmetic3A_451 = vector.broadcast %shift_right_arithmetic3A_450 : i32 to vector<16xi32>
      %shift_right_arithmetic3A_452 = arith.shrsi %gather3A_449, %shift_right_arithmetic3A_451 : vector<16xi32>
      %ge3A_453 = arith.cmpi sge, %add3A_444, %shift_right_arithmetic3A_452 : vector<16xi32>
      %convert_element_type3A_454 = arith.extui %ge3A_453 : vector<16xi1> to vector<16xi32>
      %add3A_455 = arith.addi %broadcast_in_dim3A_446, %convert_element_type3A_454 : vector<16xi32>
      %broadcast_in_dim3A_456 = arith.constant 1 : i32
      %broadcast_in_dim3A_457 = vector.broadcast %broadcast_in_dim3A_456 : i32 to vector<16xi32>
      %gather3A_458 = tpu.vector_load_idx %arg15[%broadcast_in_dim3A_457] : memref<16xi32, #tpu.memory_space<vmem>>[vector<16xi32>], vector<16xi32>,
      %shift_right_arithmetic3A_459 = arith.constant 9 : i32
      %shift_right_arithmetic3A_460 = vector.broadcast %shift_right_arithmetic3A_459 : i32 to vector<16xi32>
      %shift_right_arithmetic3A_461 = arith.shrsi %gather3A_458, %shift_right_arithmetic3A_460 : vector<16xi32>
      %ge3A_462 = arith.cmpi sge, %add3A_444, %shift_right_arithmetic3A_461 : vector<16xi32>
      %convert_element_type3A_463 = arith.extui %ge3A_462 : vector<16xi1> to vector<16xi32>
      %add3A_464 = arith.addi %add3A_455, %convert_element_type3A_463 : vector<16xi32>
      %broadcast_in_dim3A_465 = arith.constant 2 : i32
      %broadcast_in_dim3A_466 = vector.broadcast %broadcast_in_dim3A_465 : i32 to vector<16xi32>
      %gather3A_467 = tpu.vector_load_idx %arg15[%broadcast_in_dim3A_466] : memref<16xi32, #tpu.memory_space<vmem>>[vector<16xi32>], vector<16xi32>,
      %shift_right_arithmetic3A_468 = arith.constant 9 : i32
      %shift_right_arithmetic3A_469 = vector.broadcast %shift_right_arithmetic3A_468 : i32 to vector<16xi32>
      %shift_right_arithmetic3A_470 = arith.shrsi %gather3A_467, %shift_right_arithmetic3A_469 : vector<16xi32>
      %ge3A_471 = arith.cmpi sge, %add3A_444, %shift_right_arithmetic3A_470 : vector<16xi32>
      %convert_element_type3A_472 = arith.extui %ge3A_471 : vector<16xi1> to vector<16xi32>
      %add3A_473 = arith.addi %add3A_464, %convert_element_type3A_472 : vector<16xi32>
      %broadcast_in_dim3A_474 = arith.constant 3 : i32
      %broadcast_in_dim3A_475 = vector.broadcast %broadcast_in_dim3A_474 : i32 to vector<16xi32>
      %gather3A_476 = tpu.vector_load_idx %arg15[%broadcast_in_dim3A_475] : memref<16xi32, #tpu.memory_space<vmem>>[vector<16xi32>], vector<16xi32>,
      %shift_right_arithmetic3A_477 = arith.constant 9 : i32
      %shift_right_arithmetic3A_478 = vector.broadcast %shift_right_arithmetic3A_477 : i32 to vector<16xi32>
      %shift_right_arithmetic3A_479 = arith.shrsi %gather3A_476, %shift_right_arithmetic3A_478 : vector<16xi32>
      %ge3A_480 = arith.cmpi sge, %add3A_444, %shift_right_arithmetic3A_479 : vector<16xi32>
      %convert_element_type3A_481 = arith.extui %ge3A_480 : vector<16xi1> to vector<16xi32>
      %add3A_482 = arith.addi %add3A_473, %convert_element_type3A_481 : vector<16xi32>
      %broadcast_in_dim3A_483 = arith.constant 4 : i32
      %broadcast_in_dim3A_484 = vector.broadcast %broadcast_in_dim3A_483 : i32 to vector<16xi32>
      %gather3A_485 = tpu.vector_load_idx %arg15[%broadcast_in_dim3A_484] : memref<16xi32, #tpu.memory_space<vmem>>[vector<16xi32>], vector<16xi32>,
      %shift_right_arithmetic3A_486 = arith.constant 9 : i32
      %shift_right_arithmetic3A_487 = vector.broadcast %shift_right_arithmetic3A_486 : i32 to vector<16xi32>
      %shift_right_arithmetic3A_488 = arith.shrsi %gather3A_485, %shift_right_arithmetic3A_487 : vector<16xi32>
      %ge3A_489 = arith.cmpi sge, %add3A_444, %shift_right_arithmetic3A_488 : vector<16xi32>
      %convert_element_type3A_490 = arith.extui %ge3A_489 : vector<16xi1> to vector<16xi32>
      %add3A_491 = arith.addi %add3A_482, %convert_element_type3A_490 : vector<16xi32>
      %broadcast_in_dim3A_492 = arith.constant 5 : i32
      %broadcast_in_dim3A_493 = vector.broadcast %broadcast_in_dim3A_492 : i32 to vector<16xi32>
      %gather3A_494 = tpu.vector_load_idx %arg15[%broadcast_in_dim3A_493] : memref<16xi32, #tpu.memory_space<vmem>>[vector<16xi32>], vector<16xi32>,
      %shift_right_arithmetic3A_495 = arith.constant 9 : i32
      %shift_right_arithmetic3A_496 = vector.broadcast %shift_right_arithmetic3A_495 : i32 to vector<16xi32>
      %shift_right_arithmetic3A_497 = arith.shrsi %gather3A_494, %shift_right_arithmetic3A_496 : vector<16xi32>
      %ge3A_498 = arith.cmpi sge, %add3A_444, %shift_right_arithmetic3A_497 : vector<16xi32>
      %convert_element_type3A_499 = arith.extui %ge3A_498 : vector<16xi1> to vector<16xi32>
      %add3A_500 = arith.addi %add3A_491, %convert_element_type3A_499 : vector<16xi32>
      %broadcast_in_dim3A_501 = arith.constant 6 : i32
      %broadcast_in_dim3A_502 = vector.broadcast %broadcast_in_dim3A_501 : i32 to vector<16xi32>
      %gather3A_503 = tpu.vector_load_idx %arg15[%broadcast_in_dim3A_502] : memref<16xi32, #tpu.memory_space<vmem>>[vector<16xi32>], vector<16xi32>,
      %shift_right_arithmetic3A_504 = arith.constant 9 : i32
      %shift_right_arithmetic3A_505 = vector.broadcast %shift_right_arithmetic3A_504 : i32 to vector<16xi32>
      %shift_right_arithmetic3A_506 = arith.shrsi %gather3A_503, %shift_right_arithmetic3A_505 : vector<16xi32>
      %ge3A_507 = arith.cmpi sge, %add3A_444, %shift_right_arithmetic3A_506 : vector<16xi32>
      %convert_element_type3A_508 = arith.extui %ge3A_507 : vector<16xi1> to vector<16xi32>
      %add3A_509 = arith.addi %add3A_500, %convert_element_type3A_508 : vector<16xi32>
      %broadcast_in_dim3A_510 = arith.constant 7 : i32
      %broadcast_in_dim3A_511 = vector.broadcast %broadcast_in_dim3A_510 : i32 to vector<16xi32>
      %gather3A_512 = tpu.vector_load_idx %arg15[%broadcast_in_dim3A_511] : memref<16xi32, #tpu.memory_space<vmem>>[vector<16xi32>], vector<16xi32>,
      %shift_right_arithmetic3A_513 = arith.constant 9 : i32
      %shift_right_arithmetic3A_514 = vector.broadcast %shift_right_arithmetic3A_513 : i32 to vector<16xi32>
      %shift_right_arithmetic3A_515 = arith.shrsi %gather3A_512, %shift_right_arithmetic3A_514 : vector<16xi32>
      %ge3A_516 = arith.cmpi sge, %add3A_444, %shift_right_arithmetic3A_515 : vector<16xi32>
      %convert_element_type3A_517 = arith.extui %ge3A_516 : vector<16xi1> to vector<16xi32>
      %add3A_518 = arith.addi %add3A_509, %convert_element_type3A_517 : vector<16xi32>
      %min3A_519 = arith.constant 7 : i32
      %min3A_520 = vector.broadcast %min3A_519 : i32 to vector<16xi32>
      %min3A_521 = arith.minsi %add3A_518, %min3A_520 : vector<16xi32>
      %swap3A_522 = arith.constant 16 : index
      %swap3A_523 = tpu.vector_load %arg20[%swap3A_522] {strides = array<i32>} : memref<48xi32, #tpu.memory_space<vmem>>, vector<16xi32>,
      tpu.vector_store %arg20[%swap3A_522], %min3A_521 {strides = array<i32>} : memref<48xi32, #tpu.memory_space<vmem>>, vector<16xi32>,
      %iota3A_524 = tpu.iota {dimensions = array<i32: 0>} : vector<16xi32>
      %add3A_525 = arith.constant 32 : i32
      %add3A_526 = vector.broadcast %add3A_525 : i32 to vector<16xi32>
      %add3A_527 = arith.addi %iota3A_524, %add3A_526 : vector<16xi32>
      %broadcast_in_dim3A_528 = arith.constant 0 : i32
      %broadcast_in_dim3A_529 = vector.broadcast %broadcast_in_dim3A_528 : i32 to vector<16xi32>
      %broadcast_in_dim3A_530 = arith.constant 8 : i32
      %broadcast_in_dim3A_531 = vector.broadcast %broadcast_in_dim3A_530 : i32 to vector<16xi32>
      %gather3A_532 = tpu.vector_load_idx %arg13[%broadcast_in_dim3A_531] : memref<16xi32, #tpu.memory_space<vmem>>[vector<16xi32>], vector<16xi32>,
      %shift_right_arithmetic3A_533 = arith.constant 9 : i32
      %shift_right_arithmetic3A_534 = vector.broadcast %shift_right_arithmetic3A_533 : i32 to vector<16xi32>
      %shift_right_arithmetic3A_535 = arith.shrsi %gather3A_532, %shift_right_arithmetic3A_534 : vector<16xi32>
      %ge3A_536 = arith.cmpi sge, %add3A_527, %shift_right_arithmetic3A_535 : vector<16xi32>
      %convert_element_type3A_537 = arith.extui %ge3A_536 : vector<16xi1> to vector<16xi32>
      %add3A_538 = arith.addi %broadcast_in_dim3A_529, %convert_element_type3A_537 : vector<16xi32>
      %broadcast_in_dim3A_539 = arith.constant 1 : i32
      %broadcast_in_dim3A_540 = vector.broadcast %broadcast_in_dim3A_539 : i32 to vector<16xi32>
      %gather3A_541 = tpu.vector_load_idx %arg15[%broadcast_in_dim3A_540] : memref<16xi32, #tpu.memory_space<vmem>>[vector<16xi32>], vector<16xi32>,
      %shift_right_arithmetic3A_542 = arith.constant 9 : i32
      %shift_right_arithmetic3A_543 = vector.broadcast %shift_right_arithmetic3A_542 : i32 to vector<16xi32>
      %shift_right_arithmetic3A_544 = arith.shrsi %gather3A_541, %shift_right_arithmetic3A_543 : vector<16xi32>
      %ge3A_545 = arith.cmpi sge, %add3A_527, %shift_right_arithmetic3A_544 : vector<16xi32>
      %convert_element_type3A_546 = arith.extui %ge3A_545 : vector<16xi1> to vector<16xi32>
      %add3A_547 = arith.addi %add3A_538, %convert_element_type3A_546 : vector<16xi32>
      %broadcast_in_dim3A_548 = arith.constant 2 : i32
      %broadcast_in_dim3A_549 = vector.broadcast %broadcast_in_dim3A_548 : i32 to vector<16xi32>
      %gather3A_550 = tpu.vector_load_idx %arg15[%broadcast_in_dim3A_549] : memref<16xi32, #tpu.memory_space<vmem>>[vector<16xi32>], vector<16xi32>,
      %shift_right_arithmetic3A_551 = arith.constant 9 : i32
      %shift_right_arithmetic3A_552 = vector.broadcast %shift_right_arithmetic3A_551 : i32 to vector<16xi32>
      %shift_right_arithmetic3A_553 = arith.shrsi %gather3A_550, %shift_right_arithmetic3A_552 : vector<16xi32>
      %ge3A_554 = arith.cmpi sge, %add3A_527, %shift_right_arithmetic3A_553 : vector<16xi32>
      %convert_element_type3A_555 = arith.extui %ge3A_554 : vector<16xi1> to vector<16xi32>
      %add3A_556 = arith.addi %add3A_547, %convert_element_type3A_555 : vector<16xi32>
      %broadcast_in_dim3A_557 = arith.constant 3 : i32
      %broadcast_in_dim3A_558 = vector.broadcast %broadcast_in_dim3A_557 : i32 to vector<16xi32>
      %gather3A_559 = tpu.vector_load_idx %arg15[%broadcast_in_dim3A_558] : memref<16xi32, #tpu.memory_space<vmem>>[vector<16xi32>], vector<16xi32>,
      %shift_right_arithmetic3A_560 = arith.constant 9 : i32
      %shift_right_arithmetic3A_561 = vector.broadcast %shift_right_arithmetic3A_560 : i32 to vector<16xi32>
      %shift_right_arithmetic3A_562 = arith.shrsi %gather3A_559, %shift_right_arithmetic3A_561 : vector<16xi32>
      %ge3A_563 = arith.cmpi sge, %add3A_527, %shift_right_arithmetic3A_562 : vector<16xi32>
      %convert_element_type3A_564 = arith.extui %ge3A_563 : vector<16xi1> to vector<16xi32>
      %add3A_565 = arith.addi %add3A_556, %convert_element_type3A_564 : vector<16xi32>
      %broadcast_in_dim3A_566 = arith.constant 4 : i32
      %broadcast_in_dim3A_567 = vector.broadcast %broadcast_in_dim3A_566 : i32 to vector<16xi32>
      %gather3A_568 = tpu.vector_load_idx %arg15[%broadcast_in_dim3A_567] : memref<16xi32, #tpu.memory_space<vmem>>[vector<16xi32>], vector<16xi32>,
      %shift_right_arithmetic3A_569 = arith.constant 9 : i32
      %shift_right_arithmetic3A_570 = vector.broadcast %shift_right_arithmetic3A_569 : i32 to vector<16xi32>
      %shift_right_arithmetic3A_571 = arith.shrsi %gather3A_568, %shift_right_arithmetic3A_570 : vector<16xi32>
      %ge3A_572 = arith.cmpi sge, %add3A_527, %shift_right_arithmetic3A_571 : vector<16xi32>
      %convert_element_type3A_573 = arith.extui %ge3A_572 : vector<16xi1> to vector<16xi32>
      %add3A_574 = arith.addi %add3A_565, %convert_element_type3A_573 : vector<16xi32>
      %broadcast_in_dim3A_575 = arith.constant 5 : i32
      %broadcast_in_dim3A_576 = vector.broadcast %broadcast_in_dim3A_575 : i32 to vector<16xi32>
      %gather3A_577 = tpu.vector_load_idx %arg15[%broadcast_in_dim3A_576] : memref<16xi32, #tpu.memory_space<vmem>>[vector<16xi32>], vector<16xi32>,
      %shift_right_arithmetic3A_578 = arith.constant 9 : i32
      %shift_right_arithmetic3A_579 = vector.broadcast %shift_right_arithmetic3A_578 : i32 to vector<16xi32>
      %shift_right_arithmetic3A_580 = arith.shrsi %gather3A_577, %shift_right_arithmetic3A_579 : vector<16xi32>
      %ge3A_581 = arith.cmpi sge, %add3A_527, %shift_right_arithmetic3A_580 : vector<16xi32>
      %convert_element_type3A_582 = arith.extui %ge3A_581 : vector<16xi1> to vector<16xi32>
      %add3A_583 = arith.addi %add3A_574, %convert_element_type3A_582 : vector<16xi32>
      %broadcast_in_dim3A_584 = arith.constant 6 : i32
      %broadcast_in_dim3A_585 = vector.broadcast %broadcast_in_dim3A_584 : i32 to vector<16xi32>
      %gather3A_586 = tpu.vector_load_idx %arg15[%broadcast_in_dim3A_585] : memref<16xi32, #tpu.memory_space<vmem>>[vector<16xi32>], vector<16xi32>,
      %shift_right_arithmetic3A_587 = arith.constant 9 : i32
      %shift_right_arithmetic3A_588 = vector.broadcast %shift_right_arithmetic3A_587 : i32 to vector<16xi32>
      %shift_right_arithmetic3A_589 = arith.shrsi %gather3A_586, %shift_right_arithmetic3A_588 : vector<16xi32>
      %ge3A_590 = arith.cmpi sge, %add3A_527, %shift_right_arithmetic3A_589 : vector<16xi32>
      %convert_element_type3A_591 = arith.extui %ge3A_590 : vector<16xi1> to vector<16xi32>
      %add3A_592 = arith.addi %add3A_583, %convert_element_type3A_591 : vector<16xi32>
      %broadcast_in_dim3A_593 = arith.constant 7 : i32
      %broadcast_in_dim3A_594 = vector.broadcast %broadcast_in_dim3A_593 : i32 to vector<16xi32>
      %gather3A_595 = tpu.vector_load_idx %arg15[%broadcast_in_dim3A_594] : memref<16xi32, #tpu.memory_space<vmem>>[vector<16xi32>], vector<16xi32>,
      %shift_right_arithmetic3A_596 = arith.constant 9 : i32
      %shift_right_arithmetic3A_597 = vector.broadcast %shift_right_arithmetic3A_596 : i32 to vector<16xi32>
      %shift_right_arithmetic3A_598 = arith.shrsi %gather3A_595, %shift_right_arithmetic3A_597 : vector<16xi32>
      %ge3A_599 = arith.cmpi sge, %add3A_527, %shift_right_arithmetic3A_598 : vector<16xi32>
      %convert_element_type3A_600 = arith.extui %ge3A_599 : vector<16xi1> to vector<16xi32>
      %add3A_601 = arith.addi %add3A_592, %convert_element_type3A_600 : vector<16xi32>
      %min3A_602 = arith.constant 7 : i32
      %min3A_603 = vector.broadcast %min3A_602 : i32 to vector<16xi32>
      %min3A_604 = arith.minsi %add3A_601, %min3A_603 : vector<16xi32>
      %swap3A_605 = arith.constant 32 : index
      %swap3A_606 = tpu.vector_load %arg20[%swap3A_605] {strides = array<i32>} : memref<48xi32, #tpu.memory_space<vmem>>, vector<16xi32>,
      tpu.vector_store %arg20[%swap3A_605], %min3A_604 {strides = array<i32>} : memref<48xi32, #tpu.memory_space<vmem>>, vector<16xi32>,
      "tpu.region"() ({
        %run_scoped3A = tpu.sem_alloc : memref<!tpu.dma_semaphore, #tpu.memory_space<semaphore_mem>>
        tpu.enqueue_dma source(%arg20 : memref<48xi32, #tpu.memory_space<vmem>>) target(%arg11 : memref<48xi32, #tpu.memory_space<hbm>>) target_semaphore(%run_scoped3A : memref<!tpu.dma_semaphore, #tpu.memory_space<semaphore_mem>>)
        tpu.wait_dma2 semaphore(%run_scoped3A : memref<!tpu.dma_semaphore, #tpu.memory_space<semaphore_mem>>) src(%arg20 : memref<48xi32, #tpu.memory_space<vmem>>) dst(%arg11 : memref<48xi32, #tpu.memory_space<hbm>>)
        tpu.yield
      }) : () -> ()
    } else {
    }
    %add3A_95 = arith.constant 0 : i32
    %add3A_96 = arith.addi %mul3A_2, %add3A_95 : i32
    "tpu.region"() ({
      %run_scoped3A = tpu.sem_alloc : memref<!tpu.dma_semaphore, #tpu.memory_space<semaphore_mem>>
      %dma_start3A = arith.constant 0 : i32
      %dma_start3A_359 = tpu.memref_slice %arg2[%add3A_96, %dma_start3A] : memref<8192x1024xf32, #tpu.memory_space<hbm>> -> memref<64x1024xf32, #tpu.memory_space<hbm>>
      %dma_start3A_360 = arith.constant 0 : i32
      %dma_start3A_361 = tpu.memref_slice %arg2[%add3A_96, %dma_start3A_360] : memref<8192x1024xf32, #tpu.memory_space<hbm>> -> memref<64x1024xf32, #tpu.memory_space<hbm>>
      tpu.enqueue_dma source(%dma_start3A_361 : memref<64x1024xf32, #tpu.memory_space<hbm>>) target(%arg12 : memref<64x1024xf32, #tpu.memory_space<vmem>>) target_semaphore(%run_scoped3A : memref<!tpu.dma_semaphore, #tpu.memory_space<semaphore_mem>>)
      %dma_wait3A = arith.constant 0 : i32
      %dma_wait3A_362 = tpu.memref_slice %arg2[%add3A_96, %dma_wait3A] : memref<8192x1024xf32, #tpu.memory_space<hbm>> -> memref<64x1024xf32, #tpu.memory_space<hbm>>
      %dma_wait3A_363 = arith.constant 0 : i32
      %dma_wait3A_364 = tpu.memref_slice %arg2[%add3A_96, %dma_wait3A_363] : memref<8192x1024xf32, #tpu.memory_space<hbm>> -> memref<64x1024xf32, #tpu.memory_space<hbm>>
      tpu.wait_dma2 semaphore(%run_scoped3A : memref<!tpu.dma_semaphore, #tpu.memory_space<semaphore_mem>>) src(%dma_wait3A_364 : memref<64x1024xf32, #tpu.memory_space<hbm>>) dst(%arg12 : memref<64x1024xf32, #tpu.memory_space<vmem>>)
      tpu.yield
    }) : () -> ()
    "tpu.region"() ({
      %run_scoped3A = tpu.sem_alloc : memref<!tpu.dma_semaphore, #tpu.memory_space<semaphore_mem>>
      %dma_start3A = tpu.memref_slice %arg3[%add3A_96] : memref<8192xi32, #tpu.memory_space<hbm>> -> memref<64xi32, #tpu.memory_space<hbm>>
      %dma_start3A_359 = tpu.memref_slice %arg3[%add3A_96] : memref<8192xi32, #tpu.memory_space<hbm>> -> memref<64xi32, #tpu.memory_space<hbm>>
      tpu.enqueue_dma source(%dma_start3A_359 : memref<64xi32, #tpu.memory_space<hbm>>) target(%arg18 : memref<64xi32, #tpu.memory_space<vmem>>) target_semaphore(%run_scoped3A : memref<!tpu.dma_semaphore, #tpu.memory_space<semaphore_mem>>)
      %dma_wait3A = tpu.memref_slice %arg3[%add3A_96] : memref<8192xi32, #tpu.memory_space<hbm>> -> memref<64xi32, #tpu.memory_space<hbm>>
      %dma_wait3A_360 = tpu.memref_slice %arg3[%add3A_96] : memref<8192xi32, #tpu.memory_space<hbm>> -> memref<64xi32, #tpu.memory_space<hbm>>
      tpu.wait_dma2 semaphore(%run_scoped3A : memref<!tpu.dma_semaphore, #tpu.memory_space<semaphore_mem>>) src(%dma_wait3A_360 : memref<64xi32, #tpu.memory_space<hbm>>) dst(%arg18 : memref<64xi32, #tpu.memory_space<vmem>>)
      tpu.yield
    }) : () -> ()
    "tpu.region"() ({
      %run_scoped3A = tpu.sem_alloc : memref<!tpu.dma_semaphore, #tpu.memory_space<semaphore_mem>>
      %dma_start3A = tpu.memref_slice %arg5[%add3A_96] : memref<8192xi32, #tpu.memory_space<hbm>> -> memref<64xi32, #tpu.memory_space<hbm>>
      %dma_start3A_359 = tpu.memref_slice %arg5[%add3A_96] : memref<8192xi32, #tpu.memory_space<hbm>> -> memref<64xi32, #tpu.memory_space<hbm>>
      tpu.enqueue_dma source(%dma_start3A_359 : memref<64xi32, #tpu.memory_space<hbm>>) target(%arg19 : memref<64xi32, #tpu.memory_space<vmem>>) target_semaphore(%run_scoped3A : memref<!tpu.dma_semaphore, #tpu.memory_space<semaphore_mem>>)
      %dma_wait3A = tpu.memref_slice %arg5[%add3A_96] : memref<8192xi32, #tpu.memory_space<hbm>> -> memref<64xi32, #tpu.memory_space<hbm>>
      %dma_wait3A_360 = tpu.memref_slice %arg5[%add3A_96] : memref<8192xi32, #tpu.memory_space<hbm>> -> memref<64xi32, #tpu.memory_space<hbm>>
      tpu.wait_dma2 semaphore(%run_scoped3A : memref<!tpu.dma_semaphore, #tpu.memory_space<semaphore_mem>>) src(%dma_wait3A_360 : memref<64xi32, #tpu.memory_space<hbm>>) dst(%arg19 : memref<64xi32, #tpu.memory_space<vmem>>)
      tpu.yield
    }) : () -> ()
    %get3A_97 = arith.constant 0 : index
    %get3A_98 = tpu.vector_load %arg18[%get3A_97] {strides = array<i32>} : memref<64xi32, #tpu.memory_space<vmem>>, vector<16xi32>,
    %gather3A_99 = tpu.vector_load_idx %arg14[%get3A_98] : memref<16xi32, #tpu.memory_space<vmem>>[vector<16xi32>], vector<16xi32>,
    %get3A_100 = arith.constant 0 : index
    %get3A_101 = tpu.vector_load %arg19[%get3A_100] {strides = array<i32>} : memref<64xi32, #tpu.memory_space<vmem>>, vector<16xi32>,
    %add3A_102 = arith.addi %gather3A_99, %get3A_101 : vector<16xi32>
    %swap3A_103 = arith.constant 0 : index
    %swap3A_104 = tpu.vector_load %arg16[%swap3A_103] {strides = array<i32>} : memref<64xi32, #tpu.memory_space<vmem>>, vector<16xi32>,
    tpu.vector_store %arg16[%swap3A_103], %add3A_102 {strides = array<i32>} : memref<64xi32, #tpu.memory_space<vmem>>, vector<16xi32>,
    %get3A_105 = arith.constant 16 : index
    %get3A_106 = tpu.vector_load %arg18[%get3A_105] {strides = array<i32>} : memref<64xi32, #tpu.memory_space<vmem>>, vector<16xi32>,
    %gather3A_107 = tpu.vector_load_idx %arg14[%get3A_106] : memref<16xi32, #tpu.memory_space<vmem>>[vector<16xi32>], vector<16xi32>,
    %get3A_108 = arith.constant 16 : index
    %get3A_109 = tpu.vector_load %arg19[%get3A_108] {strides = array<i32>} : memref<64xi32, #tpu.memory_space<vmem>>, vector<16xi32>,
    %add3A_110 = arith.addi %gather3A_107, %get3A_109 : vector<16xi32>
    %swap3A_111 = arith.constant 16 : index
    %swap3A_112 = tpu.vector_load %arg16[%swap3A_111] {strides = array<i32>} : memref<64xi32, #tpu.memory_space<vmem>>, vector<16xi32>,
    tpu.vector_store %arg16[%swap3A_111], %add3A_110 {strides = array<i32>} : memref<64xi32, #tpu.memory_space<vmem>>, vector<16xi32>,
    %get3A_113 = arith.constant 32 : index
    %get3A_114 = tpu.vector_load %arg18[%get3A_113] {strides = array<i32>} : memref<64xi32, #tpu.memory_space<vmem>>, vector<16xi32>,
    %gather3A_115 = tpu.vector_load_idx %arg14[%get3A_114] : memref<16xi32, #tpu.memory_space<vmem>>[vector<16xi32>], vector<16xi32>,
    %get3A_116 = arith.constant 32 : index
    %get3A_117 = tpu.vector_load %arg19[%get3A_116] {strides = array<i32>} : memref<64xi32, #tpu.memory_space<vmem>>, vector<16xi32>,
    %add3A_118 = arith.addi %gather3A_115, %get3A_117 : vector<16xi32>
    %swap3A_119 = arith.constant 32 : index
    %swap3A_120 = tpu.vector_load %arg16[%swap3A_119] {strides = array<i32>} : memref<64xi32, #tpu.memory_space<vmem>>, vector<16xi32>,
    tpu.vector_store %arg16[%swap3A_119], %add3A_118 {strides = array<i32>} : memref<64xi32, #tpu.memory_space<vmem>>, vector<16xi32>,
    %get3A_121 = arith.constant 48 : index
    %get3A_122 = tpu.vector_load %arg18[%get3A_121] {strides = array<i32>} : memref<64xi32, #tpu.memory_space<vmem>>, vector<16xi32>,
    %gather3A_123 = tpu.vector_load_idx %arg14[%get3A_122] : memref<16xi32, #tpu.memory_space<vmem>>[vector<16xi32>], vector<16xi32>,
    %get3A_124 = arith.constant 48 : index
    %get3A_125 = tpu.vector_load %arg19[%get3A_124] {strides = array<i32>} : memref<64xi32, #tpu.memory_space<vmem>>, vector<16xi32>,
    %add3A_126 = arith.addi %gather3A_123, %get3A_125 : vector<16xi32>
    %swap3A_127 = arith.constant 48 : index
    %swap3A_128 = tpu.vector_load %arg16[%swap3A_127] {strides = array<i32>} : memref<64xi32, #tpu.memory_space<vmem>>, vector<16xi32>,
    tpu.vector_store %arg16[%swap3A_127], %add3A_126 {strides = array<i32>} : memref<64xi32, #tpu.memory_space<vmem>>, vector<16xi32>,
    "tpu.region"() ({
      %run_scoped3A = tpu.sem_alloc : memref<!tpu.dma_semaphore, #tpu.memory_space<semaphore_mem>>
      %dma_start3A = tpu.memref_slice %arg9[%add3A_96] : memref<8192xi32, #tpu.memory_space<hbm>> -> memref<64xi32, #tpu.memory_space<hbm>>
      %dma_start3A_359 = tpu.memref_slice %arg9[%add3A_96] : memref<8192xi32, #tpu.memory_space<hbm>> -> memref<64xi32, #tpu.memory_space<hbm>>
      tpu.enqueue_dma source(%arg16 : memref<64xi32, #tpu.memory_space<vmem>>) target(%dma_start3A_359 : memref<64xi32, #tpu.memory_space<hbm>>) target_semaphore(%run_scoped3A : memref<!tpu.dma_semaphore, #tpu.memory_space<semaphore_mem>>)
      %dma_wait3A = tpu.memref_slice %arg9[%add3A_96] : memref<8192xi32, #tpu.memory_space<hbm>> -> memref<64xi32, #tpu.memory_space<hbm>>
      %dma_wait3A_360 = tpu.memref_slice %arg9[%add3A_96] : memref<8192xi32, #tpu.memory_space<hbm>> -> memref<64xi32, #tpu.memory_space<hbm>>
      tpu.wait_dma2 semaphore(%run_scoped3A : memref<!tpu.dma_semaphore, #tpu.memory_space<semaphore_mem>>) src(%arg16 : memref<64xi32, #tpu.memory_space<vmem>>) dst(%dma_wait3A_360 : memref<64xi32, #tpu.memory_space<hbm>>)
      tpu.yield
    }) : () -> ()
    "tpu.region"() ({
      %run_scoped3A = tpu.sem_alloc : memref<!tpu.dma_semaphore, #tpu.memory_space<semaphore_mem>>
      %dma_start3A = arith.constant 0 : i32
      %dma_start3A_359 = arith.constant 0 : i32
      %dma_start3A_360 = tpu.memref_slice %arg8[%dma_start3A, %dma_start3A_359] : memref<20480x1024xf32, #tpu.memory_space<hbm>> -> memref<20480x1024xf32, #tpu.memory_space<hbm>>
      tpu.enqueue_indirect_dma source(%arg12 : memref<64x1024xf32, #tpu.memory_space<vmem>>) target(%dma_start3A_360 : memref<20480x1024xf32, #tpu.memory_space<hbm>>) offsets(%arg16 : memref<64xi32, #tpu.memory_space<vmem>>) semaphore(%run_scoped3A : memref<!tpu.dma_semaphore, #tpu.memory_space<semaphore_mem>>)
      %dma_wait3A = arith.constant 0 : i32
      %dma_wait3A_361 = arith.constant 0 : i32
      %dma_wait3A_362 = tpu.memref_slice %arg8[%dma_wait3A, %dma_wait3A_361] : memref<20480x1024xf32, #tpu.memory_space<hbm>> -> memref<20480x1024xf32, #tpu.memory_space<hbm>>
      tpu.wait_indirect_dma semaphore(%run_scoped3A : memref<!tpu.dma_semaphore, #tpu.memory_space<semaphore_mem>>) src(%arg12 : memref<64x1024xf32, #tpu.memory_space<vmem>>) dst(%dma_wait3A_362 : memref<20480x1024xf32, #tpu.memory_space<hbm>>)
      tpu.yield
    }) : () -> ()
    "tpu.region"() ({
      %run_scoped3A = tpu.sem_alloc : memref<!tpu.dma_semaphore, #tpu.memory_space<semaphore_mem>>
      %dma_start3A = tpu.memref_slice %arg4[%add3A_96] : memref<8192xi32, #tpu.memory_space<hbm>> -> memref<64xi32, #tpu.memory_space<hbm>>
      %dma_start3A_359 = tpu.memref_slice %arg4[%add3A_96] : memref<8192xi32, #tpu.memory_space<hbm>> -> memref<64xi32, #tpu.memory_space<hbm>>
      tpu.enqueue_dma source(%dma_start3A_359 : memref<64xi32, #tpu.memory_space<hbm>>) target(%arg18 : memref<64xi32, #tpu.memory_space<vmem>>) target_semaphore(%run_scoped3A : memref<!tpu.dma_semaphore, #tpu.memory_space<semaphore_mem>>)
      %dma_wait3A = tpu.memref_slice %arg4[%add3A_96] : memref<8192xi32, #tpu.memory_space<hbm>> -> memref<64xi32, #tpu.memory_space<hbm>>
      %dma_wait3A_360 = tpu.memref_slice %arg4[%add3A_96] : memref<8192xi32, #tpu.memory_space<hbm>> -> memref<64xi32, #tpu.memory_space<hbm>>
      tpu.wait_dma2 semaphore(%run_scoped3A : memref<!tpu.dma_semaphore, #tpu.memory_space<semaphore_mem>>) src(%dma_wait3A_360 : memref<64xi32, #tpu.memory_space<hbm>>) dst(%arg18 : memref<64xi32, #tpu.memory_space<vmem>>)
      tpu.yield
    }) : () -> ()
    "tpu.region"() ({
      %run_scoped3A = tpu.sem_alloc : memref<!tpu.dma_semaphore, #tpu.memory_space<semaphore_mem>>
      %dma_start3A = tpu.memref_slice %arg6[%add3A_96] : memref<8192xi32, #tpu.memory_space<hbm>> -> memref<64xi32, #tpu.memory_space<hbm>>
      %dma_start3A_359 = tpu.memref_slice %arg6[%add3A_96] : memref<8192xi32, #tpu.memory_space<hbm>> -> memref<64xi32, #tpu.memory_space<hbm>>
      tpu.enqueue_dma source(%dma_start3A_359 : memref<64xi32, #tpu.memory_space<hbm>>) target(%arg19 : memref<64xi32, #tpu.memory_space<vmem>>) target_semaphore(%run_scoped3A : memref<!tpu.dma_semaphore, #tpu.memory_space<semaphore_mem>>)
      %dma_wait3A = tpu.memref_slice %arg6[%add3A_96] : memref<8192xi32, #tpu.memory_space<hbm>> -> memref<64xi32, #tpu.memory_space<hbm>>
      %dma_wait3A_360 = tpu.memref_slice %arg6[%add3A_96] : memref<8192xi32, #tpu.memory_space<hbm>> -> memref<64xi32, #tpu.memory_space<hbm>>
      tpu.wait_dma2 semaphore(%run_scoped3A : memref<!tpu.dma_semaphore, #tpu.memory_space<semaphore_mem>>) src(%dma_wait3A_360 : memref<64xi32, #tpu.memory_space<hbm>>) dst(%arg19 : memref<64xi32, #tpu.memory_space<vmem>>)
      tpu.yield
    }) : () -> ()
    %get3A_129 = arith.constant 0 : index
    %get3A_130 = tpu.vector_load %arg18[%get3A_129] {strides = array<i32>} : memref<64xi32, #tpu.memory_space<vmem>>, vector<16xi32>,
    %gather3A_131 = tpu.vector_load_idx %arg14[%get3A_130] : memref<16xi32, #tpu.memory_space<vmem>>[vector<16xi32>], vector<16xi32>,
    %get3A_132 = arith.constant 0 : index
    %get3A_133 = tpu.vector_load %arg19[%get3A_132] {strides = array<i32>} : memref<64xi32, #tpu.memory_space<vmem>>, vector<16xi32>,
    %add3A_134 = arith.addi %gather3A_131, %get3A_133 : vector<16xi32>
    %swap3A_135 = arith.constant 0 : index
    %swap3A_136 = tpu.vector_load %arg17[%swap3A_135] {strides = array<i32>} : memref<64xi32, #tpu.memory_space<vmem>>, vector<16xi32>,
    tpu.vector_store %arg17[%swap3A_135], %add3A_134 {strides = array<i32>} : memref<64xi32, #tpu.memory_space<vmem>>, vector<16xi32>,
    %get3A_137 = arith.constant 16 : index
    %get3A_138 = tpu.vector_load %arg18[%get3A_137] {strides = array<i32>} : memref<64xi32, #tpu.memory_space<vmem>>, vector<16xi32>,
    %gather3A_139 = tpu.vector_load_idx %arg14[%get3A_138] : memref<16xi32, #tpu.memory_space<vmem>>[vector<16xi32>], vector<16xi32>,
    %get3A_140 = arith.constant 16 : index
    %get3A_141 = tpu.vector_load %arg19[%get3A_140] {strides = array<i32>} : memref<64xi32, #tpu.memory_space<vmem>>, vector<16xi32>,
    %add3A_142 = arith.addi %gather3A_139, %get3A_141 : vector<16xi32>
    %swap3A_143 = arith.constant 16 : index
    %swap3A_144 = tpu.vector_load %arg17[%swap3A_143] {strides = array<i32>} : memref<64xi32, #tpu.memory_space<vmem>>, vector<16xi32>,
    tpu.vector_store %arg17[%swap3A_143], %add3A_142 {strides = array<i32>} : memref<64xi32, #tpu.memory_space<vmem>>, vector<16xi32>,
    %get3A_145 = arith.constant 32 : index
    %get3A_146 = tpu.vector_load %arg18[%get3A_145] {strides = array<i32>} : memref<64xi32, #tpu.memory_space<vmem>>, vector<16xi32>,
    %gather3A_147 = tpu.vector_load_idx %arg14[%get3A_146] : memref<16xi32, #tpu.memory_space<vmem>>[vector<16xi32>], vector<16xi32>,
    %get3A_148 = arith.constant 32 : index
    %get3A_149 = tpu.vector_load %arg19[%get3A_148] {strides = array<i32>} : memref<64xi32, #tpu.memory_space<vmem>>, vector<16xi32>,
    %add3A_150 = arith.addi %gather3A_147, %get3A_149 : vector<16xi32>
    %swap3A_151 = arith.constant 32 : index
    %swap3A_152 = tpu.vector_load %arg17[%swap3A_151] {strides = array<i32>} : memref<64xi32, #tpu.memory_space<vmem>>, vector<16xi32>,
    tpu.vector_store %arg17[%swap3A_151], %add3A_150 {strides = array<i32>} : memref<64xi32, #tpu.memory_space<vmem>>, vector<16xi32>,
    %get3A_153 = arith.constant 48 : index
    %get3A_154 = tpu.vector_load %arg18[%get3A_153] {strides = array<i32>} : memref<64xi32, #tpu.memory_space<vmem>>, vector<16xi32>,
    %gather3A_155 = tpu.vector_load_idx %arg14[%get3A_154] : memref<16xi32, #tpu.memory_space<vmem>>[vector<16xi32>], vector<16xi32>,
    %get3A_156 = arith.constant 48 : index
    %get3A_157 = tpu.vector_load %arg19[%get3A_156] {strides = array<i32>} : memref<64xi32, #tpu.memory_space<vmem>>, vector<16xi32>,
    %add3A_158 = arith.addi %gather3A_155, %get3A_157 : vector<16xi32>
    %swap3A_159 = arith.constant 48 : index
    %swap3A_160 = tpu.vector_load %arg17[%swap3A_159] {strides = array<i32>} : memref<64xi32, #tpu.memory_space<vmem>>, vector<16xi32>,
    tpu.vector_store %arg17[%swap3A_159], %add3A_158 {strides = array<i32>} : memref<64xi32, #tpu.memory_space<vmem>>, vector<16xi32>,
    "tpu.region"() ({
      %run_scoped3A = tpu.sem_alloc : memref<!tpu.dma_semaphore, #tpu.memory_space<semaphore_mem>>
      %dma_start3A = tpu.memref_slice %arg10[%add3A_96] : memref<8192xi32, #tpu.memory_space<hbm>> -> memref<64xi32, #tpu.memory_space<hbm>>
      %dma_start3A_359 = tpu.memref_slice %arg10[%add3A_96] : memref<8192xi32, #tpu.memory_space<hbm>> -> memref<64xi32, #tpu.memory_space<hbm>>
      tpu.enqueue_dma source(%arg17 : memref<64xi32, #tpu.memory_space<vmem>>) target(%dma_start3A_359 : memref<64xi32, #tpu.memory_space<hbm>>) target_semaphore(%run_scoped3A : memref<!tpu.dma_semaphore, #tpu.memory_space<semaphore_mem>>)
      %dma_wait3A = tpu.memref_slice %arg10[%add3A_96] : memref<8192xi32, #tpu.memory_space<hbm>> -> memref<64xi32, #tpu.memory_space<hbm>>
      %dma_wait3A_360 = tpu.memref_slice %arg10[%add3A_96] : memref<8192xi32, #tpu.memory_space<hbm>> -> memref<64xi32, #tpu.memory_space<hbm>>
      tpu.wait_dma2 semaphore(%run_scoped3A : memref<!tpu.dma_semaphore, #tpu.memory_space<semaphore_mem>>) src(%arg17 : memref<64xi32, #tpu.memory_space<vmem>>) dst(%dma_wait3A_360 : memref<64xi32, #tpu.memory_space<hbm>>)
      tpu.yield
    }) : () -> ()
    "tpu.region"() ({
      %run_scoped3A = tpu.sem_alloc : memref<!tpu.dma_semaphore, #tpu.memory_space<semaphore_mem>>
      %dma_start3A = arith.constant 0 : i32
      %dma_start3A_359 = arith.constant 0 : i32
      %dma_start3A_360 = tpu.memref_slice %arg8[%dma_start3A, %dma_start3A_359] : memref<20480x1024xf32, #tpu.memory_space<hbm>> -> memref<20480x1024xf32, #tpu.memory_space<hbm>>
      tpu.enqueue_indirect_dma source(%arg12 : memref<64x1024xf32, #tpu.memory_space<vmem>>) target(%dma_start3A_360 : memref<20480x1024xf32, #tpu.memory_space<hbm>>) offsets(%arg17 : memref<64xi32, #tpu.memory_space<vmem>>) semaphore(%run_scoped3A : memref<!tpu.dma_semaphore, #tpu.memory_space<semaphore_mem>>)
      %dma_wait3A = arith.constant 0 : i32
      %dma_wait3A_361 = arith.constant 0 : i32
      %dma_wait3A_362 = tpu.memref_slice %arg8[%dma_wait3A, %dma_wait3A_361] : memref<20480x1024xf32, #tpu.memory_space<hbm>> -> memref<20480x1024xf32, #tpu.memory_space<hbm>>
      tpu.wait_indirect_dma semaphore(%run_scoped3A : memref<!tpu.dma_semaphore, #tpu.memory_space<semaphore_mem>>) src(%arg12 : memref<64x1024xf32, #tpu.memory_space<vmem>>) dst(%dma_wait3A_362 : memref<20480x1024xf32, #tpu.memory_space<hbm>>)
      tpu.yield
    }) : () -> ()
    %add3A_161 = arith.constant 64 : i32
    %add3A_162 = arith.addi %mul3A_2, %add3A_161 : i32
    "tpu.region"() ({
      %run_scoped3A = tpu.sem_alloc : memref<!tpu.dma_semaphore, #tpu.memory_space<semaphore_mem>>
      %dma_start3A = arith.constant 0 : i32
      %dma_start3A_359 = tpu.memref_slice %arg2[%add3A_162, %dma_start3A] : memref<8192x1024xf32, #tpu.memory_space<hbm>> -> memref<64x1024xf32, #tpu.memory_space<hbm>>
      %dma_start3A_360 = arith.constant 0 : i32
      %dma_start3A_361 = tpu.memref_slice %arg2[%add3A_162, %dma_start3A_360] : memref<8192x1024xf32, #tpu.memory_space<hbm>> -> memref<64x1024xf32, #tpu.memory_space<hbm>>
      tpu.enqueue_dma source(%dma_start3A_361 : memref<64x1024xf32, #tpu.memory_space<hbm>>) target(%arg12 : memref<64x1024xf32, #tpu.memory_space<vmem>>) target_semaphore(%run_scoped3A : memref<!tpu.dma_semaphore, #tpu.memory_space<semaphore_mem>>)
      %dma_wait3A = arith.constant 0 : i32
      %dma_wait3A_362 = tpu.memref_slice %arg2[%add3A_162, %dma_wait3A] : memref<8192x1024xf32, #tpu.memory_space<hbm>> -> memref<64x1024xf32, #tpu.memory_space<hbm>>
      %dma_wait3A_363 = arith.constant 0 : i32
      %dma_wait3A_364 = tpu.memref_slice %arg2[%add3A_162, %dma_wait3A_363] : memref<8192x1024xf32, #tpu.memory_space<hbm>> -> memref<64x1024xf32, #tpu.memory_space<hbm>>
      tpu.wait_dma2 semaphore(%run_scoped3A : memref<!tpu.dma_semaphore, #tpu.memory_space<semaphore_mem>>) src(%dma_wait3A_364 : memref<64x1024xf32, #tpu.memory_space<hbm>>) dst(%arg12 : memref<64x1024xf32, #tpu.memory_space<vmem>>)
      tpu.yield
    }) : () -> ()
    "tpu.region"() ({
      %run_scoped3A = tpu.sem_alloc : memref<!tpu.dma_semaphore, #tpu.memory_space<semaphore_mem>>
      %dma_start3A = tpu.memref_slice %arg3[%add3A_162] : memref<8192xi32, #tpu.memory_space<hbm>> -> memref<64xi32, #tpu.memory_space<hbm>>
      %dma_start3A_359 = tpu.memref_slice %arg3[%add3A_162] : memref<8192xi32, #tpu.memory_space<hbm>> -> memref<64xi32, #tpu.memory_space<hbm>>
      tpu.enqueue_dma source(%dma_start3A_359 : memref<64xi32, #tpu.memory_space<hbm>>) target(%arg18 : memref<64xi32, #tpu.memory_space<vmem>>) target_semaphore(%run_scoped3A : memref<!tpu.dma_semaphore, #tpu.memory_space<semaphore_mem>>)
      %dma_wait3A = tpu.memref_slice %arg3[%add3A_162] : memref<8192xi32, #tpu.memory_space<hbm>> -> memref<64xi32, #tpu.memory_space<hbm>>
      %dma_wait3A_360 = tpu.memref_slice %arg3[%add3A_162] : memref<8192xi32, #tpu.memory_space<hbm>> -> memref<64xi32, #tpu.memory_space<hbm>>
      tpu.wait_dma2 semaphore(%run_scoped3A : memref<!tpu.dma_semaphore, #tpu.memory_space<semaphore_mem>>) src(%dma_wait3A_360 : memref<64xi32, #tpu.memory_space<hbm>>) dst(%arg18 : memref<64xi32, #tpu.memory_space<vmem>>)
      tpu.yield
    }) : () -> ()
    "tpu.region"() ({
      %run_scoped3A = tpu.sem_alloc : memref<!tpu.dma_semaphore, #tpu.memory_space<semaphore_mem>>
      %dma_start3A = tpu.memref_slice %arg5[%add3A_162] : memref<8192xi32, #tpu.memory_space<hbm>> -> memref<64xi32, #tpu.memory_space<hbm>>
      %dma_start3A_359 = tpu.memref_slice %arg5[%add3A_162] : memref<8192xi32, #tpu.memory_space<hbm>> -> memref<64xi32, #tpu.memory_space<hbm>>
      tpu.enqueue_dma source(%dma_start3A_359 : memref<64xi32, #tpu.memory_space<hbm>>) target(%arg19 : memref<64xi32, #tpu.memory_space<vmem>>) target_semaphore(%run_scoped3A : memref<!tpu.dma_semaphore, #tpu.memory_space<semaphore_mem>>)
      %dma_wait3A = tpu.memref_slice %arg5[%add3A_162] : memref<8192xi32, #tpu.memory_space<hbm>> -> memref<64xi32, #tpu.memory_space<hbm>>
      %dma_wait3A_360 = tpu.memref_slice %arg5[%add3A_162] : memref<8192xi32, #tpu.memory_space<hbm>> -> memref<64xi32, #tpu.memory_space<hbm>>
      tpu.wait_dma2 semaphore(%run_scoped3A : memref<!tpu.dma_semaphore, #tpu.memory_space<semaphore_mem>>) src(%dma_wait3A_360 : memref<64xi32, #tpu.memory_space<hbm>>) dst(%arg19 : memref<64xi32, #tpu.memory_space<vmem>>)
      tpu.yield
    }) : () -> ()
    %get3A_163 = arith.constant 0 : index
    %get3A_164 = tpu.vector_load %arg18[%get3A_163] {strides = array<i32>} : memref<64xi32, #tpu.memory_space<vmem>>, vector<16xi32>,
    %gather3A_165 = tpu.vector_load_idx %arg14[%get3A_164] : memref<16xi32, #tpu.memory_space<vmem>>[vector<16xi32>], vector<16xi32>,
    %get3A_166 = arith.constant 0 : index
    %get3A_167 = tpu.vector_load %arg19[%get3A_166] {strides = array<i32>} : memref<64xi32, #tpu.memory_space<vmem>>, vector<16xi32>,
    %add3A_168 = arith.addi %gather3A_165, %get3A_167 : vector<16xi32>
    %swap3A_169 = arith.constant 0 : index
    %swap3A_170 = tpu.vector_load %arg16[%swap3A_169] {strides = array<i32>} : memref<64xi32, #tpu.memory_space<vmem>>, vector<16xi32>,
    tpu.vector_store %arg16[%swap3A_169], %add3A_168 {strides = array<i32>} : memref<64xi32, #tpu.memory_space<vmem>>, vector<16xi32>,
    %get3A_171 = arith.constant 16 : index
    %get3A_172 = tpu.vector_load %arg18[%get3A_171] {strides = array<i32>} : memref<64xi32, #tpu.memory_space<vmem>>, vector<16xi32>,
    %gather3A_173 = tpu.vector_load_idx %arg14[%get3A_172] : memref<16xi32, #tpu.memory_space<vmem>>[vector<16xi32>], vector<16xi32>,
    %get3A_174 = arith.constant 16 : index
    %get3A_175 = tpu.vector_load %arg19[%get3A_174] {strides = array<i32>} : memref<64xi32, #tpu.memory_space<vmem>>, vector<16xi32>,
    %add3A_176 = arith.addi %gather3A_173, %get3A_175 : vector<16xi32>
    %swap3A_177 = arith.constant 16 : index
    %swap3A_178 = tpu.vector_load %arg16[%swap3A_177] {strides = array<i32>} : memref<64xi32, #tpu.memory_space<vmem>>, vector<16xi32>,
    tpu.vector_store %arg16[%swap3A_177], %add3A_176 {strides = array<i32>} : memref<64xi32, #tpu.memory_space<vmem>>, vector<16xi32>,
    %get3A_179 = arith.constant 32 : index
    %get3A_180 = tpu.vector_load %arg18[%get3A_179] {strides = array<i32>} : memref<64xi32, #tpu.memory_space<vmem>>, vector<16xi32>,
    %gather3A_181 = tpu.vector_load_idx %arg14[%get3A_180] : memref<16xi32, #tpu.memory_space<vmem>>[vector<16xi32>], vector<16xi32>,
    %get3A_182 = arith.constant 32 : index
    %get3A_183 = tpu.vector_load %arg19[%get3A_182] {strides = array<i32>} : memref<64xi32, #tpu.memory_space<vmem>>, vector<16xi32>,
    %add3A_184 = arith.addi %gather3A_181, %get3A_183 : vector<16xi32>
    %swap3A_185 = arith.constant 32 : index
    %swap3A_186 = tpu.vector_load %arg16[%swap3A_185] {strides = array<i32>} : memref<64xi32, #tpu.memory_space<vmem>>, vector<16xi32>,
    tpu.vector_store %arg16[%swap3A_185], %add3A_184 {strides = array<i32>} : memref<64xi32, #tpu.memory_space<vmem>>, vector<16xi32>,
    %get3A_187 = arith.constant 48 : index
    %get3A_188 = tpu.vector_load %arg18[%get3A_187] {strides = array<i32>} : memref<64xi32, #tpu.memory_space<vmem>>, vector<16xi32>,
    %gather3A_189 = tpu.vector_load_idx %arg14[%get3A_188] : memref<16xi32, #tpu.memory_space<vmem>>[vector<16xi32>], vector<16xi32>,
    %get3A_190 = arith.constant 48 : index
    %get3A_191 = tpu.vector_load %arg19[%get3A_190] {strides = array<i32>} : memref<64xi32, #tpu.memory_space<vmem>>, vector<16xi32>,
    %add3A_192 = arith.addi %gather3A_189, %get3A_191 : vector<16xi32>
    %swap3A_193 = arith.constant 48 : index
    %swap3A_194 = tpu.vector_load %arg16[%swap3A_193] {strides = array<i32>} : memref<64xi32, #tpu.memory_space<vmem>>, vector<16xi32>,
    tpu.vector_store %arg16[%swap3A_193], %add3A_192 {strides = array<i32>} : memref<64xi32, #tpu.memory_space<vmem>>, vector<16xi32>,
    "tpu.region"() ({
      %run_scoped3A = tpu.sem_alloc : memref<!tpu.dma_semaphore, #tpu.memory_space<semaphore_mem>>
      %dma_start3A = tpu.memref_slice %arg9[%add3A_162] : memref<8192xi32, #tpu.memory_space<hbm>> -> memref<64xi32, #tpu.memory_space<hbm>>
      %dma_start3A_359 = tpu.memref_slice %arg9[%add3A_162] : memref<8192xi32, #tpu.memory_space<hbm>> -> memref<64xi32, #tpu.memory_space<hbm>>
      tpu.enqueue_dma source(%arg16 : memref<64xi32, #tpu.memory_space<vmem>>) target(%dma_start3A_359 : memref<64xi32, #tpu.memory_space<hbm>>) target_semaphore(%run_scoped3A : memref<!tpu.dma_semaphore, #tpu.memory_space<semaphore_mem>>)
      %dma_wait3A = tpu.memref_slice %arg9[%add3A_162] : memref<8192xi32, #tpu.memory_space<hbm>> -> memref<64xi32, #tpu.memory_space<hbm>>
      %dma_wait3A_360 = tpu.memref_slice %arg9[%add3A_162] : memref<8192xi32, #tpu.memory_space<hbm>> -> memref<64xi32, #tpu.memory_space<hbm>>
      tpu.wait_dma2 semaphore(%run_scoped3A : memref<!tpu.dma_semaphore, #tpu.memory_space<semaphore_mem>>) src(%arg16 : memref<64xi32, #tpu.memory_space<vmem>>) dst(%dma_wait3A_360 : memref<64xi32, #tpu.memory_space<hbm>>)
      tpu.yield
    }) : () -> ()
    "tpu.region"() ({
      %run_scoped3A = tpu.sem_alloc : memref<!tpu.dma_semaphore, #tpu.memory_space<semaphore_mem>>
      %dma_start3A = arith.constant 0 : i32
      %dma_start3A_359 = arith.constant 0 : i32
      %dma_start3A_360 = tpu.memref_slice %arg8[%dma_start3A, %dma_start3A_359] : memref<20480x1024xf32, #tpu.memory_space<hbm>> -> memref<20480x1024xf32, #tpu.memory_space<hbm>>
      tpu.enqueue_indirect_dma source(%arg12 : memref<64x1024xf32, #tpu.memory_space<vmem>>) target(%dma_start3A_360 : memref<20480x1024xf32, #tpu.memory_space<hbm>>) offsets(%arg16 : memref<64xi32, #tpu.memory_space<vmem>>) semaphore(%run_scoped3A : memref<!tpu.dma_semaphore, #tpu.memory_space<semaphore_mem>>)
      %dma_wait3A = arith.constant 0 : i32
      %dma_wait3A_361 = arith.constant 0 : i32
      %dma_wait3A_362 = tpu.memref_slice %arg8[%dma_wait3A, %dma_wait3A_361] : memref<20480x1024xf32, #tpu.memory_space<hbm>> -> memref<20480x1024xf32, #tpu.memory_space<hbm>>
      tpu.wait_indirect_dma semaphore(%run_scoped3A : memref<!tpu.dma_semaphore, #tpu.memory_space<semaphore_mem>>) src(%arg12 : memref<64x1024xf32, #tpu.memory_space<vmem>>) dst(%dma_wait3A_362 : memref<20480x1024xf32, #tpu.memory_space<hbm>>)
      tpu.yield
    }) : () -> ()
    "tpu.region"() ({
      %run_scoped3A = tpu.sem_alloc : memref<!tpu.dma_semaphore, #tpu.memory_space<semaphore_mem>>
      %dma_start3A = tpu.memref_slice %arg4[%add3A_162] : memref<8192xi32, #tpu.memory_space<hbm>> -> memref<64xi32, #tpu.memory_space<hbm>>
      %dma_start3A_359 = tpu.memref_slice %arg4[%add3A_162] : memref<8192xi32, #tpu.memory_space<hbm>> -> memref<64xi32, #tpu.memory_space<hbm>>
      tpu.enqueue_dma source(%dma_start3A_359 : memref<64xi32, #tpu.memory_space<hbm>>) target(%arg18 : memref<64xi32, #tpu.memory_space<vmem>>) target_semaphore(%run_scoped3A : memref<!tpu.dma_semaphore, #tpu.memory_space<semaphore_mem>>)
      %dma_wait3A = tpu.memref_slice %arg4[%add3A_162] : memref<8192xi32, #tpu.memory_space<hbm>> -> memref<64xi32, #tpu.memory_space<hbm>>
      %dma_wait3A_360 = tpu.memref_slice %arg4[%add3A_162] : memref<8192xi32, #tpu.memory_space<hbm>> -> memref<64xi32, #tpu.memory_space<hbm>>
      tpu.wait_dma2 semaphore(%run_scoped3A : memref<!tpu.dma_semaphore, #tpu.memory_space<semaphore_mem>>) src(%dma_wait3A_360 : memref<64xi32, #tpu.memory_space<hbm>>) dst(%arg18 : memref<64xi32, #tpu.memory_space<vmem>>)
      tpu.yield
    }) : () -> ()
    "tpu.region"() ({
      %run_scoped3A = tpu.sem_alloc : memref<!tpu.dma_semaphore, #tpu.memory_space<semaphore_mem>>
      %dma_start3A = tpu.memref_slice %arg6[%add3A_162] : memref<8192xi32, #tpu.memory_space<hbm>> -> memref<64xi32, #tpu.memory_space<hbm>>
      %dma_start3A_359 = tpu.memref_slice %arg6[%add3A_162] : memref<8192xi32, #tpu.memory_space<hbm>> -> memref<64xi32, #tpu.memory_space<hbm>>
      tpu.enqueue_dma source(%dma_start3A_359 : memref<64xi32, #tpu.memory_space<hbm>>) target(%arg19 : memref<64xi32, #tpu.memory_space<vmem>>) target_semaphore(%run_scoped3A : memref<!tpu.dma_semaphore, #tpu.memory_space<semaphore_mem>>)
      %dma_wait3A = tpu.memref_slice %arg6[%add3A_162] : memref<8192xi32, #tpu.memory_space<hbm>> -> memref<64xi32, #tpu.memory_space<hbm>>
      %dma_wait3A_360 = tpu.memref_slice %arg6[%add3A_162] : memref<8192xi32, #tpu.memory_space<hbm>> -> memref<64xi32, #tpu.memory_space<hbm>>
      tpu.wait_dma2 semaphore(%run_scoped3A : memref<!tpu.dma_semaphore, #tpu.memory_space<semaphore_mem>>) src(%dma_wait3A_360 : memref<64xi32, #tpu.memory_space<hbm>>) dst(%arg19 : memref<64xi32, #tpu.memory_space<vmem>>)
      tpu.yield
    }) : () -> ()
    %get3A_195 = arith.constant 0 : index
    %get3A_196 = tpu.vector_load %arg18[%get3A_195] {strides = array<i32>} : memref<64xi32, #tpu.memory_space<vmem>>, vector<16xi32>,
    %gather3A_197 = tpu.vector_load_idx %arg14[%get3A_196] : memref<16xi32, #tpu.memory_space<vmem>>[vector<16xi32>], vector<16xi32>,
    %get3A_198 = arith.constant 0 : index
    %get3A_199 = tpu.vector_load %arg19[%get3A_198] {strides = array<i32>} : memref<64xi32, #tpu.memory_space<vmem>>, vector<16xi32>,
    %add3A_200 = arith.addi %gather3A_197, %get3A_199 : vector<16xi32>
    %swap3A_201 = arith.constant 0 : index
    %swap3A_202 = tpu.vector_load %arg17[%swap3A_201] {strides = array<i32>} : memref<64xi32, #tpu.memory_space<vmem>>, vector<16xi32>,
    tpu.vector_store %arg17[%swap3A_201], %add3A_200 {strides = array<i32>} : memref<64xi32, #tpu.memory_space<vmem>>, vector<16xi32>,
    %get3A_203 = arith.constant 16 : index
    %get3A_204 = tpu.vector_load %arg18[%get3A_203] {strides = array<i32>} : memref<64xi32, #tpu.memory_space<vmem>>, vector<16xi32>,
    %gather3A_205 = tpu.vector_load_idx %arg14[%get3A_204] : memref<16xi32, #tpu.memory_space<vmem>>[vector<16xi32>], vector<16xi32>,
    %get3A_206 = arith.constant 16 : index
    %get3A_207 = tpu.vector_load %arg19[%get3A_206] {strides = array<i32>} : memref<64xi32, #tpu.memory_space<vmem>>, vector<16xi32>,
    %add3A_208 = arith.addi %gather3A_205, %get3A_207 : vector<16xi32>
    %swap3A_209 = arith.constant 16 : index
    %swap3A_210 = tpu.vector_load %arg17[%swap3A_209] {strides = array<i32>} : memref<64xi32, #tpu.memory_space<vmem>>, vector<16xi32>,
    tpu.vector_store %arg17[%swap3A_209], %add3A_208 {strides = array<i32>} : memref<64xi32, #tpu.memory_space<vmem>>, vector<16xi32>,
    %get3A_211 = arith.constant 32 : index
    %get3A_212 = tpu.vector_load %arg18[%get3A_211] {strides = array<i32>} : memref<64xi32, #tpu.memory_space<vmem>>, vector<16xi32>,
    %gather3A_213 = tpu.vector_load_idx %arg14[%get3A_212] : memref<16xi32, #tpu.memory_space<vmem>>[vector<16xi32>], vector<16xi32>,
    %get3A_214 = arith.constant 32 : index
    %get3A_215 = tpu.vector_load %arg19[%get3A_214] {strides = array<i32>} : memref<64xi32, #tpu.memory_space<vmem>>, vector<16xi32>,
    %add3A_216 = arith.addi %gather3A_213, %get3A_215 : vector<16xi32>
    %swap3A_217 = arith.constant 32 : index
    %swap3A_218 = tpu.vector_load %arg17[%swap3A_217] {strides = array<i32>} : memref<64xi32, #tpu.memory_space<vmem>>, vector<16xi32>,
    tpu.vector_store %arg17[%swap3A_217], %add3A_216 {strides = array<i32>} : memref<64xi32, #tpu.memory_space<vmem>>, vector<16xi32>,
    %get3A_219 = arith.constant 48 : index
    %get3A_220 = tpu.vector_load %arg18[%get3A_219] {strides = array<i32>} : memref<64xi32, #tpu.memory_space<vmem>>, vector<16xi32>,
    %gather3A_221 = tpu.vector_load_idx %arg14[%get3A_220] : memref<16xi32, #tpu.memory_space<vmem>>[vector<16xi32>], vector<16xi32>,
    %get3A_222 = arith.constant 48 : index
    %get3A_223 = tpu.vector_load %arg19[%get3A_222] {strides = array<i32>} : memref<64xi32, #tpu.memory_space<vmem>>, vector<16xi32>,
    %add3A_224 = arith.addi %gather3A_221, %get3A_223 : vector<16xi32>
    %swap3A_225 = arith.constant 48 : index
    %swap3A_226 = tpu.vector_load %arg17[%swap3A_225] {strides = array<i32>} : memref<64xi32, #tpu.memory_space<vmem>>, vector<16xi32>,
    tpu.vector_store %arg17[%swap3A_225], %add3A_224 {strides = array<i32>} : memref<64xi32, #tpu.memory_space<vmem>>, vector<16xi32>,
    "tpu.region"() ({
      %run_scoped3A = tpu.sem_alloc : memref<!tpu.dma_semaphore, #tpu.memory_space<semaphore_mem>>
      %dma_start3A = tpu.memref_slice %arg10[%add3A_162] : memref<8192xi32, #tpu.memory_space<hbm>> -> memref<64xi32, #tpu.memory_space<hbm>>
      %dma_start3A_359 = tpu.memref_slice %arg10[%add3A_162] : memref<8192xi32, #tpu.memory_space<hbm>> -> memref<64xi32, #tpu.memory_space<hbm>>
      tpu.enqueue_dma source(%arg17 : memref<64xi32, #tpu.memory_space<vmem>>) target(%dma_start3A_359 : memref<64xi32, #tpu.memory_space<hbm>>) target_semaphore(%run_scoped3A : memref<!tpu.dma_semaphore, #tpu.memory_space<semaphore_mem>>)
      %dma_wait3A = tpu.memref_slice %arg10[%add3A_162] : memref<8192xi32, #tpu.memory_space<hbm>> -> memref<64xi32, #tpu.memory_space<hbm>>
      %dma_wait3A_360 = tpu.memref_slice %arg10[%add3A_162] : memref<8192xi32, #tpu.memory_space<hbm>> -> memref<64xi32, #tpu.memory_space<hbm>>
      tpu.wait_dma2 semaphore(%run_scoped3A : memref<!tpu.dma_semaphore, #tpu.memory_space<semaphore_mem>>) src(%arg17 : memref<64xi32, #tpu.memory_space<vmem>>) dst(%dma_wait3A_360 : memref<64xi32, #tpu.memory_space<hbm>>)
      tpu.yield
    }) : () -> ()
    "tpu.region"() ({
      %run_scoped3A = tpu.sem_alloc : memref<!tpu.dma_semaphore, #tpu.memory_space<semaphore_mem>>
      %dma_start3A = arith.constant 0 : i32
      %dma_start3A_359 = arith.constant 0 : i32
      %dma_start3A_360 = tpu.memref_slice %arg8[%dma_start3A, %dma_start3A_359] : memref<20480x1024xf32, #tpu.memory_space<hbm>> -> memref<20480x1024xf32, #tpu.memory_space<hbm>>
      tpu.enqueue_indirect_dma source(%arg12 : memref<64x1024xf32, #tpu.memory_space<vmem>>) target(%dma_start3A_360 : memref<20480x1024xf32, #tpu.memory_space<hbm>>) offsets(%arg17 : memref<64xi32, #tpu.memory_space<vmem>>) semaphore(%run_scoped3A : memref<!tpu.dma_semaphore, #tpu.memory_space<semaphore_mem>>)
      %dma_wait3A = arith.constant 0 : i32
      %dma_wait3A_361 = arith.constant 0 : i32
      %dma_wait3A_362 = tpu.memref_slice %arg8[%dma_wait3A, %dma_wait3A_361] : memref<20480x1024xf32, #tpu.memory_space<hbm>> -> memref<20480x1024xf32, #tpu.memory_space<hbm>>
      tpu.wait_indirect_dma semaphore(%run_scoped3A : memref<!tpu.dma_semaphore, #tpu.memory_space<semaphore_mem>>) src(%arg12 : memref<64x1024xf32, #tpu.memory_space<vmem>>) dst(%dma_wait3A_362 : memref<20480x1024xf32, #tpu.memory_space<hbm>>)
      tpu.yield
    }) : () -> ()
    %add3A_227 = arith.constant 128 : i32
    %add3A_228 = arith.addi %mul3A_2, %add3A_227 : i32
    "tpu.region"() ({
      %run_scoped3A = tpu.sem_alloc : memref<!tpu.dma_semaphore, #tpu.memory_space<semaphore_mem>>
      %dma_start3A = arith.constant 0 : i32
      %dma_start3A_359 = tpu.memref_slice %arg2[%add3A_228, %dma_start3A] : memref<8192x1024xf32, #tpu.memory_space<hbm>> -> memref<64x1024xf32, #tpu.memory_space<hbm>>
      %dma_start3A_360 = arith.constant 0 : i32
      %dma_start3A_361 = tpu.memref_slice %arg2[%add3A_228, %dma_start3A_360] : memref<8192x1024xf32, #tpu.memory_space<hbm>> -> memref<64x1024xf32, #tpu.memory_space<hbm>>
      tpu.enqueue_dma source(%dma_start3A_361 : memref<64x1024xf32, #tpu.memory_space<hbm>>) target(%arg12 : memref<64x1024xf32, #tpu.memory_space<vmem>>) target_semaphore(%run_scoped3A : memref<!tpu.dma_semaphore, #tpu.memory_space<semaphore_mem>>)
      %dma_wait3A = arith.constant 0 : i32
      %dma_wait3A_362 = tpu.memref_slice %arg2[%add3A_228, %dma_wait3A] : memref<8192x1024xf32, #tpu.memory_space<hbm>> -> memref<64x1024xf32, #tpu.memory_space<hbm>>
      %dma_wait3A_363 = arith.constant 0 : i32
      %dma_wait3A_364 = tpu.memref_slice %arg2[%add3A_228, %dma_wait3A_363] : memref<8192x1024xf32, #tpu.memory_space<hbm>> -> memref<64x1024xf32, #tpu.memory_space<hbm>>
      tpu.wait_dma2 semaphore(%run_scoped3A : memref<!tpu.dma_semaphore, #tpu.memory_space<semaphore_mem>>) src(%dma_wait3A_364 : memref<64x1024xf32, #tpu.memory_space<hbm>>) dst(%arg12 : memref<64x1024xf32, #tpu.memory_space<vmem>>)
      tpu.yield
    }) : () -> ()
    "tpu.region"() ({
      %run_scoped3A = tpu.sem_alloc : memref<!tpu.dma_semaphore, #tpu.memory_space<semaphore_mem>>
      %dma_start3A = tpu.memref_slice %arg3[%add3A_228] : memref<8192xi32, #tpu.memory_space<hbm>> -> memref<64xi32, #tpu.memory_space<hbm>>
      %dma_start3A_359 = tpu.memref_slice %arg3[%add3A_228] : memref<8192xi32, #tpu.memory_space<hbm>> -> memref<64xi32, #tpu.memory_space<hbm>>
      tpu.enqueue_dma source(%dma_start3A_359 : memref<64xi32, #tpu.memory_space<hbm>>) target(%arg18 : memref<64xi32, #tpu.memory_space<vmem>>) target_semaphore(%run_scoped3A : memref<!tpu.dma_semaphore, #tpu.memory_space<semaphore_mem>>)
      %dma_wait3A = tpu.memref_slice %arg3[%add3A_228] : memref<8192xi32, #tpu.memory_space<hbm>> -> memref<64xi32, #tpu.memory_space<hbm>>
      %dma_wait3A_360 = tpu.memref_slice %arg3[%add3A_228] : memref<8192xi32, #tpu.memory_space<hbm>> -> memref<64xi32, #tpu.memory_space<hbm>>
      tpu.wait_dma2 semaphore(%run_scoped3A : memref<!tpu.dma_semaphore, #tpu.memory_space<semaphore_mem>>) src(%dma_wait3A_360 : memref<64xi32, #tpu.memory_space<hbm>>) dst(%arg18 : memref<64xi32, #tpu.memory_space<vmem>>)
      tpu.yield
    }) : () -> ()
    "tpu.region"() ({
      %run_scoped3A = tpu.sem_alloc : memref<!tpu.dma_semaphore, #tpu.memory_space<semaphore_mem>>
      %dma_start3A = tpu.memref_slice %arg5[%add3A_228] : memref<8192xi32, #tpu.memory_space<hbm>> -> memref<64xi32, #tpu.memory_space<hbm>>
      %dma_start3A_359 = tpu.memref_slice %arg5[%add3A_228] : memref<8192xi32, #tpu.memory_space<hbm>> -> memref<64xi32, #tpu.memory_space<hbm>>
      tpu.enqueue_dma source(%dma_start3A_359 : memref<64xi32, #tpu.memory_space<hbm>>) target(%arg19 : memref<64xi32, #tpu.memory_space<vmem>>) target_semaphore(%run_scoped3A : memref<!tpu.dma_semaphore, #tpu.memory_space<semaphore_mem>>)
      %dma_wait3A = tpu.memref_slice %arg5[%add3A_228] : memref<8192xi32, #tpu.memory_space<hbm>> -> memref<64xi32, #tpu.memory_space<hbm>>
      %dma_wait3A_360 = tpu.memref_slice %arg5[%add3A_228] : memref<8192xi32, #tpu.memory_space<hbm>> -> memref<64xi32, #tpu.memory_space<hbm>>
      tpu.wait_dma2 semaphore(%run_scoped3A : memref<!tpu.dma_semaphore, #tpu.memory_space<semaphore_mem>>) src(%dma_wait3A_360 : memref<64xi32, #tpu.memory_space<hbm>>) dst(%arg19 : memref<64xi32, #tpu.memory_space<vmem>>)
      tpu.yield
    }) : () -> ()
    %get3A_229 = arith.constant 0 : index
    %get3A_230 = tpu.vector_load %arg18[%get3A_229] {strides = array<i32>} : memref<64xi32, #tpu.memory_space<vmem>>, vector<16xi32>,
    %gather3A_231 = tpu.vector_load_idx %arg14[%get3A_230] : memref<16xi32, #tpu.memory_space<vmem>>[vector<16xi32>], vector<16xi32>,
    %get3A_232 = arith.constant 0 : index
    %get3A_233 = tpu.vector_load %arg19[%get3A_232] {strides = array<i32>} : memref<64xi32, #tpu.memory_space<vmem>>, vector<16xi32>,
    %add3A_234 = arith.addi %gather3A_231, %get3A_233 : vector<16xi32>
    %swap3A_235 = arith.constant 0 : index
    %swap3A_236 = tpu.vector_load %arg16[%swap3A_235] {strides = array<i32>} : memref<64xi32, #tpu.memory_space<vmem>>, vector<16xi32>,
    tpu.vector_store %arg16[%swap3A_235], %add3A_234 {strides = array<i32>} : memref<64xi32, #tpu.memory_space<vmem>>, vector<16xi32>,
    %get3A_237 = arith.constant 16 : index
    %get3A_238 = tpu.vector_load %arg18[%get3A_237] {strides = array<i32>} : memref<64xi32, #tpu.memory_space<vmem>>, vector<16xi32>,
    %gather3A_239 = tpu.vector_load_idx %arg14[%get3A_238] : memref<16xi32, #tpu.memory_space<vmem>>[vector<16xi32>], vector<16xi32>,
    %get3A_240 = arith.constant 16 : index
    %get3A_241 = tpu.vector_load %arg19[%get3A_240] {strides = array<i32>} : memref<64xi32, #tpu.memory_space<vmem>>, vector<16xi32>,
    %add3A_242 = arith.addi %gather3A_239, %get3A_241 : vector<16xi32>
    %swap3A_243 = arith.constant 16 : index
    %swap3A_244 = tpu.vector_load %arg16[%swap3A_243] {strides = array<i32>} : memref<64xi32, #tpu.memory_space<vmem>>, vector<16xi32>,
    tpu.vector_store %arg16[%swap3A_243], %add3A_242 {strides = array<i32>} : memref<64xi32, #tpu.memory_space<vmem>>, vector<16xi32>,
    %get3A_245 = arith.constant 32 : index
    %get3A_246 = tpu.vector_load %arg18[%get3A_245] {strides = array<i32>} : memref<64xi32, #tpu.memory_space<vmem>>, vector<16xi32>,
    %gather3A_247 = tpu.vector_load_idx %arg14[%get3A_246] : memref<16xi32, #tpu.memory_space<vmem>>[vector<16xi32>], vector<16xi32>,
    %get3A_248 = arith.constant 32 : index
    %get3A_249 = tpu.vector_load %arg19[%get3A_248] {strides = array<i32>} : memref<64xi32, #tpu.memory_space<vmem>>, vector<16xi32>,
    %add3A_250 = arith.addi %gather3A_247, %get3A_249 : vector<16xi32>
    %swap3A_251 = arith.constant 32 : index
    %swap3A_252 = tpu.vector_load %arg16[%swap3A_251] {strides = array<i32>} : memref<64xi32, #tpu.memory_space<vmem>>, vector<16xi32>,
    tpu.vector_store %arg16[%swap3A_251], %add3A_250 {strides = array<i32>} : memref<64xi32, #tpu.memory_space<vmem>>, vector<16xi32>,
    %get3A_253 = arith.constant 48 : index
    %get3A_254 = tpu.vector_load %arg18[%get3A_253] {strides = array<i32>} : memref<64xi32, #tpu.memory_space<vmem>>, vector<16xi32>,
    %gather3A_255 = tpu.vector_load_idx %arg14[%get3A_254] : memref<16xi32, #tpu.memory_space<vmem>>[vector<16xi32>], vector<16xi32>,
    %get3A_256 = arith.constant 48 : index
    %get3A_257 = tpu.vector_load %arg19[%get3A_256] {strides = array<i32>} : memref<64xi32, #tpu.memory_space<vmem>>, vector<16xi32>,
    %add3A_258 = arith.addi %gather3A_255, %get3A_257 : vector<16xi32>
    %swap3A_259 = arith.constant 48 : index
    %swap3A_260 = tpu.vector_load %arg16[%swap3A_259] {strides = array<i32>} : memref<64xi32, #tpu.memory_space<vmem>>, vector<16xi32>,
    tpu.vector_store %arg16[%swap3A_259], %add3A_258 {strides = array<i32>} : memref<64xi32, #tpu.memory_space<vmem>>, vector<16xi32>,
    "tpu.region"() ({
      %run_scoped3A = tpu.sem_alloc : memref<!tpu.dma_semaphore, #tpu.memory_space<semaphore_mem>>
      %dma_start3A = tpu.memref_slice %arg9[%add3A_228] : memref<8192xi32, #tpu.memory_space<hbm>> -> memref<64xi32, #tpu.memory_space<hbm>>
      %dma_start3A_359 = tpu.memref_slice %arg9[%add3A_228] : memref<8192xi32, #tpu.memory_space<hbm>> -> memref<64xi32, #tpu.memory_space<hbm>>
      tpu.enqueue_dma source(%arg16 : memref<64xi32, #tpu.memory_space<vmem>>) target(%dma_start3A_359 : memref<64xi32, #tpu.memory_space<hbm>>) target_semaphore(%run_scoped3A : memref<!tpu.dma_semaphore, #tpu.memory_space<semaphore_mem>>)
      %dma_wait3A = tpu.memref_slice %arg9[%add3A_228] : memref<8192xi32, #tpu.memory_space<hbm>> -> memref<64xi32, #tpu.memory_space<hbm>>
      %dma_wait3A_360 = tpu.memref_slice %arg9[%add3A_228] : memref<8192xi32, #tpu.memory_space<hbm>> -> memref<64xi32, #tpu.memory_space<hbm>>
      tpu.wait_dma2 semaphore(%run_scoped3A : memref<!tpu.dma_semaphore, #tpu.memory_space<semaphore_mem>>) src(%arg16 : memref<64xi32, #tpu.memory_space<vmem>>) dst(%dma_wait3A_360 : memref<64xi32, #tpu.memory_space<hbm>>)
      tpu.yield
    }) : () -> ()
    "tpu.region"() ({
      %run_scoped3A = tpu.sem_alloc : memref<!tpu.dma_semaphore, #tpu.memory_space<semaphore_mem>>
      %dma_start3A = arith.constant 0 : i32
      %dma_start3A_359 = arith.constant 0 : i32
      %dma_start3A_360 = tpu.memref_slice %arg8[%dma_start3A, %dma_start3A_359] : memref<20480x1024xf32, #tpu.memory_space<hbm>> -> memref<20480x1024xf32, #tpu.memory_space<hbm>>
      tpu.enqueue_indirect_dma source(%arg12 : memref<64x1024xf32, #tpu.memory_space<vmem>>) target(%dma_start3A_360 : memref<20480x1024xf32, #tpu.memory_space<hbm>>) offsets(%arg16 : memref<64xi32, #tpu.memory_space<vmem>>) semaphore(%run_scoped3A : memref<!tpu.dma_semaphore, #tpu.memory_space<semaphore_mem>>)
      %dma_wait3A = arith.constant 0 : i32
      %dma_wait3A_361 = arith.constant 0 : i32
      %dma_wait3A_362 = tpu.memref_slice %arg8[%dma_wait3A, %dma_wait3A_361] : memref<20480x1024xf32, #tpu.memory_space<hbm>> -> memref<20480x1024xf32, #tpu.memory_space<hbm>>
      tpu.wait_indirect_dma semaphore(%run_scoped3A : memref<!tpu.dma_semaphore, #tpu.memory_space<semaphore_mem>>) src(%arg12 : memref<64x1024xf32, #tpu.memory_space<vmem>>) dst(%dma_wait3A_362 : memref<20480x1024xf32, #tpu.memory_space<hbm>>)
      tpu.yield
    }) : () -> ()
    "tpu.region"() ({
      %run_scoped3A = tpu.sem_alloc : memref<!tpu.dma_semaphore, #tpu.memory_space<semaphore_mem>>
      %dma_start3A = tpu.memref_slice %arg4[%add3A_228] : memref<8192xi32, #tpu.memory_space<hbm>> -> memref<64xi32, #tpu.memory_space<hbm>>
      %dma_start3A_359 = tpu.memref_slice %arg4[%add3A_228] : memref<8192xi32, #tpu.memory_space<hbm>> -> memref<64xi32, #tpu.memory_space<hbm>>
      tpu.enqueue_dma source(%dma_start3A_359 : memref<64xi32, #tpu.memory_space<hbm>>) target(%arg18 : memref<64xi32, #tpu.memory_space<vmem>>) target_semaphore(%run_scoped3A : memref<!tpu.dma_semaphore, #tpu.memory_space<semaphore_mem>>)
      %dma_wait3A = tpu.memref_slice %arg4[%add3A_228] : memref<8192xi32, #tpu.memory_space<hbm>> -> memref<64xi32, #tpu.memory_space<hbm>>
      %dma_wait3A_360 = tpu.memref_slice %arg4[%add3A_228] : memref<8192xi32, #tpu.memory_space<hbm>> -> memref<64xi32, #tpu.memory_space<hbm>>
      tpu.wait_dma2 semaphore(%run_scoped3A : memref<!tpu.dma_semaphore, #tpu.memory_space<semaphore_mem>>) src(%dma_wait3A_360 : memref<64xi32, #tpu.memory_space<hbm>>) dst(%arg18 : memref<64xi32, #tpu.memory_space<vmem>>)
      tpu.yield
    }) : () -> ()
    "tpu.region"() ({
      %run_scoped3A = tpu.sem_alloc : memref<!tpu.dma_semaphore, #tpu.memory_space<semaphore_mem>>
      %dma_start3A = tpu.memref_slice %arg6[%add3A_228] : memref<8192xi32, #tpu.memory_space<hbm>> -> memref<64xi32, #tpu.memory_space<hbm>>
      %dma_start3A_359 = tpu.memref_slice %arg6[%add3A_228] : memref<8192xi32, #tpu.memory_space<hbm>> -> memref<64xi32, #tpu.memory_space<hbm>>
      tpu.enqueue_dma source(%dma_start3A_359 : memref<64xi32, #tpu.memory_space<hbm>>) target(%arg19 : memref<64xi32, #tpu.memory_space<vmem>>) target_semaphore(%run_scoped3A : memref<!tpu.dma_semaphore, #tpu.memory_space<semaphore_mem>>)
      %dma_wait3A = tpu.memref_slice %arg6[%add3A_228] : memref<8192xi32, #tpu.memory_space<hbm>> -> memref<64xi32, #tpu.memory_space<hbm>>
      %dma_wait3A_360 = tpu.memref_slice %arg6[%add3A_228] : memref<8192xi32, #tpu.memory_space<hbm>> -> memref<64xi32, #tpu.memory_space<hbm>>
      tpu.wait_dma2 semaphore(%run_scoped3A : memref<!tpu.dma_semaphore, #tpu.memory_space<semaphore_mem>>) src(%dma_wait3A_360 : memref<64xi32, #tpu.memory_space<hbm>>) dst(%arg19 : memref<64xi32, #tpu.memory_space<vmem>>)
      tpu.yield
    }) : () -> ()
    %get3A_261 = arith.constant 0 : index
    %get3A_262 = tpu.vector_load %arg18[%get3A_261] {strides = array<i32>} : memref<64xi32, #tpu.memory_space<vmem>>, vector<16xi32>,
    %gather3A_263 = tpu.vector_load_idx %arg14[%get3A_262] : memref<16xi32, #tpu.memory_space<vmem>>[vector<16xi32>], vector<16xi32>,
    %get3A_264 = arith.constant 0 : index
    %get3A_265 = tpu.vector_load %arg19[%get3A_264] {strides = array<i32>} : memref<64xi32, #tpu.memory_space<vmem>>, vector<16xi32>,
    %add3A_266 = arith.addi %gather3A_263, %get3A_265 : vector<16xi32>
    %swap3A_267 = arith.constant 0 : index
    %swap3A_268 = tpu.vector_load %arg17[%swap3A_267] {strides = array<i32>} : memref<64xi32, #tpu.memory_space<vmem>>, vector<16xi32>,
    tpu.vector_store %arg17[%swap3A_267], %add3A_266 {strides = array<i32>} : memref<64xi32, #tpu.memory_space<vmem>>, vector<16xi32>,
    %get3A_269 = arith.constant 16 : index
    %get3A_270 = tpu.vector_load %arg18[%get3A_269] {strides = array<i32>} : memref<64xi32, #tpu.memory_space<vmem>>, vector<16xi32>,
    %gather3A_271 = tpu.vector_load_idx %arg14[%get3A_270] : memref<16xi32, #tpu.memory_space<vmem>>[vector<16xi32>], vector<16xi32>,
    %get3A_272 = arith.constant 16 : index
    %get3A_273 = tpu.vector_load %arg19[%get3A_272] {strides = array<i32>} : memref<64xi32, #tpu.memory_space<vmem>>, vector<16xi32>,
    %add3A_274 = arith.addi %gather3A_271, %get3A_273 : vector<16xi32>
    %swap3A_275 = arith.constant 16 : index
    %swap3A_276 = tpu.vector_load %arg17[%swap3A_275] {strides = array<i32>} : memref<64xi32, #tpu.memory_space<vmem>>, vector<16xi32>,
    tpu.vector_store %arg17[%swap3A_275], %add3A_274 {strides = array<i32>} : memref<64xi32, #tpu.memory_space<vmem>>, vector<16xi32>,
    %get3A_277 = arith.constant 32 : index
    %get3A_278 = tpu.vector_load %arg18[%get3A_277] {strides = array<i32>} : memref<64xi32, #tpu.memory_space<vmem>>, vector<16xi32>,
    %gather3A_279 = tpu.vector_load_idx %arg14[%get3A_278] : memref<16xi32, #tpu.memory_space<vmem>>[vector<16xi32>], vector<16xi32>,
    %get3A_280 = arith.constant 32 : index
    %get3A_281 = tpu.vector_load %arg19[%get3A_280] {strides = array<i32>} : memref<64xi32, #tpu.memory_space<vmem>>, vector<16xi32>,
    %add3A_282 = arith.addi %gather3A_279, %get3A_281 : vector<16xi32>
    %swap3A_283 = arith.constant 32 : index
    %swap3A_284 = tpu.vector_load %arg17[%swap3A_283] {strides = array<i32>} : memref<64xi32, #tpu.memory_space<vmem>>, vector<16xi32>,
    tpu.vector_store %arg17[%swap3A_283], %add3A_282 {strides = array<i32>} : memref<64xi32, #tpu.memory_space<vmem>>, vector<16xi32>,
    %get3A_285 = arith.constant 48 : index
    %get3A_286 = tpu.vector_load %arg18[%get3A_285] {strides = array<i32>} : memref<64xi32, #tpu.memory_space<vmem>>, vector<16xi32>,
    %gather3A_287 = tpu.vector_load_idx %arg14[%get3A_286] : memref<16xi32, #tpu.memory_space<vmem>>[vector<16xi32>], vector<16xi32>,
    %get3A_288 = arith.constant 48 : index
    %get3A_289 = tpu.vector_load %arg19[%get3A_288] {strides = array<i32>} : memref<64xi32, #tpu.memory_space<vmem>>, vector<16xi32>,
    %add3A_290 = arith.addi %gather3A_287, %get3A_289 : vector<16xi32>
    %swap3A_291 = arith.constant 48 : index
    %swap3A_292 = tpu.vector_load %arg17[%swap3A_291] {strides = array<i32>} : memref<64xi32, #tpu.memory_space<vmem>>, vector<16xi32>,
    tpu.vector_store %arg17[%swap3A_291], %add3A_290 {strides = array<i32>} : memref<64xi32, #tpu.memory_space<vmem>>, vector<16xi32>,
    "tpu.region"() ({
      %run_scoped3A = tpu.sem_alloc : memref<!tpu.dma_semaphore, #tpu.memory_space<semaphore_mem>>
      %dma_start3A = tpu.memref_slice %arg10[%add3A_228] : memref<8192xi32, #tpu.memory_space<hbm>> -> memref<64xi32, #tpu.memory_space<hbm>>
      %dma_start3A_359 = tpu.memref_slice %arg10[%add3A_228] : memref<8192xi32, #tpu.memory_space<hbm>> -> memref<64xi32, #tpu.memory_space<hbm>>
      tpu.enqueue_dma source(%arg17 : memref<64xi32, #tpu.memory_space<vmem>>) target(%dma_start3A_359 : memref<64xi32, #tpu.memory_space<hbm>>) target_semaphore(%run_scoped3A : memref<!tpu.dma_semaphore, #tpu.memory_space<semaphore_mem>>)
      %dma_wait3A = tpu.memref_slice %arg10[%add3A_228] : memref<8192xi32, #tpu.memory_space<hbm>> -> memref<64xi32, #tpu.memory_space<hbm>>
      %dma_wait3A_360 = tpu.memref_slice %arg10[%add3A_228] : memref<8192xi32, #tpu.memory_space<hbm>> -> memref<64xi32, #tpu.memory_space<hbm>>
      tpu.wait_dma2 semaphore(%run_scoped3A : memref<!tpu.dma_semaphore, #tpu.memory_space<semaphore_mem>>) src(%arg17 : memref<64xi32, #tpu.memory_space<vmem>>) dst(%dma_wait3A_360 : memref<64xi32, #tpu.memory_space<hbm>>)
      tpu.yield
    }) : () -> ()
    "tpu.region"() ({
      %run_scoped3A = tpu.sem_alloc : memref<!tpu.dma_semaphore, #tpu.memory_space<semaphore_mem>>
      %dma_start3A = arith.constant 0 : i32
      %dma_start3A_359 = arith.constant 0 : i32
      %dma_start3A_360 = tpu.memref_slice %arg8[%dma_start3A, %dma_start3A_359] : memref<20480x1024xf32, #tpu.memory_space<hbm>> -> memref<20480x1024xf32, #tpu.memory_space<hbm>>
      tpu.enqueue_indirect_dma source(%arg12 : memref<64x1024xf32, #tpu.memory_space<vmem>>) target(%dma_start3A_360 : memref<20480x1024xf32, #tpu.memory_space<hbm>>) offsets(%arg17 : memref<64xi32, #tpu.memory_space<vmem>>) semaphore(%run_scoped3A : memref<!tpu.dma_semaphore, #tpu.memory_space<semaphore_mem>>)
      %dma_wait3A = arith.constant 0 : i32
      %dma_wait3A_361 = arith.constant 0 : i32
      %dma_wait3A_362 = tpu.memref_slice %arg8[%dma_wait3A, %dma_wait3A_361] : memref<20480x1024xf32, #tpu.memory_space<hbm>> -> memref<20480x1024xf32, #tpu.memory_space<hbm>>
      tpu.wait_indirect_dma semaphore(%run_scoped3A : memref<!tpu.dma_semaphore, #tpu.memory_space<semaphore_mem>>) src(%arg12 : memref<64x1024xf32, #tpu.memory_space<vmem>>) dst(%dma_wait3A_362 : memref<20480x1024xf32, #tpu.memory_space<hbm>>)
      tpu.yield
    }) : () -> ()
    %add3A_293 = arith.constant 192 : i32
    %add3A_294 = arith.addi %mul3A_2, %add3A_293 : i32
    "tpu.region"() ({
      %run_scoped3A = tpu.sem_alloc : memref<!tpu.dma_semaphore, #tpu.memory_space<semaphore_mem>>
      %dma_start3A = arith.constant 0 : i32
      %dma_start3A_359 = tpu.memref_slice %arg2[%add3A_294, %dma_start3A] : memref<8192x1024xf32, #tpu.memory_space<hbm>> -> memref<64x1024xf32, #tpu.memory_space<hbm>>
      %dma_start3A_360 = arith.constant 0 : i32
      %dma_start3A_361 = tpu.memref_slice %arg2[%add3A_294, %dma_start3A_360] : memref<8192x1024xf32, #tpu.memory_space<hbm>> -> memref<64x1024xf32, #tpu.memory_space<hbm>>
      tpu.enqueue_dma source(%dma_start3A_361 : memref<64x1024xf32, #tpu.memory_space<hbm>>) target(%arg12 : memref<64x1024xf32, #tpu.memory_space<vmem>>) target_semaphore(%run_scoped3A : memref<!tpu.dma_semaphore, #tpu.memory_space<semaphore_mem>>)
      %dma_wait3A = arith.constant 0 : i32
      %dma_wait3A_362 = tpu.memref_slice %arg2[%add3A_294, %dma_wait3A] : memref<8192x1024xf32, #tpu.memory_space<hbm>> -> memref<64x1024xf32, #tpu.memory_space<hbm>>
      %dma_wait3A_363 = arith.constant 0 : i32
      %dma_wait3A_364 = tpu.memref_slice %arg2[%add3A_294, %dma_wait3A_363] : memref<8192x1024xf32, #tpu.memory_space<hbm>> -> memref<64x1024xf32, #tpu.memory_space<hbm>>
      tpu.wait_dma2 semaphore(%run_scoped3A : memref<!tpu.dma_semaphore, #tpu.memory_space<semaphore_mem>>) src(%dma_wait3A_364 : memref<64x1024xf32, #tpu.memory_space<hbm>>) dst(%arg12 : memref<64x1024xf32, #tpu.memory_space<vmem>>)
      tpu.yield
    }) : () -> ()
    "tpu.region"() ({
      %run_scoped3A = tpu.sem_alloc : memref<!tpu.dma_semaphore, #tpu.memory_space<semaphore_mem>>
      %dma_start3A = tpu.memref_slice %arg3[%add3A_294] : memref<8192xi32, #tpu.memory_space<hbm>> -> memref<64xi32, #tpu.memory_space<hbm>>
      %dma_start3A_359 = tpu.memref_slice %arg3[%add3A_294] : memref<8192xi32, #tpu.memory_space<hbm>> -> memref<64xi32, #tpu.memory_space<hbm>>
      tpu.enqueue_dma source(%dma_start3A_359 : memref<64xi32, #tpu.memory_space<hbm>>) target(%arg18 : memref<64xi32, #tpu.memory_space<vmem>>) target_semaphore(%run_scoped3A : memref<!tpu.dma_semaphore, #tpu.memory_space<semaphore_mem>>)
      %dma_wait3A = tpu.memref_slice %arg3[%add3A_294] : memref<8192xi32, #tpu.memory_space<hbm>> -> memref<64xi32, #tpu.memory_space<hbm>>
      %dma_wait3A_360 = tpu.memref_slice %arg3[%add3A_294] : memref<8192xi32, #tpu.memory_space<hbm>> -> memref<64xi32, #tpu.memory_space<hbm>>
      tpu.wait_dma2 semaphore(%run_scoped3A : memref<!tpu.dma_semaphore, #tpu.memory_space<semaphore_mem>>) src(%dma_wait3A_360 : memref<64xi32, #tpu.memory_space<hbm>>) dst(%arg18 : memref<64xi32, #tpu.memory_space<vmem>>)
      tpu.yield
    }) : () -> ()
    "tpu.region"() ({
      %run_scoped3A = tpu.sem_alloc : memref<!tpu.dma_semaphore, #tpu.memory_space<semaphore_mem>>
      %dma_start3A = tpu.memref_slice %arg5[%add3A_294] : memref<8192xi32, #tpu.memory_space<hbm>> -> memref<64xi32, #tpu.memory_space<hbm>>
      %dma_start3A_359 = tpu.memref_slice %arg5[%add3A_294] : memref<8192xi32, #tpu.memory_space<hbm>> -> memref<64xi32, #tpu.memory_space<hbm>>
      tpu.enqueue_dma source(%dma_start3A_359 : memref<64xi32, #tpu.memory_space<hbm>>) target(%arg19 : memref<64xi32, #tpu.memory_space<vmem>>) target_semaphore(%run_scoped3A : memref<!tpu.dma_semaphore, #tpu.memory_space<semaphore_mem>>)
      %dma_wait3A = tpu.memref_slice %arg5[%add3A_294] : memref<8192xi32, #tpu.memory_space<hbm>> -> memref<64xi32, #tpu.memory_space<hbm>>
      %dma_wait3A_360 = tpu.memref_slice %arg5[%add3A_294] : memref<8192xi32, #tpu.memory_space<hbm>> -> memref<64xi32, #tpu.memory_space<hbm>>
      tpu.wait_dma2 semaphore(%run_scoped3A : memref<!tpu.dma_semaphore, #tpu.memory_space<semaphore_mem>>) src(%dma_wait3A_360 : memref<64xi32, #tpu.memory_space<hbm>>) dst(%arg19 : memref<64xi32, #tpu.memory_space<vmem>>)
      tpu.yield
    }) : () -> ()
    %get3A_295 = arith.constant 0 : index
    %get3A_296 = tpu.vector_load %arg18[%get3A_295] {strides = array<i32>} : memref<64xi32, #tpu.memory_space<vmem>>, vector<16xi32>,
    %gather3A_297 = tpu.vector_load_idx %arg14[%get3A_296] : memref<16xi32, #tpu.memory_space<vmem>>[vector<16xi32>], vector<16xi32>,
    %get3A_298 = arith.constant 0 : index
    %get3A_299 = tpu.vector_load %arg19[%get3A_298] {strides = array<i32>} : memref<64xi32, #tpu.memory_space<vmem>>, vector<16xi32>,
    %add3A_300 = arith.addi %gather3A_297, %get3A_299 : vector<16xi32>
    %swap3A_301 = arith.constant 0 : index
    %swap3A_302 = tpu.vector_load %arg16[%swap3A_301] {strides = array<i32>} : memref<64xi32, #tpu.memory_space<vmem>>, vector<16xi32>,
    tpu.vector_store %arg16[%swap3A_301], %add3A_300 {strides = array<i32>} : memref<64xi32, #tpu.memory_space<vmem>>, vector<16xi32>,
    %get3A_303 = arith.constant 16 : index
    %get3A_304 = tpu.vector_load %arg18[%get3A_303] {strides = array<i32>} : memref<64xi32, #tpu.memory_space<vmem>>, vector<16xi32>,
    %gather3A_305 = tpu.vector_load_idx %arg14[%get3A_304] : memref<16xi32, #tpu.memory_space<vmem>>[vector<16xi32>], vector<16xi32>,
    %get3A_306 = arith.constant 16 : index
    %get3A_307 = tpu.vector_load %arg19[%get3A_306] {strides = array<i32>} : memref<64xi32, #tpu.memory_space<vmem>>, vector<16xi32>,
    %add3A_308 = arith.addi %gather3A_305, %get3A_307 : vector<16xi32>
    %swap3A_309 = arith.constant 16 : index
    %swap3A_310 = tpu.vector_load %arg16[%swap3A_309] {strides = array<i32>} : memref<64xi32, #tpu.memory_space<vmem>>, vector<16xi32>,
    tpu.vector_store %arg16[%swap3A_309], %add3A_308 {strides = array<i32>} : memref<64xi32, #tpu.memory_space<vmem>>, vector<16xi32>,
    %get3A_311 = arith.constant 32 : index
    %get3A_312 = tpu.vector_load %arg18[%get3A_311] {strides = array<i32>} : memref<64xi32, #tpu.memory_space<vmem>>, vector<16xi32>,
    %gather3A_313 = tpu.vector_load_idx %arg14[%get3A_312] : memref<16xi32, #tpu.memory_space<vmem>>[vector<16xi32>], vector<16xi32>,
    %get3A_314 = arith.constant 32 : index
    %get3A_315 = tpu.vector_load %arg19[%get3A_314] {strides = array<i32>} : memref<64xi32, #tpu.memory_space<vmem>>, vector<16xi32>,
    %add3A_316 = arith.addi %gather3A_313, %get3A_315 : vector<16xi32>
    %swap3A_317 = arith.constant 32 : index
    %swap3A_318 = tpu.vector_load %arg16[%swap3A_317] {strides = array<i32>} : memref<64xi32, #tpu.memory_space<vmem>>, vector<16xi32>,
    tpu.vector_store %arg16[%swap3A_317], %add3A_316 {strides = array<i32>} : memref<64xi32, #tpu.memory_space<vmem>>, vector<16xi32>,
    %get3A_319 = arith.constant 48 : index
    %get3A_320 = tpu.vector_load %arg18[%get3A_319] {strides = array<i32>} : memref<64xi32, #tpu.memory_space<vmem>>, vector<16xi32>,
    %gather3A_321 = tpu.vector_load_idx %arg14[%get3A_320] : memref<16xi32, #tpu.memory_space<vmem>>[vector<16xi32>], vector<16xi32>,
    %get3A_322 = arith.constant 48 : index
    %get3A_323 = tpu.vector_load %arg19[%get3A_322] {strides = array<i32>} : memref<64xi32, #tpu.memory_space<vmem>>, vector<16xi32>,
    %add3A_324 = arith.addi %gather3A_321, %get3A_323 : vector<16xi32>
    %swap3A_325 = arith.constant 48 : index
    %swap3A_326 = tpu.vector_load %arg16[%swap3A_325] {strides = array<i32>} : memref<64xi32, #tpu.memory_space<vmem>>, vector<16xi32>,
    tpu.vector_store %arg16[%swap3A_325], %add3A_324 {strides = array<i32>} : memref<64xi32, #tpu.memory_space<vmem>>, vector<16xi32>,
    "tpu.region"() ({
      %run_scoped3A = tpu.sem_alloc : memref<!tpu.dma_semaphore, #tpu.memory_space<semaphore_mem>>
      %dma_start3A = tpu.memref_slice %arg9[%add3A_294] : memref<8192xi32, #tpu.memory_space<hbm>> -> memref<64xi32, #tpu.memory_space<hbm>>
      %dma_start3A_359 = tpu.memref_slice %arg9[%add3A_294] : memref<8192xi32, #tpu.memory_space<hbm>> -> memref<64xi32, #tpu.memory_space<hbm>>
      tpu.enqueue_dma source(%arg16 : memref<64xi32, #tpu.memory_space<vmem>>) target(%dma_start3A_359 : memref<64xi32, #tpu.memory_space<hbm>>) target_semaphore(%run_scoped3A : memref<!tpu.dma_semaphore, #tpu.memory_space<semaphore_mem>>)
      %dma_wait3A = tpu.memref_slice %arg9[%add3A_294] : memref<8192xi32, #tpu.memory_space<hbm>> -> memref<64xi32, #tpu.memory_space<hbm>>
      %dma_wait3A_360 = tpu.memref_slice %arg9[%add3A_294] : memref<8192xi32, #tpu.memory_space<hbm>> -> memref<64xi32, #tpu.memory_space<hbm>>
      tpu.wait_dma2 semaphore(%run_scoped3A : memref<!tpu.dma_semaphore, #tpu.memory_space<semaphore_mem>>) src(%arg16 : memref<64xi32, #tpu.memory_space<vmem>>) dst(%dma_wait3A_360 : memref<64xi32, #tpu.memory_space<hbm>>)
      tpu.yield
    }) : () -> ()
    "tpu.region"() ({
      %run_scoped3A = tpu.sem_alloc : memref<!tpu.dma_semaphore, #tpu.memory_space<semaphore_mem>>
      %dma_start3A = arith.constant 0 : i32
      %dma_start3A_359 = arith.constant 0 : i32
      %dma_start3A_360 = tpu.memref_slice %arg8[%dma_start3A, %dma_start3A_359] : memref<20480x1024xf32, #tpu.memory_space<hbm>> -> memref<20480x1024xf32, #tpu.memory_space<hbm>>
      tpu.enqueue_indirect_dma source(%arg12 : memref<64x1024xf32, #tpu.memory_space<vmem>>) target(%dma_start3A_360 : memref<20480x1024xf32, #tpu.memory_space<hbm>>) offsets(%arg16 : memref<64xi32, #tpu.memory_space<vmem>>) semaphore(%run_scoped3A : memref<!tpu.dma_semaphore, #tpu.memory_space<semaphore_mem>>)
      %dma_wait3A = arith.constant 0 : i32
      %dma_wait3A_361 = arith.constant 0 : i32
      %dma_wait3A_362 = tpu.memref_slice %arg8[%dma_wait3A, %dma_wait3A_361] : memref<20480x1024xf32, #tpu.memory_space<hbm>> -> memref<20480x1024xf32, #tpu.memory_space<hbm>>
      tpu.wait_indirect_dma semaphore(%run_scoped3A : memref<!tpu.dma_semaphore, #tpu.memory_space<semaphore_mem>>) src(%arg12 : memref<64x1024xf32, #tpu.memory_space<vmem>>) dst(%dma_wait3A_362 : memref<20480x1024xf32, #tpu.memory_space<hbm>>)
      tpu.yield
    }) : () -> ()
    "tpu.region"() ({
      %run_scoped3A = tpu.sem_alloc : memref<!tpu.dma_semaphore, #tpu.memory_space<semaphore_mem>>
      %dma_start3A = tpu.memref_slice %arg4[%add3A_294] : memref<8192xi32, #tpu.memory_space<hbm>> -> memref<64xi32, #tpu.memory_space<hbm>>
      %dma_start3A_359 = tpu.memref_slice %arg4[%add3A_294] : memref<8192xi32, #tpu.memory_space<hbm>> -> memref<64xi32, #tpu.memory_space<hbm>>
      tpu.enqueue_dma source(%dma_start3A_359 : memref<64xi32, #tpu.memory_space<hbm>>) target(%arg18 : memref<64xi32, #tpu.memory_space<vmem>>) target_semaphore(%run_scoped3A : memref<!tpu.dma_semaphore, #tpu.memory_space<semaphore_mem>>)
      %dma_wait3A = tpu.memref_slice %arg4[%add3A_294] : memref<8192xi32, #tpu.memory_space<hbm>> -> memref<64xi32, #tpu.memory_space<hbm>>
      %dma_wait3A_360 = tpu.memref_slice %arg4[%add3A_294] : memref<8192xi32, #tpu.memory_space<hbm>> -> memref<64xi32, #tpu.memory_space<hbm>>
      tpu.wait_dma2 semaphore(%run_scoped3A : memref<!tpu.dma_semaphore, #tpu.memory_space<semaphore_mem>>) src(%dma_wait3A_360 : memref<64xi32, #tpu.memory_space<hbm>>) dst(%arg18 : memref<64xi32, #tpu.memory_space<vmem>>)
      tpu.yield
    }) : () -> ()
    "tpu.region"() ({
      %run_scoped3A = tpu.sem_alloc : memref<!tpu.dma_semaphore, #tpu.memory_space<semaphore_mem>>
      %dma_start3A = tpu.memref_slice %arg6[%add3A_294] : memref<8192xi32, #tpu.memory_space<hbm>> -> memref<64xi32, #tpu.memory_space<hbm>>
      %dma_start3A_359 = tpu.memref_slice %arg6[%add3A_294] : memref<8192xi32, #tpu.memory_space<hbm>> -> memref<64xi32, #tpu.memory_space<hbm>>
      tpu.enqueue_dma source(%dma_start3A_359 : memref<64xi32, #tpu.memory_space<hbm>>) target(%arg19 : memref<64xi32, #tpu.memory_space<vmem>>) target_semaphore(%run_scoped3A : memref<!tpu.dma_semaphore, #tpu.memory_space<semaphore_mem>>)
      %dma_wait3A = tpu.memref_slice %arg6[%add3A_294] : memref<8192xi32, #tpu.memory_space<hbm>> -> memref<64xi32, #tpu.memory_space<hbm>>
      %dma_wait3A_360 = tpu.memref_slice %arg6[%add3A_294] : memref<8192xi32, #tpu.memory_space<hbm>> -> memref<64xi32, #tpu.memory_space<hbm>>
      tpu.wait_dma2 semaphore(%run_scoped3A : memref<!tpu.dma_semaphore, #tpu.memory_space<semaphore_mem>>) src(%dma_wait3A_360 : memref<64xi32, #tpu.memory_space<hbm>>) dst(%arg19 : memref<64xi32, #tpu.memory_space<vmem>>)
      tpu.yield
    }) : () -> ()
    %get3A_327 = arith.constant 0 : index
    %get3A_328 = tpu.vector_load %arg18[%get3A_327] {strides = array<i32>} : memref<64xi32, #tpu.memory_space<vmem>>, vector<16xi32>,
    %gather3A_329 = tpu.vector_load_idx %arg14[%get3A_328] : memref<16xi32, #tpu.memory_space<vmem>>[vector<16xi32>], vector<16xi32>,
    %get3A_330 = arith.constant 0 : index
    %get3A_331 = tpu.vector_load %arg19[%get3A_330] {strides = array<i32>} : memref<64xi32, #tpu.memory_space<vmem>>, vector<16xi32>,
    %add3A_332 = arith.addi %gather3A_329, %get3A_331 : vector<16xi32>
    %swap3A_333 = arith.constant 0 : index
    %swap3A_334 = tpu.vector_load %arg17[%swap3A_333] {strides = array<i32>} : memref<64xi32, #tpu.memory_space<vmem>>, vector<16xi32>,
    tpu.vector_store %arg17[%swap3A_333], %add3A_332 {strides = array<i32>} : memref<64xi32, #tpu.memory_space<vmem>>, vector<16xi32>,
    %get3A_335 = arith.constant 16 : index
    %get3A_336 = tpu.vector_load %arg18[%get3A_335] {strides = array<i32>} : memref<64xi32, #tpu.memory_space<vmem>>, vector<16xi32>,
    %gather3A_337 = tpu.vector_load_idx %arg14[%get3A_336] : memref<16xi32, #tpu.memory_space<vmem>>[vector<16xi32>], vector<16xi32>,
    %get3A_338 = arith.constant 16 : index
    %get3A_339 = tpu.vector_load %arg19[%get3A_338] {strides = array<i32>} : memref<64xi32, #tpu.memory_space<vmem>>, vector<16xi32>,
    %add3A_340 = arith.addi %gather3A_337, %get3A_339 : vector<16xi32>
    %swap3A_341 = arith.constant 16 : index
    %swap3A_342 = tpu.vector_load %arg17[%swap3A_341] {strides = array<i32>} : memref<64xi32, #tpu.memory_space<vmem>>, vector<16xi32>,
    tpu.vector_store %arg17[%swap3A_341], %add3A_340 {strides = array<i32>} : memref<64xi32, #tpu.memory_space<vmem>>, vector<16xi32>,
    %get3A_343 = arith.constant 32 : index
    %get3A_344 = tpu.vector_load %arg18[%get3A_343] {strides = array<i32>} : memref<64xi32, #tpu.memory_space<vmem>>, vector<16xi32>,
    %gather3A_345 = tpu.vector_load_idx %arg14[%get3A_344] : memref<16xi32, #tpu.memory_space<vmem>>[vector<16xi32>], vector<16xi32>,
    %get3A_346 = arith.constant 32 : index
    %get3A_347 = tpu.vector_load %arg19[%get3A_346] {strides = array<i32>} : memref<64xi32, #tpu.memory_space<vmem>>, vector<16xi32>,
    %add3A_348 = arith.addi %gather3A_345, %get3A_347 : vector<16xi32>
    %swap3A_349 = arith.constant 32 : index
    %swap3A_350 = tpu.vector_load %arg17[%swap3A_349] {strides = array<i32>} : memref<64xi32, #tpu.memory_space<vmem>>, vector<16xi32>,
    tpu.vector_store %arg17[%swap3A_349], %add3A_348 {strides = array<i32>} : memref<64xi32, #tpu.memory_space<vmem>>, vector<16xi32>,
    %get3A_351 = arith.constant 48 : index
    %get3A_352 = tpu.vector_load %arg18[%get3A_351] {strides = array<i32>} : memref<64xi32, #tpu.memory_space<vmem>>, vector<16xi32>,
    %gather3A_353 = tpu.vector_load_idx %arg14[%get3A_352] : memref<16xi32, #tpu.memory_space<vmem>>[vector<16xi32>], vector<16xi32>,
    %get3A_354 = arith.constant 48 : index
    %get3A_355 = tpu.vector_load %arg19[%get3A_354] {strides = array<i32>} : memref<64xi32, #tpu.memory_space<vmem>>, vector<16xi32>,
    %add3A_356 = arith.addi %gather3A_353, %get3A_355 : vector<16xi32>
    %swap3A_357 = arith.constant 48 : index
    %swap3A_358 = tpu.vector_load %arg17[%swap3A_357] {strides = array<i32>} : memref<64xi32, #tpu.memory_space<vmem>>, vector<16xi32>,
    tpu.vector_store %arg17[%swap3A_357], %add3A_356 {strides = array<i32>} : memref<64xi32, #tpu.memory_space<vmem>>, vector<16xi32>,
    "tpu.region"() ({
      %run_scoped3A = tpu.sem_alloc : memref<!tpu.dma_semaphore, #tpu.memory_space<semaphore_mem>>
      %dma_start3A = tpu.memref_slice %arg10[%add3A_294] : memref<8192xi32, #tpu.memory_space<hbm>> -> memref<64xi32, #tpu.memory_space<hbm>>
      %dma_start3A_359 = tpu.memref_slice %arg10[%add3A_294] : memref<8192xi32, #tpu.memory_space<hbm>> -> memref<64xi32, #tpu.memory_space<hbm>>
      tpu.enqueue_dma source(%arg17 : memref<64xi32, #tpu.memory_space<vmem>>) target(%dma_start3A_359 : memref<64xi32, #tpu.memory_space<hbm>>) target_semaphore(%run_scoped3A : memref<!tpu.dma_semaphore, #tpu.memory_space<semaphore_mem>>)
      %dma_wait3A = tpu.memref_slice %arg10[%add3A_294] : memref<8192xi32, #tpu.memory_space<hbm>> -> memref<64xi32, #tpu.memory_space<hbm>>
      %dma_wait3A_360 = tpu.memref_slice %arg10[%add3A_294] : memref<8192xi32, #tpu.memory_space<hbm>> -> memref<64xi32, #tpu.memory_space<hbm>>
      tpu.wait_dma2 semaphore(%run_scoped3A : memref<!tpu.dma_semaphore, #tpu.memory_space<semaphore_mem>>) src(%arg17 : memref<64xi32, #tpu.memory_space<vmem>>) dst(%dma_wait3A_360 : memref<64xi32, #tpu.memory_space<hbm>>)
      tpu.yield
    }) : () -> ()
    "tpu.region"() ({
      %run_scoped3A = tpu.sem_alloc : memref<!tpu.dma_semaphore, #tpu.memory_space<semaphore_mem>>
      %dma_start3A = arith.constant 0 : i32
      %dma_start3A_359 = arith.constant 0 : i32
      %dma_start3A_360 = tpu.memref_slice %arg8[%dma_start3A, %dma_start3A_359] : memref<20480x1024xf32, #tpu.memory_space<hbm>> -> memref<20480x1024xf32, #tpu.memory_space<hbm>>
      tpu.enqueue_indirect_dma source(%arg12 : memref<64x1024xf32, #tpu.memory_space<vmem>>) target(%dma_start3A_360 : memref<20480x1024xf32, #tpu.memory_space<hbm>>) offsets(%arg17 : memref<64xi32, #tpu.memory_space<vmem>>) semaphore(%run_scoped3A : memref<!tpu.dma_semaphore, #tpu.memory_space<semaphore_mem>>)
      %dma_wait3A = arith.constant 0 : i32
      %dma_wait3A_361 = arith.constant 0 : i32
      %dma_wait3A_362 = tpu.memref_slice %arg8[%dma_wait3A, %dma_wait3A_361] : memref<20480x1024xf32, #tpu.memory_space<hbm>> -> memref<20480x1024xf32, #tpu.memory_space<hbm>>
      tpu.wait_indirect_dma semaphore(%run_scoped3A : memref<!tpu.dma_semaphore, #tpu.memory_space<semaphore_mem>>) src(%arg12 : memref<64x1024xf32, #tpu.memory_space<vmem>>) dst(%dma_wait3A_362 : memref<20480x1024xf32, #tpu.memory_space<hbm>>)
      tpu.yield
    }) : () -> ()
    return
  }
}

module attributes {stable_mosaic.version = 14 : i64} {
  func.func @_router_kernel(%arg0: i32, %arg1: memref<512x1024xf32, #tpu.memory_space<vmem>>, %arg2: memref<512x1024xf32, #tpu.memory_space<vmem>>, %arg3: memref<1024x1024xf32, #tpu.memory_space<vmem>>, %arg4: memref<1x1024xf32, #tpu.memory_space<vmem>>, %arg5: memref<8x1024xf32, #tpu.memory_space<vmem>>, %arg6: memref<512x8xf32, #tpu.memory_space<vmem>>, %arg7: memref<1x8xf32, #tpu.memory_space<vmem>>, %arg8: memref<1x8xf32, #tpu.memory_space<vmem>>) attributes {dimension_semantics = [#tpu.dimension_semantics<arbitrary>], iteration_bounds = array<i64: 16>, scalar_prefetch = 0 : i64, scratch_operands = 1 : i64, tpu.core_type = #tpu.core_type<tc>, window_params = [{transform_indices = @transform_0, window_bounds = array<i64: 512, 1024>}, {transform_indices = @transform_1, window_bounds = array<i64: 512, 1024>}, {pipeline_mode = #tpu.pipeline_mode<synchronous>, transform_indices = @transform_2, window_bounds = array<i64: 1024, 1024>}, {pipeline_mode = #tpu.pipeline_mode<synchronous>, transform_indices = @transform_3, window_bounds = array<i64: 1, 1024>}, {pipeline_mode = #tpu.pipeline_mode<synchronous>, transform_indices = @transform_4, window_bounds = array<i64: 8, 1024>}, {transform_indices = @transform_5, window_bounds = array<i64: 512, 8>}, {pipeline_mode = #tpu.pipeline_mode<synchronous>, transform_indices = @transform_6, window_bounds = array<i64: 1, 8>}]} {
    %eq3A = arith.constant 0 : i32
    %eq3A_0 = arith.cmpi eq, %arg0, %eq3A : i32
    %convert_element_type3A = arith.extui %eq3A_0 : i1 to i32
    %cond3A = arith.constant 0 : i32
    %cond3A_1 = arith.cmpi ne, %convert_element_type3A, %cond3A : i32
    scf.if %cond3A_1 {
      %broadcast_in_dim3A_96 = arith.constant 0.000000e+00 : f32
      %broadcast_in_dim3A_97 = vector.broadcast %broadcast_in_dim3A_96 : f32 to vector<1x8xf32>
      %swap3A_98 = arith.constant 0 : index
      %swap3A_99 = arith.constant 0 : index
      %swap3A_100 = vector.load %arg8[%swap3A_98, %swap3A_99] : memref<1x8xf32, #tpu.memory_space<vmem>>, vector<1x8xf32>
      tpu.vector_store %arg8[%swap3A_98, %swap3A_99], %broadcast_in_dim3A_97 {strides = array<i32>} : memref<1x8xf32, #tpu.memory_space<vmem>>, vector<1x8xf32>,
    } else {
    }
    %get3A = arith.constant 0 : index
    %get3A_2 = arith.constant 0 : index
    %get3A_3 = vector.load %arg1[%get3A, %get3A_2] : memref<512x1024xf32, #tpu.memory_space<vmem>>, vector<512x1024xf32>
    %get3A_4 = arith.constant 0 : index
    %get3A_5 = arith.constant 0 : index
    %get3A_6 = vector.load %arg2[%get3A_4, %get3A_5] : memref<512x1024xf32, #tpu.memory_space<vmem>>, vector<512x1024xf32>
    %get3A_7 = arith.constant 0 : index
    %get3A_8 = arith.constant 0 : index
    %get3A_9 = vector.load %arg3[%get3A_7, %get3A_8] : memref<1024x1024xf32, #tpu.memory_space<vmem>>, vector<1024x1024xf32>
    %transpose3A = tpu.transpose %get3A_9, [1, 0] : vector<1024x1024xf32> -> vector<1024x1024xf32>
    %dot_general3A = arith.constant dense<0.000000e+00> : vector<512x1024xf32>
    %dot_general3A_10 = tpu.matmul %get3A_6, %transpose3A, %dot_general3A {dimension_numbers = #tpu.dot_dimension_numbers<[1], [0], [0], [1], [0, 0, 1, 1], [], []>, transpose_lhs_hint = false} : vector<512x1024xf32>, vector<1024x1024xf32>, vector<512x1024xf32> -> vector<512x1024xf32>
    %add3A = arith.addf %get3A_3, %dot_general3A_10 : vector<512x1024xf32>
    %get3A_11 = arith.constant 0 : index
    %get3A_12 = arith.constant 0 : index
    %get3A_13 = vector.load %arg4[%get3A_11, %get3A_12] : memref<1x1024xf32, #tpu.memory_space<vmem>>, vector<1x1024xf32>
    %add3A_14 = vector.broadcast %get3A_13 : vector<1x1024xf32> to vector<512x1024xf32>
    %add3A_15 = arith.addf %add3A, %add3A_14 : vector<512x1024xf32>
    %get3A_16 = arith.constant 0 : index
    %get3A_17 = arith.constant 0 : index
    %get3A_18 = vector.load %arg5[%get3A_16, %get3A_17] : memref<8x1024xf32, #tpu.memory_space<vmem>>, vector<8x1024xf32>
    %transpose3A_19 = tpu.transpose %get3A_18, [1, 0] : vector<8x1024xf32> -> vector<1024x8xf32>
    %dot_general3A_20 = arith.constant dense<0.000000e+00> : vector<512x8xf32>
    %dot_general3A_21 = tpu.matmul %add3A_15, %transpose3A_19, %dot_general3A_20 {dimension_numbers = #tpu.dot_dimension_numbers<[1], [0], [0], [1], [0, 0, 1, 1], [], []>, transpose_lhs_hint = false} : vector<512x1024xf32>, vector<1024x8xf32>, vector<512x8xf32> -> vector<512x8xf32>
    %reduce_max3A = arith.constant dense<0xFF800000> : vector<512xf32>
    %reduce_max3A_22 = vector.multi_reduction <maximumf>, %dot_general3A_21, %reduce_max3A [1] : vector<512x8xf32> to vector<512xf32>
    %max3A = arith.constant 0xFF800000 : f32
    %max3A_23 = vector.broadcast %max3A : f32 to vector<512xf32>
    %max3A_24 = arith.maximumf %max3A_23, %reduce_max3A_22 : vector<512xf32>
    %broadcast_in_dim3A = vector.shape_cast %max3A_24 : vector<512xf32> to vector<512x1xf32>
    %sub3A = vector.broadcast %broadcast_in_dim3A : vector<512x1xf32> to vector<512x8xf32>
    %sub3A_25 = arith.subf %dot_general3A_21, %sub3A : vector<512x8xf32>
    %exp3A = math.exp %sub3A_25 : vector<512x8xf32>
    %reduce_sum3A = arith.constant dense<0.000000e+00> : vector<512xf32>
    %reduce_sum3A_26 = vector.multi_reduction <add>, %exp3A, %reduce_sum3A [1] : vector<512x8xf32> to vector<512xf32>
    %broadcast_in_dim3A_27 = vector.shape_cast %reduce_sum3A_26 : vector<512xf32> to vector<512x1xf32>
    %div3A = vector.broadcast %broadcast_in_dim3A_27 : vector<512x1xf32> to vector<512x8xf32>
    %div3A_28 = arith.divf %exp3A, %div3A : vector<512x8xf32>
    %iota3A = tpu.iota {dimensions = array<i32: 1>} : vector<512x8xi32>
    %reduce_max3A_29 = arith.constant dense<0xFF800000> : vector<512xf32>
    %reduce_max3A_30 = vector.multi_reduction <maximumf>, %div3A_28, %reduce_max3A_29 [1] : vector<512x8xf32> to vector<512xf32>
    %broadcast_in_dim3A_31 = vector.shape_cast %reduce_max3A_30 : vector<512xf32> to vector<512x1xf32>
    %argmax3A = tpu.reduce_index %div3A_28 {axis = 1 : i32, kind = #tpu.reduction_kind<arg_max>} : vector<512x8xf32> -> vector<512xi32>
    %reshape3A = vector.shape_cast %argmax3A : vector<512xi32> to vector<512x1xi32>
    %eq3A_32 = vector.broadcast %reshape3A : vector<512x1xi32> to vector<512x8xi32>
    %eq3A_33 = arith.cmpi eq, %iota3A, %eq3A_32 : vector<512x8xi32>
    %jit3A = arith.constant 0xFF800000 : f32
    %broadcast_in_dim3A_34 = vector.broadcast %jit3A : f32 to vector<512x8xf32>
    %select_n3A = arith.select %eq3A_33, %broadcast_in_dim3A_34, %div3A_28 : vector<512x8xi1>, vector<512x8xf32>
    %reduce_max3A_35 = arith.constant dense<0xFF800000> : vector<512xf32>
    %reduce_max3A_36 = vector.multi_reduction <maximumf>, %select_n3A, %reduce_max3A_35 [1] : vector<512x8xf32> to vector<512xf32>
    %broadcast_in_dim3A_37 = vector.shape_cast %reduce_max3A_36 : vector<512xf32> to vector<512x1xf32>
    %argmax3A_38 = tpu.reduce_index %select_n3A {axis = 1 : i32, kind = #tpu.reduction_kind<arg_max>} : vector<512x8xf32> -> vector<512xi32>
    %reshape3A_39 = vector.shape_cast %argmax3A_38 : vector<512xi32> to vector<512x1xi32>
    %eq3A_40 = vector.broadcast %reshape3A_39 : vector<512x1xi32> to vector<512x8xi32>
    %eq3A_41 = arith.cmpi eq, %iota3A, %eq3A_40 : vector<512x8xi32>
    %add3A_42 = arith.addf %broadcast_in_dim3A_31, %broadcast_in_dim3A_37 : vector<512x1xf32>
    %add3A_43 = arith.constant 9.99999974E-6 : f32
    %add3A_44 = vector.broadcast %add3A_43 : f32 to vector<512x1xf32>
    %add3A_45 = arith.addf %add3A_42, %add3A_44 : vector<512x1xf32>
    %or3A = arith.ori %eq3A_33, %eq3A_41 : vector<512x8xi1>
    %convert_element_type3A_46 = arith.extui %or3A : vector<512x8xi1> to vector<512x8xi32>
    %convert_element_type3A_47 = arith.sitofp %convert_element_type3A_46 : vector<512x8xi32> to vector<512x8xf32>
    %iota3A_48 = tpu.iota {dimensions = array<i32: 0>} : vector<512x512xi32>
    %iota3A_49 = tpu.iota {dimensions = array<i32: 1>} : vector<512x512xi32>
    %gt3A = arith.cmpi sgt, %iota3A_48, %iota3A_49 : vector<512x512xi32>
    %convert_element_type3A_50 = arith.extui %gt3A : vector<512x512xi1> to vector<512x512xi32>
    %convert_element_type3A_51 = arith.sitofp %convert_element_type3A_50 : vector<512x512xi32> to vector<512x512xf32>
    %dot_general3A_52 = arith.constant dense<0.000000e+00> : vector<512x8xf32>
    %dot_general3A_53 = tpu.matmul %convert_element_type3A_51, %convert_element_type3A_47, %dot_general3A_52 {dimension_numbers = #tpu.dot_dimension_numbers<[1], [0], [0], [1], [0, 0, 1, 1], [], []>, transpose_lhs_hint = false} : vector<512x512xf32>, vector<512x8xf32>, vector<512x8xf32> -> vector<512x8xf32>
    %get3A_54 = arith.constant 0 : index
    %get3A_55 = arith.constant 0 : index
    %get3A_56 = vector.load %arg8[%get3A_54, %get3A_55] : memref<1x8xf32, #tpu.memory_space<vmem>>, vector<1x8xf32>
    %broadcast_in_dim3A_57 = vector.shape_cast %get3A_56 : vector<1x8xf32> to vector<1x8xf32>
    %broadcast_in_dim3A_58 = vector.broadcast %broadcast_in_dim3A_57 : vector<1x8xf32> to vector<512x8xf32>
    %add3A_59 = arith.addf %dot_general3A_53, %broadcast_in_dim3A_58 : vector<512x8xf32>
    %jit3A_60 = arith.constant 0.000000e+00 : f32
    %broadcast_in_dim3A_61 = vector.broadcast %jit3A_60 : f32 to vector<512x8xf32>
    %select_n3A_62 = arith.select %eq3A_33, %add3A_59, %broadcast_in_dim3A_61 : vector<512x8xi1>, vector<512x8xf32>
    %reduce_sum3A_63 = arith.constant dense<0.000000e+00> : vector<512xf32>
    %reduce_sum3A_64 = vector.multi_reduction <add>, %select_n3A_62, %reduce_sum3A_63 [1] : vector<512x8xf32> to vector<512xf32>
    %broadcast_in_dim3A_65 = vector.shape_cast %reduce_sum3A_64 : vector<512xf32> to vector<512x1xf32>
    %jit3A_66 = arith.constant 0.000000e+00 : f32
    %broadcast_in_dim3A_67 = vector.broadcast %jit3A_66 : f32 to vector<512x8xf32>
    %select_n3A_68 = arith.select %eq3A_41, %add3A_59, %broadcast_in_dim3A_67 : vector<512x8xi1>, vector<512x8xf32>
    %reduce_sum3A_69 = arith.constant dense<0.000000e+00> : vector<512xf32>
    %reduce_sum3A_70 = vector.multi_reduction <add>, %select_n3A_68, %reduce_sum3A_69 [1] : vector<512x8xf32> to vector<512xf32>
    %broadcast_in_dim3A_71 = vector.shape_cast %reduce_sum3A_70 : vector<512xf32> to vector<512x1xf32>
    %get3A_72 = arith.constant 0 : index
    %get3A_73 = arith.constant 0 : index
    %get3A_74 = vector.load %arg8[%get3A_72, %get3A_73] : memref<1x8xf32, #tpu.memory_space<vmem>>, vector<1x8xf32>
    %reduce_sum3A_75 = arith.constant dense<0.000000e+00> : vector<8xf32>
    %reduce_sum3A_76 = vector.multi_reduction <add>, %convert_element_type3A_47, %reduce_sum3A_75 [0] : vector<512x8xf32> to vector<8xf32>
    %broadcast_in_dim3A_77 = vector.shape_cast %reduce_sum3A_76 : vector<8xf32> to vector<1x8xf32>
    %add3A_78 = arith.addf %get3A_74, %broadcast_in_dim3A_77 : vector<1x8xf32>
    %swap3A = arith.constant 0 : index
    %swap3A_79 = arith.constant 0 : index
    %swap3A_80 = vector.load %arg8[%swap3A, %swap3A_79] : memref<1x8xf32, #tpu.memory_space<vmem>>, vector<1x8xf32>
    tpu.vector_store %arg8[%swap3A, %swap3A_79], %add3A_78 {strides = array<i32>} : memref<1x8xf32, #tpu.memory_space<vmem>>, vector<1x8xf32>,
    %div3A_81 = arith.divf %broadcast_in_dim3A_31, %add3A_45 : vector<512x1xf32>
    %div3A_82 = arith.divf %broadcast_in_dim3A_37, %add3A_45 : vector<512x1xf32>
    %convert_element_type3A_83 = arith.sitofp %reshape3A : vector<512x1xi32> to vector<512x1xf32>
    %convert_element_type3A_84 = arith.sitofp %reshape3A_39 : vector<512x1xi32> to vector<512x1xf32>
    %broadcast_in_dim3A_85 = arith.constant 0.000000e+00 : f32
    %broadcast_in_dim3A_86 = vector.broadcast %broadcast_in_dim3A_85 : f32 to vector<512x2xf32>
    %concatenate3A = tpu.concatenate %div3A_81, %div3A_82, %convert_element_type3A_83, %convert_element_type3A_84, %broadcast_in_dim3A_65, %broadcast_in_dim3A_71, %broadcast_in_dim3A_86 in 1 : vector<512x1xf32>, vector<512x1xf32>, vector<512x1xf32>, vector<512x1xf32>, vector<512x1xf32>, vector<512x1xf32>, vector<512x2xf32> -> vector<512x8xf32>
    %swap3A_87 = arith.constant 0 : index
    %swap3A_88 = arith.constant 0 : index
    %swap3A_89 = vector.load %arg6[%swap3A_87, %swap3A_88] : memref<512x8xf32, #tpu.memory_space<vmem>>, vector<512x8xf32>
    tpu.vector_store %arg6[%swap3A_87, %swap3A_88], %concatenate3A {strides = array<i32>} : memref<512x8xf32, #tpu.memory_space<vmem>>, vector<512x8xf32>,
    %get3A_90 = arith.constant 0 : index
    %get3A_91 = arith.constant 0 : index
    %get3A_92 = vector.load %arg8[%get3A_90, %get3A_91] : memref<1x8xf32, #tpu.memory_space<vmem>>, vector<1x8xf32>
    %swap3A_93 = arith.constant 0 : index
    %swap3A_94 = arith.constant 0 : index
    %swap3A_95 = vector.load %arg7[%swap3A_93, %swap3A_94] : memref<1x8xf32, #tpu.memory_space<vmem>>, vector<1x8xf32>
    tpu.vector_store %arg7[%swap3A_93, %swap3A_94], %get3A_92 {strides = array<i32>} : memref<1x8xf32, #tpu.memory_space<vmem>>, vector<1x8xf32>,
    return
  }
  func.func @transform_0(%arg0: i32) -> (i32, i32) {
    %c0_i32 = arith.constant 0 : i32
    %c0_i32_0 = arith.constant 0 : i32
    return %arg0, %c0_i32 : i32, i32
  }
  func.func @transform_1(%arg0: i32) -> (i32, i32) {
    %c0_i32 = arith.constant 0 : i32
    %c0_i32_0 = arith.constant 0 : i32
    return %arg0, %c0_i32 : i32, i32
  }
  func.func @transform_2(%arg0: i32) -> (i32, i32) {
    %c0_i32 = arith.constant 0 : i32
    %c0_i32_0 = arith.constant 0 : i32
    %c0_i32_1 = arith.constant 0 : i32
    return %c0_i32, %c0_i32_0 : i32, i32
  }
  func.func @transform_3(%arg0: i32) -> (i32, i32) {
    %c0_i32 = arith.constant 0 : i32
    %c0_i32_0 = arith.constant 0 : i32
    %c0_i32_1 = arith.constant 0 : i32
    return %c0_i32, %c0_i32_0 : i32, i32
  }
  func.func @transform_4(%arg0: i32) -> (i32, i32) {
    %c0_i32 = arith.constant 0 : i32
    %c0_i32_0 = arith.constant 0 : i32
    %c0_i32_1 = arith.constant 0 : i32
    return %c0_i32, %c0_i32_0 : i32, i32
  }
  func.func @transform_5(%arg0: i32) -> (i32, i32) {
    %c0_i32 = arith.constant 0 : i32
    %c0_i32_0 = arith.constant 0 : i32
    return %arg0, %c0_i32 : i32, i32
  }
  func.func @transform_6(%arg0: i32) -> (i32, i32) {
    %c0_i32 = arith.constant 0 : i32
    %c0_i32_0 = arith.constant 0 : i32
    %c0_i32_1 = arith.constant 0 : i32
    return %c0_i32, %c0_i32_0 : i32, i32
  }
}

module attributes {stable_mosaic.version = 14 : i64} {
  func.func @_shared_kernel(%arg0: i32, %arg1: memref<512x1024xf32, #tpu.memory_space<vmem>>, %arg2: memref<2048x1024xf32, #tpu.memory_space<vmem>>, %arg3: memref<2048x1024xf32, #tpu.memory_space<vmem>>, %arg4: memref<1024x2048xf32, #tpu.memory_space<vmem>>, %arg5: memref<512x1024xf32, #tpu.memory_space<vmem>>) attributes {dimension_semantics = [#tpu.dimension_semantics<arbitrary>], iteration_bounds = array<i64: 16>, scalar_prefetch = 0 : i64, scratch_operands = 0 : i64, tpu.core_type = #tpu.core_type<tc>, window_params = [{transform_indices = @transform_0, window_bounds = array<i64: 512, 1024>}, {pipeline_mode = #tpu.pipeline_mode<synchronous>, transform_indices = @transform_1, window_bounds = array<i64: 2048, 1024>}, {pipeline_mode = #tpu.pipeline_mode<synchronous>, transform_indices = @transform_2, window_bounds = array<i64: 2048, 1024>}, {pipeline_mode = #tpu.pipeline_mode<synchronous>, transform_indices = @transform_3, window_bounds = array<i64: 1024, 2048>}, {transform_indices = @transform_4, window_bounds = array<i64: 512, 1024>}]} {
    %get3A = arith.constant 0 : index
    %get3A_0 = arith.constant 0 : index
    %get3A_1 = vector.load %arg1[%get3A, %get3A_0] : memref<512x1024xf32, #tpu.memory_space<vmem>>, vector<512x1024xf32>
    %get3A_2 = arith.constant 0 : index
    %get3A_3 = arith.constant 0 : index
    %get3A_4 = vector.load %arg2[%get3A_2, %get3A_3] : memref<2048x1024xf32, #tpu.memory_space<vmem>>, vector<2048x1024xf32>
    %transpose3A = tpu.transpose %get3A_4, [1, 0] : vector<2048x1024xf32> -> vector<1024x2048xf32>
    %dot_general3A = arith.constant dense<0.000000e+00> : vector<512x2048xf32>
    %dot_general3A_5 = tpu.matmul %get3A_1, %transpose3A, %dot_general3A {dimension_numbers = #tpu.dot_dimension_numbers<[1], [0], [0], [1], [0, 0, 1, 1], [], []>, transpose_lhs_hint = false} : vector<512x1024xf32>, vector<1024x2048xf32>, vector<512x2048xf32> -> vector<512x2048xf32>
    %get3A_6 = arith.constant 0 : index
    %get3A_7 = arith.constant 0 : index
    %get3A_8 = vector.load %arg3[%get3A_6, %get3A_7] : memref<2048x1024xf32, #tpu.memory_space<vmem>>, vector<2048x1024xf32>
    %transpose3A_9 = tpu.transpose %get3A_8, [1, 0] : vector<2048x1024xf32> -> vector<1024x2048xf32>
    %dot_general3A_10 = arith.constant dense<0.000000e+00> : vector<512x2048xf32>
    %dot_general3A_11 = tpu.matmul %get3A_1, %transpose3A_9, %dot_general3A_10 {dimension_numbers = #tpu.dot_dimension_numbers<[1], [0], [0], [1], [0, 0, 1, 1], [], []>, transpose_lhs_hint = false} : vector<512x1024xf32>, vector<1024x2048xf32>, vector<512x2048xf32> -> vector<512x2048xf32>
    %logistic3A = arith.negf %dot_general3A_5 : vector<512x2048xf32>
    %logistic3A_12 = math.exp %logistic3A : vector<512x2048xf32>
    %logistic3A_13 = arith.constant 1.000000e+00 : f32
    %logistic3A_14 = vector.broadcast %logistic3A_13 : f32 to vector<512x2048xf32>
    %logistic3A_15 = arith.addf %logistic3A_14, %logistic3A_12 : vector<512x2048xf32>
    %logistic3A_16 = arith.divf %logistic3A_14, %logistic3A_15 : vector<512x2048xf32>
    %mul3A = arith.mulf %dot_general3A_5, %logistic3A_16 : vector<512x2048xf32>
    %mul3A_17 = arith.mulf %mul3A, %dot_general3A_11 : vector<512x2048xf32>
    %get3A_18 = arith.constant 0 : index
    %get3A_19 = arith.constant 0 : index
    %get3A_20 = vector.load %arg4[%get3A_18, %get3A_19] : memref<1024x2048xf32, #tpu.memory_space<vmem>>, vector<1024x2048xf32>
    %transpose3A_21 = tpu.transpose %get3A_20, [1, 0] : vector<1024x2048xf32> -> vector<2048x1024xf32>
    %dot_general3A_22 = arith.constant dense<0.000000e+00> : vector<512x1024xf32>
    %dot_general3A_23 = tpu.matmul %mul3A_17, %transpose3A_21, %dot_general3A_22 {dimension_numbers = #tpu.dot_dimension_numbers<[1], [0], [0], [1], [0, 0, 1, 1], [], []>, transpose_lhs_hint = false} : vector<512x2048xf32>, vector<2048x1024xf32>, vector<512x1024xf32> -> vector<512x1024xf32>
    %swap3A = arith.constant 0 : index
    %swap3A_24 = arith.constant 0 : index
    %swap3A_25 = vector.load %arg5[%swap3A, %swap3A_24] : memref<512x1024xf32, #tpu.memory_space<vmem>>, vector<512x1024xf32>
    tpu.vector_store %arg5[%swap3A, %swap3A_24], %dot_general3A_23 {strides = array<i32>} : memref<512x1024xf32, #tpu.memory_space<vmem>>, vector<512x1024xf32>,
    return
  }
  func.func @transform_0(%arg0: i32) -> (i32, i32) {
    %c0_i32 = arith.constant 0 : i32
    %c0_i32_0 = arith.constant 0 : i32
    return %arg0, %c0_i32 : i32, i32
  }
  func.func @transform_1(%arg0: i32) -> (i32, i32) {
    %c0_i32 = arith.constant 0 : i32
    %c0_i32_0 = arith.constant 0 : i32
    %c0_i32_1 = arith.constant 0 : i32
    return %c0_i32, %c0_i32_0 : i32, i32
  }
  func.func @transform_2(%arg0: i32) -> (i32, i32) {
    %c0_i32 = arith.constant 0 : i32
    %c0_i32_0 = arith.constant 0 : i32
    %c0_i32_1 = arith.constant 0 : i32
    return %c0_i32, %c0_i32_0 : i32, i32
  }
  func.func @transform_3(%arg0: i32) -> (i32, i32) {
    %c0_i32 = arith.constant 0 : i32
    %c0_i32_0 = arith.constant 0 : i32
    %c0_i32_1 = arith.constant 0 : i32
    return %c0_i32, %c0_i32_0 : i32, i32
  }
  func.func @transform_4(%arg0: i32) -> (i32, i32) {
    %c0_i32 = arith.constant 0 : i32
    %c0_i32_0 = arith.constant 0 : i32
    return %arg0, %c0_i32 : i32, i32
  }
}

module attributes {stable_mosaic.version = 14 : i64} {
  func.func @_grouped_kernel(%arg0: i32, %arg1: memref<41xi32, #tpu.memory_space<smem>>, %arg2: memref<512x1024xf32, #tpu.memory_space<vmem>>, %arg3: memref<1x2048x1024xf32, #tpu.memory_space<vmem>>, %arg4: memref<1x2048x1024xf32, #tpu.memory_space<vmem>>, %arg5: memref<1x1024x2048xf32, #tpu.memory_space<vmem>>, %arg6: memref<512x1024xf32, #tpu.memory_space<vmem>>) attributes {dimension_semantics = [#tpu.dimension_semantics<arbitrary>], iteration_bounds = array<i64: 40>, scalar_prefetch = 1 : i64, scratch_operands = 0 : i64, tpu.core_type = #tpu.core_type<tc>, window_params = [{transform_indices = @transform_0, window_bounds = array<i64: 512, 1024>}, {transform_indices = @transform_1, window_bounds = array<i64: 1, 2048, 1024>}, {transform_indices = @transform_2, window_bounds = array<i64: 1, 2048, 1024>}, {transform_indices = @transform_3, window_bounds = array<i64: 1, 1024, 2048>}, {transform_indices = @transform_4, window_bounds = array<i64: 512, 1024>}]} {
    %get3A = arith.constant 40 : index
    %get3A_0 = memref.load %arg1[%get3A] : memref<41xi32, #tpu.memory_space<smem>>
    %lt3A = arith.cmpi slt, %arg0, %get3A_0 : i32
    %convert_element_type3A = arith.extui %lt3A : i1 to i32
    %cond3A = arith.constant 0 : i32
    %cond3A_1 = arith.cmpi ne, %convert_element_type3A, %cond3A : i32
    scf.if %cond3A_1 {
      %get3A_2 = arith.constant 0 : index
      %get3A_3 = arith.constant 0 : index
      %get3A_4 = vector.load %arg2[%get3A_2, %get3A_3] : memref<512x1024xf32, #tpu.memory_space<vmem>>, vector<512x1024xf32>
      %get3A_5 = arith.constant 0 : index
      %get3A_6 = arith.constant 0 : index
      %get3A_7 = arith.constant 0 : index
      %get3A_8 = vector.load %arg3[%get3A_5, %get3A_6, %get3A_7] : memref<1x2048x1024xf32, #tpu.memory_space<vmem>>, vector<1x2048x1024xf32>
      %get3A_9 = vector.shape_cast %get3A_8 : vector<1x2048x1024xf32> to vector<2048x1024xf32>
      %transpose3A = tpu.transpose %get3A_9, [1, 0] : vector<2048x1024xf32> -> vector<1024x2048xf32>
      %dot_general3A = arith.constant dense<0.000000e+00> : vector<512x2048xf32>
      %dot_general3A_10 = tpu.matmul %get3A_4, %transpose3A, %dot_general3A {dimension_numbers = #tpu.dot_dimension_numbers<[1], [0], [0], [1], [0, 0, 1, 1], [], []>, transpose_lhs_hint = false} : vector<512x1024xf32>, vector<1024x2048xf32>, vector<512x2048xf32> -> vector<512x2048xf32>
      %get3A_11 = arith.constant 0 : index
      %get3A_12 = arith.constant 0 : index
      %get3A_13 = arith.constant 0 : index
      %get3A_14 = vector.load %arg4[%get3A_11, %get3A_12, %get3A_13] : memref<1x2048x1024xf32, #tpu.memory_space<vmem>>, vector<1x2048x1024xf32>
      %get3A_15 = vector.shape_cast %get3A_14 : vector<1x2048x1024xf32> to vector<2048x1024xf32>
      %transpose3A_16 = tpu.transpose %get3A_15, [1, 0] : vector<2048x1024xf32> -> vector<1024x2048xf32>
      %dot_general3A_17 = arith.constant dense<0.000000e+00> : vector<512x2048xf32>
      %dot_general3A_18 = tpu.matmul %get3A_4, %transpose3A_16, %dot_general3A_17 {dimension_numbers = #tpu.dot_dimension_numbers<[1], [0], [0], [1], [0, 0, 1, 1], [], []>, transpose_lhs_hint = false} : vector<512x1024xf32>, vector<1024x2048xf32>, vector<512x2048xf32> -> vector<512x2048xf32>
      %logistic3A = arith.negf %dot_general3A_10 : vector<512x2048xf32>
      %logistic3A_19 = math.exp %logistic3A : vector<512x2048xf32>
      %logistic3A_20 = arith.constant 1.000000e+00 : f32
      %logistic3A_21 = vector.broadcast %logistic3A_20 : f32 to vector<512x2048xf32>
      %logistic3A_22 = arith.addf %logistic3A_21, %logistic3A_19 : vector<512x2048xf32>
      %logistic3A_23 = arith.divf %logistic3A_21, %logistic3A_22 : vector<512x2048xf32>
      %mul3A = arith.mulf %dot_general3A_10, %logistic3A_23 : vector<512x2048xf32>
      %mul3A_24 = arith.mulf %mul3A, %dot_general3A_18 : vector<512x2048xf32>
      %get3A_25 = arith.constant 0 : index
      %get3A_26 = arith.constant 0 : index
      %get3A_27 = arith.constant 0 : index
      %get3A_28 = vector.load %arg5[%get3A_25, %get3A_26, %get3A_27] : memref<1x1024x2048xf32, #tpu.memory_space<vmem>>, vector<1x1024x2048xf32>
      %get3A_29 = vector.shape_cast %get3A_28 : vector<1x1024x2048xf32> to vector<1024x2048xf32>
      %transpose3A_30 = tpu.transpose %get3A_29, [1, 0] : vector<1024x2048xf32> -> vector<2048x1024xf32>
      %dot_general3A_31 = arith.constant dense<0.000000e+00> : vector<512x1024xf32>
      %dot_general3A_32 = tpu.matmul %mul3A_24, %transpose3A_30, %dot_general3A_31 {dimension_numbers = #tpu.dot_dimension_numbers<[1], [0], [0], [1], [0, 0, 1, 1], [], []>, transpose_lhs_hint = false} : vector<512x2048xf32>, vector<2048x1024xf32>, vector<512x1024xf32> -> vector<512x1024xf32>
      %swap3A = arith.constant 0 : index
      %swap3A_33 = arith.constant 0 : index
      %swap3A_34 = vector.load %arg6[%swap3A, %swap3A_33] : memref<512x1024xf32, #tpu.memory_space<vmem>>, vector<512x1024xf32>
      tpu.vector_store %arg6[%swap3A, %swap3A_33], %dot_general3A_32 {strides = array<i32>} : memref<512x1024xf32, #tpu.memory_space<vmem>>, vector<512x1024xf32>,
    } else {
    }
    return
  }
  func.func @transform_0(%arg0: i32, %arg1: memref<41xi32, #tpu.memory_space<smem>>) -> (i32, i32) {
    %c0_i32 = arith.constant 0 : i32
    %c0_i32_0 = arith.constant 0 : i32
    return %arg0, %c0_i32 : i32, i32
  }
  func.func @transform_1(%arg0: i32, %arg1: memref<41xi32, #tpu.memory_space<smem>>) -> (i32, i32, i32) {
    %get3A = arith.index_cast %arg0 : i32 to index
    %get3A_0 = memref.load %arg1[%get3A] : memref<41xi32, #tpu.memory_space<smem>>
    %c0_i32 = arith.constant 0 : i32
    %c0_i32_1 = arith.constant 0 : i32
    %c0_i32_2 = arith.constant 0 : i32
    return %get3A_0, %c0_i32, %c0_i32_1 : i32, i32, i32
  }
  func.func @transform_2(%arg0: i32, %arg1: memref<41xi32, #tpu.memory_space<smem>>) -> (i32, i32, i32) {
    %get3A = arith.index_cast %arg0 : i32 to index
    %get3A_0 = memref.load %arg1[%get3A] : memref<41xi32, #tpu.memory_space<smem>>
    %c0_i32 = arith.constant 0 : i32
    %c0_i32_1 = arith.constant 0 : i32
    %c0_i32_2 = arith.constant 0 : i32
    return %get3A_0, %c0_i32, %c0_i32_1 : i32, i32, i32
  }
  func.func @transform_3(%arg0: i32, %arg1: memref<41xi32, #tpu.memory_space<smem>>) -> (i32, i32, i32) {
    %get3A = arith.index_cast %arg0 : i32 to index
    %get3A_0 = memref.load %arg1[%get3A] : memref<41xi32, #tpu.memory_space<smem>>
    %c0_i32 = arith.constant 0 : i32
    %c0_i32_1 = arith.constant 0 : i32
    %c0_i32_2 = arith.constant 0 : i32
    return %get3A_0, %c0_i32, %c0_i32_1 : i32, i32, i32
  }
  func.func @transform_4(%arg0: i32, %arg1: memref<41xi32, #tpu.memory_space<smem>>) -> (i32, i32) {
    %c0_i32 = arith.constant 0 : i32
    %c0_i32_0 = arith.constant 0 : i32
    return %arg0, %c0_i32 : i32, i32
  }
}

</mosaic_0001>

<sc_bundles>
// kernel: kernel.10.cloned.1.call-start
scs
__scs_entry_jumppad:
0x0: {  	(pc) =	sbr.rel $0x88, $3  }
0x1: {  	(tag) =	ssettag $0x0;
	lr =	simm.s32 $0x1  }
0x2: {  	[smem:$0x3F96] =	sst lr;
	_ =	strace $0xD0000000  }
0x3: {  	_ = 	snop  }
0x4: {  	_ = 	snop  }
0x5: {  	_ = 	snop  }
0x6: {  	_ = 	snop  }
0x7: {  	_ = 	snop  }
__scs_overlays_trampoline_lowered:
0x8: {  	[smem:$0x3FA5] =	sst s0  }
0x9: {  	[smem:$0x3FA6] =	sst s1  }
0xa: {  	[smem:$0x3FA7] =	sst s2  }
0xb: {  	[smem:$0x3FA8] =	sst s3  }
0xc: {  	[smem:$0x3FA9] =	sst s4  }
0xd: {  	[smem:$0x3FAA] =	sst s5  }
0xe: {  	[smem:$0x3FAB] =	sst s6  }
0xf: {  	[smem:$0x3FAC] =	sst s7  }
0x10: {  	[smem:$0x3FAD] =	sst s8  }
0x11: {  	[smem:$0x3FAE] =	sst s9;
	s0 =	simm.s32 @!p0 $0x0  }
0x12: {  	s1 =	sld [smem:$0x3F94];
	s0 =	simm.s32 @p0 $0x1  }
0x13: {  	[smem:$0x3FAF] =	sst s0;
	s0 =	simm.s32 @!p1 $0x0  }
0x14: {  	s2 =	sld [smem:$0x3F93];
	s0 =	simm.s32 @p1 $0x1  }
0x15: {  	[smem:$0x3FB0] =	sst s0;
	s0 =	simm.s32 @!p2 $0x0  }
0x16: {  	s3 =	sld [smem:$0x3FDB];
	s0 =	simm.s32 @p2 $0x1  }
0x17: {  	s4 =	simm.s32 $0x1BF5;
	[smem:$0x3FB2] =	sst s0  }
0x18: {  	s0 =	sld [smem:$0x3F95];
	_ =	swait.ge [sflag:s4], $0x0  }
0x19: {  	s7 =	sld [smem:$0x3F96]  }
0x1a: {  	s8 =	sadd.s32 $0xFFFFE003, lr  }
0x1b: {  	s9 =	sadd.s32 $0xFFFFFEF7, lr;
	s5 =	simm.s32 $0xFFFFFFFF;
	p2 =	slt.u32 s8, $0xFFFFF086  }
0x1c: {  	p1 =	slt.u32 s9, $0xF7A;
	s5 =	simm.s32 @!p2 $0x0  }
0x1d: {  	s5 =	simm.s32 @p1 $0x1;
	p0 =	seq.s32 s7, s2  }
0x1e: {  	s7 =	smul.u32 @!p0 $0xF7A, s2;
	p2 =	seq.s32 @!p0 s5, $0x0  }
0x1f: {  	s9 =	smul.u32 $0xF7A, s1;
	s8 =	simm.s32 @!p0 $0x1BF5;
	p2 =	por !p2, p0  }
0x20: {  	[sflag:s8] =	ssyncset.s32 @!p0 $0xFFFFF086;
	s6 =	sadd.s32 @!p0 s3, s7;
	s7 =	simm.s32 @!p0 $0x108  }
0x21: {  	s3 =	sadd.s32 s3, s9;
	s6 =	sadd.s32 @!p0 $0x88, s6;
	s7 =	simm.s32 @p2 $0x1082  }
0x22: {  	[simem:s7], [sflag:s8] =	dma.local @!p0 [hbm:s6], $0xF7A  }
0x23: {  	s9 =	sor.u32 $0xD0000000, s2;
	s6 =	simm.s32 $0x108;
	_ =	swait.ge @!p0 [sflag:s8], $0x0  }
0x24: {  	s3 =	sadd.s32 $0x88, s3;
	s6 =	simm.s32 @!p1 $0x1082;
	[sflag:s4] =	ssyncset.s32 $0xFFFFF086  }
0x25: {  	[simem:s6], [sflag:s4] =	dma.local [hbm:s3], $0xF7A  }
0x26: {  	[smem:$0x3F96] =	sst s1;
	(tag) =	ssettag s2;
	_ =	strace s9  }
0x27: {  	s1 =	sld [smem:$0x3FA6]  }
0x28: {  	s2 =	sld [smem:$0x3FA7]  }
0x29: {  	s4 =	sld [smem:$0x3FA9]  }
0x2a: {  	p0 =	seq.s32 s5, $0x0;
	s5 =	sld [smem:$0x3FAA]  }
0x2b: {  	s6 =	sld [smem:$0x3FAB]  }
0x2c: {  	s7 =	sld [smem:$0x3FAC]  }
0x2d: {  	s3 =	simm.s32 $0x108;
	s8 =	sld [smem:$0x3FAD]  }
0x2e: {  	s3 =	simm.s32 @!p0 $0x1082;
	s9 =	sld [smem:$0x3FAE]  }
0x2f: {  	lr =	sadd.s32 s0, s3;
	s0 =	sld [smem:$0x3FA5]  }
0x30: {  	s3 =	sld [smem:$0x3FA8]  }
0x31: {  	[smem:$0x3FB1] =	sst s10  }
0x32: {  	s10 =	sld [smem:$0x3FAF];
	_ =	sdelay $0x3  }
0x33: {  	p0 =	seq.s32 s10, $0x1;
	s10 =	sld [smem:$0x3FB1];
	_ =	sdelay $0x3  }
0x34: {  	[smem:$0x3FB1] =	sst s10  }
0x35: {  	s10 =	sld [smem:$0x3FB0];
	_ =	sdelay $0x3  }
0x36: {  	p1 =	seq.s32 s10, $0x1;
	s10 =	sld [smem:$0x3FB1];
	_ =	sdelay $0x3  }
0x37: {  	[smem:$0x3FB1] =	sst s10  }
0x38: {  	s10 =	sld [smem:$0x3FB2]  }
0x39: {  	_ = 	snop;
	(pc) =	sbr.ind lr, $3  }
0x3a: {  	_ = 	snop  }
0x3b: {  	_ = 	snop  }
0x3c: {  	p2 =	seq.s32 s10, $0x1;
	s10 =	sld [smem:$0x3FB1]  }
0x3d: {  	_ =	shalt  }
0x3e: {  	_ =	shalt  }
0x3f: {  	_ =	shalt  }
0x40: {  	_ =	shalt  }
0x41: {  	_ =	shalt  }
0x42: {  	_ =	shalt  }
0x43: {  	_ =	shalt  }
0x44: {  	_ =	shalt  }
0x45: {  	_ =	shalt  }
0x46: {  	_ =	shalt  }
0x47: {  	_ =	shalt  }
0x48: {  	_ =	shalt  }
0x49: {  	_ =	shalt  }
0x4a: {  	_ =	shalt  }
0x4b: {  	_ =	shalt  }
0x4c: {  	_ =	shalt  }
0x4d: {  	_ =	shalt  }
0x4e: {  	_ =	shalt  }
0x4f: {  	_ =	shalt  }
0x50: {  	_ =	shalt  }
0x51: {  	_ =	shalt  }
0x52: {  	_ =	shalt  }
0x53: {  	_ =	shalt  }
0x54: {  	_ =	shalt  }
0x55: {  	_ =	shalt  }
0x56: {  	_ =	shalt  }
0x57: {  	_ =	shalt  }
0x58: {  	_ =	shalt  }
0x59: {  	_ =	shalt  }
0x5a: {  	_ =	shalt  }
0x5b: {  	_ =	shalt  }
0x5c: {  	_ =	shalt  }
0x5d: {  	_ =	shalt  }
0x5e: {  	_ =	shalt  }
0x5f: {  	_ =	shalt  }
0x60: {  	_ =	shalt  }
0x61: {  	_ =	shalt  }
0x62: {  	_ =	shalt  }
0x63: {  	_ =	shalt  }
0x64: {  	_ =	shalt  }
0x65: {  	_ =	shalt  }
0x66: {  	_ =	shalt  }
0x67: {  	_ =	shalt  }
0x68: {  	_ =	shalt  }
0x69: {  	_ =	shalt  }
0x6a: {  	_ =	shalt  }
0x6b: {  	_ =	shalt  }
0x6c: {  	_ =	shalt  }
0x6d: {  	_ =	shalt  }
0x6e: {  	_ =	shalt  }
0x6f: {  	_ =	shalt  }
0x70: {  	_ =	shalt  }
0x71: {  	_ =	shalt  }
0x72: {  	_ =	shalt  }
0x73: {  	_ =	shalt  }
0x74: {  	_ =	shalt  }
0x75: {  	_ =	shalt  }
0x76: {  	_ =	shalt  }
0x77: {  	_ =	shalt  }
0x78: {  	_ =	shalt  }
0x79: {  	_ =	shalt  }
0x7a: {  	_ =	shalt  }
0x7b: {  	_ =	shalt  }
0x7c: {  	_ =	shalt  }
0x7d: {  	_ =	shalt  }
0x7e: {  	_ =	shalt  }
0x7f: {  	_ =	shalt  }
0x80: {  	_ =	shalt  }
0x81: {  	_ =	shalt  }
0x82: {  	_ =	shalt  }
0x83: {  	_ =	shalt  }
0x84: {  	_ =	shalt  }
0x85: {  	_ =	shalt  }
0x86: {  	_ =	shalt  }
0x87: {  	_ =	shalt  }
.Lfunc_end0:
.L_simem_size_0:
called_computation.1_lowered:
.L_overlay_start_0:
0x88: {  	s2 =	sld [smem:$0x3FD9]  }
0x89: {  	s3 =	sld [smem:$0x3FFE];
	_ =	sdelay $0x1  }
0x8a: {  	s1 =	srdreg.scid  }
0x8b: {  	s0 =	sand.u32 $0x1, s1  }
0x8c: {  	s17 =	sshll.u32 s0, $0xA;
	s2 =	sadd.s32 s3, s2  }
0x8d: {  	s2 =	sadd.s32 s2, s17  }
0x8e: {  	[smem:$0x3FBD] =	sst s2  }
0x8f: {  	_ = 	snop  }
0x90: {  	s2 =	sld [smem:$0x3FD0];
	(tm) =	ssettm $0x1  }
0x91: {  	s18 =	sld [smem:$0x3FFB];
	_ =	sdelay $0x3  }
0x92: {  	_ =	strace s18  }
0x93: {  	s3 =	sld [smem:$0x3FFC];
	_ =	sdelay $0x3  }
0x94: {  	_ =	strace s3  }
0x95: {  	s3 =	sld [smem:$0x3FFD];
	_ =	sdelay $0x3  }
0x96: {  	_ =	strace s3  }
0x97: {  	_ =	strace $0x8FFFFFFF  }
0x98: {  	s19 =	sld [smem:$0x3FDB];
	_ =	sdelay $0x1  }
0x99: {  	s4 =	simm.s32 $_scs_section_size  }
0x9a: {  	s5 =	simm.s32 $_size__tile_overlayer_lowered;
	s6 =	simm.s32 $_tile_overlayer_lowered  }
0x9b: {  	s22 =	simm.s32 $0x1BFF;
	s21 =	sshll.u32 s6, $0x1;
	s3 =	sadd.s32 s4, s19  }
0x9c: {  	s7 =	simm.s32 $0x0;
	s20 =	sshll.u32 s5, $0x1;
	s5 =	sadd.s32 s21, s3  }
0x9d: {  	[timem:s7], [sflag:s22] =	dma.local [hbm:s5], s20  }
0x9e: {  	_ =	swait.ge [sflag:s22], s20  }
0x9f: {  	s4 =	ssub.s32 $0x0, s20;
	[sflag:s22] =	ssyncset.done $0x0  }
0xa0: {  	[sflag:s22] =	ssyncadd.s32 s4;
	_ =	sdelay $0x1  }
0xa1: {  	s23 =	simm.s32 $0x1B8B  }
0xa2: {  	_ =	swait.ge [sflag:s23], $0x1  }
0xa3: {  	[sflag:s23] =	ssyncset.done $0x0  }
0xa4: {  	s25 =	simm.s32 $0x1B8E;
	s24 =	sld [smem:$0x3FFE];
	[sflag:s23] =	ssyncadd.s32 $0xFFFFFFFF  }
0xa5: {  	s26 =	simm.s32 $execute0_lowered;
	[smem:$0x3FD2] =	sst s25  }
0xa6: {  	s5 =	sshll.u32 s26, $0x1;
	_ =	strace $0x80000049;
	[dreg:$0x1] =	wrdreg $0xFFFFFFFF  }
0xa7: {  	s28 =	simm.s32 $_size_execute0_lowered;
	s3 =	sadd.s32 s3, s5;
	[dreg:$0x0] =	wrdreg $0x0  }
0xa8: {  	s5 =	sshll.u32 s28, $0x1;
	[dreg:$0x2] =	wrdreg s3  }
0xa9: {  	[dreg:$0x3] =	wrdreg s5  }
0xaa: {  	[dreg:$0x4] =	wrdreg $0xC0  }
0xab: {  	_ =	task [dreg:s7], $0x5FFFF  }
0xac: {  	[dreg:$0x1] =	wrdreg $0xFFFFFFFF  }
0xad: {  	[dreg:$0x0] =	wrdreg $0x60  }
0xae: {  	[dreg:$0x2] =	wrdreg s24  }
0xaf: {  	[dreg:$0x3] =	wrdreg s2  }
0xb0: {  	[dreg:$0x4] =	wrdreg $0x9  }
0xb1: {  	_ =	task.clear_ibuf [dreg:s7], $0x5FFFF;
	_ =	strace $0x90000049  }
0xb2: {  	s29 =	simm.s32 $0x9;
	_ =	strace $0x8000004B  }
0xb3: {  	_ =	swait.ge [sflag:s29], $0x1  }
0xb4: {  	[sflag:s29] =	ssyncadd.s32 $0xFFFFFFFF  }
0xb5: {  	_ =	strace $0x9000004B  }
0xb6: {  	_ =	sfence  }
0xb7: {  	s30 =	sld [smem:$0x0];
	_ =	sdelay $0x2  }
0xb8: {  	s31 =	sshll.u32 s1, $0xD;
	s1 =	sshrl.u32 s1, $0x2  }
0xb9: {  	s3 =	sand.u32 $0x4000, s31;
	s1 =	sadd.s32 s1, s30  }
0xba: {  	s0 =	sor.u32 s3, s0;
	s1 =	sshll.u32 s1, $0x11  }
0xbb: {  	s0 =	sor.u32 s1, s0  }
0xbc: {  	s0 =	sadd.s32 $0x8F2B, s0  }
0xbd: {  	[sflag:s0] =	ssyncadd.remote.s32 $0x1  }
0xbe: {  	_ =	sfence.sel $0xFFFF  }
0xbf: {  	[dreg:$0x0] =	wrdreg $0xFFFFFFFF;
	(pc) =	sbr.abs _section_cstart, $3  }
0xc0: {  	[dreg:$0x1] =	wrdreg $0xFFFFFFFF  }
0xc1: {  	_ =	task.clear_ibuf [dreg:s7], $0x2FFFF;
	_ =	strace $0x9FFFFFFF  }
0xc2: {  	(tm) =	ssettm $0x7FFFFFFF  }
0xc3: {  	_ =	shalt  }
tec
execute0_lowered:
.L_overlay_start_1:
0x0: {  	(tag) =	ssettag $0x1  }
0x1: {  	s0 =	rddreg [dreg:$0x0];
	s1 =	srdreg.scid  }
0x2: {  	s2 =	stileid.u32;
	s3 =	simm.s32 $0x0;
	s16 =	simm.s32 $0x3  }
0x3: {  	s18 =	simm.s32 $0x18200;
	s19 =	simm.s32 $0x18300;
	s23 =	simm.s32 $0xC800  }
0x4: {  	s28 =	simm.s32 $0xE800;
	s29 =	simm.s32 $0xF000;
	s30 =	simm.s32 $0xF800  }
0x5: {  	s31 =	simm.s32 $0x10000;
	s2 =	sshll.u32 s2, $0x9;
	[smem:$0x7FF] =	sst s3  }
0x6: {  	s1 =	sand.u32 $0x1, s1;
	s5 =	sadd.s32 $0x382600, s0;
	s6 =	sadd.s32 $0x281E00, s0  }
0x7: {  	s11 =	sadd.s32 $0x382700, s0;
	s4 =	sshll.u32 s1, $0x8;
	s1 =	ssub.s32 $0x2, s1  }
0x8: {  	s12 =	sadd.s32 $0x382800, s0;
	s4 =	sor.u32 s4, s2;
	s25 =	sshrl.u32 s1, $0x1  }
0x9: {  	s13 =	sadd.s32 $0x382900, s0;
	s2 =	sshrl.u32 s4, $0x3;
	s1 =	ssub.s32 s1, s25  }
0xa: {  	_ =	strace $0x8000004A;
	s2 =	sadd.s32 s2, s0;
	s26 =	smax.u32 s1, $0x1  }
0xb: {  	v0 =	vlaneseq.u32;
	s25 =	simm.s32 $0xD800;
	s7 =	sadd.s32 $0x281400, s2;
	[dreg:$0x7] =	wrdreg s26  }
0xc: {  	v1 =	vand.u32 $0x7, v0;
	v63 =	vshrl.u32 v0, $0x3;
	s0 =	simm.s32 $0x1;
	s24 =	sadd.s32 $0x281800, s2;
	[dreg:$0x3] =	wrdreg s7  }
0xd: {  	v0 =	vor.u32 $0x8, v0;
	[tilespmem:$0x1FFD0] =	vst v1;
	v1 =	vmul.u32 $0x8, v63;
	s1 =	simm.s32 $0x2;
	s8 =	sadd.s32 $0x382200, s2;
	[dreg:$0x4] =	wrdreg s24  }
0xe: {  	[tilespmem:$0x1FFF0] =	vst v0;
	s2 =	sadd.s32 $0x381E00, s2;
	s26 =	simm.s32 $0xE000;
	[dreg:$0x5] =	wrdreg s8  }
0xf: {  	vm0 =	vmmov $0xffff;
	[tilespmem:$0x1FFE0] =	vst v1;
	[dreg:$0x6] =	wrdreg s2;
	s24 =	simm.s32 $0xD000;
	s7 =	simm.s32 $0x0  }
.LBB2_1:
0x10: {  	[dreg:$0x8] =	wrdreg s7  }
0x11: {  	s2 =	rddreg [dreg:$0x3];
	s15 =	simm.s32 $0x18000  }
0x12: {  	[tilespmem:s15], [sflag:$0x3] =	stream.linear.gather [hbm4b:s2+s3], $0x100, $0x38;
	[tilespmem:$0x18400] =	vst v63  }
0x13: {  	_ =	swait.ge [sflag:s16], $0x100  }
0x14: {  	[sflag:s16] =	ssyncset.done $0x0  }
0x15: {  	s20 =	simm.s32 $0x18100;
	s17 =	rddreg [dreg:$0x4];
	[sflag:s16] =	ssyncadd.s32 $0xFFFFFF00  }
0x16: {  	[tilespmem:s20], [sflag:$0x3] =	stream.linear.gather [hbm4b:s17+s3], $0x100, $0x38;
	[tilespmem:$0x18400] =	vst v63  }
0x17: {  	_ =	swait.ge [sflag:s16], $0x100  }
0x18: {  	[sflag:s16] =	ssyncset.done $0x0  }
0x19: {  	s21 =	rddreg [dreg:$0x5];
	[sflag:s16] =	ssyncadd.s32 $0xFFFFFF00  }
0x1a: {  	[tilespmem:s18], [sflag:$0x3] =	stream.linear.gather [hbm4b:s21+s3], $0x100, $0x38;
	[tilespmem:$0x18400] =	vst v63  }
0x1b: {  	_ =	swait.ge [sflag:s16], $0x100  }
0x1c: {  	[sflag:s16] =	ssyncset.done $0x0  }
0x1d: {  	s22 =	rddreg [dreg:$0x6];
	[sflag:s16] =	ssyncadd.s32 $0xFFFFFF00  }
0x1e: {  	[tilespmem:s19], [sflag:$0x3] =	stream.linear.gather [hbm4b:s22+s3], $0x100, $0x38;
	[tilespmem:$0x18400] =	vst v63  }
0x1f: {  	_ =	swait.ge [sflag:s16], $0x100  }
0x20: {  	[sflag:s16] =	ssyncset.done $0x0  }
0x21: {  	s10 =	simm.s32 $0x0;
	s17 =	simm.s32 $0x0;
	[sflag:s16] =	ssyncadd.s32 $0xFFFFFF00  }
.LBB2_2:
0x22: {  	s2 =	sshll.u32 s17, $0x5  }
0x23: {  	v0 =	vld [tilespmem:s2+$0x18000];
	_ =	sdelay $0x2  }
0x24: {  	v1 =	vld [tilespmem:$0x1FFD0];
	_ =	sdelay $0x1  }
0x25: {  	v2 =	vld [tilespmem:$0x1FFE0];
	v3 =	vshll.u32 v0, $0x3  }
0x26: {  	v0 =	vand.u32 $0x7, v0;
	v3 =	vand.u32 $0xFFFFFFC0, v3  }
0x27: {  	v0 =	vor.u32 v0, v3  }
0x28: {  	v3 =	vperm.xlane v0, v1;
	_ =	sdelay $0x1  }
0x29: {  	v3 =	vadd.s32 v2, v3  }
0x2a: {  	v4 =	vld [tilespmem:$0x1FFF0];
	_ =	sdelay $0x2  }
0x2b: {  	s7 =	simm.s32 $0x0  }
0x2c: {  	[tilespmem:s7], [sflag:$0x1] =	stream.indirect_vreg.gather [hbm4b:s5+s7], $0x80, v3, vm0, $0xb8;
	[tilespmem:$0x18400] =	vst v63  }
0x2d: {  	s8 =	simm.s32 $0x800;
	v0 =	vperm.xlane v0, v4  }
0x2e: {  	[tilespmem:s8], [sflag:$0x1] =	stream.indirect_vreg.gather [hbm4b:s11+s7], $0x80, v3, vm0, $0xb8;
	[tilespmem:$0x18400] =	vst v63  }
0x2f: {  	s14 =	simm.s32 $0x1000;
	v0 =	vadd.s32 v2, v0  }
0x30: {  	[tilespmem:s14], [sflag:$0x1] =	stream.indirect_vreg.gather [hbm4b:s12+s7], $0x80, v3, vm0, $0xb8;
	[tilespmem:$0x18400] =	vst v63  }
0x31: {  	s15 =	simm.s32 $0x1800  }
0x32: {  	[tilespmem:s15], [sflag:$0x1] =	stream.indirect_vreg.gather [hbm4b:s13+s7], $0x80, v3, vm0, $0xb8;
	[tilespmem:$0x18400] =	vst v63  }
0x33: {  	s20 =	simm.s32 $0x2000  }
0x34: {  	[tilespmem:s20], [sflag:$0x1] =	stream.indirect_vreg.gather [hbm4b:s5+s7], $0x80, v0, vm0, $0xb8;
	[tilespmem:$0x18400] =	vst v63  }
0x35: {  	s21 =	simm.s32 $0x2800  }
0x36: {  	[tilespmem:s21], [sflag:$0x1] =	stream.indirect_vreg.gather [hbm4b:s11+s7], $0x80, v0, vm0, $0xb8;
	[tilespmem:$0x18400] =	vst v63  }
0x37: {  	s22 =	simm.s32 $0x3000  }
0x38: {  	[tilespmem:s22], [sflag:$0x1] =	stream.indirect_vreg.gather [hbm4b:s12+s7], $0x80, v0, vm0, $0xb8;
	[tilespmem:$0x18400] =	vst v63  }
0x39: {  	s9 =	simm.s32 $0x3800  }
0x3a: {  	[tilespmem:s9], [sflag:$0x1] =	stream.indirect_vreg.gather [hbm4b:s13+s7], $0x80, v0, vm0, $0xb8;
	[tilespmem:$0x18400] =	vst v63  }
0x3b: {  	v0 =	vld [tilespmem:s2+$0x18100];
	_ =	sdelay $0x4  }
0x3c: {  	v61 =	vshll.u32 v0, $0x3  }
0x3d: {  	v0 =	vand.u32 $0x7, v0;
	v3 =	vand.u32 $0xFFFFFFC0, v61  }
0x3e: {  	v0 =	vor.u32 v0, v3  }
0x3f: {  	v3 =	vperm.xlane v0, v1;
	_ =	sdelay $0x1  }
0x40: {  	v3 =	vadd.s32 v2, v3;
	_ =	sdelay $0x3  }
0x41: {  	s14 =	simm.s32 $0x8000  }
0x42: {  	[tilespmem:s14], [sflag:$0x2] =	stream.indirect_vreg.gather [hbm4b:s5+s7], $0x80, v3, vm0, $0xb8;
	[tilespmem:$0x18400] =	vst v63  }
0x43: {  	s15 =	simm.s32 $0x8800;
	v0 =	vperm.xlane v0, v4  }
0x44: {  	[tilespmem:s15], [sflag:$0x2] =	stream.indirect_vreg.gather [hbm4b:s11+s7], $0x80, v3, vm0, $0xb8;
	[tilespmem:$0x18400] =	vst v63  }
0x45: {  	s20 =	simm.s32 $0x9000;
	v0 =	vadd.s32 v2, v0  }
0x46: {  	[tilespmem:s20], [sflag:$0x2] =	stream.indirect_vreg.gather [hbm4b:s12+s7], $0x80, v3, vm0, $0xb8;
	[tilespmem:$0x18400] =	vst v63  }
0x47: {  	s21 =	simm.s32 $0x9800  }
0x48: {  	[tilespmem:s21], [sflag:$0x2] =	stream.indirect_vreg.gather [hbm4b:s13+s7], $0x80, v3, vm0, $0xb8;
	[tilespmem:$0x18400] =	vst v63  }
0x49: {  	s22 =	simm.s32 $0xA000  }
0x4a: {  	[tilespmem:s22], [sflag:$0x2] =	stream.indirect_vreg.gather [hbm4b:s5+s7], $0x80, v0, vm0, $0xb8;
	[tilespmem:$0x18400] =	vst v63  }
0x4b: {  	s9 =	simm.s32 $0xA800  }
0x4c: {  	[tilespmem:s9], [sflag:$0x2] =	stream.indirect_vreg.gather [hbm4b:s11+s7], $0x80, v0, vm0, $0xb8;
	[tilespmem:$0x18400] =	vst v63  }
0x4d: {  	s14 =	simm.s32 $0xB000  }
0x4e: {  	[tilespmem:s14], [sflag:$0x2] =	stream.indirect_vreg.gather [hbm4b:s12+s7], $0x80, v0, vm0, $0xb8;
	[tilespmem:$0x18400] =	vst v63  }
0x4f: {  	s15 =	simm.s32 $0xB800  }
0x50: {  	[tilespmem:s15], [sflag:$0x2] =	stream.indirect_vreg.gather [hbm4b:s13+s7], $0x80, v0, vm0, $0xb8;
	[tilespmem:$0x18400] =	vst v63  }
0x51: {  	v0 =	vld [tilespmem:s2+$0x18010];
	_ =	sdelay $0x4  }
0x52: {  	v62 =	vshll.u32 v0, $0x3  }
0x53: {  	v0 =	vand.u32 $0x7, v0;
	v3 =	vand.u32 $0xFFFFFFC0, v62  }
0x54: {  	v0 =	vor.u32 v0, v3  }
0x55: {  	v3 =	vperm.xlane v0, v1;
	_ =	sdelay $0x1  }
0x56: {  	v3 =	vadd.s32 v2, v3;
	_ =	sdelay $0x3  }
0x57: {  	s20 =	simm.s32 $0x4000  }
0x58: {  	[tilespmem:s20], [sflag:$0x1] =	stream.indirect_vreg.gather [hbm4b:s5+s7], $0x80, v3, vm0, $0xb8;
	[tilespmem:$0x18400] =	vst v63  }
0x59: {  	s21 =	simm.s32 $0x4800;
	v0 =	vperm.xlane v0, v4  }
0x5a: {  	[tilespmem:s21], [sflag:$0x1] =	stream.indirect_vreg.gather [hbm4b:s11+s7], $0x80, v3, vm0, $0xb8;
	[tilespmem:$0x18400] =	vst v63  }
0x5b: {  	s22 =	simm.s32 $0x5000;
	v0 =	vadd.s32 v2, v0  }
0x5c: {  	[tilespmem:s22], [sflag:$0x1] =	stream.indirect_vreg.gather [hbm4b:s12+s7], $0x80, v3, vm0, $0xb8;
	[tilespmem:$0x18400] =	vst v63  }
0x5d: {  	s9 =	simm.s32 $0x5800  }
0x5e: {  	[tilespmem:s9], [sflag:$0x1] =	stream.indirect_vreg.gather [hbm4b:s13+s7], $0x80, v3, vm0, $0xb8;
	[tilespmem:$0x18400] =	vst v63  }
0x5f: {  	s14 =	simm.s32 $0x6000  }
0x60: {  	[tilespmem:s14], [sflag:$0x1] =	stream.indirect_vreg.gather [hbm4b:s5+s7], $0x80, v0, vm0, $0xb8;
	[tilespmem:$0x18400] =	vst v63  }
0x61: {  	s15 =	simm.s32 $0x6800  }
0x62: {  	[tilespmem:s15], [sflag:$0x1] =	stream.indirect_vreg.gather [hbm4b:s11+s7], $0x80, v0, vm0, $0xb8;
	[tilespmem:$0x18400] =	vst v63  }
0x63: {  	s20 =	simm.s32 $0x7000  }
0x64: {  	[tilespmem:s20], [sflag:$0x1] =	stream.indirect_vreg.gather [hbm4b:s12+s7], $0x80, v0, vm0, $0xb8;
	[tilespmem:$0x18400] =	vst v63  }
0x65: {  	s21 =	simm.s32 $0x7800  }
0x66: {  	[tilespmem:s21], [sflag:$0x1] =	stream.indirect_vreg.gather [hbm4b:s13+s7], $0x80, v0, vm0, $0xb8;
	[tilespmem:$0x18400] =	vst v63  }
0x67: {  	v0 =	vld [tilespmem:s2+$0x18110];
	_ =	sdelay $0x4  }
0x68: {  	v63 =	vshll.u32 v0, $0x3  }
0x69: {  	v0 =	vand.u32 $0x7, v0;
	v3 =	vand.u32 $0xFFFFFFC0, v63  }
0x6a: {  	v0 =	vor.u32 v0, v3  }
0x6b: {  	v3 =	vperm.xlane v0, v1;
	_ =	sdelay $0x1  }
0x6c: {  	v3 =	vadd.s32 v2, v3;
	_ =	sdelay $0x3  }
0x6d: {  	s22 =	simm.s32 $0xC000  }
0x6e: {  	[tilespmem:s22], [sflag:$0x2] =	stream.indirect_vreg.gather [hbm4b:s5+s7], $0x80, v3, vm0, $0xb8;
	[tilespmem:$0x18400] =	vst v63  }
0x6f: {  	v0 =	vperm.xlane v0, v4  }
0x70: {  	[tilespmem:s23], [sflag:$0x2] =	stream.indirect_vreg.gather [hbm4b:s11+s7], $0x80, v3, vm0, $0xb8;
	[tilespmem:$0x18400] =	vst v63  }
0x71: {  	v0 =	vadd.s32 v2, v0  }
0x72: {  	[tilespmem:s24], [sflag:$0x2] =	stream.indirect_vreg.gather [hbm4b:s12+s7], $0x80, v3, vm0, $0xb8;
	[tilespmem:$0x18400] =	vst v63  }
0x73: {  	_ = 	snop  }
0x74: {  	[tilespmem:s25], [sflag:$0x2] =	stream.indirect_vreg.gather [hbm4b:s13+s7], $0x80, v3, vm0, $0xb8;
	[tilespmem:$0x18400] =	vst v63  }
0x75: {  	_ = 	snop  }
0x76: {  	[tilespmem:s26], [sflag:$0x2] =	stream.indirect_vreg.gather [hbm4b:s5+s7], $0x80, v0, vm0, $0xb8;
	[tilespmem:$0x18400] =	vst v63  }
0x77: {  	_ = 	snop  }
0x78: {  	[tilespmem:s28], [sflag:$0x2] =	stream.indirect_vreg.gather [hbm4b:s11+s7], $0x80, v0, vm0, $0xb8;
	[tilespmem:$0x18400] =	vst v63  }
0x79: {  	s2 =	sor.u32 s4, s2  }
0x7a: {  	[tilespmem:s29], [sflag:$0x2] =	stream.indirect_vreg.gather [hbm4b:s12+s7], $0x80, v0, vm0, $0xb8;
	[tilespmem:$0x18400] =	vst v63  }
0x7b: {  	s8 =	sshll.u32 s2, $0x7  }
0x7c: {  	[tilespmem:s30], [sflag:$0x2] =	stream.indirect_vreg.gather [hbm4b:s13+s7], $0x80, v0, vm0, $0xb8;
	[tilespmem:$0x18400] =	vst v63  }
0x7d: {  	s2 =	sadd.s32 s6, s8  }
0x7e: {  	[tilespmem:s31], [sflag:$0x3] =	stream.linear.gather [hbm4b:s2+s7], $0x8000, $0x38;
	[tilespmem:$0x18400] =	vst v63  }
0x7f: {  	_ =	swait.ge [sflag:s16], $0x8000  }
0x80: {  	[sflag:s16] =	ssyncset.done $0x0  }
0x81: {  	[sflag:s16] =	ssyncadd.s32 $0xFFFF8000  }
0x82: {  	_ =	swait.ge [sflag:s0], $0x4000  }
0x83: {  	[sflag:s0] =	ssyncset.done $0x0  }
0x84: {  	[sflag:s0] =	ssyncadd.s32 $0xFFFFC000  }
0x85: {  	_ =	swait.ge [sflag:s1], $0x4000  }
0x86: {  	[sflag:s1] =	ssyncset.done $0x0  }
0x87: {  	[sflag:s1] =	ssyncadd.s32 $0xFFFFC000  }
0x88: {  	_ =	swait.ge [sflag:s0], $0x4000  }
0x89: {  	[sflag:s0] =	ssyncset.done $0x0  }
0x8a: {  	[sflag:s0] =	ssyncadd.s32 $0xFFFFC000  }
0x8b: {  	_ =	swait.ge [sflag:s1], $0x4000  }
0x8c: {  	s9 =	simm.s32 $0xFFFF8000;
	s14 =	simm.s32 $0x0;
	[sflag:s1] =	ssyncset.done $0x0  }
0x8d: {  	s15 =	smov.u32 s10;
	s2 =	simm.s32 $0x0;
	[sflag:s1] =	ssyncadd.s32 $0xFFFFC000  }
.LBB2_3:
0x8e: {  	v0 =	vmov s15;
	_ =	sdelay $0x3  }
0x8f: {  	s20 =	sadd.s32 $0x8000, s9  }
0x90: {  	s21 =	sand.u32 $0x380, s2;
	s20 =	sand.u32 $0x6000, s20;
	v3 =	vld.idx.msk [tilespmem:v0+s18+$0x0], $0xffff  }
0x91: {  	s20 =	sor.u32 s21, s20;
	v4 =	vld.idx.msk [tilespmem:v0+s19+$0x0], $0xffff  }
0x92: {  	v0 =	vld [tilespmem:s20+$0x10850];
	_ =	sdelay $0x4  }
0x93: {  	[tilespmem:$0x1FEA0] =	vst v0;
	v0 =	vld [tilespmem:s20+$0x860];
	_ =	sdelay $0x4  }
0x94: {  	[tilespmem:$0x1FE50] =	vst v0;
	v0 =	vld [tilespmem:s20+$0x8860];
	_ =	sdelay $0x4  }
0x95: {  	[tilespmem:$0x1FE60] =	vst v0;
	v0 =	vld [tilespmem:s20+$0x10860];
	_ =	sdelay $0x4  }
0x96: {  	[tilespmem:$0x1FEB0] =	vst v0;
	v0 =	vld [tilespmem:s20+$0x870];
	_ =	sdelay $0x4  }
0x97: {  	[tilespmem:$0x1FE70] =	vst v0;
	v0 =	vld [tilespmem:s20+$0x8870];
	_ =	sdelay $0x2  }
0x98: {  	v6 =	vld [tilespmem:s20+$0x0]  }
0x99: {  	v8 =	vld [tilespmem:s20+$0x8000]  }
0x9a: {  	[tilespmem:$0x1FE80] =	vst v0;
	v0 =	vld [tilespmem:s20+$0x10870]  }
0x9b: {  	v10 =	vld [tilespmem:s20+$0x10000]  }
0x9c: {  	v16 =	vld [tilespmem:s20+$0x10]  }
0x9d: {  	v17 =	vld [tilespmem:s20+$0x8010]  }
0x9e: {  	v18 =	vld [tilespmem:s20+$0x10010]  }
0x9f: {  	[tilespmem:$0x1FEE0] =	vst v0;
	v0 =	vld [tilespmem:s20+$0xC00]  }
0xa0: {  	v19 =	vld [tilespmem:s20+$0x20]  }
0xa1: {  	v20 =	vld [tilespmem:s20+$0x8020]  }
0xa2: {  	v23 =	vld [tilespmem:s20+$0x10020]  }
0xa3: {  	v25 =	vld [tilespmem:s20+$0x30]  }
0xa4: {  	[tilespmem:$0x1FEC0] =	vst v0;
	v0 =	vld [tilespmem:s20+$0x8C00]  }
0xa5: {  	v26 =	vld [tilespmem:s20+$0x8030]  }
0xa6: {  	v29 =	vld [tilespmem:s20+$0x10030]  }
0xa7: {  	v35 =	vld [tilespmem:s20+$0x40]  }
0xa8: {  	v37 =	vld [tilespmem:s20+$0x8040]  }
0xa9: {  	[tilespmem:$0x1FED0] =	vst v0;
	v0 =	vld [tilespmem:s20+$0x10C00]  }
0xaa: {  	v40 =	vld [tilespmem:s20+$0x10040]  }
0xab: {  	v41 =	vld [tilespmem:s20+$0x50]  }
0xac: {  	v43 =	vld [tilespmem:s20+$0x8050]  }
0xad: {  	v44 =	vld [tilespmem:s20+$0x10050]  }
0xae: {  	[tilespmem:$0x1FF50] =	vst v0;
	v0 =	vld [tilespmem:s20+$0xC10]  }
0xaf: {  	v47 =	vld [tilespmem:s20+$0x60]  }
0xb0: {  	v49 =	vld [tilespmem:s20+$0x8060]  }
0xb1: {  	v55 =	vld [tilespmem:s20+$0x10060]  }
0xb2: {  	v58 =	vld [tilespmem:s20+$0x70]  }
0xb3: {  	[tilespmem:$0x1FEF0] =	vst v0;
	v0 =	vld [tilespmem:s20+$0x8C10]  }
0xb4: {  	v2 =	vld [tilespmem:s20+$0x8070]  }
0xb5: {  	v21 =	vld [tilespmem:s20+$0x10070]  }
0xb6: {  	v5 =	vld [tilespmem:s20+$0x400]  }
0xb7: {  	v7 =	vld [tilespmem:s20+$0x8400]  }
0xb8: {  	[tilespmem:$0x1FF00] =	vst v0;
	v0 =	vld [tilespmem:s20+$0x10C10]  }
0xb9: {  	v38 =	vld [tilespmem:s20+$0x10400]  }
0xba: {  	v9 =	vld [tilespmem:s20+$0x410]  }
0xbb: {  	v11 =	vld [tilespmem:s20+$0x8410]  }
0xbc: {  	v32 =	vld [tilespmem:s20+$0x10410]  }
0xbd: {  	[tilespmem:$0x1FF60] =	vst v0;
	v0 =	vld [tilespmem:s20+$0xC20]  }
0xbe: {  	v12 =	vld [tilespmem:s20+$0x420]  }
0xbf: {  	v13 =	vld [tilespmem:s20+$0x8420]  }
0xc0: {  	v36 =	vld [tilespmem:s20+$0x10420]  }
0xc1: {  	v14 =	vld [tilespmem:s20+$0x430]  }
0xc2: {  	[tilespmem:$0x1FF10] =	vst v0;
	v0 =	vld [tilespmem:s20+$0x8C20]  }
0xc3: {  	v15 =	vld [tilespmem:s20+$0x8430]  }
0xc4: {  	v39 =	vld [tilespmem:s20+$0x10430]  }
0xc5: {  	v22 =	vld [tilespmem:s20+$0x440]  }
0xc6: {  	v24 =	vld [tilespmem:s20+$0x8440]  }
0xc7: {  	[tilespmem:$0x1FF20] =	vst v0;
	v0 =	vld [tilespmem:s20+$0x10C20]  }
0xc8: {  	v53 =	vld [tilespmem:s20+$0x10440]  }
0xc9: {  	v27 =	vld [tilespmem:s20+$0x450]  }
0xca: {  	v28 =	vld [tilespmem:s20+$0x8450]  }
0xcb: {  	v61 =	vld [tilespmem:s20+$0x10450]  }
0xcc: {  	[tilespmem:$0x1FF70] =	vst v0;
	v0 =	vld [tilespmem:s20+$0xC30]  }
0xcd: {  	v30 =	vld [tilespmem:s20+$0x460]  }
0xce: {  	v31 =	vld [tilespmem:s20+$0x8460]  }
0xcf: {  	v62 =	vld [tilespmem:s20+$0x10460]  }
0xd0: {  	v33 =	vld [tilespmem:s20+$0x470]  }
0xd1: {  	[tilespmem:$0x1FF30] =	vst v0;
	v0 =	vld [tilespmem:s20+$0x8C30]  }
0xd2: {  	v34 =	vld [tilespmem:s20+$0x8470]  }
0xd3: {  	v54 =	vld [tilespmem:s20+$0x10470]  }
0xd4: {  	v42 =	vld [tilespmem:s20+$0x800]  }
0xd5: {  	v45 =	vld [tilespmem:s20+$0x8800]  }
0xd6: {  	[tilespmem:$0x1FF40] =	vst v0;
	v0 =	vld [tilespmem:s20+$0x10C30]  }
0xd7: {  	v50 =	vld [tilespmem:s20+$0x10800]  }
0xd8: {  	v46 =	vld [tilespmem:s20+$0x810]  }
0xd9: {  	v48 =	vld [tilespmem:s20+$0x8810]  }
0xda: {  	v51 =	vld [tilespmem:s20+$0x10810]  }
0xdb: {  	[tilespmem:$0x1FFA0] =	vst v0;
	v0 =	vld [tilespmem:s20+$0xC40]  }
0xdc: {  	v52 =	vld [tilespmem:s20+$0x10820]  }
0xdd: {  	v63 =	vld [tilespmem:s20+$0x830]  }
0xde: {  	v56 =	vld [tilespmem:s20+$0x10830]  }
0xdf: {  	v59 =	vld [tilespmem:s20+$0x840]  }
0xe0: {  	[tilespmem:$0x1FF80] =	vst v0;
	v0 =	vld [tilespmem:s20+$0x8C40]  }
0xe1: {  	v60 =	vld [tilespmem:s20+$0x8840]  }
0xe2: {  	v57 =	vld [tilespmem:s20+$0x10840]  }
0xe3: {  	[tilespmem:$0x1FE10] =	vst v50;
	v50 =	vld [tilespmem:s20+$0x820]  }
0xe4: {  	[tilespmem:$0x1FE20] =	vst v51;
	v51 =	vld [tilespmem:s20+$0x8820]  }
0xe5: {  	[tilespmem:$0x1FF90] =	vst v0;
	v0 =	vld [tilespmem:s20+$0x10C40]  }
0xe6: {  	[tilespmem:$0x1FE30] =	vst v52;
	v52 =	vld [tilespmem:s20+$0x8830];
	v1 =	vmul.f32 v16, v3;
	v17 =	vmul.f32 v17, v4  }
0xe7: {  	[tilespmem:$0x1FE40] =	vst v56;
	v56 =	vld [tilespmem:s20+$0x850]  }
0xe8: {  	[tilespmem:$0x1FE90] =	vst v57;
	v57 =	vld [tilespmem:s20+$0x8850];
	v1 =	vadd.f32 v17, v1;
	v17 =	vmul.f32 v25, v3;
	v25 =	vmul.f32 v26, v4  }
0xe9: {  	v8 =	vmul.f32 v8, v4;
	v16 =	vld [tilespmem:s20+$0x8C50]  }
0xea: {  	v18 =	vadd.f32 v1, v18;
	v1 =	vadd.f32 v25, v17;
	v25 =	vld [tilespmem:s20+$0xC70];
	[tilespmem:$0x1FFB0] =	vst v0;
	v0 =	vmul.f32 v6, v3  }
0xeb: {  	v6 =	vld [tilespmem:s20+$0xC50]  }
0xec: {  	v20 =	vmul.f32 v20, v4;
	v17 =	vld [tilespmem:s20+$0x10C70];
	v0 =	vadd.f32 v8, v0;
	v8 =	vmul.f32 v19, v3  }
0xed: {  	v19 =	vld [tilespmem:s20+$0x10C50]  }
0xee: {  	v26 =	vadd.f32 v20, v8;
	v20 =	vld [tilespmem:s20+$0x8C60]  }
0xef: {  	v37 =	vmul.f32 v37, v4;
	v10 =	vadd.f32 v0, v10;
	v8 =	vld [tilespmem:s20+$0x10C60];
	v0 =	vmul.f32 v35, v3  }
0xf0: {  	v16 =	vmul.f32 v16, v4;
	v1 =	vadd.f32 v1, v29;
	v35 =	vld [tilespmem:s20+$0x8C70];
	v6 =	vmul.f32 v6, v3  }
0xf1: {  	v0 =	vadd.f32 v37, v0;
	v37 =	vmul.f32 v47, v3;
	v47 =	vmul.f32 v11, v4;
	v11 =	vld [tilespmem:s20+$0x9010]  }
0xf2: {  	v29 =	vmul.f32 v43, v4;
	v26 =	vadd.f32 v26, v23;
	v23 =	vmul.f32 v41, v3;
	[tilespmem:$0x1FFC0] =	vst v19;
	v19 =	vld [tilespmem:s20+$0xC60]  }
0xf3: {  	v49 =	vmul.f32 v49, v4;
	v6 =	vadd.f32 v16, v6;
	v16 =	vmul.f32 v25, v3;
	v25 =	vld [tilespmem:s20+$0x11440]  }
0xf4: {  	v58 =	vmul.f32 v58, v3;
	v2 =	vmul.f32 v2, v4;
	v43 =	vadd.f32 v29, v23;
	v23 =	vld [tilespmem:s20+$0x1000]  }
0xf5: {  	v37 =	vadd.f32 v49, v37;
	v29 =	vld [tilespmem:s20+$0x9000]  }
0xf6: {  	v12 =	vmul.f32 v12, v3;
	v13 =	vmul.f32 v13, v4;
	v49 =	vadd.f32 v2, v58;
	v2 =	vld [tilespmem:s20+$0x11000]  }
0xf7: {  	v41 =	vadd.f32 v43, v44;
	v44 =	vadd.f32 v37, v55;
	v37 =	vld [tilespmem:s20+$0x1010];
	v43 =	vmul.f32 v9, v3  }
0xf8: {  	v58 =	vmul.f32 v7, v4;
	v55 =	vmul.f32 v5, v3;
	v5 =	vld [tilespmem:s20+$0x11010]  }
0xf9: {  	v40 =	vadd.f32 v0, v40;
	v35 =	vmul.f32 v35, v4;
	v7 =	vadd.f32 v47, v43;
	v43 =	vld [tilespmem:s20+$0x1020]  }
0xfa: {  	v0 =	vadd.f32 v58, v55;
	v58 =	vadd.f32 v13, v12;
	v13 =	vld [tilespmem:s20+$0x9020]  }
0xfb: {  	v21 =	vadd.f32 v49, v21;
	v49 =	vmul.f32 v14, v3;
	v16 =	vadd.f32 v35, v16;
	v12 =	vld [tilespmem:s20+$0x11030]  }
0xfc: {  	v55 =	vmul.f32 v15, v4;
	v35 =	vmul.f32 v29, v4;
	v29 =	vld [tilespmem:s20+$0x9450]  }
0xfd: {  	v46 =	vmul.f32 v46, v3;
	v16 =	vadd.f32 v16, v17;
	v17 =	vld [tilespmem:s20+$0x11470];
	v15 =	vadd.f32 v0, v38  }
0xfe: {  	v20 =	vmul.f32 v20, v4;
	v38 =	vadd.f32 v7, v32;
	v9 =	vadd.f32 v55, v49;
	v7 =	vld [tilespmem:s20+$0x11020]  }
0xff: {  	v47 =	vmul.f32 v28, v4;
	v19 =	vmul.f32 v19, v3;
	v14 =	vadd.f32 v58, v36;
	v49 =	vld [tilespmem:s20+$0x1030]  }
0x100: {  	v32 =	vmul.f32 v22, v3;
	v58 =	vld [tilespmem:s20+$0x9030];
	v22 =	vadd.f32 v9, v39;
	v39 =	vmul.f32 v27, v3  }
0x101: {  	v48 =	vmul.f32 v48, v4;
	v36 =	vmul.f32 v24, v4;
	v19 =	vadd.f32 v20, v19;
	v20 =	vld [tilespmem:s20+$0x9440]  }
0x102: {  	v24 =	vmul.f32 v33, v3;
	[tilespmem:s20+$0xC70] =	vst v16;
	v16 =	vld [tilespmem:s20+$0x11820];
	v9 =	vadd.f32 v47, v39;
	v39 =	vmul.f32 v34, v4  }
0x103: {  	v55 =	vmul.f32 v30, v3;
	v0 =	vadd.f32 v36, v32;
	v36 =	vmul.f32 v31, v4;
	v31 =	vld [tilespmem:s20+$0x11040]  }
0x104: {  	v32 =	vadd.f32 v48, v46;
	v48 =	vmul.f32 v63, v3;
	v46 =	vld [tilespmem:s20+$0x1070];
	v39 =	vadd.f32 v39, v24  }
0x105: {  	v63 =	vmul.f32 v60, v4;
	v60 =	vld [tilespmem:$0x1FE60];
	v33 =	vadd.f32 v0, v53;
	v36 =	vadd.f32 v36, v55  }
0x106: {  	v47 =	vld [tilespmem:s20+$0x1040];
	v53 =	vmul.f32 v50, v3;
	v30 =	vadd.f32 v39, v54;
	v54 =	vmul.f32 v51, v4  }
0x107: {  	v55 =	vld [tilespmem:s20+$0x9040]  }
0x108: {  	v24 =	vadd.f32 v36, v62;
	v36 =	vadd.f32 v54, v53;
	v54 =	vld [tilespmem:$0x1FE30]  }
0x109: {  	v59 =	vmul.f32 v59, v3;
	v0 =	vld [tilespmem:s20+$0x1060]  }
0x10a: {  	v50 =	vmul.f32 v52, v4;
	v52 =	vld [tilespmem:$0x1FE20]  }
0x10b: {  	[tilespmem:s20+$0x0] =	vst v10;
	v10 =	vadd.f32 v63, v59;
	v59 =	vld [tilespmem:$0x1FE50]  }
0x10c: {  	v56 =	vmul.f32 v56, v3;
	v57 =	vmul.f32 v57, v4;
	v51 =	vld [tilespmem:$0x1FE10]  }
0x10d: {  	v42 =	vmul.f32 v42, v3;
	v45 =	vmul.f32 v45, v4;
	v34 =	vadd.f32 v36, v54;
	v54 =	vld [tilespmem:$0x1FE40]  }
0x10e: {  	v63 =	vadd.f32 v57, v56;
	v56 =	vld [tilespmem:$0x1FE80]  }
0x10f: {  	v28 =	vadd.f32 v45, v42;
	v57 =	vld [tilespmem:$0x1FE90]  }
0x110: {  	v27 =	vadd.f32 v9, v61;
	v61 =	vld [tilespmem:s20+$0x1050];
	v53 =	vadd.f32 v50, v48  }
0x111: {  	v62 =	vld [tilespmem:s20+$0x9050]  }
0x112: {  	v28 =	vadd.f32 v28, v51;
	v51 =	vadd.f32 v53, v54;
	v54 =	vld [tilespmem:$0x1FE70]  }
0x113: {  	v9 =	vld [tilespmem:s20+$0x11050]  }
0x114: {  	v42 =	vmul.f32 v60, v4;
	v60 =	vld [tilespmem:$0x1FEA0]  }
0x115: {  	v39 =	vld [tilespmem:s20+$0x9060]  }
0x116: {  	[tilespmem:s20+$0x450] =	vst v27;
	v27 =	vld [tilespmem:s20+$0x1440]  }
0x117: {  	v45 =	vadd.f32 v32, v52;
	v52 =	vmul.f32 v56, v4;
	v56 =	vld [tilespmem:$0x1FEC0];
	v32 =	vmul.f32 v54, v3  }
0x118: {  	[tilespmem:s20+$0x30] =	vst v1;
	v10 =	vadd.f32 v10, v57;
	v57 =	vld [tilespmem:$0x1FED0]  }
0x119: {  	[tilespmem:s20+$0x440] =	vst v33;
	v33 =	vmul.f32 v23, v3;
	v1 =	vadd.f32 v63, v60;
	v63 =	vadd.f32 v52, v32;
	v52 =	vld [tilespmem:$0x1FEB0]  }
0x11a: {  	v50 =	vld [tilespmem:s20+$0x11060];
	v36 =	vmul.f32 v59, v3  }
0x11b: {  	v8 =	vadd.f32 v19, v8;
	v19 =	vadd.f32 v35, v33;
	v48 =	vld [tilespmem:s20+$0x11070]  }
0x11c: {  	[tilespmem:s20+$0x470] =	vst v30;
	v30 =	vld [tilespmem:s20+$0x11450];
	v59 =	vadd.f32 v42, v36  }
0x11d: {  	v2 =	vadd.f32 v19, v2;
	v19 =	vld [tilespmem:s20+$0x1470]  }
0x11e: {  	[tilespmem:s20+$0x20] =	vst v26;
	v26 =	vadd.f32 v59, v52;
	v59 =	vld [tilespmem:$0x1FEE0]  }
0x11f: {  	v0 =	vmul.f32 v0, v3;
	v60 =	vld [tilespmem:$0x1FEF0];
	v39 =	vmul.f32 v39, v4  }
0x120: {  	[tilespmem:s20+$0x800] =	vst v28;
	v28 =	vld [tilespmem:s20+$0x1450]  }
0x121: {  	v0 =	vadd.f32 v39, v0;
	v39 =	vld [tilespmem:s20+$0x9830]  }
0x122: {  	v36 =	vld [tilespmem:s20+$0x9400]  }
0x123: {  	[tilespmem:s20+$0x10] =	vst v18;
	v18 =	vadd.f32 v63, v59;
	v63 =	vld [tilespmem:$0x1FF00]  }
0x124: {  	[tilespmem:s20+$0x50] =	vst v41;
	v41 =	vmul.f32 v60, v3;
	v60 =	vld [tilespmem:$0x1FF10]  }
0x125: {  	v42 =	vmul.f32 v57, v4;
	v57 =	vld [tilespmem:s20+$0x9410]  }
0x126: {  	[tilespmem:s20+$0x820] =	vst v34;
	v34 =	vld [tilespmem:s20+$0x1460]  }
0x127: {  	[tilespmem:s20+$0x40] =	vst v40;
	v13 =	vmul.f32 v13, v4;
	v40 =	vmul.f32 v56, v3;
	v53 =	vld [tilespmem:s20+$0x9070]  }
0x128: {  	[tilespmem:s20+$0x810] =	vst v45;
	v45 =	vmul.f32 v43, v3;
	v56 =	vmul.f32 v63, v4;
	v63 =	vld [tilespmem:$0x1FF20]  }
0x129: {  	v40 =	vadd.f32 v42, v40;
	v42 =	vmul.f32 v60, v3;
	v60 =	vld [tilespmem:$0x1FF40]  }
0x12a: {  	[tilespmem:s20+$0x830] =	vst v51;
	v51 =	vmul.f32 v58, v4;
	v58 =	vadd.f32 v13, v45;
	v13 =	vld [tilespmem:s20+$0x9460]  }
0x12b: {  	v54 =	vld [tilespmem:s20+$0x1400]  }
0x12c: {  	v32 =	vld [tilespmem:s20+$0x11400]  }
0x12d: {  	[tilespmem:s20+$0x60] =	vst v44;
	v44 =	vmul.f32 v63, v4;
	v63 =	vld [tilespmem:$0x1FF50]  }
0x12e: {  	v33 =	vmul.f32 v55, v4;
	v52 =	vld [tilespmem:s20+$0x1410];
	[tilespmem:s20+$0x860] =	vst v26;
	v26 =	vmul.f32 v47, v3  }
0x12f: {  	[tilespmem:s20+$0x70] =	vst v21;
	v21 =	vadd.f32 v56, v41;
	v56 =	vld [tilespmem:$0x1FF30]  }
0x130: {  	[tilespmem:s20+$0x840] =	vst v10;
	v10 =	vadd.f32 v33, v26;
	v26 =	vld [tilespmem:s20+$0x1800]  }
0x131: {  	v33 =	vld [tilespmem:s20+$0x11810]  }
0x132: {  	[tilespmem:s20+$0x400] =	vst v15;
	v15 =	vadd.f32 v40, v63;
	v40 =	vadd.f32 v44, v42;
	v44 =	vld [tilespmem:$0x1FF60]  }
0x133: {  	v63 =	vld [tilespmem:$0x1FF70]  }
0x134: {  	v59 =	vld [tilespmem:s20+$0x11410];
	v41 =	vmul.f32 v56, v3;
	v56 =	vmul.f32 v60, v4  }
0x135: {  	v43 =	vmul.f32 v46, v3;
	v10 =	vadd.f32 v10, v31;
	v31 =	vld [tilespmem:s20+$0x9810]  }
0x136: {  	[tilespmem:s20+$0x410] =	vst v38;
	v46 =	vmul.f32 v54, v3;
	v47 =	vmul.f32 v36, v4;
	v38 =	vadd.f32 v56, v41;
	v56 =	vld [tilespmem:$0x1FF90]  }
0x137: {  	v49 =	vmul.f32 v49, v3;
	v0 =	vadd.f32 v0, v50;
	v21 =	vadd.f32 v21, v44;
	v44 =	vld [tilespmem:$0x1FF80]  }
0x138: {  	[tilespmem:s20+$0x420] =	vst v14;
	v50 =	vmul.f32 v52, v3;
	v52 =	vadd.f32 v47, v46;
	v14 =	vadd.f32 v40, v63;
	v63 =	vld [tilespmem:$0x1FFA0]  }
0x139: {  	[tilespmem:s20+$0x870] =	vst v18;
	v18 =	vld [tilespmem:s20+$0x9820]  }
0x13a: {  	v23 =	vadd.f32 v51, v49;
	v51 =	vmul.f32 v57, v4;
	v57 =	vadd.f32 v52, v32;
	v32 =	vld [tilespmem:s20+$0x1830]  }
0x13b: {  	[tilespmem:s20+$0x430] =	vst v22;
	v42 =	vld [tilespmem:s20+$0x9420]  }
0x13c: {  	[tilespmem:s20+$0xC60] =	vst v8;
	v40 =	vmul.f32 v44, v3;
	v44 =	vmul.f32 v56, v4;
	v56 =	vld [tilespmem:s20+$0x1430]  }
0x13d: {  	[tilespmem:s20+$0x460] =	vst v24;
	v22 =	vadd.f32 v38, v63;
	v38 =	vld [tilespmem:s20+$0x9430]  }
0x13e: {  	[tilespmem:s20+$0x1000] =	vst v2;
	v63 =	vadd.f32 v44, v40;
	v44 =	vld [tilespmem:$0x1FFB0]  }
0x13f: {  	[tilespmem:s20+$0x850] =	vst v1;
	v60 =	vld [tilespmem:s20+$0x1420]  }
0x140: {  	v11 =	vmul.f32 v11, v4;
	v20 =	vmul.f32 v20, v4;
	[tilespmem:s20+$0x1060] =	vst v0;
	v7 =	vadd.f32 v58, v7;
	v40 =	vld [tilespmem:s20+$0x11430]  }
0x141: {  	v35 =	vmul.f32 v61, v3;
	v13 =	vmul.f32 v13, v4;
	[tilespmem:s20+$0xC30] =	vst v22;
	v22 =	vld [tilespmem:s20+$0x1810]  }
0x142: {  	[tilespmem:s20+$0x1020] =	vst v7;
	v41 =	vld [tilespmem:s20+$0x11420];
	v55 =	vmul.f32 v56, v3;
	v56 =	vmul.f32 v38, v4  }
0x143: {  	[tilespmem:s20+$0x1040] =	vst v10;
	v54 =	vmul.f32 v42, v4;
	v24 =	vadd.f32 v63, v44;
	v63 =	vld [tilespmem:$0x1FFC0];
	v44 =	vmul.f32 v37, v3  }
0x144: {  	[tilespmem:s20+$0xC20] =	vst v14;
	v14 =	vld [tilespmem:s20+$0x9800];
	v38 =	vmul.f32 v29, v4;
	v37 =	vmul.f32 v62, v4;
	v61 =	vadd.f32 v56, v55  }
0x145: {  	[tilespmem:s20+$0xC00] =	vst v15;
	v15 =	vld [tilespmem:s20+$0x11800];
	v11 =	vadd.f32 v11, v44;
	v44 =	vmul.f32 v53, v4;
	v53 =	vmul.f32 v60, v3  }
0x146: {  	[tilespmem:s20+$0x1400] =	vst v57;
	v29 =	vld [tilespmem:s20+$0x9840];
	v57 =	vmul.f32 v22, v3;
	v36 =	vadd.f32 v61, v40;
	v40 =	vmul.f32 v34, v3  }
0x147: {  	v55 =	vld [tilespmem:s20+$0x1860];
	[tilespmem:s20+$0xC40] =	vst v24;
	v24 =	vmul.f32 v32, v3;
	v45 =	vadd.f32 v44, v43;
	v58 =	vadd.f32 v54, v53  }
0x148: {  	[tilespmem:s20+$0xC10] =	vst v21;
	v43 =	vmul.f32 v19, v3;
	v53 =	vmul.f32 v26, v3;
	v26 =	vld [tilespmem:s20+$0x9870];
	v6 =	vadd.f32 v6, v63  }
0x149: {  	v47 =	vadd.f32 v13, v40;
	v54 =	vmul.f32 v14, v4;
	[tilespmem:s20+$0x1430] =	vst v36;
	v63 =	vadd.f32 v11, v5;
	v11 =	vld [tilespmem:s20+$0x11460]  }
0x14a: {  	v5 =	vadd.f32 v23, v12;
	v23 =	vld [tilespmem:s20+$0x9470];
	v12 =	vadd.f32 v37, v35;
	v37 =	vmul.f32 v28, v3;
	[tilespmem:s20+$0xC50] =	vst v6  }
0x14b: {  	v35 =	vld [tilespmem:s20+$0x1820];
	v49 =	vadd.f32 v45, v48;
	v62 =	vadd.f32 v58, v41;
	v58 =	vmul.f32 v31, v4;
	[tilespmem:s20+$0x1010] =	vst v63  }
0x14c: {  	v48 =	vld [tilespmem:s20+$0x1850];
	v9 =	vadd.f32 v12, v9;
	v12 =	vadd.f32 v51, v50;
	v63 =	vmul.f32 v27, v3;
	[tilespmem:s20+$0x1030] =	vst v5  }
0x14d: {  	v42 =	vadd.f32 v38, v37;
	v51 =	vld [tilespmem:s20+$0x9850];
	v37 =	vmul.f32 v55, v3;
	[tilespmem:s20+$0x1070] =	vst v49;
	v22 =	vadd.f32 v58, v57  }
0x14e: {  	v41 =	vld [tilespmem:s20+$0x11830];
	[tilespmem:s20+$0x1420] =	vst v62;
	v62 =	vmul.f32 v18, v4;
	v60 =	vadd.f32 v12, v59;
	v8 =	vadd.f32 v20, v63  }
0x14f: {  	[tilespmem:s20+$0x1050] =	vst v9;
	v49 =	vadd.f32 v42, v30;
	v59 =	vld [tilespmem:s20+$0x9860];
	v44 =	vmul.f32 v23, v4;
	v52 =	vadd.f32 v47, v11  }
0x150: {  	v63 =	vld [tilespmem:s20+$0x1870];
	v61 =	vmul.f32 v35, v3;
	v5 =	vadd.f32 v22, v33;
	v46 =	vadd.f32 v8, v25;
	[tilespmem:s20+$0x1410] =	vst v60  }
0x151: {  	v45 =	vld [tilespmem:s20+$0x1840];
	v60 =	vadd.f32 v54, v53;
	v25 =	vmul.f32 v39, v4;
	[tilespmem:s20+$0x1450] =	vst v49;
	v33 =	vmul.f32 v48, v3  }
0x152: {  	v31 =	vld [tilespmem:s20+$0x11850];
	v50 =	vadd.f32 v44, v43;
	v28 =	vadd.f32 v62, v61;
	[tilespmem:s20+$0x1460] =	vst v52;
	v34 =	vmul.f32 v51, v4  }
0x153: {  	v35 =	vld [tilespmem:s20+$0x11860];
	v43 =	vmul.f32 v26, v4;
	[tilespmem:s20+$0x1810] =	vst v5;
	v27 =	vadd.f32 v60, v15;
	v30 =	vadd.f32 v25, v24  }
0x154: {  	v39 =	vld [tilespmem:s20+$0x11870];
	[tilespmem:s20+$0x1440] =	vst v46;
	v56 =	vadd.f32 v50, v17;
	v32 =	vadd.f32 v28, v16;
	v38 =	vmul.f32 v59, v4  }
0x155: {  	v40 =	vadd.f32 v34, v33;
	v42 =	vmul.f32 v63, v3;
	v36 =	vadd.f32 v30, v41;
	[tilespmem:s20+$0x1800] =	vst v27;
	v41 =	vld [tilespmem:s20+$0x11840]  }
0x156: {  	v45 =	vmul.f32 v45, v3;
	v8 =	vmul.f32 v29, v4;
	[tilespmem:s20+$0x1470] =	vst v56;
	v44 =	vadd.f32 v38, v37  }
0x157: {  	[tilespmem:s20+$0x1820] =	vst v32;
	v0 =	vadd.f32 v40, v31;
	v46 =	vadd.f32 v43, v42  }
0x158: {  	s22 =	sand.u32 $0x7, s7;
	v47 =	vadd.f32 v8, v45;
	[tilespmem:s20+$0x1830] =	vst v36;
	v5 =	vadd.f32 v44, v35  }
0x159: {  	s21 =	sshll.u32 s22, $0x7;
	[tilespmem:s20+$0x1850] =	vst v0;
	v48 =	vadd.f32 v46, v39  }
0x15a: {  	s21 =	sadd.s32 s21, s14;
	v1 =	vadd.f32 v47, v41;
	[tilespmem:s20+$0x1860] =	vst v5  }
0x15b: {  	s22 =	sor.u32 $0x1C00, s21;
	[tilespmem:s20+$0x1870] =	vst v48  }
0x15c: {  	v0 =	vld [tilespmem:s22+$0x0];
	[tilespmem:s20+$0x1840] =	vst v1  }
0x15d: {  	v1 =	vld [tilespmem:s22+$0x8000];
	_ =	sdelay $0x3  }
0x15e: {  	v49 =	vld [tilespmem:s22+$0x10000]  }
0x15f: {  	v0 =	vmul.f32 v0, v3;
	v1 =	vmul.f32 v1, v4;
	_ =	sdelay $0x1  }
0x160: {  	v0 =	vadd.f32 v1, v0;
	_ =	sdelay $0x1  }
0x161: {  	v0 =	vadd.f32 v0, v49;
	_ =	sdelay $0x1  }
0x162: {  	[tilespmem:s22+$0x0] =	vst v0;
	s22 =	sor.u32 $0x1C10, s21  }
0x163: {  	v0 =	vld [tilespmem:s22+$0x0]  }
0x164: {  	v50 =	vld [tilespmem:s22+$0x8000];
	_ =	sdelay $0x3  }
0x165: {  	v51 =	vld [tilespmem:s22+$0x10000]  }
0x166: {  	v0 =	vmul.f32 v0, v3;
	v1 =	vmul.f32 v50, v4;
	_ =	sdelay $0x1  }
0x167: {  	v0 =	vadd.f32 v1, v0;
	_ =	sdelay $0x1  }
0x168: {  	v0 =	vadd.f32 v0, v51;
	_ =	sdelay $0x1  }
0x169: {  	[tilespmem:s22+$0x0] =	vst v0;
	s22 =	sor.u32 $0x1C20, s21  }
0x16a: {  	v0 =	vld [tilespmem:s22+$0x0]  }
0x16b: {  	v52 =	vld [tilespmem:s22+$0x8000];
	_ =	sdelay $0x3  }
0x16c: {  	v53 =	vld [tilespmem:s22+$0x10000]  }
0x16d: {  	v0 =	vmul.f32 v0, v3;
	v1 =	vmul.f32 v52, v4;
	_ =	sdelay $0x1  }
0x16e: {  	v0 =	vadd.f32 v1, v0;
	_ =	sdelay $0x1  }
0x16f: {  	v0 =	vadd.f32 v0, v53;
	_ =	sdelay $0x1  }
0x170: {  	[tilespmem:s22+$0x0] =	vst v0;
	s22 =	sor.u32 $0x1C30, s21  }
0x171: {  	v0 =	vld [tilespmem:s22+$0x0]  }
0x172: {  	v54 =	vld [tilespmem:s22+$0x8000];
	_ =	sdelay $0x3  }
0x173: {  	v55 =	vld [tilespmem:s22+$0x10000]  }
0x174: {  	v0 =	vmul.f32 v0, v3;
	v1 =	vmul.f32 v54, v4;
	_ =	sdelay $0x1  }
0x175: {  	v0 =	vadd.f32 v1, v0;
	_ =	sdelay $0x1  }
0x176: {  	v0 =	vadd.f32 v0, v55;
	_ =	sdelay $0x1  }
0x177: {  	[tilespmem:s22+$0x0] =	vst v0;
	s22 =	sor.u32 $0x1C40, s21  }
0x178: {  	v0 =	vld [tilespmem:s22+$0x0]  }
0x179: {  	v56 =	vld [tilespmem:s22+$0x8000];
	_ =	sdelay $0x3  }
0x17a: {  	v57 =	vld [tilespmem:s22+$0x10000]  }
0x17b: {  	v0 =	vmul.f32 v0, v3;
	v1 =	vmul.f32 v56, v4;
	_ =	sdelay $0x1  }
0x17c: {  	v0 =	vadd.f32 v1, v0;
	_ =	sdelay $0x1  }
0x17d: {  	v0 =	vadd.f32 v0, v57;
	_ =	sdelay $0x1  }
0x17e: {  	[tilespmem:s22+$0x0] =	vst v0;
	s22 =	sor.u32 $0x1C50, s21  }
0x17f: {  	v0 =	vld [tilespmem:s22+$0x0]  }
0x180: {  	v58 =	vld [tilespmem:s22+$0x8000];
	_ =	sdelay $0x3  }
0x181: {  	v59 =	vld [tilespmem:s22+$0x10000]  }
0x182: {  	v0 =	vmul.f32 v0, v3;
	v1 =	vmul.f32 v58, v4;
	_ =	sdelay $0x1  }
0x183: {  	v0 =	vadd.f32 v1, v0;
	_ =	sdelay $0x1  }
0x184: {  	v0 =	vadd.f32 v0, v59;
	_ =	sdelay $0x1  }
0x185: {  	[tilespmem:s22+$0x0] =	vst v0;
	s22 =	sor.u32 $0x1C60, s21  }
0x186: {  	v0 =	vld [tilespmem:s22+$0x0]  }
0x187: {  	v60 =	vld [tilespmem:s22+$0x8000];
	_ =	sdelay $0x3  }
0x188: {  	v61 =	vld [tilespmem:s22+$0x10000]  }
0x189: {  	v0 =	vmul.f32 v0, v3;
	v1 =	vmul.f32 v60, v4;
	_ =	sdelay $0x1  }
0x18a: {  	v0 =	vadd.f32 v1, v0;
	_ =	sdelay $0x1  }
0x18b: {  	v0 =	vadd.f32 v0, v61;
	_ =	sdelay $0x1  }
0x18c: {  	[tilespmem:s22+$0x0] =	vst v0;
	s22 =	sor.u32 $0x1C70, s21  }
0x18d: {  	v0 =	vld [tilespmem:s22+$0x0]  }
0x18e: {  	v62 =	vld [tilespmem:s22+$0x8000];
	_ =	sdelay $0x3  }
0x18f: {  	v63 =	vld [tilespmem:s22+$0x10000]  }
0x190: {  	v0 =	vmul.f32 v0, v3;
	v1 =	vmul.f32 v62, v4  }
0x191: {  	p0 =	sne.s32 s2, $0xF80  }
.Ltmp0:
0x192: {  	v0 =	vadd.f32 v1, v0;
	(pc) =	sbr.rel @p0 .LBB2_3-.Ltmp0, $4  }
0x193: {  	_ = 	snop  }
0x194: {  	v0 =	vadd.f32 v0, v63  }
0x195: {  	s7 =	sadd.s32 $0x1, s7;
	s9 =	sadd.s32 $0x400, s9  }
0x196: {  	s15 =	sadd.s32 $0x1, s15;
	s2 =	sadd.s32 $0x80, s2;
	s14 =	sadd.s32 $0x400, s14;
	[tilespmem:s22+$0x0] =	vst v0  }
0x197: {  	s17 =	sadd.s32 $0x1, s17  }
0x198: {  	s2 =	rddreg [dreg:$0x1];
	p0 =	sne.s32 s17, $0x8  }
.Ltmp1:
0x199: {  	s2 =	sadd.s32 s2, s8;
	(pc) =	sbr.rel @p0 .LBB2_2-.Ltmp1, $4  }
0x19a: {  	[hbm4b:s2+s3] =	stream.linear.scatter [tilespmem:s3], [sflag:$0x3], $0x8000, $0x38;
	[tilespmem:$0x18400] =	vst v63  }
0x19b: {  	_ =	swait.ge [sflag:s16], $0x8000  }
0x19c: {  	[sflag:s16] =	ssyncset.done $0x0  }
0x19d: {  	s10 =	sadd.s32 $0x20, s10;
	[sflag:s16] =	ssyncadd.s32 $0xFFFF8000  }
0x19e: {  	s7 =	rddreg [dreg:$0x8]  }
0x19f: {  	s2 =	rddreg [dreg:$0x7];
	s7 =	sadd.s32 $0x1, s7  }
0x1a0: {  	p0 =	sne.s32 s7, s2  }
.Ltmp2:
0x1a1: {  	_ = 	snop;
	(pc) =	sbr.rel @p0 .LBB2_1-.Ltmp2, $1  }
0x1a2: {  	_ =	sdelay $0x3  }
0x1a3: {  	_ =	sfence.sel $0x180000  }
0x1a4: {  	[bflag:$0x0] =	sbarrier.arrive $0xFFFF  }
0x1a5: {  	_ =	strace $0x9000004A  }
0x1a6: {  	s0 =	stileid.u32;
	[bflag:$0x2] =	sbarrier.arrive $0xFFFF  }
0x1a7: {  	p0 =	sne.s32 s0, $0x0;
	s0 =	rddreg [dreg:$0x2]  }
0x1a8: {  	s0 =	sadd.s32 @!p0 $0x100000, s0  }
0x1a9: {  	[sflag:s0] =	ssyncadd.tile.s32 @!p0 $0x1;
	_ =	shalt  }
.Lfunc_end2:
_tile_overlayer_lowered:
.L_overlay_start_2:
0x1aa: {  	(tag) =	ssettag $0x2  }
0x1ab: {  	s0 =	rddreg [dreg:$0x0];
	s2 =	stileid.u32  }
0x1ac: {  	s1 =	rddreg [dreg:$0x1];
	p0 =	sne.s32 s2, $0x0  }
0x1ad: {  	s3 =	rddreg [dreg:$0x2];
	[bflag:$0x3] =	sbarrier.arrive $0xFFFF;
	s2 =	simm.s32 @!p0 $0x1C03  }
0x1ae: {  	[timem:s3], [sflag:s2] =	dma.local @!p0 [hbm:s0], s1  }
0x1af: {  	s0 =	simm.s32 @!p0 $0x3  }
0x1b0: {  	_ =	swait.ge @!p0 [sflag:s0], s1  }
0x1b1: {  	s1 =	ssub.s32 @!p0 $0x0, s1;
	[sflag:s0] =	ssyncset.done @!p0 $0x0  }
0x1b2: {  	[sflag:s0] =	ssyncadd.s32 @!p0 s1  }
0x1b3: {  	[bflag:$0x3] =	sbarrier.arrive $0xFFFF  }
0x1b4: {  	_ =	shalt  }

// kernel: kernel.7.cloned.1.call-start
scs
__scs_entry_jumppad:
0x0: {  	(pc) =	sbr.rel $0x88, $3  }
0x1: {  	(tag) =	ssettag $0x0;
	lr =	simm.s32 $0x1  }
0x2: {  	[smem:$0x3F96] =	sst lr;
	_ =	strace $0xD0000000  }
0x3: {  	_ = 	snop  }
0x4: {  	_ = 	snop  }
0x5: {  	_ = 	snop  }
0x6: {  	_ = 	snop  }
0x7: {  	_ = 	snop  }
__scs_overlays_trampoline_lowered:
0x8: {  	[smem:$0x3FA5] =	sst s0  }
0x9: {  	[smem:$0x3FA6] =	sst s1  }
0xa: {  	[smem:$0x3FA7] =	sst s2  }
0xb: {  	[smem:$0x3FA8] =	sst s3  }
0xc: {  	[smem:$0x3FA9] =	sst s4  }
0xd: {  	[smem:$0x3FAA] =	sst s5  }
0xe: {  	[smem:$0x3FAB] =	sst s6  }
0xf: {  	[smem:$0x3FAC] =	sst s7  }
0x10: {  	[smem:$0x3FAD] =	sst s8  }
0x11: {  	[smem:$0x3FAE] =	sst s9;
	s0 =	simm.s32 @!p0 $0x0  }
0x12: {  	s1 =	sld [smem:$0x3F94];
	s0 =	simm.s32 @p0 $0x1  }
0x13: {  	[smem:$0x3FAF] =	sst s0;
	s0 =	simm.s32 @!p1 $0x0  }
0x14: {  	s2 =	sld [smem:$0x3F93];
	s0 =	simm.s32 @p1 $0x1  }
0x15: {  	[smem:$0x3FB0] =	sst s0;
	s0 =	simm.s32 @!p2 $0x0  }
0x16: {  	s3 =	sld [smem:$0x3FDB];
	s0 =	simm.s32 @p2 $0x1  }
0x17: {  	s4 =	simm.s32 $0x1BF5;
	[smem:$0x3FB2] =	sst s0  }
0x18: {  	s0 =	sld [smem:$0x3F95];
	_ =	swait.ge [sflag:s4], $0x0  }
0x19: {  	s7 =	sld [smem:$0x3F96]  }
0x1a: {  	s8 =	sadd.s32 $0xFFFFE003, lr  }
0x1b: {  	s9 =	sadd.s32 $0xFFFFFEF7, lr;
	s5 =	simm.s32 $0xFFFFFFFF;
	p2 =	slt.u32 s8, $0xFFFFF086  }
0x1c: {  	p1 =	slt.u32 s9, $0xF7A;
	s5 =	simm.s32 @!p2 $0x0  }
0x1d: {  	s5 =	simm.s32 @p1 $0x1;
	p0 =	seq.s32 s7, s2  }
0x1e: {  	s7 =	smul.u32 @!p0 $0xF7A, s2;
	p2 =	seq.s32 @!p0 s5, $0x0  }
0x1f: {  	s9 =	smul.u32 $0xF7A, s1;
	s8 =	simm.s32 @!p0 $0x1BF5;
	p2 =	por !p2, p0  }
0x20: {  	[sflag:s8] =	ssyncset.s32 @!p0 $0xFFFFF086;
	s6 =	sadd.s32 @!p0 s3, s7;
	s7 =	simm.s32 @!p0 $0x108  }
0x21: {  	s3 =	sadd.s32 s3, s9;
	s6 =	sadd.s32 @!p0 $0x88, s6;
	s7 =	simm.s32 @p2 $0x1082  }
0x22: {  	[simem:s7], [sflag:s8] =	dma.local @!p0 [hbm:s6], $0xF7A  }
0x23: {  	s9 =	sor.u32 $0xD0000000, s2;
	s6 =	simm.s32 $0x108;
	_ =	swait.ge @!p0 [sflag:s8], $0x0  }
0x24: {  	s3 =	sadd.s32 $0x88, s3;
	s6 =	simm.s32 @!p1 $0x1082;
	[sflag:s4] =	ssyncset.s32 $0xFFFFF086  }
0x25: {  	[simem:s6], [sflag:s4] =	dma.local [hbm:s3], $0xF7A  }
0x26: {  	[smem:$0x3F96] =	sst s1;
	(tag) =	ssettag s2;
	_ =	strace s9  }
0x27: {  	s1 =	sld [smem:$0x3FA6]  }
0x28: {  	s2 =	sld [smem:$0x3FA7]  }
0x29: {  	s4 =	sld [smem:$0x3FA9]  }
0x2a: {  	p0 =	seq.s32 s5, $0x0;
	s5 =	sld [smem:$0x3FAA]  }
0x2b: {  	s6 =	sld [smem:$0x3FAB]  }
0x2c: {  	s7 =	sld [smem:$0x3FAC]  }
0x2d: {  	s3 =	simm.s32 $0x108;
	s8 =	sld [smem:$0x3FAD]  }
0x2e: {  	s3 =	simm.s32 @!p0 $0x1082;
	s9 =	sld [smem:$0x3FAE]  }
0x2f: {  	lr =	sadd.s32 s0, s3;
	s0 =	sld [smem:$0x3FA5]  }
0x30: {  	s3 =	sld [smem:$0x3FA8]  }
0x31: {  	[smem:$0x3FB1] =	sst s10  }
0x32: {  	s10 =	sld [smem:$0x3FAF];
	_ =	sdelay $0x3  }
0x33: {  	p0 =	seq.s32 s10, $0x1;
	s10 =	sld [smem:$0x3FB1];
	_ =	sdelay $0x3  }
0x34: {  	[smem:$0x3FB1] =	sst s10  }
0x35: {  	s10 =	sld [smem:$0x3FB0];
	_ =	sdelay $0x3  }
0x36: {  	p1 =	seq.s32 s10, $0x1;
	s10 =	sld [smem:$0x3FB1];
	_ =	sdelay $0x3  }
0x37: {  	[smem:$0x3FB1] =	sst s10  }
0x38: {  	s10 =	sld [smem:$0x3FB2]  }
0x39: {  	_ = 	snop;
	(pc) =	sbr.ind lr, $3  }
0x3a: {  	_ = 	snop  }
0x3b: {  	_ = 	snop  }
0x3c: {  	p2 =	seq.s32 s10, $0x1;
	s10 =	sld [smem:$0x3FB1]  }
0x3d: {  	_ =	shalt  }
0x3e: {  	_ =	shalt  }
0x3f: {  	_ =	shalt  }
0x40: {  	_ =	shalt  }
0x41: {  	_ =	shalt  }
0x42: {  	_ =	shalt  }
0x43: {  	_ =	shalt  }
0x44: {  	_ =	shalt  }
0x45: {  	_ =	shalt  }
0x46: {  	_ =	shalt  }
0x47: {  	_ =	shalt  }
0x48: {  	_ =	shalt  }
0x49: {  	_ =	shalt  }
0x4a: {  	_ =	shalt  }
0x4b: {  	_ =	shalt  }
0x4c: {  	_ =	shalt  }
0x4d: {  	_ =	shalt  }
0x4e: {  	_ =	shalt  }
0x4f: {  	_ =	shalt  }
0x50: {  	_ =	shalt  }
0x51: {  	_ =	shalt  }
0x52: {  	_ =	shalt  }
0x53: {  	_ =	shalt  }
0x54: {  	_ =	shalt  }
0x55: {  	_ =	shalt  }
0x56: {  	_ =	shalt  }
0x57: {  	_ =	shalt  }
0x58: {  	_ =	shalt  }
0x59: {  	_ =	shalt  }
0x5a: {  	_ =	shalt  }
0x5b: {  	_ =	shalt  }
0x5c: {  	_ =	shalt  }
0x5d: {  	_ =	shalt  }
0x5e: {  	_ =	shalt  }
0x5f: {  	_ =	shalt  }
0x60: {  	_ =	shalt  }
0x61: {  	_ =	shalt  }
0x62: {  	_ =	shalt  }
0x63: {  	_ =	shalt  }
0x64: {  	_ =	shalt  }
0x65: {  	_ =	shalt  }
0x66: {  	_ =	shalt  }
0x67: {  	_ =	shalt  }
0x68: {  	_ =	shalt  }
0x69: {  	_ =	shalt  }
0x6a: {  	_ =	shalt  }
0x6b: {  	_ =	shalt  }
0x6c: {  	_ =	shalt  }
0x6d: {  	_ =	shalt  }
0x6e: {  	_ =	shalt  }
0x6f: {  	_ =	shalt  }
0x70: {  	_ =	shalt  }
0x71: {  	_ =	shalt  }
0x72: {  	_ =	shalt  }
0x73: {  	_ =	shalt  }
0x74: {  	_ =	shalt  }
0x75: {  	_ =	shalt  }
0x76: {  	_ =	shalt  }
0x77: {  	_ =	shalt  }
0x78: {  	_ =	shalt  }
0x79: {  	_ =	shalt  }
0x7a: {  	_ =	shalt  }
0x7b: {  	_ =	shalt  }
0x7c: {  	_ =	shalt  }
0x7d: {  	_ =	shalt  }
0x7e: {  	_ =	shalt  }
0x7f: {  	_ =	shalt  }
0x80: {  	_ =	shalt  }
0x81: {  	_ =	shalt  }
0x82: {  	_ =	shalt  }
0x83: {  	_ =	shalt  }
0x84: {  	_ =	shalt  }
0x85: {  	_ =	shalt  }
0x86: {  	_ =	shalt  }
0x87: {  	_ =	shalt  }
.Lfunc_end0:
.L_simem_size_0:
called_computation_lowered:
.L_overlay_start_0:
0x88: {  	s2 =	sld [smem:$0x3FD9]  }
0x89: {  	s3 =	sld [smem:$0x3FFE];
	_ =	sdelay $0x1  }
0x8a: {  	s1 =	srdreg.scid  }
0x8b: {  	s0 =	sand.u32 $0x1, s1  }
0x8c: {  	s17 =	sshll.u32 s0, $0xA;
	s2 =	sadd.s32 s3, s2  }
0x8d: {  	s2 =	sadd.s32 s2, s17  }
0x8e: {  	[smem:$0x3FBD] =	sst s2  }
0x8f: {  	_ = 	snop  }
0x90: {  	s2 =	sld [smem:$0x3FC9];
	(tm) =	ssettm $0x1  }
0x91: {  	s18 =	sld [smem:$0x3FFB];
	_ =	sdelay $0x3  }
0x92: {  	_ =	strace s18  }
0x93: {  	s3 =	sld [smem:$0x3FFC];
	_ =	sdelay $0x3  }
0x94: {  	_ =	strace s3  }
0x95: {  	s3 =	sld [smem:$0x3FFD];
	_ =	sdelay $0x3  }
0x96: {  	_ =	strace s3  }
0x97: {  	_ =	strace $0x8FFFFFFF  }
0x98: {  	s19 =	sld [smem:$0x3FDB];
	_ =	sdelay $0x1  }
0x99: {  	s4 =	simm.s32 $_scs_section_size  }
0x9a: {  	s5 =	simm.s32 $_size__tile_overlayer_lowered;
	s6 =	simm.s32 $_tile_overlayer_lowered  }
0x9b: {  	s22 =	simm.s32 $0x1BFF;
	s21 =	sshll.u32 s6, $0x1;
	s3 =	sadd.s32 s4, s19  }
0x9c: {  	s7 =	simm.s32 $0x0;
	s20 =	sshll.u32 s5, $0x1;
	s5 =	sadd.s32 s21, s3  }
0x9d: {  	[timem:s7], [sflag:s22] =	dma.local [hbm:s5], s20  }
0x9e: {  	_ =	swait.ge [sflag:s22], s20  }
0x9f: {  	s4 =	ssub.s32 $0x0, s20;
	[sflag:s22] =	ssyncset.done $0x0  }
0xa0: {  	[sflag:s22] =	ssyncadd.s32 s4;
	_ =	sdelay $0x1  }
0xa1: {  	s23 =	simm.s32 $0x1B8B  }
0xa2: {  	_ =	swait.ge [sflag:s23], $0x1  }
0xa3: {  	[sflag:s23] =	ssyncset.done $0x0  }
0xa4: {  	s25 =	simm.s32 $0x1B8E;
	s24 =	sld [smem:$0x3FFE];
	[sflag:s23] =	ssyncadd.s32 $0xFFFFFFFF  }
0xa5: {  	s26 =	simm.s32 $execute0_lowered;
	[smem:$0x3FD2] =	sst s25  }
0xa6: {  	s5 =	sshll.u32 s26, $0x1;
	_ =	strace $0x80000046;
	[dreg:$0x1] =	wrdreg $0xFFFFFFFF  }
0xa7: {  	s28 =	simm.s32 $_size_execute0_lowered;
	s3 =	sadd.s32 s3, s5;
	[dreg:$0x0] =	wrdreg $0x0  }
0xa8: {  	s5 =	sshll.u32 s28, $0x1;
	[dreg:$0x2] =	wrdreg s3  }
0xa9: {  	[dreg:$0x3] =	wrdreg s5  }
0xaa: {  	[dreg:$0x4] =	wrdreg $0xC0  }
0xab: {  	_ =	task [dreg:s7], $0x5FFFF  }
0xac: {  	[dreg:$0x1] =	wrdreg $0xFFFFFFFF  }
0xad: {  	[dreg:$0x0] =	wrdreg $0x60  }
0xae: {  	[dreg:$0x2] =	wrdreg s2  }
0xaf: {  	[dreg:$0x3] =	wrdreg s24  }
0xb0: {  	[dreg:$0x4] =	wrdreg $0x9  }
0xb1: {  	_ =	task.clear_ibuf [dreg:s7], $0x5FFFF;
	_ =	strace $0x90000046  }
0xb2: {  	s29 =	simm.s32 $0x9;
	_ =	strace $0x80000048  }
0xb3: {  	_ =	swait.ge [sflag:s29], $0x1  }
0xb4: {  	[sflag:s29] =	ssyncadd.s32 $0xFFFFFFFF  }
0xb5: {  	_ =	strace $0x90000048  }
0xb6: {  	_ =	sfence  }
0xb7: {  	s30 =	sld [smem:$0x0];
	_ =	sdelay $0x2  }
0xb8: {  	s31 =	sshll.u32 s1, $0xD;
	s1 =	sshrl.u32 s1, $0x2  }
0xb9: {  	s3 =	sand.u32 $0x4000, s31;
	s1 =	sadd.s32 s1, s30  }
0xba: {  	s0 =	sor.u32 s3, s0;
	s1 =	sshll.u32 s1, $0x11  }
0xbb: {  	s0 =	sor.u32 s1, s0  }
0xbc: {  	s0 =	sadd.s32 $0x8F2B, s0  }
0xbd: {  	[sflag:s0] =	ssyncadd.remote.s32 $0x1  }
0xbe: {  	_ =	sfence.sel $0xFFFF  }
0xbf: {  	[dreg:$0x0] =	wrdreg $0xFFFFFFFF;
	(pc) =	sbr.abs _section_cstart, $3  }
0xc0: {  	[dreg:$0x1] =	wrdreg $0xFFFFFFFF  }
0xc1: {  	_ =	task.clear_ibuf [dreg:s7], $0x2FFFF;
	_ =	strace $0x9FFFFFFF  }
0xc2: {  	(tm) =	ssettm $0x7FFFFFFF  }
0xc3: {  	_ =	shalt  }
tec
execute0_lowered:
.L_overlay_start_1:
0x0: {  	(tag) =	ssettag $0x1  }
0x1: {  	s2 =	rddreg [dreg:$0x0]  }
0x2: {  	s0 =	rddreg [dreg:$0x1]  }
0x3: {  	s1 =	simm.s32 $0x0;
	s4 =	srdreg.scid;
	s8 =	stileid.u32  }
0x4: {  	[smem:$0x7FF] =	sst s1;
	s3 =	sadd.s32 $0xC00, s0;
	s5 =	sadd.s32 $0x800, s0  }
0x5: {  	s4 =	sand.u32 $0x1, s4;
	s6 =	sadd.s32 $0x400, s0;
	s8 =	sshll.u32 s8, $0x1  }
0x6: {  	s9 =	sadd.s32 $0x281400, s0;
	s7 =	ssub.s32 $0x2, s4;
	s4 =	sor.u32 s4, s8  }
0x7: {  	_ =	strace $0x80000047;
	s10 =	sshrl.u32 s7, $0x1;
	s18 =	sshll.u32 s4, $0xF  }
0x8: {  	s19 =	sshll.u32 s4, $0x5;
	s7 =	ssub.s32 s7, s10;
	s10 =	sadd.s32 s2, s18  }
0x9: {  	s8 =	sadd.s32 $0x281800, s0;
	s12 =	sadd.s32 s3, s19;
	[dreg:$0x3] =	wrdreg s10  }
0xa: {  	s11 =	sshll.u32 s4, $0x8;
	s20 =	sadd.s32 s6, s19;
	[dreg:$0x4] =	wrdreg s12  }
0xb: {  	s21 =	sor.u32 $0x40, s11;
	s13 =	sadd.s32 s9, s19;
	[dreg:$0x5] =	wrdreg s20  }
0xc: {  	s22 =	sadd.s32 s5, s19;
	s14 =	sadd.s32 s0, s19;
	[dreg:$0x6] =	wrdreg s13  }
0xd: {  	s26 =	sor.u32 $0x80, s11;
	s11 =	sor.u32 $0xC0, s11;
	[dreg:$0x7] =	wrdreg s22  }
0xe: {  	s23 =	sshll.u32 s21, $0x7;
	[dreg:$0x8] =	wrdreg s14;
	s10 =	sadd.s32 s8, s19  }
0xf: {  	s25 =	sshrl.u32 s21, $0x3;
	[dreg:$0x9] =	wrdreg s10;
	s24 =	sadd.s32 s2, s23  }
0x10: {  	s29 =	sshll.u32 s26, $0x7;
	s28 =	sadd.s32 s3, s25;
	[dreg:$0xa] =	wrdreg s24  }
0x11: {  	s30 =	sshll.u32 s11, $0x7;
	s13 =	sadd.s32 s2, s29;
	[dreg:$0xb] =	wrdreg s28  }
0x12: {  	s2 =	sadd.s32 s2, s30;
	[dreg:$0xc] =	wrdreg s13  }
0x13: {  	s31 =	sadd.s32 s6, s25;
	[dreg:$0xd] =	wrdreg s2  }
0x14: {  	p0 =	sne.s32 s4, $0x0;
	s4 =	sadd.s32 s9, s25;
	[dreg:$0xe] =	wrdreg s31  }
0x15: {  	s14 =	sadd.s32 s0, s25;
	[dreg:$0xf] =	wrdreg s4  }
0x16: {  	s16 =	sshrl.u32 s26, $0x3;
	s15 =	sadd.s32 s8, s25;
	[dreg:$0x11] =	wrdreg s14  }
0x17: {  	s18 =	sadd.s32 s3, s16;
	[dreg:$0x12] =	wrdreg s15  }
0x18: {  	s19 =	sadd.s32 s6, s16;
	[dreg:$0x13] =	wrdreg s18  }
0x19: {  	s20 =	sadd.s32 s9, s16;
	[dreg:$0x14] =	wrdreg s19  }
0x1a: {  	s21 =	sadd.s32 s5, s16;
	[dreg:$0x15] =	wrdreg s20  }
0x1b: {  	s17 =	sshrl.u32 s11, $0x3;
	s22 =	sadd.s32 s0, s16;
	[dreg:$0x16] =	wrdreg s21  }
0x1c: {  	s23 =	sadd.s32 s3, s17;
	[dreg:$0x17] =	wrdreg s22  }
0x1d: {  	s26 =	sadd.s32 s5, s17;
	[dreg:$0x19] =	wrdreg s23  }
0x1e: {  	s29 =	sadd.s32 s0, s17;
	[dreg:$0x1c] =	wrdreg s26  }
0x1f: {  	v0 =	vimm.s32 $0x8;
	v1 =	vimm.s32 $0x1;
	v2 =	vlaneseq.u32;
	s30 =	sadd.s32 $0x1000, s0;
	[dreg:$0x1e] =	wrdreg s29  }
0x20: {  	v3 =	vimm.s32 $0x2;
	vm0 =	vmmov $0x3;
	v4 =	vimm.s32 $0x3;
	s12 =	simm.s32 $0x10080;
	s13 =	sadd.s32 s5, s25;
	[dreg:$0x1f] =	wrdreg s30  }
0x21: {  	vm1 =	vmmov $0x7;
	v5 =	vimm.s32 $0x4;
	vm2 =	vmmov $0xf;
	s3 =	sadd.s32 $0x1500, s0;
	s2 =	sadd.s32 s8, s16;
	[dreg:$0x10] =	wrdreg s13  }
.Ltmp0:
0x22: {  	v6 =	vimm.s32 $0x5;
	vm3 =	vmmov $0x1f;
	v7 =	vimm.s32 $0x6;
	s24 =	sadd.s32 s6, s17;
	[dreg:$0x18] =	wrdreg s2;
	(pc) =	sbr.rel .LBB2_1-.Ltmp0, $4  }
0x23: {  	vm4 =	vmmov $0x3f;
	v8 =	vimm.s32 $0x7;
	vm5 =	vmmov $0x7f;
	s25 =	sadd.s32 s9, s17;
	s28 =	sadd.s32 s8, s17;
	[dreg:$0x1a] =	wrdreg s24  }
0x24: {  	v10 =	vimm.s32 $0x0;
	vm6 =	vmmov $0xffff;
	v9 =	vadd.s32 $0x1, v2;
	s31 =	sadd.s32 $0x1200, s0;
	s4 =	sadd.s32 $0x1600, s0;
	[dreg:$0x1b] =	wrdreg s25  }
0x25: {  	v11 =	vadd.s32 $0x11, v2;
	v12 =	vadd.s32 $0x21, v2;
	v14 =	vshrl.u32 v2, $0x3;
	s5 =	sadd.s32 $0x1700, s0;
	s8 =	simm.s32 $0x1;
	[dreg:$0x1d] =	wrdreg s28  }
0x26: {  	v13 =	vand.u32 $0x7, v2;
	v15 =	vor.u32 $0x8, v2;
	v14 =	vmul.u32 $0x8, v14;
	s2 =	sadd.s32 $0x1400, s0;
	[smem:$0x7FD] =	sst s31;
	s0 =	smax.u32 s7, $0x1  }
.LBB2_3:
0x27: {  	s23 =	rddreg [dreg:$0x3]  }
0x28: {  	[tilespmem:s1], [sflag:$0x1] =	stream.linear.gather [hbm4b:s23+s1], $0x10000, $0x38;
	[tilespmem:$0x10400] =	vst v63  }
0x29: {  	_ =	swait.ge [sflag:s8], $0x10000  }
0x2a: {  	[sflag:s8] =	ssyncset.done $0x0  }
0x2b: {  	s0 =	simm.s32 $0x10280;
	s28 =	rddreg [dreg:$0x4];
	[sflag:s8] =	ssyncadd.s32 $0xFFFF0000  }
0x2c: {  	[tilespmem:s0], [sflag:$0x1] =	stream.linear.gather [hbm4b:s28+s1], $0x40, $0x38;
	[tilespmem:$0x10400] =	vst v63  }
0x2d: {  	_ =	swait.ge [sflag:s8], $0x40  }
0x2e: {  	[sflag:s8] =	ssyncset.done $0x0  }
0x2f: {  	s31 =	simm.s32 $0x10300;
	s29 =	rddreg [dreg:$0x5];
	[sflag:s8] =	ssyncadd.s32 $0xFFFFFFC0  }
0x30: {  	[tilespmem:s31], [sflag:$0x1] =	stream.linear.gather [hbm4b:s29+s1], $0x40, $0x38;
	[tilespmem:$0x10400] =	vst v63  }
0x31: {  	_ =	swait.ge [sflag:s8], $0x40  }
0x32: {  	[sflag:s8] =	ssyncset.done $0x0  }
0x33: {  	[sflag:s8] =	ssyncadd.s32 $0xFFFFFFC0  }
0x34: {  	v16 =	vld [tilespmem:$0x10280];
	_ =	sdelay $0x5  }
0x35: {  	v17 =	vld [tilespmem:$0x10290]  }
0x36: {  	v18 =	vld [tilespmem:$0x10300]  }
0x37: {  	v16 =	vld.idx.msk [tilespmem:v16+s12+$0x0], $0xffff;
	_ =	sdelay $0x4  }
0x38: {  	v16 =	vadd.s32 v16, v18  }
0x39: {  	[tilespmem:$0x10180] =	vst v16  }
0x3a: {  	v16 =	vld.idx.msk [tilespmem:v17+s12+$0x0], $0xffff  }
0x3b: {  	v17 =	vld [tilespmem:$0x10310];
	_ =	sdelay $0x4  }
0x3c: {  	v16 =	vadd.s32 v16, v17  }
0x3d: {  	[tilespmem:$0x10190] =	vst v16;
	v16 =	vld [tilespmem:$0x102A0];
	_ =	sdelay $0x5  }
0x3e: {  	v42 =	vld [tilespmem:$0x10320]  }
0x3f: {  	v17 =	vld [tilespmem:$0x102B0]  }
0x40: {  	v16 =	vld.idx.msk [tilespmem:v16+s12+$0x0], $0xffff;
	_ =	sdelay $0x4  }
0x41: {  	v16 =	vadd.s32 v16, v42  }
0x42: {  	[tilespmem:$0x101A0] =	vst v16  }
0x43: {  	v16 =	vld.idx.msk [tilespmem:v17+s12+$0x0], $0xffff  }
0x44: {  	v17 =	vld [tilespmem:$0x10330];
	_ =	sdelay $0x4  }
0x45: {  	v16 =	vadd.s32 v16, v17  }
0x46: {  	s7 =	simm.s32 $0x10180;
	s6 =	rddreg [dreg:$0x6];
	[tilespmem:$0x101B0] =	vst v16  }
0x47: {  	[hbm4b:s6+s1] =	stream.linear.scatter [tilespmem:s7], [sflag:$0x1], $0x40, $0x38;
	[tilespmem:$0x10400] =	vst v63  }
0x48: {  	_ =	swait.ge [sflag:s8], $0x40  }
0x49: {  	[sflag:s8] =	ssyncset.done $0x0  }
0x4a: {  	[sflag:s8] =	ssyncadd.s32 $0xFFFFFFC0  }
0x4b: {  	v16 =	vld [tilespmem:$0x10180];
	_ =	sdelay $0x4  }
0x4c: {  	v17 =	vshll.u32 v16, $0x3  }
0x4d: {  	v16 =	vand.u32 $0x7, v16;
	v17 =	vand.u32 $0xFFFFFFC0, v17  }
0x4e: {  	v16 =	vor.u32 v16, v17  }
0x4f: {  	v17 =	vperm.xlane v16, v13;
	_ =	sdelay $0x1  }
0x50: {  	v17 =	vadd.s32 v14, v17;
	_ =	sdelay $0x4  }
0x51: {  	[hbm4b:s2+s1] =	stream.indirect_vreg.scatter [tilespmem:s1], [sflag:$0x1], $0x80, v17, vm6, $0xb8;
	[tilespmem:$0x10400] =	vst v63  }
0x52: {  	s9 =	simm.s32 $0x800;
	v16 =	vperm.xlane v16, v15  }
0x53: {  	[hbm4b:s3+s1] =	stream.indirect_vreg.scatter [tilespmem:s9], [sflag:$0x1], $0x80, v17, vm6, $0xb8;
	[tilespmem:$0x10400] =	vst v63  }
0x54: {  	s10 =	simm.s32 $0x1000;
	v16 =	vadd.s32 v14, v16  }
0x55: {  	[hbm4b:s4+s1] =	stream.indirect_vreg.scatter [tilespmem:s10], [sflag:$0x1], $0x80, v17, vm6, $0xb8;
	[tilespmem:$0x10400] =	vst v63  }
0x56: {  	s11 =	simm.s32 $0x1800  }
0x57: {  	[hbm4b:s5+s1] =	stream.indirect_vreg.scatter [tilespmem:s11], [sflag:$0x1], $0x80, v17, vm6, $0xb8;
	[tilespmem:$0x10400] =	vst v63  }
0x58: {  	s13 =	simm.s32 $0x2000  }
0x59: {  	[hbm4b:s2+s1] =	stream.indirect_vreg.scatter [tilespmem:s13], [sflag:$0x1], $0x80, v16, vm6, $0xb8;
	[tilespmem:$0x10400] =	vst v63  }
0x5a: {  	s15 =	simm.s32 $0x2800  }
0x5b: {  	[hbm4b:s3+s1] =	stream.indirect_vreg.scatter [tilespmem:s15], [sflag:$0x1], $0x80, v16, vm6, $0xb8;
	[tilespmem:$0x10400] =	vst v63  }
0x5c: {  	s18 =	simm.s32 $0x3000  }
0x5d: {  	[hbm4b:s4+s1] =	stream.indirect_vreg.scatter [tilespmem:s18], [sflag:$0x1], $0x80, v16, vm6, $0xb8;
	[tilespmem:$0x10400] =	vst v63  }
0x5e: {  	s19 =	simm.s32 $0x3800  }
0x5f: {  	[hbm4b:s5+s1] =	stream.indirect_vreg.scatter [tilespmem:s19], [sflag:$0x1], $0x80, v16, vm6, $0xb8;
	[tilespmem:$0x10400] =	vst v63  }
0x60: {  	v16 =	vld [tilespmem:$0x10190];
	_ =	sdelay $0x4  }
0x61: {  	v17 =	vshll.u32 v16, $0x3  }
0x62: {  	v16 =	vand.u32 $0x7, v16;
	v17 =	vand.u32 $0xFFFFFFC0, v17  }
0x63: {  	v16 =	vor.u32 v16, v17  }
0x64: {  	v17 =	vperm.xlane v16, v13;
	_ =	sdelay $0x1  }
0x65: {  	v17 =	vadd.s32 v14, v17;
	_ =	sdelay $0x3  }
0x66: {  	s20 =	simm.s32 $0x4000  }
0x67: {  	[hbm4b:s2+s1] =	stream.indirect_vreg.scatter [tilespmem:s20], [sflag:$0x1], $0x80, v17, vm6, $0xb8;
	[tilespmem:$0x10400] =	vst v63  }
0x68: {  	s21 =	simm.s32 $0x4800;
	v16 =	vperm.xlane v16, v15  }
0x69: {  	[hbm4b:s3+s1] =	stream.indirect_vreg.scatter [tilespmem:s21], [sflag:$0x1], $0x80, v17, vm6, $0xb8;
	[tilespmem:$0x10400] =	vst v63  }
0x6a: {  	s22 =	simm.s32 $0x5000;
	v16 =	vadd.s32 v14, v16  }
0x6b: {  	[hbm4b:s4+s1] =	stream.indirect_vreg.scatter [tilespmem:s22], [sflag:$0x1], $0x80, v17, vm6, $0xb8;
	[tilespmem:$0x10400] =	vst v63  }
0x6c: {  	s23 =	simm.s32 $0x5800  }
0x6d: {  	[hbm4b:s5+s1] =	stream.indirect_vreg.scatter [tilespmem:s23], [sflag:$0x1], $0x80, v17, vm6, $0xb8;
	[tilespmem:$0x10400] =	vst v63  }
0x6e: {  	s24 =	simm.s32 $0x6000  }
0x6f: {  	[hbm4b:s2+s1] =	stream.indirect_vreg.scatter [tilespmem:s24], [sflag:$0x1], $0x80, v16, vm6, $0xb8;
	[tilespmem:$0x10400] =	vst v63  }
0x70: {  	s26 =	simm.s32 $0x6800  }
0x71: {  	[hbm4b:s3+s1] =	stream.indirect_vreg.scatter [tilespmem:s26], [sflag:$0x1], $0x80, v16, vm6, $0xb8;
	[tilespmem:$0x10400] =	vst v63  }
0x72: {  	s28 =	simm.s32 $0x7000  }
0x73: {  	[hbm4b:s4+s1] =	stream.indirect_vreg.scatter [tilespmem:s28], [sflag:$0x1], $0x80, v16, vm6, $0xb8;
	[tilespmem:$0x10400] =	vst v63  }
0x74: {  	s29 =	simm.s32 $0x7800  }
0x75: {  	[hbm4b:s5+s1] =	stream.indirect_vreg.scatter [tilespmem:s29], [sflag:$0x1], $0x80, v16, vm6, $0xb8;
	[tilespmem:$0x10400] =	vst v63  }
0x76: {  	v16 =	vld [tilespmem:$0x101A0];
	_ =	sdelay $0x4  }
0x77: {  	v17 =	vshll.u32 v16, $0x3  }
0x78: {  	v16 =	vand.u32 $0x7, v16;
	v17 =	vand.u32 $0xFFFFFFC0, v17  }
0x79: {  	v16 =	vor.u32 v16, v17  }
0x7a: {  	v17 =	vperm.xlane v16, v13;
	_ =	sdelay $0x1  }
0x7b: {  	v17 =	vadd.s32 v14, v17;
	_ =	sdelay $0x3  }
0x7c: {  	s6 =	simm.s32 $0x8000  }
0x7d: {  	[hbm4b:s2+s1] =	stream.indirect_vreg.scatter [tilespmem:s6], [sflag:$0x1], $0x80, v17, vm6, $0xb8;
	[tilespmem:$0x10400] =	vst v63  }
0x7e: {  	s7 =	simm.s32 $0x8800;
	v16 =	vperm.xlane v16, v15  }
0x7f: {  	[hbm4b:s3+s1] =	stream.indirect_vreg.scatter [tilespmem:s7], [sflag:$0x1], $0x80, v17, vm6, $0xb8;
	[tilespmem:$0x10400] =	vst v63  }
0x80: {  	s9 =	simm.s32 $0x9000;
	v16 =	vadd.s32 v14, v16  }
0x81: {  	[hbm4b:s4+s1] =	stream.indirect_vreg.scatter [tilespmem:s9], [sflag:$0x1], $0x80, v17, vm6, $0xb8;
	[tilespmem:$0x10400] =	vst v63  }
0x82: {  	s10 =	simm.s32 $0x9800  }
0x83: {  	[hbm4b:s5+s1] =	stream.indirect_vreg.scatter [tilespmem:s10], [sflag:$0x1], $0x80, v17, vm6, $0xb8;
	[tilespmem:$0x10400] =	vst v63  }
0x84: {  	s11 =	simm.s32 $0xA000  }
0x85: {  	[hbm4b:s2+s1] =	stream.indirect_vreg.scatter [tilespmem:s11], [sflag:$0x1], $0x80, v16, vm6, $0xb8;
	[tilespmem:$0x10400] =	vst v63  }
0x86: {  	s13 =	simm.s32 $0xA800  }
0x87: {  	[hbm4b:s3+s1] =	stream.indirect_vreg.scatter [tilespmem:s13], [sflag:$0x1], $0x80, v16, vm6, $0xb8;
	[tilespmem:$0x10400] =	vst v63  }
0x88: {  	s24 =	simm.s32 $0xB000  }
0x89: {  	[hbm4b:s4+s1] =	stream.indirect_vreg.scatter [tilespmem:s24], [sflag:$0x1], $0x80, v16, vm6, $0xb8;
	[tilespmem:$0x10400] =	vst v63  }
0x8a: {  	s26 =	simm.s32 $0xB800  }
0x8b: {  	[hbm4b:s5+s1] =	stream.indirect_vreg.scatter [tilespmem:s26], [sflag:$0x1], $0x80, v16, vm6, $0xb8;
	[tilespmem:$0x10400] =	vst v63  }
0x8c: {  	v16 =	vld [tilespmem:$0x101B0];
	_ =	sdelay $0x4  }
0x8d: {  	v17 =	vshll.u32 v16, $0x3  }
0x8e: {  	v16 =	vand.u32 $0x7, v16;
	v17 =	vand.u32 $0xFFFFFFC0, v17  }
0x8f: {  	v16 =	vor.u32 v16, v17  }
0x90: {  	v17 =	vperm.xlane v16, v13;
	_ =	sdelay $0x1  }
0x91: {  	v17 =	vadd.s32 v14, v17;
	_ =	sdelay $0x3  }
0x92: {  	s28 =	simm.s32 $0xC000  }
0x93: {  	[hbm4b:s2+s1] =	stream.indirect_vreg.scatter [tilespmem:s28], [sflag:$0x1], $0x80, v17, vm6, $0xb8;
	[tilespmem:$0x10400] =	vst v63  }
0x94: {  	s29 =	simm.s32 $0xC800;
	v16 =	vperm.xlane v16, v15  }
0x95: {  	[hbm4b:s3+s1] =	stream.indirect_vreg.scatter [tilespmem:s29], [sflag:$0x1], $0x80, v17, vm6, $0xb8;
	[tilespmem:$0x10400] =	vst v63  }
0x96: {  	s7 =	simm.s32 $0xD000;
	v16 =	vadd.s32 v14, v16  }
0x97: {  	[hbm4b:s4+s1] =	stream.indirect_vreg.scatter [tilespmem:s7], [sflag:$0x1], $0x80, v17, vm6, $0xb8;
	[tilespmem:$0x10400] =	vst v63  }
0x98: {  	s9 =	simm.s32 $0xD800  }
0x99: {  	[hbm4b:s5+s1] =	stream.indirect_vreg.scatter [tilespmem:s9], [sflag:$0x1], $0x80, v17, vm6, $0xb8;
	[tilespmem:$0x10400] =	vst v63  }
0x9a: {  	s10 =	simm.s32 $0xE000  }
0x9b: {  	[hbm4b:s2+s1] =	stream.indirect_vreg.scatter [tilespmem:s10], [sflag:$0x1], $0x80, v16, vm6, $0xb8;
	[tilespmem:$0x10400] =	vst v63  }
0x9c: {  	s11 =	simm.s32 $0xE800  }
0x9d: {  	[hbm4b:s3+s1] =	stream.indirect_vreg.scatter [tilespmem:s11], [sflag:$0x1], $0x80, v16, vm6, $0xb8;
	[tilespmem:$0x10400] =	vst v63  }
0x9e: {  	s13 =	simm.s32 $0xF000  }
0x9f: {  	[hbm4b:s4+s1] =	stream.indirect_vreg.scatter [tilespmem:s13], [sflag:$0x1], $0x80, v16, vm6, $0xb8;
	[tilespmem:$0x10400] =	vst v63  }
0xa0: {  	s29 =	simm.s32 $0xF800  }
0xa1: {  	[hbm4b:s5+s1] =	stream.indirect_vreg.scatter [tilespmem:s29], [sflag:$0x1], $0x80, v16, vm6, $0xb8;
	[tilespmem:$0x10400] =	vst v63  }
0xa2: {  	_ =	swait.ge [sflag:s8], $0x10000  }
0xa3: {  	[sflag:s8] =	ssyncset.done $0x0  }
0xa4: {  	s30 =	simm.s32 $0x10280;
	s23 =	rddreg [dreg:$0x7];
	[sflag:s8] =	ssyncadd.s32 $0xFFFF0000  }
0xa5: {  	[tilespmem:s30], [sflag:$0x1] =	stream.linear.gather [hbm4b:s23+s1], $0x40, $0x38;
	[tilespmem:$0x10400] =	vst v63  }
0xa6: {  	_ =	swait.ge [sflag:s8], $0x40  }
0xa7: {  	[sflag:s8] =	ssyncset.done $0x0  }
0xa8: {  	s31 =	simm.s32 $0x10300;
	s23 =	rddreg [dreg:$0x8];
	[sflag:s8] =	ssyncadd.s32 $0xFFFFFFC0  }
0xa9: {  	[tilespmem:s31], [sflag:$0x1] =	stream.linear.gather [hbm4b:s23+s1], $0x40, $0x38;
	[tilespmem:$0x10400] =	vst v63  }
0xaa: {  	_ =	swait.ge [sflag:s8], $0x40  }
0xab: {  	[sflag:s8] =	ssyncset.done $0x0  }
0xac: {  	[sflag:s8] =	ssyncadd.s32 $0xFFFFFFC0  }
0xad: {  	v16 =	vld [tilespmem:$0x10280];
	_ =	sdelay $0x5  }
0xae: {  	v17 =	vld [tilespmem:$0x10290]  }
0xaf: {  	v43 =	vld [tilespmem:$0x10300]  }
0xb0: {  	v16 =	vld.idx.msk [tilespmem:v16+s12+$0x0], $0xffff;
	_ =	sdelay $0x4  }
0xb1: {  	v16 =	vadd.s32 v16, v43  }
0xb2: {  	[tilespmem:$0x10200] =	vst v16  }
0xb3: {  	v16 =	vld.idx.msk [tilespmem:v17+s12+$0x0], $0xffff  }
0xb4: {  	v17 =	vld [tilespmem:$0x102A0]  }
0xb5: {  	v44 =	vld [tilespmem:$0x10310];
	_ =	sdelay $0x4  }
0xb6: {  	v16 =	vadd.s32 v16, v44  }
0xb7: {  	[tilespmem:$0x10210] =	vst v16  }
0xb8: {  	v16 =	vld.idx.msk [tilespmem:v17+s12+$0x0], $0xffff  }
0xb9: {  	v17 =	vld [tilespmem:$0x102B0]  }
0xba: {  	v45 =	vld [tilespmem:$0x10320];
	_ =	sdelay $0x4  }
0xbb: {  	v16 =	vadd.s32 v16, v45  }
0xbc: {  	[tilespmem:$0x10220] =	vst v16  }
0xbd: {  	v16 =	vld.idx.msk [tilespmem:v17+s12+$0x0], $0xffff  }
0xbe: {  	v17 =	vld [tilespmem:$0x10330];
	_ =	sdelay $0x4  }
0xbf: {  	v16 =	vadd.s32 v16, v17  }
0xc0: {  	s31 =	simm.s32 $0x10200;
	s23 =	rddreg [dreg:$0x9];
	[tilespmem:$0x10230] =	vst v16  }
0xc1: {  	[hbm4b:s23+s1] =	stream.linear.scatter [tilespmem:s31], [sflag:$0x1], $0x40, $0x38;
	[tilespmem:$0x10400] =	vst v63  }
0xc2: {  	_ =	swait.ge [sflag:s8], $0x40  }
0xc3: {  	[sflag:s8] =	ssyncset.done $0x0  }
0xc4: {  	[sflag:s8] =	ssyncadd.s32 $0xFFFFFFC0  }
0xc5: {  	v16 =	vld [tilespmem:$0x10200];
	_ =	sdelay $0x4  }
0xc6: {  	v17 =	vshll.u32 v16, $0x3  }
0xc7: {  	v16 =	vand.u32 $0x7, v16;
	v17 =	vand.u32 $0xFFFFFFC0, v17  }
0xc8: {  	v16 =	vor.u32 v16, v17  }
0xc9: {  	v17 =	vperm.xlane v16, v13;
	_ =	sdelay $0x1  }
0xca: {  	v17 =	vadd.s32 v14, v17;
	_ =	sdelay $0x4  }
0xcb: {  	[hbm4b:s2+s1] =	stream.indirect_vreg.scatter [tilespmem:s1], [sflag:$0x1], $0x80, v17, vm6, $0xb8;
	[tilespmem:$0x10400] =	vst v63  }
0xcc: {  	s25 =	simm.s32 $0x800;
	v16 =	vperm.xlane v16, v15  }
0xcd: {  	[hbm4b:s3+s1] =	stream.indirect_vreg.scatter [tilespmem:s25], [sflag:$0x1], $0x80, v17, vm6, $0xb8;
	[tilespmem:$0x10400] =	vst v63  }
0xce: {  	s14 =	simm.s32 $0x1000;
	v16 =	vadd.s32 v14, v16  }
0xcf: {  	[hbm4b:s4+s1] =	stream.indirect_vreg.scatter [tilespmem:s14], [sflag:$0x1], $0x80, v17, vm6, $0xb8;
	[tilespmem:$0x10400] =	vst v63  }
0xd0: {  	s16 =	simm.s32 $0x1800  }
0xd1: {  	[hbm4b:s5+s1] =	stream.indirect_vreg.scatter [tilespmem:s16], [sflag:$0x1], $0x80, v17, vm6, $0xb8;
	[tilespmem:$0x10400] =	vst v63  }
0xd2: {  	s17 =	simm.s32 $0x2000  }
0xd3: {  	[hbm4b:s2+s1] =	stream.indirect_vreg.scatter [tilespmem:s17], [sflag:$0x1], $0x80, v16, vm6, $0xb8;
	[tilespmem:$0x10400] =	vst v63  }
0xd4: {  	s14 =	simm.s32 $0x2800  }
0xd5: {  	[hbm4b:s3+s1] =	stream.indirect_vreg.scatter [tilespmem:s14], [sflag:$0x1], $0x80, v16, vm6, $0xb8;
	[tilespmem:$0x10400] =	vst v63  }
0xd6: {  	s16 =	simm.s32 $0x3000  }
0xd7: {  	[hbm4b:s4+s1] =	stream.indirect_vreg.scatter [tilespmem:s16], [sflag:$0x1], $0x80, v16, vm6, $0xb8;
	[tilespmem:$0x10400] =	vst v63  }
0xd8: {  	s18 =	simm.s32 $0x3800  }
0xd9: {  	[hbm4b:s5+s1] =	stream.indirect_vreg.scatter [tilespmem:s18], [sflag:$0x1], $0x80, v16, vm6, $0xb8;
	[tilespmem:$0x10400] =	vst v63  }
0xda: {  	v16 =	vld [tilespmem:$0x10210];
	_ =	sdelay $0x4  }
0xdb: {  	v17 =	vshll.u32 v16, $0x3  }
0xdc: {  	v16 =	vand.u32 $0x7, v16;
	v17 =	vand.u32 $0xFFFFFFC0, v17  }
0xdd: {  	v16 =	vor.u32 v16, v17  }
0xde: {  	v17 =	vperm.xlane v16, v13;
	_ =	sdelay $0x1  }
0xdf: {  	v17 =	vadd.s32 v14, v17;
	_ =	sdelay $0x3  }
0xe0: {  	s20 =	simm.s32 $0x4000  }
0xe1: {  	[hbm4b:s2+s1] =	stream.indirect_vreg.scatter [tilespmem:s20], [sflag:$0x1], $0x80, v17, vm6, $0xb8;
	[tilespmem:$0x10400] =	vst v63  }
0xe2: {  	s21 =	simm.s32 $0x4800;
	v16 =	vperm.xlane v16, v15  }
0xe3: {  	[hbm4b:s3+s1] =	stream.indirect_vreg.scatter [tilespmem:s21], [sflag:$0x1], $0x80, v17, vm6, $0xb8;
	[tilespmem:$0x10400] =	vst v63  }
0xe4: {  	s17 =	simm.s32 $0x5000;
	v16 =	vadd.s32 v14, v16  }
0xe5: {  	[hbm4b:s4+s1] =	stream.indirect_vreg.scatter [tilespmem:s17], [sflag:$0x1], $0x80, v17, vm6, $0xb8;
	[tilespmem:$0x10400] =	vst v63  }
0xe6: {  	s18 =	simm.s32 $0x5800  }
0xe7: {  	[hbm4b:s5+s1] =	stream.indirect_vreg.scatter [tilespmem:s18], [sflag:$0x1], $0x80, v17, vm6, $0xb8;
	[tilespmem:$0x10400] =	vst v63  }
0xe8: {  	s19 =	simm.s32 $0x6000  }
0xe9: {  	[hbm4b:s2+s1] =	stream.indirect_vreg.scatter [tilespmem:s19], [sflag:$0x1], $0x80, v16, vm6, $0xb8;
	[tilespmem:$0x10400] =	vst v63  }
0xea: {  	s19 =	simm.s32 $0x6800  }
0xeb: {  	[hbm4b:s3+s1] =	stream.indirect_vreg.scatter [tilespmem:s19], [sflag:$0x1], $0x80, v16, vm6, $0xb8;
	[tilespmem:$0x10400] =	vst v63  }
0xec: {  	s20 =	simm.s32 $0x7000  }
0xed: {  	[hbm4b:s4+s1] =	stream.indirect_vreg.scatter [tilespmem:s20], [sflag:$0x1], $0x80, v16, vm6, $0xb8;
	[tilespmem:$0x10400] =	vst v63  }
0xee: {  	s22 =	simm.s32 $0x7800  }
0xef: {  	[hbm4b:s5+s1] =	stream.indirect_vreg.scatter [tilespmem:s22], [sflag:$0x1], $0x80, v16, vm6, $0xb8;
	[tilespmem:$0x10400] =	vst v63  }
0xf0: {  	v16 =	vld [tilespmem:$0x10220];
	_ =	sdelay $0x4  }
0xf1: {  	v17 =	vshll.u32 v16, $0x3  }
0xf2: {  	v16 =	vand.u32 $0x7, v16;
	v17 =	vand.u32 $0xFFFFFFC0, v17  }
0xf3: {  	v16 =	vor.u32 v16, v17  }
0xf4: {  	v17 =	vperm.xlane v16, v13;
	_ =	sdelay $0x1  }
0xf5: {  	v17 =	vadd.s32 v14, v17;
	_ =	sdelay $0x3  }
0xf6: {  	s31 =	simm.s32 $0x8000  }
0xf7: {  	[hbm4b:s2+s1] =	stream.indirect_vreg.scatter [tilespmem:s31], [sflag:$0x1], $0x80, v17, vm6, $0xb8;
	[tilespmem:$0x10400] =	vst v63  }
0xf8: {  	s25 =	simm.s32 $0x8800;
	v16 =	vperm.xlane v16, v15  }
0xf9: {  	[hbm4b:s3+s1] =	stream.indirect_vreg.scatter [tilespmem:s25], [sflag:$0x1], $0x80, v17, vm6, $0xb8;
	[tilespmem:$0x10400] =	vst v63  }
0xfa: {  	s21 =	simm.s32 $0x9000;
	v16 =	vadd.s32 v14, v16  }
0xfb: {  	[hbm4b:s4+s1] =	stream.indirect_vreg.scatter [tilespmem:s21], [sflag:$0x1], $0x80, v17, vm6, $0xb8;
	[tilespmem:$0x10400] =	vst v63  }
0xfc: {  	s22 =	simm.s32 $0x9800  }
0xfd: {  	[hbm4b:s5+s1] =	stream.indirect_vreg.scatter [tilespmem:s22], [sflag:$0x1], $0x80, v17, vm6, $0xb8;
	[tilespmem:$0x10400] =	vst v63  }
0xfe: {  	s15 =	simm.s32 $0xA000  }
0xff: {  	[hbm4b:s2+s1] =	stream.indirect_vreg.scatter [tilespmem:s15], [sflag:$0x1], $0x80, v16, vm6, $0xb8;
	[tilespmem:$0x10400] =	vst v63  }
0x100: {  	s0 =	simm.s32 $0xA800  }
0x101: {  	[hbm4b:s3+s1] =	stream.indirect_vreg.scatter [tilespmem:s0], [sflag:$0x1], $0x80, v16, vm6, $0xb8;
	[tilespmem:$0x10400] =	vst v63  }
0x102: {  	s6 =	simm.s32 $0xB000  }
0x103: {  	[hbm4b:s4+s1] =	stream.indirect_vreg.scatter [tilespmem:s6], [sflag:$0x1], $0x80, v16, vm6, $0xb8;
	[tilespmem:$0x10400] =	vst v63  }
0x104: {  	s24 =	simm.s32 $0xB800  }
0x105: {  	[hbm4b:s5+s1] =	stream.indirect_vreg.scatter [tilespmem:s24], [sflag:$0x1], $0x80, v16, vm6, $0xb8;
	[tilespmem:$0x10400] =	vst v63  }
0x106: {  	v16 =	vld [tilespmem:$0x10230];
	_ =	sdelay $0x4  }
0x107: {  	v17 =	vshll.u32 v16, $0x3  }
0x108: {  	v16 =	vand.u32 $0x7, v16;
	v17 =	vand.u32 $0xFFFFFFC0, v17  }
0x109: {  	v16 =	vor.u32 v16, v17  }
0x10a: {  	v17 =	vperm.xlane v16, v13;
	_ =	sdelay $0x1  }
0x10b: {  	v17 =	vadd.s32 v14, v17;
	_ =	sdelay $0x3  }
0x10c: {  	s28 =	simm.s32 $0xC000  }
0x10d: {  	[hbm4b:s2+s1] =	stream.indirect_vreg.scatter [tilespmem:s28], [sflag:$0x1], $0x80, v17, vm6, $0xb8;
	[tilespmem:$0x10400] =	vst v63  }
0x10e: {  	s26 =	simm.s32 $0xC800;
	v16 =	vperm.xlane v16, v15  }
0x10f: {  	[hbm4b:s3+s1] =	stream.indirect_vreg.scatter [tilespmem:s26], [sflag:$0x1], $0x80, v17, vm6, $0xb8;
	[tilespmem:$0x10400] =	vst v63  }
0x110: {  	s7 =	simm.s32 $0xD000;
	v16 =	vadd.s32 v14, v16  }
0x111: {  	[hbm4b:s4+s1] =	stream.indirect_vreg.scatter [tilespmem:s7], [sflag:$0x1], $0x80, v17, vm6, $0xb8;
	[tilespmem:$0x10400] =	vst v63  }
0x112: {  	s9 =	simm.s32 $0xD800  }
0x113: {  	[hbm4b:s5+s1] =	stream.indirect_vreg.scatter [tilespmem:s9], [sflag:$0x1], $0x80, v17, vm6, $0xb8;
	[tilespmem:$0x10400] =	vst v63  }
0x114: {  	s10 =	simm.s32 $0xE000  }
0x115: {  	[hbm4b:s2+s1] =	stream.indirect_vreg.scatter [tilespmem:s10], [sflag:$0x1], $0x80, v16, vm6, $0xb8;
	[tilespmem:$0x10400] =	vst v63  }
0x116: {  	s11 =	simm.s32 $0xE800  }
0x117: {  	[hbm4b:s3+s1] =	stream.indirect_vreg.scatter [tilespmem:s11], [sflag:$0x1], $0x80, v16, vm6, $0xb8;
	[tilespmem:$0x10400] =	vst v63  }
0x118: {  	s13 =	simm.s32 $0xF000  }
0x119: {  	[hbm4b:s4+s1] =	stream.indirect_vreg.scatter [tilespmem:s13], [sflag:$0x1], $0x80, v16, vm6, $0xb8;
	[tilespmem:$0x10400] =	vst v63  }
0x11a: {  	s29 =	simm.s32 $0xF800  }
0x11b: {  	[hbm4b:s5+s1] =	stream.indirect_vreg.scatter [tilespmem:s29], [sflag:$0x1], $0x80, v16, vm6, $0xb8;
	[tilespmem:$0x10400] =	vst v63  }
0x11c: {  	_ =	swait.ge [sflag:s8], $0x10000  }
0x11d: {  	[sflag:s8] =	ssyncset.done $0x0  }
0x11e: {  	s15 =	rddreg [dreg:$0xa];
	[sflag:s8] =	ssyncadd.s32 $0xFFFF0000  }
0x11f: {  	[tilespmem:s1], [sflag:$0x1] =	stream.linear.gather [hbm4b:s15+s1], $0x10000, $0x38;
	[tilespmem:$0x10400] =	vst v63  }
0x120: {  	_ =	swait.ge [sflag:s8], $0x10000  }
0x121: {  	[sflag:s8] =	ssyncset.done $0x0  }
0x122: {  	s30 =	simm.s32 $0x10280;
	s26 =	rddreg [dreg:$0xb];
	[sflag:s8] =	ssyncadd.s32 $0xFFFF0000  }
0x123: {  	[tilespmem:s30], [sflag:$0x1] =	stream.linear.gather [hbm4b:s26+s1], $0x40, $0x38;
	[tilespmem:$0x10400] =	vst v63  }
0x124: {  	_ =	swait.ge [sflag:s8], $0x40  }
0x125: {  	[sflag:s8] =	ssyncset.done $0x0  }
0x126: {  	s0 =	simm.s32 $0x10300;
	s29 =	rddreg [dreg:$0xe];
	[sflag:s8] =	ssyncadd.s32 $0xFFFFFFC0  }
0x127: {  	[tilespmem:s0], [sflag:$0x1] =	stream.linear.gather [hbm4b:s29+s1], $0x40, $0x38;
	[tilespmem:$0x10400] =	vst v63  }
0x128: {  	_ =	swait.ge [sflag:s8], $0x40  }
0x129: {  	[sflag:s8] =	ssyncset.done $0x0  }
0x12a: {  	[sflag:s8] =	ssyncadd.s32 $0xFFFFFFC0  }
0x12b: {  	v16 =	vld [tilespmem:$0x10280];
	_ =	sdelay $0x5  }
0x12c: {  	v17 =	vld [tilespmem:$0x10290]  }
0x12d: {  	v46 =	vld [tilespmem:$0x10300]  }
0x12e: {  	v16 =	vld.idx.msk [tilespmem:v16+s12+$0x0], $0xffff;
	_ =	sdelay $0x4  }
0x12f: {  	v16 =	vadd.s32 v16, v46  }
0x130: {  	[tilespmem:$0x10180] =	vst v16  }
0x131: {  	v16 =	vld.idx.msk [tilespmem:v17+s12+$0x0], $0xffff  }
0x132: {  	v17 =	vld [tilespmem:$0x102A0]  }
0x133: {  	v47 =	vld [tilespmem:$0x10310];
	_ =	sdelay $0x4  }
0x134: {  	v16 =	vadd.s32 v16, v47  }
0x135: {  	[tilespmem:$0x10190] =	vst v16  }
0x136: {  	v16 =	vld.idx.msk [tilespmem:v17+s12+$0x0], $0xffff  }
0x137: {  	v17 =	vld [tilespmem:$0x102B0]  }
0x138: {  	v48 =	vld [tilespmem:$0x10320];
	_ =	sdelay $0x4  }
0x139: {  	v16 =	vadd.s32 v16, v48  }
0x13a: {  	[tilespmem:$0x101A0] =	vst v16  }
0x13b: {  	v16 =	vld.idx.msk [tilespmem:v17+s12+$0x0], $0xffff  }
0x13c: {  	v17 =	vld [tilespmem:$0x10330];
	_ =	sdelay $0x4  }
0x13d: {  	v16 =	vadd.s32 v16, v17  }
0x13e: {  	s7 =	simm.s32 $0x10180;
	s6 =	rddreg [dreg:$0xf];
	[tilespmem:$0x101B0] =	vst v16  }
0x13f: {  	[hbm4b:s6+s1] =	stream.linear.scatter [tilespmem:s7], [sflag:$0x1], $0x40, $0x38;
	[tilespmem:$0x10400] =	vst v63  }
0x140: {  	_ =	swait.ge [sflag:s8], $0x40  }
0x141: {  	[sflag:s8] =	ssyncset.done $0x0  }
0x142: {  	[sflag:s8] =	ssyncadd.s32 $0xFFFFFFC0  }
0x143: {  	v16 =	vld [tilespmem:$0x10180];
	_ =	sdelay $0x4  }
0x144: {  	v17 =	vshll.u32 v16, $0x3  }
0x145: {  	v16 =	vand.u32 $0x7, v16;
	v17 =	vand.u32 $0xFFFFFFC0, v17  }
0x146: {  	v16 =	vor.u32 v16, v17  }
0x147: {  	v17 =	vperm.xlane v16, v13;
	_ =	sdelay $0x1  }
0x148: {  	v17 =	vadd.s32 v14, v17;
	_ =	sdelay $0x4  }
0x149: {  	[hbm4b:s2+s1] =	stream.indirect_vreg.scatter [tilespmem:s1], [sflag:$0x1], $0x80, v17, vm6, $0xb8;
	[tilespmem:$0x10400] =	vst v63  }
0x14a: {  	s9 =	simm.s32 $0x800;
	v16 =	vperm.xlane v16, v15  }
0x14b: {  	[hbm4b:s3+s1] =	stream.indirect_vreg.scatter [tilespmem:s9], [sflag:$0x1], $0x80, v17, vm6, $0xb8;
	[tilespmem:$0x10400] =	vst v63  }
0x14c: {  	s10 =	simm.s32 $0x1000;
	v16 =	vadd.s32 v14, v16  }
0x14d: {  	[hbm4b:s4+s1] =	stream.indirect_vreg.scatter [tilespmem:s10], [sflag:$0x1], $0x80, v17, vm6, $0xb8;
	[tilespmem:$0x10400] =	vst v63  }
0x14e: {  	s11 =	simm.s32 $0x1800  }
0x14f: {  	[hbm4b:s5+s1] =	stream.indirect_vreg.scatter [tilespmem:s11], [sflag:$0x1], $0x80, v17, vm6, $0xb8;
	[tilespmem:$0x10400] =	vst v63  }
0x150: {  	s13 =	simm.s32 $0x2000  }
0x151: {  	[hbm4b:s2+s1] =	stream.indirect_vreg.scatter [tilespmem:s13], [sflag:$0x1], $0x80, v16, vm6, $0xb8;
	[tilespmem:$0x10400] =	vst v63  }
0x152: {  	_ = 	snop  }
0x153: {  	[hbm4b:s3+s1] =	stream.indirect_vreg.scatter [tilespmem:s14], [sflag:$0x1], $0x80, v16, vm6, $0xb8;
	[tilespmem:$0x10400] =	vst v63  }
0x154: {  	_ = 	snop  }
0x155: {  	[hbm4b:s4+s1] =	stream.indirect_vreg.scatter [tilespmem:s16], [sflag:$0x1], $0x80, v16, vm6, $0xb8;
	[tilespmem:$0x10400] =	vst v63  }
0x156: {  	s14 =	simm.s32 $0x3800  }
0x157: {  	[hbm4b:s5+s1] =	stream.indirect_vreg.scatter [tilespmem:s14], [sflag:$0x1], $0x80, v16, vm6, $0xb8;
	[tilespmem:$0x10400] =	vst v63  }
0x158: {  	v16 =	vld [tilespmem:$0x10190];
	_ =	sdelay $0x4  }
0x159: {  	v17 =	vshll.u32 v16, $0x3  }
0x15a: {  	v16 =	vand.u32 $0x7, v16;
	v17 =	vand.u32 $0xFFFFFFC0, v17  }
0x15b: {  	v16 =	vor.u32 v16, v17  }
0x15c: {  	v17 =	vperm.xlane v16, v13;
	_ =	sdelay $0x1  }
0x15d: {  	v17 =	vadd.s32 v14, v17;
	_ =	sdelay $0x3  }
0x15e: {  	s16 =	simm.s32 $0x4000  }
0x15f: {  	[hbm4b:s2+s1] =	stream.indirect_vreg.scatter [tilespmem:s16], [sflag:$0x1], $0x80, v17, vm6, $0xb8;
	[tilespmem:$0x10400] =	vst v63  }
0x160: {  	s23 =	simm.s32 $0x4800;
	v16 =	vperm.xlane v16, v15  }
0x161: {  	[hbm4b:s3+s1] =	stream.indirect_vreg.scatter [tilespmem:s23], [sflag:$0x1], $0x80, v17, vm6, $0xb8;
	[tilespmem:$0x10400] =	vst v63  }
0x162: {  	v16 =	vadd.s32 v14, v16  }
0x163: {  	[hbm4b:s4+s1] =	stream.indirect_vreg.scatter [tilespmem:s17], [sflag:$0x1], $0x80, v17, vm6, $0xb8;
	[tilespmem:$0x10400] =	vst v63  }
0x164: {  	_ = 	snop  }
0x165: {  	[hbm4b:s5+s1] =	stream.indirect_vreg.scatter [tilespmem:s18], [sflag:$0x1], $0x80, v17, vm6, $0xb8;
	[tilespmem:$0x10400] =	vst v63  }
0x166: {  	s26 =	simm.s32 $0x6000  }
0x167: {  	[hbm4b:s2+s1] =	stream.indirect_vreg.scatter [tilespmem:s26], [sflag:$0x1], $0x80, v16, vm6, $0xb8;
	[tilespmem:$0x10400] =	vst v63  }
0x168: {  	_ = 	snop  }
0x169: {  	[hbm4b:s3+s1] =	stream.indirect_vreg.scatter [tilespmem:s19], [sflag:$0x1], $0x80, v16, vm6, $0xb8;
	[tilespmem:$0x10400] =	vst v63  }
0x16a: {  	_ = 	snop  }
0x16b: {  	[hbm4b:s4+s1] =	stream.indirect_vreg.scatter [tilespmem:s20], [sflag:$0x1], $0x80, v16, vm6, $0xb8;
	[tilespmem:$0x10400] =	vst v63  }
0x16c: {  	s29 =	simm.s32 $0x7800  }
0x16d: {  	[hbm4b:s5+s1] =	stream.indirect_vreg.scatter [tilespmem:s29], [sflag:$0x1], $0x80, v16, vm6, $0xb8;
	[tilespmem:$0x10400] =	vst v63  }
0x16e: {  	v16 =	vld [tilespmem:$0x101A0];
	_ =	sdelay $0x4  }
0x16f: {  	v17 =	vshll.u32 v16, $0x3  }
0x170: {  	v16 =	vand.u32 $0x7, v16;
	v17 =	vand.u32 $0xFFFFFFC0, v17  }
0x171: {  	v16 =	vor.u32 v16, v17  }
0x172: {  	v17 =	vperm.xlane v16, v13;
	_ =	sdelay $0x1  }
0x173: {  	v17 =	vadd.s32 v14, v17;
	_ =	sdelay $0x4  }
0x174: {  	[hbm4b:s2+s1] =	stream.indirect_vreg.scatter [tilespmem:s31], [sflag:$0x1], $0x80, v17, vm6, $0xb8;
	[tilespmem:$0x10400] =	vst v63  }
0x175: {  	v16 =	vperm.xlane v16, v15  }
0x176: {  	[hbm4b:s3+s1] =	stream.indirect_vreg.scatter [tilespmem:s25], [sflag:$0x1], $0x80, v17, vm6, $0xb8;
	[tilespmem:$0x10400] =	vst v63  }
0x177: {  	v16 =	vadd.s32 v14, v16  }
0x178: {  	[hbm4b:s4+s1] =	stream.indirect_vreg.scatter [tilespmem:s21], [sflag:$0x1], $0x80, v17, vm6, $0xb8;
	[tilespmem:$0x10400] =	vst v63  }
0x179: {  	_ = 	snop  }
0x17a: {  	[hbm4b:s5+s1] =	stream.indirect_vreg.scatter [tilespmem:s22], [sflag:$0x1], $0x80, v17, vm6, $0xb8;
	[tilespmem:$0x10400] =	vst v63  }
0x17b: {  	s31 =	simm.s32 $0xA000  }
0x17c: {  	[hbm4b:s2+s1] =	stream.indirect_vreg.scatter [tilespmem:s31], [sflag:$0x1], $0x80, v16, vm6, $0xb8;
	[tilespmem:$0x10400] =	vst v63  }
0x17d: {  	s14 =	simm.s32 $0xA800  }
0x17e: {  	[hbm4b:s3+s1] =	stream.indirect_vreg.scatter [tilespmem:s14], [sflag:$0x1], $0x80, v16, vm6, $0xb8;
	[tilespmem:$0x10400] =	vst v63  }
0x17f: {  	s16 =	simm.s32 $0xB000  }
0x180: {  	[hbm4b:s4+s1] =	stream.indirect_vreg.scatter [tilespmem:s16], [sflag:$0x1], $0x80, v16, vm6, $0xb8;
	[tilespmem:$0x10400] =	vst v63  }
0x181: {  	s24 =	simm.s32 $0xB800  }
0x182: {  	[hbm4b:s5+s1] =	stream.indirect_vreg.scatter [tilespmem:s24], [sflag:$0x1], $0x80, v16, vm6, $0xb8;
	[tilespmem:$0x10400] =	vst v63  }
0x183: {  	v16 =	vld [tilespmem:$0x101B0];
	_ =	sdelay $0x4  }
0x184: {  	v17 =	vshll.u32 v16, $0x3  }
0x185: {  	v16 =	vand.u32 $0x7, v16;
	v17 =	vand.u32 $0xFFFFFFC0, v17  }
0x186: {  	v16 =	vor.u32 v16, v17  }
0x187: {  	v17 =	vperm.xlane v16, v13;
	_ =	sdelay $0x1  }
0x188: {  	v17 =	vadd.s32 v14, v17;
	_ =	sdelay $0x3  }
0x189: {  	s28 =	simm.s32 $0xC000  }
0x18a: {  	[hbm4b:s2+s1] =	stream.indirect_vreg.scatter [tilespmem:s28], [sflag:$0x1], $0x80, v17, vm6, $0xb8;
	[tilespmem:$0x10400] =	vst v63  }
0x18b: {  	s23 =	simm.s32 $0xC800;
	v16 =	vperm.xlane v16, v15  }
0x18c: {  	[hbm4b:s3+s1] =	stream.indirect_vreg.scatter [tilespmem:s23], [sflag:$0x1], $0x80, v17, vm6, $0xb8;
	[tilespmem:$0x10400] =	vst v63  }
0x18d: {  	s24 =	simm.s32 $0xD000;
	v16 =	vadd.s32 v14, v16  }
0x18e: {  	[hbm4b:s4+s1] =	stream.indirect_vreg.scatter [tilespmem:s24], [sflag:$0x1], $0x80, v17, vm6, $0xb8;
	[tilespmem:$0x10400] =	vst v63  }
0x18f: {  	s25 =	simm.s32 $0xD800  }
0x190: {  	[hbm4b:s5+s1] =	stream.indirect_vreg.scatter [tilespmem:s25], [sflag:$0x1], $0x80, v17, vm6, $0xb8;
	[tilespmem:$0x10400] =	vst v63  }
0x191: {  	s28 =	simm.s32 $0xE000  }
0x192: {  	[hbm4b:s2+s1] =	stream.indirect_vreg.scatter [tilespmem:s28], [sflag:$0x1], $0x80, v16, vm6, $0xb8;
	[tilespmem:$0x10400] =	vst v63  }
0x193: {  	s24 =	simm.s32 $0xE800  }
0x194: {  	[hbm4b:s3+s1] =	stream.indirect_vreg.scatter [tilespmem:s24], [sflag:$0x1], $0x80, v16, vm6, $0xb8;
	[tilespmem:$0x10400] =	vst v63  }
0x195: {  	s28 =	simm.s32 $0xF000  }
0x196: {  	[hbm4b:s4+s1] =	stream.indirect_vreg.scatter [tilespmem:s28], [sflag:$0x1], $0x80, v16, vm6, $0xb8;
	[tilespmem:$0x10400] =	vst v63  }
0x197: {  	s23 =	simm.s32 $0xF800  }
0x198: {  	[hbm4b:s5+s1] =	stream.indirect_vreg.scatter [tilespmem:s23], [sflag:$0x1], $0x80, v16, vm6, $0xb8;
	[tilespmem:$0x10400] =	vst v63  }
0x199: {  	_ =	swait.ge [sflag:s8], $0x10000  }
0x19a: {  	[sflag:s8] =	ssyncset.done $0x0  }
0x19b: {  	s30 =	simm.s32 $0x10280;
	s23 =	rddreg [dreg:$0x10];
	[sflag:s8] =	ssyncadd.s32 $0xFFFF0000  }
0x19c: {  	[tilespmem:s30], [sflag:$0x1] =	stream.linear.gather [hbm4b:s23+s1], $0x40, $0x38;
	[tilespmem:$0x10400] =	vst v63  }
0x19d: {  	_ =	swait.ge [sflag:s8], $0x40  }
0x19e: {  	[sflag:s8] =	ssyncset.done $0x0  }
0x19f: {  	s23 =	rddreg [dreg:$0x11];
	[sflag:s8] =	ssyncadd.s32 $0xFFFFFFC0  }
0x1a0: {  	[tilespmem:s0], [sflag:$0x1] =	stream.linear.gather [hbm4b:s23+s1], $0x40, $0x38;
	[tilespmem:$0x10400] =	vst v63  }
0x1a1: {  	_ =	swait.ge [sflag:s8], $0x40  }
0x1a2: {  	[sflag:s8] =	ssyncset.done $0x0  }
0x1a3: {  	[sflag:s8] =	ssyncadd.s32 $0xFFFFFFC0  }
0x1a4: {  	v16 =	vld [tilespmem:$0x10280];
	_ =	sdelay $0x5  }
0x1a5: {  	v17 =	vld [tilespmem:$0x10290]  }
0x1a6: {  	v49 =	vld [tilespmem:$0x10300]  }
0x1a7: {  	v16 =	vld.idx.msk [tilespmem:v16+s12+$0x0], $0xffff;
	_ =	sdelay $0x4  }
0x1a8: {  	v16 =	vadd.s32 v16, v49  }
0x1a9: {  	[tilespmem:$0x10200] =	vst v16  }
0x1aa: {  	v16 =	vld.idx.msk [tilespmem:v17+s12+$0x0], $0xffff  }
0x1ab: {  	v17 =	vld [tilespmem:$0x102A0]  }
0x1ac: {  	v50 =	vld [tilespmem:$0x10310];
	_ =	sdelay $0x4  }
0x1ad: {  	v16 =	vadd.s32 v16, v50  }
0x1ae: {  	[tilespmem:$0x10210] =	vst v16  }
0x1af: {  	v16 =	vld.idx.msk [tilespmem:v17+s12+$0x0], $0xffff  }
0x1b0: {  	v17 =	vld [tilespmem:$0x102B0]  }
0x1b1: {  	v51 =	vld [tilespmem:$0x10320];
	_ =	sdelay $0x4  }
0x1b2: {  	v16 =	vadd.s32 v16, v51  }
0x1b3: {  	[tilespmem:$0x10220] =	vst v16  }
0x1b4: {  	v16 =	vld.idx.msk [tilespmem:v17+s12+$0x0], $0xffff  }
0x1b5: {  	v17 =	vld [tilespmem:$0x10330];
	_ =	sdelay $0x4  }
0x1b6: {  	v16 =	vadd.s32 v16, v17  }
0x1b7: {  	s0 =	simm.s32 $0x10200;
	s23 =	rddreg [dreg:$0x12];
	[tilespmem:$0x10230] =	vst v16  }
0x1b8: {  	[hbm4b:s23+s1] =	stream.linear.scatter [tilespmem:s0], [sflag:$0x1], $0x40, $0x38;
	[tilespmem:$0x10400] =	vst v63  }
0x1b9: {  	_ =	swait.ge [sflag:s8], $0x40  }
0x1ba: {  	[sflag:s8] =	ssyncset.done $0x0  }
0x1bb: {  	[sflag:s8] =	ssyncadd.s32 $0xFFFFFFC0  }
0x1bc: {  	v16 =	vld [tilespmem:$0x10200];
	_ =	sdelay $0x4  }
0x1bd: {  	v17 =	vshll.u32 v16, $0x3  }
0x1be: {  	v16 =	vand.u32 $0x7, v16;
	v17 =	vand.u32 $0xFFFFFFC0, v17  }
0x1bf: {  	v16 =	vor.u32 v16, v17  }
0x1c0: {  	v17 =	vperm.xlane v16, v13;
	_ =	sdelay $0x1  }
0x1c1: {  	v17 =	vadd.s32 v14, v17;
	_ =	sdelay $0x4  }
0x1c2: {  	[hbm4b:s2+s1] =	stream.indirect_vreg.scatter [tilespmem:s1], [sflag:$0x1], $0x80, v17, vm6, $0xb8;
	[tilespmem:$0x10400] =	vst v63  }
0x1c3: {  	s23 =	simm.s32 $0x800;
	v16 =	vperm.xlane v16, v15  }
0x1c4: {  	[hbm4b:s3+s1] =	stream.indirect_vreg.scatter [tilespmem:s23], [sflag:$0x1], $0x80, v17, vm6, $0xb8;
	[tilespmem:$0x10400] =	vst v63  }
0x1c5: {  	v16 =	vadd.s32 v14, v16;
	s23 =	simm.s32 $0x1000  }
0x1c6: {  	[hbm4b:s4+s1] =	stream.indirect_vreg.scatter [tilespmem:s23], [sflag:$0x1], $0x80, v17, vm6, $0xb8;
	[tilespmem:$0x10400] =	vst v63  }
0x1c7: {  	s23 =	simm.s32 $0x1800  }
0x1c8: {  	[hbm4b:s5+s1] =	stream.indirect_vreg.scatter [tilespmem:s23], [sflag:$0x1], $0x80, v17, vm6, $0xb8;
	[tilespmem:$0x10400] =	vst v63  }
0x1c9: {  	s11 =	simm.s32 $0x2000  }
0x1ca: {  	[hbm4b:s2+s1] =	stream.indirect_vreg.scatter [tilespmem:s11], [sflag:$0x1], $0x80, v16, vm6, $0xb8;
	[tilespmem:$0x10400] =	vst v63  }
0x1cb: {  	s6 =	simm.s32 $0x2800  }
0x1cc: {  	[hbm4b:s3+s1] =	stream.indirect_vreg.scatter [tilespmem:s6], [sflag:$0x1], $0x80, v16, vm6, $0xb8;
	[tilespmem:$0x10400] =	vst v63  }
0x1cd: {  	s15 =	simm.s32 $0x3000  }
0x1ce: {  	[hbm4b:s4+s1] =	stream.indirect_vreg.scatter [tilespmem:s15], [sflag:$0x1], $0x80, v16, vm6, $0xb8;
	[tilespmem:$0x10400] =	vst v63  }
0x1cf: {  	s6 =	simm.s32 $0x3800  }
0x1d0: {  	[hbm4b:s5+s1] =	stream.indirect_vreg.scatter [tilespmem:s6], [sflag:$0x1], $0x80, v16, vm6, $0xb8;
	[tilespmem:$0x10400] =	vst v63  }
0x1d1: {  	v16 =	vld [tilespmem:$0x10210];
	_ =	sdelay $0x4  }
0x1d2: {  	v17 =	vshll.u32 v16, $0x3  }
0x1d3: {  	v16 =	vand.u32 $0x7, v16;
	v17 =	vand.u32 $0xFFFFFFC0, v17  }
0x1d4: {  	v16 =	vor.u32 v16, v17  }
0x1d5: {  	v17 =	vperm.xlane v16, v13;
	_ =	sdelay $0x1  }
0x1d6: {  	v17 =	vadd.s32 v14, v17;
	_ =	sdelay $0x3  }
0x1d7: {  	s23 =	simm.s32 $0x4000  }
0x1d8: {  	[hbm4b:s2+s1] =	stream.indirect_vreg.scatter [tilespmem:s23], [sflag:$0x1], $0x80, v17, vm6, $0xb8;
	[tilespmem:$0x10400] =	vst v63  }
0x1d9: {  	s6 =	simm.s32 $0x4800;
	v16 =	vperm.xlane v16, v15  }
0x1da: {  	[hbm4b:s3+s1] =	stream.indirect_vreg.scatter [tilespmem:s6], [sflag:$0x1], $0x80, v17, vm6, $0xb8;
	[tilespmem:$0x10400] =	vst v63  }
0x1db: {  	s7 =	simm.s32 $0x5000;
	v16 =	vadd.s32 v14, v16  }
0x1dc: {  	[hbm4b:s4+s1] =	stream.indirect_vreg.scatter [tilespmem:s7], [sflag:$0x1], $0x80, v17, vm6, $0xb8;
	[tilespmem:$0x10400] =	vst v63  }
0x1dd: {  	s17 =	simm.s32 $0x5800  }
0x1de: {  	[hbm4b:s5+s1] =	stream.indirect_vreg.scatter [tilespmem:s17], [sflag:$0x1], $0x80, v17, vm6, $0xb8;
	[tilespmem:$0x10400] =	vst v63  }
0x1df: {  	s10 =	simm.s32 $0x6000  }
0x1e0: {  	[hbm4b:s2+s1] =	stream.indirect_vreg.scatter [tilespmem:s10], [sflag:$0x1], $0x80, v16, vm6, $0xb8;
	[tilespmem:$0x10400] =	vst v63  }
0x1e1: {  	s18 =	simm.s32 $0x6800  }
0x1e2: {  	[hbm4b:s3+s1] =	stream.indirect_vreg.scatter [tilespmem:s18], [sflag:$0x1], $0x80, v16, vm6, $0xb8;
	[tilespmem:$0x10400] =	vst v63  }
0x1e3: {  	s19 =	simm.s32 $0x7000  }
0x1e4: {  	[hbm4b:s4+s1] =	stream.indirect_vreg.scatter [tilespmem:s19], [sflag:$0x1], $0x80, v16, vm6, $0xb8;
	[tilespmem:$0x10400] =	vst v63  }
0x1e5: {  	s23 =	simm.s32 $0x7800  }
0x1e6: {  	[hbm4b:s5+s1] =	stream.indirect_vreg.scatter [tilespmem:s23], [sflag:$0x1], $0x80, v16, vm6, $0xb8;
	[tilespmem:$0x10400] =	vst v63  }
0x1e7: {  	v16 =	vld [tilespmem:$0x10220];
	_ =	sdelay $0x4  }
0x1e8: {  	v17 =	vshll.u32 v16, $0x3  }
0x1e9: {  	v16 =	vand.u32 $0x7, v16;
	v17 =	vand.u32 $0xFFFFFFC0, v17  }
0x1ea: {  	v16 =	vor.u32 v16, v17  }
0x1eb: {  	v17 =	vperm.xlane v16, v13;
	_ =	sdelay $0x1  }
0x1ec: {  	v17 =	vadd.s32 v14, v17;
	_ =	sdelay $0x3  }
0x1ed: {  	s9 =	simm.s32 $0x8000  }
0x1ee: {  	[hbm4b:s2+s1] =	stream.indirect_vreg.scatter [tilespmem:s9], [sflag:$0x1], $0x80, v17, vm6, $0xb8;
	[tilespmem:$0x10400] =	vst v63  }
0x1ef: {  	s26 =	simm.s32 $0x8800;
	v16 =	vperm.xlane v16, v15  }
0x1f0: {  	[hbm4b:s3+s1] =	stream.indirect_vreg.scatter [tilespmem:s26], [sflag:$0x1], $0x80, v17, vm6, $0xb8;
	[tilespmem:$0x10400] =	vst v63  }
0x1f1: {  	s20 =	simm.s32 $0x9000;
	v16 =	vadd.s32 v14, v16  }
0x1f2: {  	[hbm4b:s4+s1] =	stream.indirect_vreg.scatter [tilespmem:s20], [sflag:$0x1], $0x80, v17, vm6, $0xb8;
	[tilespmem:$0x10400] =	vst v63  }
0x1f3: {  	s21 =	simm.s32 $0x9800  }
0x1f4: {  	[hbm4b:s5+s1] =	stream.indirect_vreg.scatter [tilespmem:s21], [sflag:$0x1], $0x80, v17, vm6, $0xb8;
	[tilespmem:$0x10400] =	vst v63  }
0x1f5: {  	s29 =	simm.s32 $0xA000  }
0x1f6: {  	[hbm4b:s2+s1] =	stream.indirect_vreg.scatter [tilespmem:s29], [sflag:$0x1], $0x80, v16, vm6, $0xb8;
	[tilespmem:$0x10400] =	vst v63  }
0x1f7: {  	s22 =	simm.s32 $0xA800  }
0x1f8: {  	[hbm4b:s3+s1] =	stream.indirect_vreg.scatter [tilespmem:s22], [sflag:$0x1], $0x80, v16, vm6, $0xb8;
	[tilespmem:$0x10400] =	vst v63  }
0x1f9: {  	s13 =	simm.s32 $0xB000  }
0x1fa: {  	[hbm4b:s4+s1] =	stream.indirect_vreg.scatter [tilespmem:s13], [sflag:$0x1], $0x80, v16, vm6, $0xb8;
	[tilespmem:$0x10400] =	vst v63  }
0x1fb: {  	s31 =	simm.s32 $0xB800  }
0x1fc: {  	[hbm4b:s5+s1] =	stream.indirect_vreg.scatter [tilespmem:s31], [sflag:$0x1], $0x80, v16, vm6, $0xb8;
	[tilespmem:$0x10400] =	vst v63  }
0x1fd: {  	v16 =	vld [tilespmem:$0x10230];
	_ =	sdelay $0x4  }
0x1fe: {  	v17 =	vshll.u32 v16, $0x3  }
0x1ff: {  	v16 =	vand.u32 $0x7, v16;
	v17 =	vand.u32 $0xFFFFFFC0, v17  }
0x200: {  	v16 =	vor.u32 v16, v17  }
0x201: {  	v17 =	vperm.xlane v16, v13;
	_ =	sdelay $0x1  }
0x202: {  	v17 =	vadd.s32 v14, v17;
	_ =	sdelay $0x3  }
0x203: {  	s26 =	simm.s32 $0xC000  }
0x204: {  	[hbm4b:s2+s1] =	stream.indirect_vreg.scatter [tilespmem:s26], [sflag:$0x1], $0x80, v17, vm6, $0xb8;
	[tilespmem:$0x10400] =	vst v63  }
0x205: {  	s0 =	simm.s32 $0xC800;
	v16 =	vperm.xlane v16, v15  }
0x206: {  	[hbm4b:s3+s1] =	stream.indirect_vreg.scatter [tilespmem:s0], [sflag:$0x1], $0x80, v17, vm6, $0xb8;
	[tilespmem:$0x10400] =	vst v63  }
0x207: {  	s14 =	simm.s32 $0xD000;
	v16 =	vadd.s32 v14, v16  }
0x208: {  	[hbm4b:s4+s1] =	stream.indirect_vreg.scatter [tilespmem:s14], [sflag:$0x1], $0x80, v17, vm6, $0xb8;
	[tilespmem:$0x10400] =	vst v63  }
0x209: {  	s16 =	simm.s32 $0xD800  }
0x20a: {  	[hbm4b:s5+s1] =	stream.indirect_vreg.scatter [tilespmem:s16], [sflag:$0x1], $0x80, v17, vm6, $0xb8;
	[tilespmem:$0x10400] =	vst v63  }
0x20b: {  	s25 =	simm.s32 $0xE000  }
0x20c: {  	[hbm4b:s2+s1] =	stream.indirect_vreg.scatter [tilespmem:s25], [sflag:$0x1], $0x80, v16, vm6, $0xb8;
	[tilespmem:$0x10400] =	vst v63  }
0x20d: {  	s24 =	simm.s32 $0xE800  }
0x20e: {  	[hbm4b:s3+s1] =	stream.indirect_vreg.scatter [tilespmem:s24], [sflag:$0x1], $0x80, v16, vm6, $0xb8;
	[tilespmem:$0x10400] =	vst v63  }
0x20f: {  	s28 =	simm.s32 $0xF000  }
0x210: {  	[hbm4b:s4+s1] =	stream.indirect_vreg.scatter [tilespmem:s28], [sflag:$0x1], $0x80, v16, vm6, $0xb8;
	[tilespmem:$0x10400] =	vst v63  }
0x211: {  	s28 =	simm.s32 $0xF800  }
0x212: {  	[hbm4b:s5+s1] =	stream.indirect_vreg.scatter [tilespmem:s28], [sflag:$0x1], $0x80, v16, vm6, $0xb8;
	[tilespmem:$0x10400] =	vst v63  }
0x213: {  	_ =	swait.ge [sflag:s8], $0x10000  }
0x214: {  	[sflag:s8] =	ssyncset.done $0x0  }
0x215: {  	s6 =	rddreg [dreg:$0xc];
	[sflag:s8] =	ssyncadd.s32 $0xFFFF0000  }
0x216: {  	[tilespmem:s1], [sflag:$0x1] =	stream.linear.gather [hbm4b:s6+s1], $0x10000, $0x38;
	[tilespmem:$0x10400] =	vst v63  }
0x217: {  	_ =	swait.ge [sflag:s8], $0x10000  }
0x218: {  	[sflag:s8] =	ssyncset.done $0x0  }
0x219: {  	s30 =	simm.s32 $0x10280;
	s28 =	rddreg [dreg:$0x13];
	[sflag:s8] =	ssyncadd.s32 $0xFFFF0000  }
0x21a: {  	[tilespmem:s30], [sflag:$0x1] =	stream.linear.gather [hbm4b:s28+s1], $0x40, $0x38;
	[tilespmem:$0x10400] =	vst v63  }
0x21b: {  	_ =	swait.ge [sflag:s8], $0x40  }
0x21c: {  	[sflag:s8] =	ssyncset.done $0x0  }
0x21d: {  	s6 =	simm.s32 $0x10300;
	s30 =	rddreg [dreg:$0x14];
	[sflag:s8] =	ssyncadd.s32 $0xFFFFFFC0  }
0x21e: {  	[tilespmem:s6], [sflag:$0x1] =	stream.linear.gather [hbm4b:s30+s1], $0x40, $0x38;
	[tilespmem:$0x10400] =	vst v63  }
0x21f: {  	_ =	swait.ge [sflag:s8], $0x40  }
0x220: {  	[sflag:s8] =	ssyncset.done $0x0  }
0x221: {  	[sflag:s8] =	ssyncadd.s32 $0xFFFFFFC0  }
0x222: {  	v16 =	vld [tilespmem:$0x10280];
	_ =	sdelay $0x5  }
0x223: {  	v17 =	vld [tilespmem:$0x10290]  }
0x224: {  	v52 =	vld [tilespmem:$0x10300]  }
0x225: {  	v16 =	vld.idx.msk [tilespmem:v16+s12+$0x0], $0xffff;
	_ =	sdelay $0x4  }
0x226: {  	v16 =	vadd.s32 v16, v52  }
0x227: {  	[tilespmem:$0x10180] =	vst v16  }
0x228: {  	v16 =	vld.idx.msk [tilespmem:v17+s12+$0x0], $0xffff  }
0x229: {  	v17 =	vld [tilespmem:$0x102A0]  }
0x22a: {  	v53 =	vld [tilespmem:$0x10310];
	_ =	sdelay $0x4  }
0x22b: {  	v16 =	vadd.s32 v16, v53  }
0x22c: {  	[tilespmem:$0x10190] =	vst v16  }
0x22d: {  	v16 =	vld.idx.msk [tilespmem:v17+s12+$0x0], $0xffff  }
0x22e: {  	v17 =	vld [tilespmem:$0x102B0]  }
0x22f: {  	v54 =	vld [tilespmem:$0x10320];
	_ =	sdelay $0x4  }
0x230: {  	v16 =	vadd.s32 v16, v54  }
0x231: {  	[tilespmem:$0x101A0] =	vst v16  }
0x232: {  	v16 =	vld.idx.msk [tilespmem:v17+s12+$0x0], $0xffff  }
0x233: {  	v17 =	vld [tilespmem:$0x10330];
	_ =	sdelay $0x4  }
0x234: {  	v16 =	vadd.s32 v16, v17  }
0x235: {  	s30 =	simm.s32 $0x10180;
	s23 =	rddreg [dreg:$0x15];
	[tilespmem:$0x101B0] =	vst v16  }
0x236: {  	[hbm4b:s23+s1] =	stream.linear.scatter [tilespmem:s30], [sflag:$0x1], $0x40, $0x38;
	[tilespmem:$0x10400] =	vst v63  }
0x237: {  	_ =	swait.ge [sflag:s8], $0x40  }
0x238: {  	[sflag:s8] =	ssyncset.done $0x0  }
0x239: {  	[sflag:s8] =	ssyncadd.s32 $0xFFFFFFC0  }
0x23a: {  	v16 =	vld [tilespmem:$0x10180];
	_ =	sdelay $0x4  }
0x23b: {  	v17 =	vshll.u32 v16, $0x3  }
0x23c: {  	v16 =	vand.u32 $0x7, v16;
	v17 =	vand.u32 $0xFFFFFFC0, v17  }
0x23d: {  	v16 =	vor.u32 v16, v17  }
0x23e: {  	v17 =	vperm.xlane v16, v13;
	_ =	sdelay $0x1  }
0x23f: {  	v17 =	vadd.s32 v14, v17;
	_ =	sdelay $0x4  }
0x240: {  	[hbm4b:s2+s1] =	stream.indirect_vreg.scatter [tilespmem:s1], [sflag:$0x1], $0x80, v17, vm6, $0xb8;
	[tilespmem:$0x10400] =	vst v63  }
0x241: {  	s30 =	simm.s32 $0x800;
	v16 =	vperm.xlane v16, v15  }
0x242: {  	[hbm4b:s3+s1] =	stream.indirect_vreg.scatter [tilespmem:s30], [sflag:$0x1], $0x80, v17, vm6, $0xb8;
	[tilespmem:$0x10400] =	vst v63  }
0x243: {  	v16 =	vadd.s32 v14, v16;
	s30 =	simm.s32 $0x1000  }
0x244: {  	[hbm4b:s4+s1] =	stream.indirect_vreg.scatter [tilespmem:s30], [sflag:$0x1], $0x80, v17, vm6, $0xb8;
	[tilespmem:$0x10400] =	vst v63  }
0x245: {  	s30 =	simm.s32 $0x1800  }
0x246: {  	[hbm4b:s5+s1] =	stream.indirect_vreg.scatter [tilespmem:s30], [sflag:$0x1], $0x80, v17, vm6, $0xb8;
	[tilespmem:$0x10400] =	vst v63  }
0x247: {  	s30 =	simm.s32 $0x2000  }
0x248: {  	[hbm4b:s2+s1] =	stream.indirect_vreg.scatter [tilespmem:s30], [sflag:$0x1], $0x80, v16, vm6, $0xb8;
	[tilespmem:$0x10400] =	vst v63  }
0x249: {  	s11 =	simm.s32 $0x2800  }
0x24a: {  	[hbm4b:s3+s1] =	stream.indirect_vreg.scatter [tilespmem:s11], [sflag:$0x1], $0x80, v16, vm6, $0xb8;
	[tilespmem:$0x10400] =	vst v63  }
0x24b: {  	s15 =	simm.s32 $0x3000  }
0x24c: {  	[hbm4b:s4+s1] =	stream.indirect_vreg.scatter [tilespmem:s15], [sflag:$0x1], $0x80, v16, vm6, $0xb8;
	[tilespmem:$0x10400] =	vst v63  }
0x24d: {  	s15 =	simm.s32 $0x3800  }
0x24e: {  	[hbm4b:s5+s1] =	stream.indirect_vreg.scatter [tilespmem:s15], [sflag:$0x1], $0x80, v16, vm6, $0xb8;
	[tilespmem:$0x10400] =	vst v63  }
0x24f: {  	v16 =	vld [tilespmem:$0x10190];
	_ =	sdelay $0x4  }
0x250: {  	v17 =	vshll.u32 v16, $0x3  }
0x251: {  	v16 =	vand.u32 $0x7, v16;
	v17 =	vand.u32 $0xFFFFFFC0, v17  }
0x252: {  	v16 =	vor.u32 v16, v17  }
0x253: {  	v17 =	vperm.xlane v16, v13;
	_ =	sdelay $0x1  }
0x254: {  	v17 =	vadd.s32 v14, v17;
	_ =	sdelay $0x3  }
0x255: {  	s23 =	simm.s32 $0x4000  }
0x256: {  	[hbm4b:s2+s1] =	stream.indirect_vreg.scatter [tilespmem:s23], [sflag:$0x1], $0x80, v17, vm6, $0xb8;
	[tilespmem:$0x10400] =	vst v63  }
0x257: {  	s30 =	simm.s32 $0x4800;
	v16 =	vperm.xlane v16, v15  }
0x258: {  	[hbm4b:s3+s1] =	stream.indirect_vreg.scatter [tilespmem:s30], [sflag:$0x1], $0x80, v17, vm6, $0xb8;
	[tilespmem:$0x10400] =	vst v63  }
0x259: {  	s7 =	simm.s32 $0x5000;
	v16 =	vadd.s32 v14, v16  }
0x25a: {  	[hbm4b:s4+s1] =	stream.indirect_vreg.scatter [tilespmem:s7], [sflag:$0x1], $0x80, v17, vm6, $0xb8;
	[tilespmem:$0x10400] =	vst v63  }
0x25b: {  	s17 =	simm.s32 $0x5800  }
0x25c: {  	[hbm4b:s5+s1] =	stream.indirect_vreg.scatter [tilespmem:s17], [sflag:$0x1], $0x80, v17, vm6, $0xb8;
	[tilespmem:$0x10400] =	vst v63  }
0x25d: {  	s10 =	simm.s32 $0x6000  }
0x25e: {  	[hbm4b:s2+s1] =	stream.indirect_vreg.scatter [tilespmem:s10], [sflag:$0x1], $0x80, v16, vm6, $0xb8;
	[tilespmem:$0x10400] =	vst v63  }
0x25f: {  	s18 =	simm.s32 $0x6800  }
0x260: {  	[hbm4b:s3+s1] =	stream.indirect_vreg.scatter [tilespmem:s18], [sflag:$0x1], $0x80, v16, vm6, $0xb8;
	[tilespmem:$0x10400] =	vst v63  }
0x261: {  	s19 =	simm.s32 $0x7000  }
0x262: {  	[hbm4b:s4+s1] =	stream.indirect_vreg.scatter [tilespmem:s19], [sflag:$0x1], $0x80, v16, vm6, $0xb8;
	[tilespmem:$0x10400] =	vst v63  }
0x263: {  	s10 =	simm.s32 $0x7800  }
0x264: {  	[hbm4b:s5+s1] =	stream.indirect_vreg.scatter [tilespmem:s10], [sflag:$0x1], $0x80, v16, vm6, $0xb8;
	[tilespmem:$0x10400] =	vst v63  }
0x265: {  	v16 =	vld [tilespmem:$0x101A0];
	_ =	sdelay $0x4  }
0x266: {  	v17 =	vshll.u32 v16, $0x3  }
0x267: {  	v16 =	vand.u32 $0x7, v16;
	v17 =	vand.u32 $0xFFFFFFC0, v17  }
0x268: {  	v16 =	vor.u32 v16, v17  }
0x269: {  	v17 =	vperm.xlane v16, v13;
	_ =	sdelay $0x1  }
0x26a: {  	v17 =	vadd.s32 v14, v17;
	_ =	sdelay $0x3  }
0x26b: {  	s9 =	simm.s32 $0x8000  }
0x26c: {  	[hbm4b:s2+s1] =	stream.indirect_vreg.scatter [tilespmem:s9], [sflag:$0x1], $0x80, v17, vm6, $0xb8;
	[tilespmem:$0x10400] =	vst v63  }
0x26d: {  	s11 =	simm.s32 $0x8800;
	v16 =	vperm.xlane v16, v15  }
0x26e: {  	[hbm4b:s3+s1] =	stream.indirect_vreg.scatter [tilespmem:s11], [sflag:$0x1], $0x80, v17, vm6, $0xb8;
	[tilespmem:$0x10400] =	vst v63  }
0x26f: {  	s20 =	simm.s32 $0x9000;
	v16 =	vadd.s32 v14, v16  }
0x270: {  	[hbm4b:s4+s1] =	stream.indirect_vreg.scatter [tilespmem:s20], [sflag:$0x1], $0x80, v17, vm6, $0xb8;
	[tilespmem:$0x10400] =	vst v63  }
0x271: {  	s21 =	simm.s32 $0x9800  }
0x272: {  	[hbm4b:s5+s1] =	stream.indirect_vreg.scatter [tilespmem:s21], [sflag:$0x1], $0x80, v17, vm6, $0xb8;
	[tilespmem:$0x10400] =	vst v63  }
0x273: {  	s29 =	simm.s32 $0xA000  }
0x274: {  	[hbm4b:s2+s1] =	stream.indirect_vreg.scatter [tilespmem:s29], [sflag:$0x1], $0x80, v16, vm6, $0xb8;
	[tilespmem:$0x10400] =	vst v63  }
0x275: {  	s22 =	simm.s32 $0xA800  }
0x276: {  	[hbm4b:s3+s1] =	stream.indirect_vreg.scatter [tilespmem:s22], [sflag:$0x1], $0x80, v16, vm6, $0xb8;
	[tilespmem:$0x10400] =	vst v63  }
0x277: {  	s13 =	simm.s32 $0xB000  }
0x278: {  	[hbm4b:s4+s1] =	stream.indirect_vreg.scatter [tilespmem:s13], [sflag:$0x1], $0x80, v16, vm6, $0xb8;
	[tilespmem:$0x10400] =	vst v63  }
0x279: {  	s31 =	simm.s32 $0xB800  }
0x27a: {  	[hbm4b:s5+s1] =	stream.indirect_vreg.scatter [tilespmem:s31], [sflag:$0x1], $0x80, v16, vm6, $0xb8;
	[tilespmem:$0x10400] =	vst v63  }
0x27b: {  	v16 =	vld [tilespmem:$0x101B0];
	_ =	sdelay $0x4  }
0x27c: {  	v17 =	vshll.u32 v16, $0x3  }
0x27d: {  	v16 =	vand.u32 $0x7, v16;
	v17 =	vand.u32 $0xFFFFFFC0, v17  }
0x27e: {  	v16 =	vor.u32 v16, v17  }
0x27f: {  	v17 =	vperm.xlane v16, v13;
	_ =	sdelay $0x1  }
0x280: {  	v17 =	vadd.s32 v14, v17;
	_ =	sdelay $0x3  }
0x281: {  	s13 =	simm.s32 $0xC000  }
0x282: {  	[hbm4b:s2+s1] =	stream.indirect_vreg.scatter [tilespmem:s13], [sflag:$0x1], $0x80, v17, vm6, $0xb8;
	[tilespmem:$0x10400] =	vst v63  }
0x283: {  	v16 =	vperm.xlane v16, v15  }
0x284: {  	[hbm4b:s3+s1] =	stream.indirect_vreg.scatter [tilespmem:s0], [sflag:$0x1], $0x80, v17, vm6, $0xb8;
	[tilespmem:$0x10400] =	vst v63  }
0x285: {  	s14 =	simm.s32 $0xD000;
	v16 =	vadd.s32 v14, v16  }
0x286: {  	[hbm4b:s4+s1] =	stream.indirect_vreg.scatter [tilespmem:s14], [sflag:$0x1], $0x80, v17, vm6, $0xb8;
	[tilespmem:$0x10400] =	vst v63  }
0x287: {  	s16 =	simm.s32 $0xD800  }
0x288: {  	[hbm4b:s5+s1] =	stream.indirect_vreg.scatter [tilespmem:s16], [sflag:$0x1], $0x80, v17, vm6, $0xb8;
	[tilespmem:$0x10400] =	vst v63  }
0x289: {  	s25 =	simm.s32 $0xE000  }
0x28a: {  	[hbm4b:s2+s1] =	stream.indirect_vreg.scatter [tilespmem:s25], [sflag:$0x1], $0x80, v16, vm6, $0xb8;
	[tilespmem:$0x10400] =	vst v63  }
0x28b: {  	s24 =	simm.s32 $0xE800  }
0x28c: {  	[hbm4b:s3+s1] =	stream.indirect_vreg.scatter [tilespmem:s24], [sflag:$0x1], $0x80, v16, vm6, $0xb8;
	[tilespmem:$0x10400] =	vst v63  }
0x28d: {  	s26 =	simm.s32 $0xF000  }
0x28e: {  	[hbm4b:s4+s1] =	stream.indirect_vreg.scatter [tilespmem:s26], [sflag:$0x1], $0x80, v16, vm6, $0xb8;
	[tilespmem:$0x10400] =	vst v63  }
0x28f: {  	s15 =	simm.s32 $0xF800  }
0x290: {  	[hbm4b:s5+s1] =	stream.indirect_vreg.scatter [tilespmem:s15], [sflag:$0x1], $0x80, v16, vm6, $0xb8;
	[tilespmem:$0x10400] =	vst v63  }
0x291: {  	_ =	swait.ge [sflag:s8], $0x10000  }
0x292: {  	[sflag:s8] =	ssyncset.done $0x0  }
0x293: {  	s28 =	simm.s32 $0x10280;
	s16 =	rddreg [dreg:$0x16];
	[sflag:s8] =	ssyncadd.s32 $0xFFFF0000  }
0x294: {  	[tilespmem:s28], [sflag:$0x1] =	stream.linear.gather [hbm4b:s16+s1], $0x40, $0x38;
	[tilespmem:$0x10400] =	vst v63  }
0x295: {  	_ =	swait.ge [sflag:s8], $0x40  }
0x296: {  	[sflag:s8] =	ssyncset.done $0x0  }
0x297: {  	s17 =	rddreg [dreg:$0x17];
	[sflag:s8] =	ssyncadd.s32 $0xFFFFFFC0  }
0x298: {  	[tilespmem:s6], [sflag:$0x1] =	stream.linear.gather [hbm4b:s17+s1], $0x40, $0x38;
	[tilespmem:$0x10400] =	vst v63  }
0x299: {  	_ =	swait.ge [sflag:s8], $0x40  }
0x29a: {  	[sflag:s8] =	ssyncset.done $0x0  }
0x29b: {  	[sflag:s8] =	ssyncadd.s32 $0xFFFFFFC0  }
0x29c: {  	v16 =	vld [tilespmem:$0x10280];
	_ =	sdelay $0x5  }
0x29d: {  	v17 =	vld [tilespmem:$0x10290]  }
0x29e: {  	v55 =	vld [tilespmem:$0x10300]  }
0x29f: {  	v16 =	vld.idx.msk [tilespmem:v16+s12+$0x0], $0xffff;
	_ =	sdelay $0x4  }
0x2a0: {  	v16 =	vadd.s32 v16, v55  }
0x2a1: {  	[tilespmem:$0x10200] =	vst v16  }
0x2a2: {  	v16 =	vld.idx.msk [tilespmem:v17+s12+$0x0], $0xffff  }
0x2a3: {  	v17 =	vld [tilespmem:$0x102A0]  }
0x2a4: {  	v56 =	vld [tilespmem:$0x10310];
	_ =	sdelay $0x4  }
0x2a5: {  	v16 =	vadd.s32 v16, v56  }
0x2a6: {  	[tilespmem:$0x10210] =	vst v16  }
0x2a7: {  	v16 =	vld.idx.msk [tilespmem:v17+s12+$0x0], $0xffff  }
0x2a8: {  	v17 =	vld [tilespmem:$0x102B0]  }
0x2a9: {  	v57 =	vld [tilespmem:$0x10320];
	_ =	sdelay $0x4  }
0x2aa: {  	v16 =	vadd.s32 v16, v57  }
0x2ab: {  	[tilespmem:$0x10220] =	vst v16  }
0x2ac: {  	v16 =	vld.idx.msk [tilespmem:v17+s12+$0x0], $0xffff  }
0x2ad: {  	v17 =	vld [tilespmem:$0x10330];
	_ =	sdelay $0x4  }
0x2ae: {  	v16 =	vadd.s32 v16, v17  }
0x2af: {  	s19 =	simm.s32 $0x10200;
	s18 =	rddreg [dreg:$0x18];
	[tilespmem:$0x10230] =	vst v16  }
0x2b0: {  	[hbm4b:s18+s1] =	stream.linear.scatter [tilespmem:s19], [sflag:$0x1], $0x40, $0x38;
	[tilespmem:$0x10400] =	vst v63  }
0x2b1: {  	_ =	swait.ge [sflag:s8], $0x40  }
0x2b2: {  	[sflag:s8] =	ssyncset.done $0x0  }
0x2b3: {  	[sflag:s8] =	ssyncadd.s32 $0xFFFFFFC0  }
0x2b4: {  	v16 =	vld [tilespmem:$0x10200];
	_ =	sdelay $0x4  }
0x2b5: {  	v17 =	vshll.u32 v16, $0x3  }
0x2b6: {  	v16 =	vand.u32 $0x7, v16;
	v17 =	vand.u32 $0xFFFFFFC0, v17  }
0x2b7: {  	v16 =	vor.u32 v16, v17  }
0x2b8: {  	v17 =	vperm.xlane v16, v13;
	_ =	sdelay $0x1  }
0x2b9: {  	v17 =	vadd.s32 v14, v17;
	_ =	sdelay $0x4  }
0x2ba: {  	[hbm4b:s2+s1] =	stream.indirect_vreg.scatter [tilespmem:s1], [sflag:$0x1], $0x80, v17, vm6, $0xb8;
	[tilespmem:$0x10400] =	vst v63  }
0x2bb: {  	s14 =	simm.s32 $0x800;
	v16 =	vperm.xlane v16, v15  }
0x2bc: {  	[hbm4b:s3+s1] =	stream.indirect_vreg.scatter [tilespmem:s14], [sflag:$0x1], $0x80, v17, vm6, $0xb8;
	[tilespmem:$0x10400] =	vst v63  }
0x2bd: {  	s22 =	simm.s32 $0x1000;
	v16 =	vadd.s32 v14, v16  }
0x2be: {  	[hbm4b:s4+s1] =	stream.indirect_vreg.scatter [tilespmem:s22], [sflag:$0x1], $0x80, v17, vm6, $0xb8;
	[tilespmem:$0x10400] =	vst v63  }
0x2bf: {  	s6 =	simm.s32 $0x1800  }
0x2c0: {  	[hbm4b:s5+s1] =	stream.indirect_vreg.scatter [tilespmem:s6], [sflag:$0x1], $0x80, v17, vm6, $0xb8;
	[tilespmem:$0x10400] =	vst v63  }
0x2c1: {  	s19 =	simm.s32 $0x2000  }
0x2c2: {  	[hbm4b:s2+s1] =	stream.indirect_vreg.scatter [tilespmem:s19], [sflag:$0x1], $0x80, v16, vm6, $0xb8;
	[tilespmem:$0x10400] =	vst v63  }
0x2c3: {  	s15 =	simm.s32 $0x2800  }
0x2c4: {  	[hbm4b:s3+s1] =	stream.indirect_vreg.scatter [tilespmem:s15], [sflag:$0x1], $0x80, v16, vm6, $0xb8;
	[tilespmem:$0x10400] =	vst v63  }
0x2c5: {  	s22 =	simm.s32 $0x3000  }
0x2c6: {  	[hbm4b:s4+s1] =	stream.indirect_vreg.scatter [tilespmem:s22], [sflag:$0x1], $0x80, v16, vm6, $0xb8;
	[tilespmem:$0x10400] =	vst v63  }
0x2c7: {  	s9 =	simm.s32 $0x3800  }
0x2c8: {  	[hbm4b:s5+s1] =	stream.indirect_vreg.scatter [tilespmem:s9], [sflag:$0x1], $0x80, v16, vm6, $0xb8;
	[tilespmem:$0x10400] =	vst v63  }
0x2c9: {  	v16 =	vld [tilespmem:$0x10210];
	_ =	sdelay $0x4  }
0x2ca: {  	v17 =	vshll.u32 v16, $0x3  }
0x2cb: {  	v16 =	vand.u32 $0x7, v16;
	v17 =	vand.u32 $0xFFFFFFC0, v17  }
0x2cc: {  	v16 =	vor.u32 v16, v17  }
0x2cd: {  	v17 =	vperm.xlane v16, v13;
	_ =	sdelay $0x1  }
0x2ce: {  	v17 =	vadd.s32 v14, v17;
	_ =	sdelay $0x3  }
0x2cf: {  	s10 =	simm.s32 $0x4000  }
0x2d0: {  	[hbm4b:s2+s1] =	stream.indirect_vreg.scatter [tilespmem:s10], [sflag:$0x1], $0x80, v17, vm6, $0xb8;
	[tilespmem:$0x10400] =	vst v63  }
0x2d1: {  	s11 =	simm.s32 $0x4800;
	v16 =	vperm.xlane v16, v15  }
0x2d2: {  	[hbm4b:s3+s1] =	stream.indirect_vreg.scatter [tilespmem:s11], [sflag:$0x1], $0x80, v17, vm6, $0xb8;
	[tilespmem:$0x10400] =	vst v63  }
0x2d3: {  	s16 =	simm.s32 $0x5000;
	v16 =	vadd.s32 v14, v16  }
0x2d4: {  	[hbm4b:s4+s1] =	stream.indirect_vreg.scatter [tilespmem:s16], [sflag:$0x1], $0x80, v17, vm6, $0xb8;
	[tilespmem:$0x10400] =	vst v63  }
0x2d5: {  	s25 =	simm.s32 $0x5800  }
0x2d6: {  	[hbm4b:s5+s1] =	stream.indirect_vreg.scatter [tilespmem:s25], [sflag:$0x1], $0x80, v17, vm6, $0xb8;
	[tilespmem:$0x10400] =	vst v63  }
0x2d7: {  	s18 =	simm.s32 $0x6000  }
0x2d8: {  	[hbm4b:s2+s1] =	stream.indirect_vreg.scatter [tilespmem:s18], [sflag:$0x1], $0x80, v16, vm6, $0xb8;
	[tilespmem:$0x10400] =	vst v63  }
0x2d9: {  	s26 =	simm.s32 $0x6800  }
0x2da: {  	[hbm4b:s3+s1] =	stream.indirect_vreg.scatter [tilespmem:s26], [sflag:$0x1], $0x80, v16, vm6, $0xb8;
	[tilespmem:$0x10400] =	vst v63  }
0x2db: {  	s28 =	simm.s32 $0x7000  }
0x2dc: {  	[hbm4b:s4+s1] =	stream.indirect_vreg.scatter [tilespmem:s28], [sflag:$0x1], $0x80, v16, vm6, $0xb8;
	[tilespmem:$0x10400] =	vst v63  }
0x2dd: {  	s13 =	simm.s32 $0x7800  }
0x2de: {  	[hbm4b:s5+s1] =	stream.indirect_vreg.scatter [tilespmem:s13], [sflag:$0x1], $0x80, v16, vm6, $0xb8;
	[tilespmem:$0x10400] =	vst v63  }
0x2df: {  	v16 =	vld [tilespmem:$0x10220];
	_ =	sdelay $0x4  }
0x2e0: {  	v17 =	vshll.u32 v16, $0x3  }
0x2e1: {  	v16 =	vand.u32 $0x7, v16;
	v17 =	vand.u32 $0xFFFFFFC0, v17  }
0x2e2: {  	v16 =	vor.u32 v16, v17  }
0x2e3: {  	v17 =	vperm.xlane v16, v13;
	_ =	sdelay $0x1  }
0x2e4: {  	v17 =	vadd.s32 v14, v17;
	_ =	sdelay $0x3  }
0x2e5: {  	s17 =	simm.s32 $0x8000  }
0x2e6: {  	[hbm4b:s2+s1] =	stream.indirect_vreg.scatter [tilespmem:s17], [sflag:$0x1], $0x80, v17, vm6, $0xb8;
	[tilespmem:$0x10400] =	vst v63  }
0x2e7: {  	s29 =	simm.s32 $0x8800;
	v16 =	vperm.xlane v16, v15  }
0x2e8: {  	[hbm4b:s3+s1] =	stream.indirect_vreg.scatter [tilespmem:s29], [sflag:$0x1], $0x80, v17, vm6, $0xb8;
	[tilespmem:$0x10400] =	vst v63  }
0x2e9: {  	s20 =	simm.s32 $0x9000;
	v16 =	vadd.s32 v14, v16  }
0x2ea: {  	[hbm4b:s4+s1] =	stream.indirect_vreg.scatter [tilespmem:s20], [sflag:$0x1], $0x80, v17, vm6, $0xb8;
	[tilespmem:$0x10400] =	vst v63  }
0x2eb: {  	s21 =	simm.s32 $0x9800  }
0x2ec: {  	[hbm4b:s5+s1] =	stream.indirect_vreg.scatter [tilespmem:s21], [sflag:$0x1], $0x80, v17, vm6, $0xb8;
	[tilespmem:$0x10400] =	vst v63  }
0x2ed: {  	s30 =	simm.s32 $0xA000  }
0x2ee: {  	[hbm4b:s2+s1] =	stream.indirect_vreg.scatter [tilespmem:s30], [sflag:$0x1], $0x80, v16, vm6, $0xb8;
	[tilespmem:$0x10400] =	vst v63  }
0x2ef: {  	s30 =	simm.s32 $0xA800  }
0x2f0: {  	[hbm4b:s3+s1] =	stream.indirect_vreg.scatter [tilespmem:s30], [sflag:$0x1], $0x80, v16, vm6, $0xb8;
	[tilespmem:$0x10400] =	vst v63  }
0x2f1: {  	s20 =	simm.s32 $0xB000  }
0x2f2: {  	[hbm4b:s4+s1] =	stream.indirect_vreg.scatter [tilespmem:s20], [sflag:$0x1], $0x80, v16, vm6, $0xb8;
	[tilespmem:$0x10400] =	vst v63  }
0x2f3: {  	s31 =	simm.s32 $0xB800  }
0x2f4: {  	[hbm4b:s5+s1] =	stream.indirect_vreg.scatter [tilespmem:s31], [sflag:$0x1], $0x80, v16, vm6, $0xb8;
	[tilespmem:$0x10400] =	vst v63  }
0x2f5: {  	v16 =	vld [tilespmem:$0x10230];
	_ =	sdelay $0x4  }
0x2f6: {  	v17 =	vshll.u32 v16, $0x3  }
0x2f7: {  	v16 =	vand.u32 $0x7, v16;
	v17 =	vand.u32 $0xFFFFFFC0, v17  }
0x2f8: {  	v16 =	vor.u32 v16, v17  }
0x2f9: {  	v17 =	vperm.xlane v16, v13;
	_ =	sdelay $0x1  }
0x2fa: {  	v17 =	vadd.s32 v14, v17;
	_ =	sdelay $0x3  }
0x2fb: {  	s31 =	simm.s32 $0xC000  }
0x2fc: {  	[hbm4b:s2+s1] =	stream.indirect_vreg.scatter [tilespmem:s31], [sflag:$0x1], $0x80, v17, vm6, $0xb8;
	[tilespmem:$0x10400] =	vst v63  }
0x2fd: {  	s7 =	simm.s32 $0xC800;
	v16 =	vperm.xlane v16, v15  }
0x2fe: {  	[hbm4b:s3+s1] =	stream.indirect_vreg.scatter [tilespmem:s7], [sflag:$0x1], $0x80, v17, vm6, $0xb8;
	[tilespmem:$0x10400] =	vst v63  }
0x2ff: {  	s21 =	simm.s32 $0xD000;
	v16 =	vadd.s32 v14, v16  }
0x300: {  	[hbm4b:s4+s1] =	stream.indirect_vreg.scatter [tilespmem:s21], [sflag:$0x1], $0x80, v17, vm6, $0xb8;
	[tilespmem:$0x10400] =	vst v63  }
0x301: {  	s24 =	simm.s32 $0xD800  }
0x302: {  	[hbm4b:s5+s1] =	stream.indirect_vreg.scatter [tilespmem:s24], [sflag:$0x1], $0x80, v17, vm6, $0xb8;
	[tilespmem:$0x10400] =	vst v63  }
0x303: {  	s23 =	simm.s32 $0xE000  }
0x304: {  	[hbm4b:s2+s1] =	stream.indirect_vreg.scatter [tilespmem:s23], [sflag:$0x1], $0x80, v16, vm6, $0xb8;
	[tilespmem:$0x10400] =	vst v63  }
0x305: {  	s23 =	simm.s32 $0xE800  }
0x306: {  	[hbm4b:s3+s1] =	stream.indirect_vreg.scatter [tilespmem:s23], [sflag:$0x1], $0x80, v16, vm6, $0xb8;
	[tilespmem:$0x10400] =	vst v63  }
0x307: {  	s23 =	simm.s32 $0xF000  }
0x308: {  	[hbm4b:s4+s1] =	stream.indirect_vreg.scatter [tilespmem:s23], [sflag:$0x1], $0x80, v16, vm6, $0xb8;
	[tilespmem:$0x10400] =	vst v63  }
0x309: {  	s23 =	simm.s32 $0xF800  }
0x30a: {  	[hbm4b:s5+s1] =	stream.indirect_vreg.scatter [tilespmem:s23], [sflag:$0x1], $0x80, v16, vm6, $0xb8;
	[tilespmem:$0x10400] =	vst v63  }
0x30b: {  	_ =	swait.ge [sflag:s8], $0x10000  }
0x30c: {  	[sflag:s8] =	ssyncset.done $0x0  }
0x30d: {  	s7 =	rddreg [dreg:$0xd];
	[sflag:s8] =	ssyncadd.s32 $0xFFFF0000  }
0x30e: {  	[tilespmem:s1], [sflag:$0x1] =	stream.linear.gather [hbm4b:s7+s1], $0x10000, $0x38;
	[tilespmem:$0x10400] =	vst v63  }
0x30f: {  	_ =	swait.ge [sflag:s8], $0x10000  }
0x310: {  	[sflag:s8] =	ssyncset.done $0x0  }
0x311: {  	s0 =	simm.s32 $0x10280;
	s7 =	rddreg [dreg:$0x19];
	[sflag:s8] =	ssyncadd.s32 $0xFFFF0000  }
0x312: {  	[tilespmem:s0], [sflag:$0x1] =	stream.linear.gather [hbm4b:s7+s1], $0x40, $0x38;
	[tilespmem:$0x10400] =	vst v63  }
0x313: {  	_ =	swait.ge [sflag:s8], $0x40  }
0x314: {  	[sflag:s8] =	ssyncset.done $0x0  }
0x315: {  	s0 =	simm.s32 $0x10300;
	s7 =	rddreg [dreg:$0x1a];
	[sflag:s8] =	ssyncadd.s32 $0xFFFFFFC0  }
0x316: {  	[tilespmem:s0], [sflag:$0x1] =	stream.linear.gather [hbm4b:s7+s1], $0x40, $0x38;
	[tilespmem:$0x10400] =	vst v63  }
0x317: {  	_ =	swait.ge [sflag:s8], $0x40  }
0x318: {  	[sflag:s8] =	ssyncset.done $0x0  }
0x319: {  	[sflag:s8] =	ssyncadd.s32 $0xFFFFFFC0  }
0x31a: {  	v16 =	vld [tilespmem:$0x10280];
	_ =	sdelay $0x5  }
0x31b: {  	v17 =	vld [tilespmem:$0x10290]  }
0x31c: {  	v58 =	vld [tilespmem:$0x10300]  }
0x31d: {  	v16 =	vld.idx.msk [tilespmem:v16+s12+$0x0], $0xffff;
	_ =	sdelay $0x4  }
0x31e: {  	v16 =	vadd.s32 v16, v58  }
0x31f: {  	[tilespmem:$0x10180] =	vst v16  }
0x320: {  	v16 =	vld.idx.msk [tilespmem:v17+s12+$0x0], $0xffff  }
0x321: {  	v17 =	vld [tilespmem:$0x102A0]  }
0x322: {  	v59 =	vld [tilespmem:$0x10310];
	_ =	sdelay $0x4  }
0x323: {  	v16 =	vadd.s32 v16, v59  }
0x324: {  	[tilespmem:$0x10190] =	vst v16  }
0x325: {  	v16 =	vld.idx.msk [tilespmem:v17+s12+$0x0], $0xffff  }
0x326: {  	v17 =	vld [tilespmem:$0x102B0]  }
0x327: {  	v60 =	vld [tilespmem:$0x10320];
	_ =	sdelay $0x4  }
0x328: {  	v16 =	vadd.s32 v16, v60  }
0x329: {  	[tilespmem:$0x101A0] =	vst v16  }
0x32a: {  	v16 =	vld.idx.msk [tilespmem:v17+s12+$0x0], $0xffff  }
0x32b: {  	v17 =	vld [tilespmem:$0x10330];
	_ =	sdelay $0x4  }
0x32c: {  	v16 =	vadd.s32 v16, v17  }
0x32d: {  	s7 =	simm.s32 $0x10180;
	s23 =	rddreg [dreg:$0x1b];
	[tilespmem:$0x101B0] =	vst v16  }
0x32e: {  	[hbm4b:s23+s1] =	stream.linear.scatter [tilespmem:s7], [sflag:$0x1], $0x40, $0x38;
	[tilespmem:$0x10400] =	vst v63  }
0x32f: {  	_ =	swait.ge [sflag:s8], $0x40  }
0x330: {  	[sflag:s8] =	ssyncset.done $0x0  }
0x331: {  	[sflag:s8] =	ssyncadd.s32 $0xFFFFFFC0  }
0x332: {  	v16 =	vld [tilespmem:$0x10180];
	_ =	sdelay $0x4  }
0x333: {  	v17 =	vshll.u32 v16, $0x3  }
0x334: {  	v16 =	vand.u32 $0x7, v16;
	v17 =	vand.u32 $0xFFFFFFC0, v17  }
0x335: {  	v16 =	vor.u32 v16, v17  }
0x336: {  	v17 =	vperm.xlane v16, v13;
	_ =	sdelay $0x1  }
0x337: {  	v17 =	vadd.s32 v14, v17;
	_ =	sdelay $0x4  }
0x338: {  	[hbm4b:s2+s1] =	stream.indirect_vreg.scatter [tilespmem:s1], [sflag:$0x1], $0x80, v17, vm6, $0xb8;
	[tilespmem:$0x10400] =	vst v63  }
0x339: {  	v16 =	vperm.xlane v16, v15  }
0x33a: {  	[hbm4b:s3+s1] =	stream.indirect_vreg.scatter [tilespmem:s14], [sflag:$0x1], $0x80, v17, vm6, $0xb8;
	[tilespmem:$0x10400] =	vst v63  }
0x33b: {  	s23 =	simm.s32 $0x1000;
	v16 =	vadd.s32 v14, v16  }
0x33c: {  	[hbm4b:s4+s1] =	stream.indirect_vreg.scatter [tilespmem:s23], [sflag:$0x1], $0x80, v17, vm6, $0xb8;
	[tilespmem:$0x10400] =	vst v63  }
0x33d: {  	_ = 	snop  }
0x33e: {  	[hbm4b:s5+s1] =	stream.indirect_vreg.scatter [tilespmem:s6], [sflag:$0x1], $0x80, v17, vm6, $0xb8;
	[tilespmem:$0x10400] =	vst v63  }
0x33f: {  	_ = 	snop  }
0x340: {  	[hbm4b:s2+s1] =	stream.indirect_vreg.scatter [tilespmem:s19], [sflag:$0x1], $0x80, v16, vm6, $0xb8;
	[tilespmem:$0x10400] =	vst v63  }
0x341: {  	_ = 	snop  }
0x342: {  	[hbm4b:s3+s1] =	stream.indirect_vreg.scatter [tilespmem:s15], [sflag:$0x1], $0x80, v16, vm6, $0xb8;
	[tilespmem:$0x10400] =	vst v63  }
0x343: {  	_ = 	snop  }
0x344: {  	[hbm4b:s4+s1] =	stream.indirect_vreg.scatter [tilespmem:s22], [sflag:$0x1], $0x80, v16, vm6, $0xb8;
	[tilespmem:$0x10400] =	vst v63  }
0x345: {  	_ = 	snop  }
0x346: {  	[hbm4b:s5+s1] =	stream.indirect_vreg.scatter [tilespmem:s9], [sflag:$0x1], $0x80, v16, vm6, $0xb8;
	[tilespmem:$0x10400] =	vst v63  }
0x347: {  	v16 =	vld [tilespmem:$0x10190];
	_ =	sdelay $0x4  }
0x348: {  	v17 =	vshll.u32 v16, $0x3  }
0x349: {  	v16 =	vand.u32 $0x7, v16;
	v17 =	vand.u32 $0xFFFFFFC0, v17  }
0x34a: {  	v16 =	vor.u32 v16, v17  }
0x34b: {  	v17 =	vperm.xlane v16, v13;
	_ =	sdelay $0x1  }
0x34c: {  	v17 =	vadd.s32 v14, v17;
	_ =	sdelay $0x4  }
0x34d: {  	[hbm4b:s2+s1] =	stream.indirect_vreg.scatter [tilespmem:s10], [sflag:$0x1], $0x80, v17, vm6, $0xb8;
	[tilespmem:$0x10400] =	vst v63  }
0x34e: {  	v16 =	vperm.xlane v16, v15  }
0x34f: {  	[hbm4b:s3+s1] =	stream.indirect_vreg.scatter [tilespmem:s11], [sflag:$0x1], $0x80, v17, vm6, $0xb8;
	[tilespmem:$0x10400] =	vst v63  }
0x350: {  	v16 =	vadd.s32 v14, v16  }
0x351: {  	[hbm4b:s4+s1] =	stream.indirect_vreg.scatter [tilespmem:s16], [sflag:$0x1], $0x80, v17, vm6, $0xb8;
	[tilespmem:$0x10400] =	vst v63  }
0x352: {  	_ = 	snop  }
0x353: {  	[hbm4b:s5+s1] =	stream.indirect_vreg.scatter [tilespmem:s25], [sflag:$0x1], $0x80, v17, vm6, $0xb8;
	[tilespmem:$0x10400] =	vst v63  }
0x354: {  	_ = 	snop  }
0x355: {  	[hbm4b:s2+s1] =	stream.indirect_vreg.scatter [tilespmem:s18], [sflag:$0x1], $0x80, v16, vm6, $0xb8;
	[tilespmem:$0x10400] =	vst v63  }
0x356: {  	_ = 	snop  }
0x357: {  	[hbm4b:s3+s1] =	stream.indirect_vreg.scatter [tilespmem:s26], [sflag:$0x1], $0x80, v16, vm6, $0xb8;
	[tilespmem:$0x10400] =	vst v63  }
0x358: {  	_ = 	snop  }
0x359: {  	[hbm4b:s4+s1] =	stream.indirect_vreg.scatter [tilespmem:s28], [sflag:$0x1], $0x80, v16, vm6, $0xb8;
	[tilespmem:$0x10400] =	vst v63  }
0x35a: {  	_ = 	snop  }
0x35b: {  	[hbm4b:s5+s1] =	stream.indirect_vreg.scatter [tilespmem:s13], [sflag:$0x1], $0x80, v16, vm6, $0xb8;
	[tilespmem:$0x10400] =	vst v63  }
0x35c: {  	v16 =	vld [tilespmem:$0x101A0];
	_ =	sdelay $0x4  }
0x35d: {  	v17 =	vshll.u32 v16, $0x3  }
0x35e: {  	v16 =	vand.u32 $0x7, v16;
	v17 =	vand.u32 $0xFFFFFFC0, v17  }
0x35f: {  	v16 =	vor.u32 v16, v17  }
0x360: {  	v17 =	vperm.xlane v16, v13;
	_ =	sdelay $0x1  }
0x361: {  	v17 =	vadd.s32 v14, v17;
	_ =	sdelay $0x4  }
0x362: {  	[hbm4b:s2+s1] =	stream.indirect_vreg.scatter [tilespmem:s17], [sflag:$0x1], $0x80, v17, vm6, $0xb8;
	[tilespmem:$0x10400] =	vst v63  }
0x363: {  	v16 =	vperm.xlane v16, v15  }
0x364: {  	[hbm4b:s3+s1] =	stream.indirect_vreg.scatter [tilespmem:s29], [sflag:$0x1], $0x80, v17, vm6, $0xb8;
	[tilespmem:$0x10400] =	vst v63  }
0x365: {  	s10 =	simm.s32 $0x9000;
	v16 =	vadd.s32 v14, v16  }
0x366: {  	[hbm4b:s4+s1] =	stream.indirect_vreg.scatter [tilespmem:s10], [sflag:$0x1], $0x80, v17, vm6, $0xb8;
	[tilespmem:$0x10400] =	vst v63  }
0x367: {  	s11 =	simm.s32 $0x9800  }
0x368: {  	[hbm4b:s5+s1] =	stream.indirect_vreg.scatter [tilespmem:s11], [sflag:$0x1], $0x80, v17, vm6, $0xb8;
	[tilespmem:$0x10400] =	vst v63  }
0x369: {  	s13 =	simm.s32 $0xA000  }
0x36a: {  	[hbm4b:s2+s1] =	stream.indirect_vreg.scatter [tilespmem:s13], [sflag:$0x1], $0x80, v16, vm6, $0xb8;
	[tilespmem:$0x10400] =	vst v63  }
0x36b: {  	_ = 	snop  }
0x36c: {  	[hbm4b:s3+s1] =	stream.indirect_vreg.scatter [tilespmem:s30], [sflag:$0x1], $0x80, v16, vm6, $0xb8;
	[tilespmem:$0x10400] =	vst v63  }
0x36d: {  	_ = 	snop  }
0x36e: {  	[hbm4b:s4+s1] =	stream.indirect_vreg.scatter [tilespmem:s20], [sflag:$0x1], $0x80, v16, vm6, $0xb8;
	[tilespmem:$0x10400] =	vst v63  }
0x36f: {  	s7 =	simm.s32 $0xB800  }
0x370: {  	[hbm4b:s5+s1] =	stream.indirect_vreg.scatter [tilespmem:s7], [sflag:$0x1], $0x80, v16, vm6, $0xb8;
	[tilespmem:$0x10400] =	vst v63  }
0x371: {  	v16 =	vld [tilespmem:$0x101B0];
	_ =	sdelay $0x4  }
0x372: {  	v17 =	vshll.u32 v16, $0x3  }
0x373: {  	v16 =	vand.u32 $0x7, v16;
	v17 =	vand.u32 $0xFFFFFFC0, v17  }
0x374: {  	v16 =	vor.u32 v16, v17  }
0x375: {  	v17 =	vperm.xlane v16, v13;
	_ =	sdelay $0x1  }
0x376: {  	v17 =	vadd.s32 v14, v17;
	_ =	sdelay $0x4  }
0x377: {  	[hbm4b:s2+s1] =	stream.indirect_vreg.scatter [tilespmem:s31], [sflag:$0x1], $0x80, v17, vm6, $0xb8;
	[tilespmem:$0x10400] =	vst v63  }
0x378: {  	s9 =	simm.s32 $0xC800;
	v16 =	vperm.xlane v16, v15  }
0x379: {  	[hbm4b:s3+s1] =	stream.indirect_vreg.scatter [tilespmem:s9], [sflag:$0x1], $0x80, v17, vm6, $0xb8;
	[tilespmem:$0x10400] =	vst v63  }
0x37a: {  	v16 =	vadd.s32 v14, v16  }
0x37b: {  	[hbm4b:s4+s1] =	stream.indirect_vreg.scatter [tilespmem:s21], [sflag:$0x1], $0x80, v17, vm6, $0xb8;
	[tilespmem:$0x10400] =	vst v63  }
0x37c: {  	_ = 	snop  }
0x37d: {  	[hbm4b:s5+s1] =	stream.indirect_vreg.scatter [tilespmem:s24], [sflag:$0x1], $0x80, v17, vm6, $0xb8;
	[tilespmem:$0x10400] =	vst v63  }
0x37e: {  	s31 =	simm.s32 $0xE000  }
0x37f: {  	[hbm4b:s2+s1] =	stream.indirect_vreg.scatter [tilespmem:s31], [sflag:$0x1], $0x80, v16, vm6, $0xb8;
	[tilespmem:$0x10400] =	vst v63  }
0x380: {  	s6 =	simm.s32 $0xE800  }
0x381: {  	[hbm4b:s3+s1] =	stream.indirect_vreg.scatter [tilespmem:s6], [sflag:$0x1], $0x80, v16, vm6, $0xb8;
	[tilespmem:$0x10400] =	vst v63  }
0x382: {  	s6 =	simm.s32 $0xF000  }
0x383: {  	[hbm4b:s4+s1] =	stream.indirect_vreg.scatter [tilespmem:s6], [sflag:$0x1], $0x80, v16, vm6, $0xb8;
	[tilespmem:$0x10400] =	vst v63  }
0x384: {  	s23 =	simm.s32 $0xF800  }
0x385: {  	[hbm4b:s5+s1] =	stream.indirect_vreg.scatter [tilespmem:s23], [sflag:$0x1], $0x80, v16, vm6, $0xb8;
	[tilespmem:$0x10400] =	vst v63  }
0x386: {  	_ =	swait.ge [sflag:s8], $0x10000  }
0x387: {  	[sflag:s8] =	ssyncset.done $0x0  }
0x388: {  	s6 =	simm.s32 $0x10280;
	s23 =	rddreg [dreg:$0x1c];
	[sflag:s8] =	ssyncadd.s32 $0xFFFF0000  }
0x389: {  	[tilespmem:s6], [sflag:$0x1] =	stream.linear.gather [hbm4b:s23+s1], $0x40, $0x38;
	[tilespmem:$0x10400] =	vst v63  }
0x38a: {  	_ =	swait.ge [sflag:s8], $0x40  }
0x38b: {  	[sflag:s8] =	ssyncset.done $0x0  }
0x38c: {  	s6 =	rddreg [dreg:$0x1e];
	[sflag:s8] =	ssyncadd.s32 $0xFFFFFFC0  }
0x38d: {  	[tilespmem:s0], [sflag:$0x1] =	stream.linear.gather [hbm4b:s6+s1], $0x40, $0x38;
	[tilespmem:$0x10400] =	vst v63  }
0x38e: {  	_ =	swait.ge [sflag:s8], $0x40  }
0x38f: {  	[sflag:s8] =	ssyncset.done $0x0  }
0x390: {  	[sflag:s8] =	ssyncadd.s32 $0xFFFFFFC0  }
0x391: {  	v16 =	vld [tilespmem:$0x10280];
	_ =	sdelay $0x5  }
0x392: {  	v17 =	vld [tilespmem:$0x10290]  }
0x393: {  	v61 =	vld [tilespmem:$0x10300]  }
0x394: {  	v16 =	vld.idx.msk [tilespmem:v16+s12+$0x0], $0xffff;
	_ =	sdelay $0x4  }
0x395: {  	v16 =	vadd.s32 v16, v61  }
0x396: {  	[tilespmem:$0x10200] =	vst v16  }
0x397: {  	v16 =	vld.idx.msk [tilespmem:v17+s12+$0x0], $0xffff  }
0x398: {  	v17 =	vld [tilespmem:$0x102A0]  }
0x399: {  	v62 =	vld [tilespmem:$0x10310];
	_ =	sdelay $0x4  }
0x39a: {  	v16 =	vadd.s32 v16, v62  }
0x39b: {  	[tilespmem:$0x10210] =	vst v16  }
0x39c: {  	v16 =	vld.idx.msk [tilespmem:v17+s12+$0x0], $0xffff  }
0x39d: {  	v17 =	vld [tilespmem:$0x102B0]  }
0x39e: {  	v63 =	vld [tilespmem:$0x10320];
	_ =	sdelay $0x4  }
0x39f: {  	v16 =	vadd.s32 v16, v63  }
0x3a0: {  	[tilespmem:$0x10220] =	vst v16  }
0x3a1: {  	v16 =	vld.idx.msk [tilespmem:v17+s12+$0x0], $0xffff  }
0x3a2: {  	v17 =	vld [tilespmem:$0x10330];
	_ =	sdelay $0x4  }
0x3a3: {  	v16 =	vadd.s32 v16, v17  }
0x3a4: {  	s0 =	simm.s32 $0x10200;
	s6 =	rddreg [dreg:$0x1d];
	[tilespmem:$0x10230] =	vst v16  }
0x3a5: {  	[hbm4b:s6+s1] =	stream.linear.scatter [tilespmem:s0], [sflag:$0x1], $0x40, $0x38;
	[tilespmem:$0x10400] =	vst v63  }
0x3a6: {  	_ =	swait.ge [sflag:s8], $0x40  }
0x3a7: {  	[sflag:s8] =	ssyncset.done $0x0  }
0x3a8: {  	[sflag:s8] =	ssyncadd.s32 $0xFFFFFFC0  }
0x3a9: {  	v16 =	vld [tilespmem:$0x10200];
	_ =	sdelay $0x4  }
0x3aa: {  	v17 =	vshll.u32 v16, $0x3  }
0x3ab: {  	v16 =	vand.u32 $0x7, v16;
	v17 =	vand.u32 $0xFFFFFFC0, v17  }
0x3ac: {  	v16 =	vor.u32 v16, v17  }
0x3ad: {  	v17 =	vperm.xlane v16, v13;
	_ =	sdelay $0x1  }
0x3ae: {  	v17 =	vadd.s32 v14, v17;
	_ =	sdelay $0x4  }
0x3af: {  	[hbm4b:s2+s1] =	stream.indirect_vreg.scatter [tilespmem:s1], [sflag:$0x1], $0x80, v17, vm6, $0xb8;
	[tilespmem:$0x10400] =	vst v63  }
0x3b0: {  	s6 =	simm.s32 $0x800;
	v16 =	vperm.xlane v16, v15  }
0x3b1: {  	[hbm4b:s3+s1] =	stream.indirect_vreg.scatter [tilespmem:s6], [sflag:$0x1], $0x80, v17, vm6, $0xb8;
	[tilespmem:$0x10400] =	vst v63  }
0x3b2: {  	s14 =	simm.s32 $0x1000;
	v16 =	vadd.s32 v14, v16  }
0x3b3: {  	[hbm4b:s4+s1] =	stream.indirect_vreg.scatter [tilespmem:s14], [sflag:$0x1], $0x80, v17, vm6, $0xb8;
	[tilespmem:$0x10400] =	vst v63  }
0x3b4: {  	s14 =	simm.s32 $0x1800  }
0x3b5: {  	[hbm4b:s5+s1] =	stream.indirect_vreg.scatter [tilespmem:s14], [sflag:$0x1], $0x80, v17, vm6, $0xb8;
	[tilespmem:$0x10400] =	vst v63  }
0x3b6: {  	s19 =	simm.s32 $0x2000  }
0x3b7: {  	[hbm4b:s2+s1] =	stream.indirect_vreg.scatter [tilespmem:s19], [sflag:$0x1], $0x80, v16, vm6, $0xb8;
	[tilespmem:$0x10400] =	vst v63  }
0x3b8: {  	s15 =	simm.s32 $0x2800  }
0x3b9: {  	[hbm4b:s3+s1] =	stream.indirect_vreg.scatter [tilespmem:s15], [sflag:$0x1], $0x80, v16, vm6, $0xb8;
	[tilespmem:$0x10400] =	vst v63  }
0x3ba: {  	s22 =	simm.s32 $0x3000  }
0x3bb: {  	[hbm4b:s4+s1] =	stream.indirect_vreg.scatter [tilespmem:s22], [sflag:$0x1], $0x80, v16, vm6, $0xb8;
	[tilespmem:$0x10400] =	vst v63  }
0x3bc: {  	s19 =	simm.s32 $0x3800  }
0x3bd: {  	[hbm4b:s5+s1] =	stream.indirect_vreg.scatter [tilespmem:s19], [sflag:$0x1], $0x80, v16, vm6, $0xb8;
	[tilespmem:$0x10400] =	vst v63  }
0x3be: {  	v16 =	vld [tilespmem:$0x10210];
	_ =	sdelay $0x4  }
0x3bf: {  	v17 =	vshll.u32 v16, $0x3  }
0x3c0: {  	v16 =	vand.u32 $0x7, v16;
	v17 =	vand.u32 $0xFFFFFFC0, v17  }
0x3c1: {  	v16 =	vor.u32 v16, v17  }
0x3c2: {  	v17 =	vperm.xlane v16, v13;
	_ =	sdelay $0x1  }
0x3c3: {  	v17 =	vadd.s32 v14, v17;
	_ =	sdelay $0x3  }
0x3c4: {  	s22 =	simm.s32 $0x4000  }
0x3c5: {  	[hbm4b:s2+s1] =	stream.indirect_vreg.scatter [tilespmem:s22], [sflag:$0x1], $0x80, v17, vm6, $0xb8;
	[tilespmem:$0x10400] =	vst v63  }
0x3c6: {  	s23 =	simm.s32 $0x4800;
	v16 =	vperm.xlane v16, v15  }
0x3c7: {  	[hbm4b:s3+s1] =	stream.indirect_vreg.scatter [tilespmem:s23], [sflag:$0x1], $0x80, v17, vm6, $0xb8;
	[tilespmem:$0x10400] =	vst v63  }
0x3c8: {  	s16 =	simm.s32 $0x5000;
	v16 =	vadd.s32 v14, v16  }
0x3c9: {  	[hbm4b:s4+s1] =	stream.indirect_vreg.scatter [tilespmem:s16], [sflag:$0x1], $0x80, v17, vm6, $0xb8;
	[tilespmem:$0x10400] =	vst v63  }
0x3ca: {  	s25 =	simm.s32 $0x5800  }
0x3cb: {  	[hbm4b:s5+s1] =	stream.indirect_vreg.scatter [tilespmem:s25], [sflag:$0x1], $0x80, v17, vm6, $0xb8;
	[tilespmem:$0x10400] =	vst v63  }
0x3cc: {  	s18 =	simm.s32 $0x6000  }
0x3cd: {  	[hbm4b:s2+s1] =	stream.indirect_vreg.scatter [tilespmem:s18], [sflag:$0x1], $0x80, v16, vm6, $0xb8;
	[tilespmem:$0x10400] =	vst v63  }
0x3ce: {  	s26 =	simm.s32 $0x6800  }
0x3cf: {  	[hbm4b:s3+s1] =	stream.indirect_vreg.scatter [tilespmem:s26], [sflag:$0x1], $0x80, v16, vm6, $0xb8;
	[tilespmem:$0x10400] =	vst v63  }
0x3d0: {  	s28 =	simm.s32 $0x7000  }
0x3d1: {  	[hbm4b:s4+s1] =	stream.indirect_vreg.scatter [tilespmem:s28], [sflag:$0x1], $0x80, v16, vm6, $0xb8;
	[tilespmem:$0x10400] =	vst v63  }
0x3d2: {  	s25 =	simm.s32 $0x7800  }
0x3d3: {  	[hbm4b:s5+s1] =	stream.indirect_vreg.scatter [tilespmem:s25], [sflag:$0x1], $0x80, v16, vm6, $0xb8;
	[tilespmem:$0x10400] =	vst v63  }
0x3d4: {  	v16 =	vld [tilespmem:$0x10220];
	_ =	sdelay $0x4  }
0x3d5: {  	v17 =	vshll.u32 v16, $0x3  }
0x3d6: {  	v16 =	vand.u32 $0x7, v16;
	v17 =	vand.u32 $0xFFFFFFC0, v17  }
0x3d7: {  	v16 =	vor.u32 v16, v17  }
0x3d8: {  	v17 =	vperm.xlane v16, v13;
	_ =	sdelay $0x1  }
0x3d9: {  	v17 =	vadd.s32 v14, v17;
	_ =	sdelay $0x3  }
0x3da: {  	s17 =	simm.s32 $0x8000  }
0x3db: {  	[hbm4b:s2+s1] =	stream.indirect_vreg.scatter [tilespmem:s17], [sflag:$0x1], $0x80, v17, vm6, $0xb8;
	[tilespmem:$0x10400] =	vst v63  }
0x3dc: {  	s29 =	simm.s32 $0x8800;
	v16 =	vperm.xlane v16, v15  }
0x3dd: {  	[hbm4b:s3+s1] =	stream.indirect_vreg.scatter [tilespmem:s29], [sflag:$0x1], $0x80, v17, vm6, $0xb8;
	[tilespmem:$0x10400] =	vst v63  }
0x3de: {  	v16 =	vadd.s32 v14, v16  }
0x3df: {  	[hbm4b:s4+s1] =	stream.indirect_vreg.scatter [tilespmem:s10], [sflag:$0x1], $0x80, v17, vm6, $0xb8;
	[tilespmem:$0x10400] =	vst v63  }
0x3e0: {  	_ = 	snop  }
0x3e1: {  	[hbm4b:s5+s1] =	stream.indirect_vreg.scatter [tilespmem:s11], [sflag:$0x1], $0x80, v17, vm6, $0xb8;
	[tilespmem:$0x10400] =	vst v63  }
0x3e2: {  	_ = 	snop  }
0x3e3: {  	[hbm4b:s2+s1] =	stream.indirect_vreg.scatter [tilespmem:s13], [sflag:$0x1], $0x80, v16, vm6, $0xb8;
	[tilespmem:$0x10400] =	vst v63  }
0x3e4: {  	s30 =	simm.s32 $0xA800  }
0x3e5: {  	[hbm4b:s3+s1] =	stream.indirect_vreg.scatter [tilespmem:s30], [sflag:$0x1], $0x80, v16, vm6, $0xb8;
	[tilespmem:$0x10400] =	vst v63  }
0x3e6: {  	s20 =	simm.s32 $0xB000  }
0x3e7: {  	[hbm4b:s4+s1] =	stream.indirect_vreg.scatter [tilespmem:s20], [sflag:$0x1], $0x80, v16, vm6, $0xb8;
	[tilespmem:$0x10400] =	vst v63  }
0x3e8: {  	_ = 	snop  }
0x3e9: {  	[hbm4b:s5+s1] =	stream.indirect_vreg.scatter [tilespmem:s7], [sflag:$0x1], $0x80, v16, vm6, $0xb8;
	[tilespmem:$0x10400] =	vst v63  }
0x3ea: {  	v16 =	vld [tilespmem:$0x10230];
	_ =	sdelay $0x4  }
0x3eb: {  	v17 =	vshll.u32 v16, $0x3  }
0x3ec: {  	v16 =	vand.u32 $0x7, v16;
	v17 =	vand.u32 $0xFFFFFFC0, v17  }
0x3ed: {  	v16 =	vor.u32 v16, v17  }
0x3ee: {  	v17 =	vperm.xlane v16, v13;
	_ =	sdelay $0x1  }
0x3ef: {  	v17 =	vadd.s32 v14, v17;
	_ =	sdelay $0x3  }
0x3f0: {  	s26 =	simm.s32 $0xC000  }
0x3f1: {  	[hbm4b:s2+s1] =	stream.indirect_vreg.scatter [tilespmem:s26], [sflag:$0x1], $0x80, v17, vm6, $0xb8;
	[tilespmem:$0x10400] =	vst v63  }
0x3f2: {  	v16 =	vperm.xlane v16, v15  }
0x3f3: {  	[hbm4b:s3+s1] =	stream.indirect_vreg.scatter [tilespmem:s9], [sflag:$0x1], $0x80, v17, vm6, $0xb8;
	[tilespmem:$0x10400] =	vst v63  }
0x3f4: {  	s21 =	simm.s32 $0xD000;
	v16 =	vadd.s32 v14, v16  }
0x3f5: {  	[hbm4b:s4+s1] =	stream.indirect_vreg.scatter [tilespmem:s21], [sflag:$0x1], $0x80, v17, vm6, $0xb8;
	[tilespmem:$0x10400] =	vst v63  }
0x3f6: {  	s24 =	simm.s32 $0xD800  }
0x3f7: {  	[hbm4b:s5+s1] =	stream.indirect_vreg.scatter [tilespmem:s24], [sflag:$0x1], $0x80, v17, vm6, $0xb8;
	[tilespmem:$0x10400] =	vst v63  }
0x3f8: {  	s31 =	simm.s32 $0xE000  }
0x3f9: {  	[hbm4b:s2+s1] =	stream.indirect_vreg.scatter [tilespmem:s31], [sflag:$0x1], $0x80, v16, vm6, $0xb8;
	[tilespmem:$0x10400] =	vst v63  }
0x3fa: {  	s28 =	simm.s32 $0xE800  }
0x3fb: {  	[hbm4b:s3+s1] =	stream.indirect_vreg.scatter [tilespmem:s28], [sflag:$0x1], $0x80, v16, vm6, $0xb8;
	[tilespmem:$0x10400] =	vst v63  }
0x3fc: {  	s29 =	simm.s32 $0xF000  }
0x3fd: {  	[hbm4b:s4+s1] =	stream.indirect_vreg.scatter [tilespmem:s29], [sflag:$0x1], $0x80, v16, vm6, $0xb8;
	[tilespmem:$0x10400] =	vst v63  }
0x3fe: {  	s30 =	simm.s32 $0xF800  }
0x3ff: {  	[hbm4b:s5+s1] =	stream.indirect_vreg.scatter [tilespmem:s30], [sflag:$0x1], $0x80, v16, vm6, $0xb8;
	[tilespmem:$0x10400] =	vst v63  }
0x400: {  	_ =	swait.ge [sflag:s8], $0x10000  }
0x401: {  	s31 =	sld [smem:$0x7FC];
	_ =	sdelay $0x2  }
0x402: {  	s0 =	sadd.s32 $0xFFFFFFFF, s31  }
0x403: {  	p1 =	sne.s32 s0, $0x0  }
.Ltmp1:
0x404: {  	_ = 	snop;
	(pc) =	sbr.rel @!p1 .LBB2_4-.Ltmp1, $3  }
0x405: {  	_ =	sdelay $0x1  }
0x406: {  	[sflag:s8] =	ssyncset.done $0x0  }
0x407: {  	[sflag:s8] =	ssyncadd.s32 $0xFFFF0000  }
.LBB2_1:
0x408: {  	[smem:$0x7FC] =	sst s0  }
0x409: {  	s23 =	rddreg [dreg:$0x1f];
	s31 =	simm.s32 $0x10000  }
0x40a: {  	[tilespmem:s31], [sflag:$0x1] =	stream.linear.gather [hbm4b:s23+s1], $0x80, $0x38;
	[tilespmem:$0x10400] =	vst v63  }
0x40b: {  	_ =	swait.ge [sflag:s8], $0x80  }
0x40c: {  	[sflag:s8] =	ssyncset.done $0x0  }
0x40d: {  	[sflag:s8] =	ssyncadd.s32 $0xFFFFFF80  }
0x40e: {  	v16 =	vld [tilespmem:$0x10000];
	_ =	sdelay $0x4  }
0x40f: {  	v16 =	vadd.s32 $0x1FF, v16  }
0x410: {  	v16 =	vand.u32 $0xFFFFFE00, v16  }
0x411: {  	[tilespmem:$0x10000] =	vst v16  }
0x412: {  	v17 =	vld.idx.msk [tilespmem:v0+s31+$0x0], $0xffff  }
0x413: {  	v18 =	vld.idx.msk [tilespmem:v1+s31+$0x0], $0xffff  }
0x414: {  	v19 =	vld.idx.msk [tilespmem:v3+s31+$0x0], $0xffff  }
0x415: {  	v20 =	vld.idx.msk [tilespmem:v4+s31+$0x0], $0xffff  }
0x416: {  	v21 =	vld.idx.msk [tilespmem:v5+s31+$0x0], $0xffff  }
0x417: {  	vm7 =	veq.s32 v2, $0x0;
	v22 =	vld.idx.msk [tilespmem:v6+s31+$0x0], $0xffff  }
0x418: {  	v23 =	vld.idx.msk [tilespmem:v7+s31+$0x0], $0xffff;
	v18 =	vsel vm7, $0x0, v18  }
0x419: {  	v58 =	vld.idx.msk [tilespmem:v8+s31+$0x0], $0xffff;
	v57 =	vsel vm0, $0x0, v19;
	v17 =	vadd.s32 v17, v18  }
0x41a: {  	v59 =	vsel vm1, $0x0, v20;
	v17 =	vadd.s32 v57, v17  }
0x41b: {  	v60 =	vsel vm2, $0x0, v21;
	v17 =	vadd.s32 v59, v17  }
0x41c: {  	v61 =	vsel vm3, $0x0, v22;
	v17 =	vadd.s32 v60, v17  }
.Ltmp2:
0x41d: {  	v62 =	vsel vm4, $0x0, v23;
	v17 =	vadd.s32 v61, v17;
	(pc) =	sbr.rel @p0 .LBB2_3-.Ltmp2, $4  }
0x41e: {  	v63 =	vsel vm5, $0x0, v58;
	v17 =	vadd.s32 v62, v17  }
0x41f: {  	v17 =	vadd.s32 v63, v17  }
0x420: {  	v16 =	vsub.s32 v17, v16;
	[tilespmem:$0x10100] =	vst v17  }
0x421: {  	[tilespmem:$0x10080] =	vst v16  }
0x422: {  	_ =	sdelay $0x2  }
0x423: {  	s0 =	simm.s32 $0x10000  }
0x424: {  	s23 =	simm.s32 $0x10100;
	v16 =	vld.idx.msk [tilespmem:v0+s0+$0x0], $0xffff  }
0x425: {  	v17 =	vld.idx.msk [tilespmem:v1+s23+$0x0], $0xffff  }
0x426: {  	v18 =	vld.idx.msk [tilespmem:v3+s23+$0x0], $0xffff  }
0x427: {  	v19 =	vld.idx.msk [tilespmem:v4+s23+$0x0], $0xffff  }
0x428: {  	v20 =	vld.idx.msk [tilespmem:v5+s23+$0x0], $0xffff;
	_ =	sdelay $0x2  }
0x429: {  	v16 =	vshra.s32 v16, $0x9  }
0x42a: {  	v17 =	vshra.s32 v17, $0x9;
	v18 =	vshra.s32 v18, $0x9;
	vm7 =	vlt.s32 v16, v9;
	v16 =	vld.idx.msk [tilespmem:v6+s23+$0x0], $0xffff  }
0x42b: {  	v22 =	vld.idx.msk [tilespmem:v7+s23+$0x0], $0xffff;
	v33 =	vshra.s32 v19, $0x9;
	v36 =	vshra.s32 v20, $0x9;
	vm8 =	vlt.s32 v17, v9  }
0x42c: {  	v34 =	vld.idx.msk [tilespmem:v8+s23+$0x0], $0xffff;
	v17 =	vsel vm7, $0x1, v10;
	v21 =	vsel vm8, $0x1, v10;
	vm7 =	vlt.s32 v18, v9  }
0x42d: {  	v17 =	vadd.s32 v17, v21;
	v35 =	vsel vm7, $0x1, v10;
	vm7 =	vlt.s32 v33, v9  }
0x42e: {  	v17 =	vadd.s32 v35, v17;
	v37 =	vsel vm7, $0x1, v10;
	vm7 =	vlt.s32 v36, v9  }
0x42f: {  	v17 =	vadd.s32 v37, v17;
	v18 =	vsel vm7, $0x1, v10;
	v16 =	vshra.s32 v16, $0x9  }
0x430: {  	v17 =	vadd.s32 v18, v17;
	vm7 =	vlt.s32 v16, v9;
	v16 =	vshra.s32 v22, $0x9  }
0x431: {  	v38 =	vsel vm7, $0x1, v10;
	vm7 =	vlt.s32 v16, v9;
	v16 =	vshra.s32 v34, $0x9  }
0x432: {  	v17 =	vadd.s32 v38, v17;
	v39 =	vsel vm7, $0x1, v10;
	vm7 =	vlt.s32 v16, v9  }
0x433: {  	v16 =	vadd.s32 v39, v17;
	v17 =	vsel vm7, $0x1, v10  }
0x434: {  	v16 =	vadd.s32 v17, v16  }
0x435: {  	v16 =	vmin.u32 v16, $0x7  }
0x436: {  	[tilespmem:$0x10380] =	vst v16  }
0x437: {  	v16 =	vld.idx.msk [tilespmem:v0+s0+$0x0], $0xffff  }
0x438: {  	v17 =	vld.idx.msk [tilespmem:v1+s23+$0x0], $0xffff  }
0x439: {  	v40 =	vld.idx.msk [tilespmem:v3+s23+$0x0], $0xffff  }
0x43a: {  	v41 =	vld.idx.msk [tilespmem:v4+s23+$0x0], $0xffff  }
0x43b: {  	v42 =	vld.idx.msk [tilespmem:v5+s23+$0x0], $0xffff;
	_ =	sdelay $0x2  }
0x43c: {  	v16 =	vshra.s32 v16, $0x9  }
0x43d: {  	v17 =	vshra.s32 v17, $0x9;
	v18 =	vshra.s32 v40, $0x9;
	vm7 =	vlt.s32 v16, v11;
	v16 =	vld.idx.msk [tilespmem:v6+s23+$0x0], $0xffff  }
0x43e: {  	v44 =	vld.idx.msk [tilespmem:v7+s23+$0x0], $0xffff;
	v45 =	vshra.s32 v41, $0x9;
	v48 =	vshra.s32 v42, $0x9;
	vm8 =	vlt.s32 v17, v11  }
0x43f: {  	v46 =	vld.idx.msk [tilespmem:v8+s23+$0x0], $0xffff;
	v17 =	vsel vm7, $0x1, v10;
	v43 =	vsel vm8, $0x1, v10;
	vm7 =	vlt.s32 v18, v11  }
0x440: {  	v17 =	vadd.s32 v17, v43;
	v47 =	vsel vm7, $0x1, v10;
	vm7 =	vlt.s32 v45, v11  }
0x441: {  	v17 =	vadd.s32 v47, v17;
	v49 =	vsel vm7, $0x1, v10;
	vm7 =	vlt.s32 v48, v11  }
0x442: {  	v17 =	vadd.s32 v49, v17;
	v18 =	vsel vm7, $0x1, v10;
	v16 =	vshra.s32 v16, $0x9  }
0x443: {  	v17 =	vadd.s32 v18, v17;
	vm7 =	vlt.s32 v16, v11;
	v16 =	vshra.s32 v44, $0x9  }
0x444: {  	v50 =	vsel vm7, $0x1, v10;
	vm7 =	vlt.s32 v16, v11;
	v16 =	vshra.s32 v46, $0x9  }
0x445: {  	v17 =	vadd.s32 v50, v17;
	v51 =	vsel vm7, $0x1, v10;
	vm7 =	vlt.s32 v16, v11  }
0x446: {  	v16 =	vadd.s32 v51, v17;
	v17 =	vsel vm7, $0x1, v10  }
0x447: {  	v16 =	vadd.s32 v17, v16  }
0x448: {  	v16 =	vmin.u32 v16, $0x7  }
0x449: {  	[tilespmem:$0x10390] =	vst v16  }
0x44a: {  	v16 =	vld.idx.msk [tilespmem:v0+s0+$0x0], $0xffff  }
0x44b: {  	v17 =	vld.idx.msk [tilespmem:v1+s23+$0x0], $0xffff  }
0x44c: {  	v52 =	vld.idx.msk [tilespmem:v3+s23+$0x0], $0xffff  }
0x44d: {  	v53 =	vld.idx.msk [tilespmem:v4+s23+$0x0], $0xffff  }
0x44e: {  	v54 =	vld.idx.msk [tilespmem:v5+s23+$0x0], $0xffff;
	_ =	sdelay $0x2  }
0x44f: {  	v16 =	vshra.s32 v16, $0x9  }
0x450: {  	v17 =	vshra.s32 v17, $0x9;
	v18 =	vshra.s32 v52, $0x9;
	vm7 =	vlt.s32 v16, v12;
	v16 =	vld.idx.msk [tilespmem:v6+s23+$0x0], $0xffff  }
0x451: {  	v56 =	vld.idx.msk [tilespmem:v7+s23+$0x0], $0xffff;
	v57 =	vshra.s32 v53, $0x9;
	v60 =	vshra.s32 v54, $0x9;
	vm8 =	vlt.s32 v17, v12  }
0x452: {  	v58 =	vld.idx.msk [tilespmem:v8+s23+$0x0], $0xffff;
	v17 =	vsel vm7, $0x1, v10;
	v55 =	vsel vm8, $0x1, v10;
	vm7 =	vlt.s32 v18, v12  }
0x453: {  	v17 =	vadd.s32 v17, v55;
	v59 =	vsel vm7, $0x1, v10;
	vm7 =	vlt.s32 v57, v12  }
0x454: {  	v17 =	vadd.s32 v59, v17;
	v61 =	vsel vm7, $0x1, v10;
	vm7 =	vlt.s32 v60, v12  }
0x455: {  	v17 =	vadd.s32 v61, v17;
	v18 =	vsel vm7, $0x1, v10;
	v16 =	vshra.s32 v16, $0x9  }
0x456: {  	v17 =	vadd.s32 v18, v17;
	vm7 =	vlt.s32 v16, v12;
	v16 =	vshra.s32 v56, $0x9  }
0x457: {  	v62 =	vsel vm7, $0x1, v10;
	vm7 =	vlt.s32 v16, v12;
	v16 =	vshra.s32 v58, $0x9  }
0x458: {  	v17 =	vadd.s32 v62, v17;
	v63 =	vsel vm7, $0x1, v10;
	vm7 =	vlt.s32 v16, v12  }
0x459: {  	v16 =	vadd.s32 v63, v17;
	v17 =	vsel vm7, $0x1, v10  }
0x45a: {  	s31 =	sld [smem:$0x7FD];
	v16 =	vadd.s32 v17, v16  }
0x45b: {  	v16 =	vmin.u32 v16, $0x7  }
.Ltmp3:
0x45c: {  	s24 =	simm.s32 $0x10380;
	[tilespmem:$0x103A0] =	vst v16;
	(pc) =	sbr.rel .LBB2_3-.Ltmp3, $4  }
0x45d: {  	[hbm4b:s31+s1] =	stream.linear.scatter [tilespmem:s24], [sflag:$0x1], $0x80, $0x38;
	[tilespmem:$0x10400] =	vst v63  }
0x45e: {  	_ =	swait.ge [sflag:s8], $0x80  }
0x45f: {  	[sflag:s8] =	ssyncset.done $0x0  }
0x460: {  	[sflag:s8] =	ssyncadd.s32 $0xFFFFFF80  }
.LBB2_4:
0x461: {  	_ =	sfence.sel $0x180000  }
0x462: {  	[bflag:$0x0] =	sbarrier.arrive $0xFFFF  }
0x463: {  	_ =	strace $0x90000047  }
0x464: {  	s0 =	stileid.u32;
	[bflag:$0x2] =	sbarrier.arrive $0xFFFF  }
0x465: {  	p0 =	sne.s32 s0, $0x0;
	s0 =	rddreg [dreg:$0x2]  }
0x466: {  	s0 =	sadd.s32 @!p0 $0x100000, s0  }
0x467: {  	[sflag:s0] =	ssyncadd.tile.s32 @!p0 $0x1;
	_ =	shalt  }
.Lfunc_end2:
_tile_overlayer_lowered:
.L_overlay_start_2:
0x468: {  	(tag) =	ssettag $0x2  }
0x469: {  	s0 =	rddreg [dreg:$0x0];
	s2 =	stileid.u32  }
0x46a: {  	s1 =	rddreg [dreg:$0x1];
	p0 =	sne.s32 s2, $0x0  }
0x46b: {  	s3 =	rddreg [dreg:$0x2];
	[bflag:$0x3] =	sbarrier.arrive $0xFFFF;
	s2 =	simm.s32 @!p0 $0x1C01  }
0x46c: {  	[timem:s3], [sflag:s2] =	dma.local @!p0 [hbm:s0], s1  }
0x46d: {  	s0 =	simm.s32 @!p0 $0x1  }
0x46e: {  	_ =	swait.ge @!p0 [sflag:s0], s1  }
0x46f: {  	s1 =	ssub.s32 @!p0 $0x0, s1;
	[sflag:s0] =	ssyncset.done @!p0 $0x0  }
0x470: {  	[sflag:s0] =	ssyncadd.s32 @!p0 s1  }
0x471: {  	[bflag:$0x3] =	sbarrier.arrive $0xFFFF  }
0x472: {  	_ =	shalt  }

</sc_bundles>
